<compile_context>
chip_gen: v7x
topology: tpu7x:2x2x1
jax: 0.10.2.dev20260603
libtpu: 0.0.44.dev20260713+nightly
codegen_flags: <defaults>
</compile_context>

<pallas_src>
import functools

import jax
import jax.numpy as jnp
from jax import lax
from jax.experimental import pallas as pl
from jax.experimental.pallas import tpu as pltpu
from jax.experimental.pallas import tpu_sc as plsc

_N, _D, _H, _H2 = 8192, 1024, 1024, 512
_C, _CP = 1000, 1024
_E, _KD = 8, 64
_BT = 512
_NB = _N // _BT
_BR = 256
_NA = 2 * _N
_T = _NA // _BR + _E
_R = _T * _BR
_NW = 32


def _k1_body(feat_ref, topi_ref, soft_ref, xw_ref, rank_ref, g0_ref,
             g1_ref, w_ref):
    f = feat_ref[...]
    u = lax.bitcast_convert_type(f, jnp.int32)
    rne = u + 0x7FFF + ((u >> 16) & 1)
    lo = (rne[:, :_H // 2] >> 16) & 0xFFFF
    hi = rne[:, _H // 2:] & -65536
    xw_ref[...] = lo | hi
    ti = topi_ref[...]
    s = soft_ref[...]
    iota = lax.broadcasted_iota(jnp.int32, (_BT, _E), 1)
    oh1 = (iota == ti[:, 0:1]).astype(jnp.float32)
    oh2 = (iota == ti[:, 1:2]).astype(jnp.float32)
    r_io = lax.broadcasted_iota(jnp.int32, (_BT, _BT), 0)
    c_io = lax.broadcasted_iota(jnp.int32, (_BT, _BT), 1)
    tri = (c_io < r_io).astype(jnp.float32)
    cum = jnp.dot(tri, oh1 + oh2, preferred_element_type=jnp.float32)
    r1 = jnp.sum(cum * oh1, axis=1, keepdims=True)
    r2 = jnp.sum(cum * oh2, axis=1, keepdims=True)
    rank_ref[...] = jnp.concatenate([r1, r2], axis=1).astype(jnp.int32)
    g0_ref[...] = jnp.broadcast_to(s[:, 0:1], (_BT, 128))
    g1_ref[...] = jnp.broadcast_to(s[:, 1:2], (_BT, 128))
    w_ref[...] = oh1 * s[:, 0:1] + oh2 * s[:, 1:2]


def _pack_rank(features, topi, soft):
    return pl.pallas_call(
        _k1_body,
        grid=(_NB,),
        in_specs=[
            pl.BlockSpec((_BT, _H), lambda i: (i, 0)),
            pl.BlockSpec((_BT, 2), lambda i: (i, 0)),
            pl.BlockSpec((_BT, 2), lambda i: (i, 0)),
        ],
        out_specs=[
            pl.BlockSpec((_BT, _H // 2), lambda i: (i, 0)),
            pl.BlockSpec((_BT, 2), lambda i: (i, 0)),
            pl.BlockSpec((_BT, 128), lambda i: (i, 0)),
            pl.BlockSpec((_BT, 128), lambda i: (i, 0)),
            pl.BlockSpec((_BT, _E), lambda i: (i, 0)),
        ],
        out_shape=[
            jax.ShapeDtypeStruct((_N, _H // 2), jnp.int32),
            jax.ShapeDtypeStruct((_N, 2), jnp.int32),
            jax.ShapeDtypeStruct((_N, 128), jnp.float32),
            jax.ShapeDtypeStruct((_N, 128), jnp.float32),
            jax.ShapeDtypeStruct((_N, _E), jnp.float32),
        ],
        compiler_params=pltpu.CompilerParams(
            dimension_semantics=("arbitrary",)),
    )(features, topi, soft)


def _routing_metadata(topi, ranks):
    oh = (topi[:, :, None] == jnp.arange(_E)[None, None, :])
    blk_counts = jnp.sum(oh.reshape(_NB, _BT * 2, _E), axis=1,
                         dtype=jnp.int32)
    counts = jnp.sum(blk_counts, axis=0)
    blk_tok_off = jnp.cumsum(blk_counts, axis=0) - blk_counts
    blk_cnt = (counts + _BR - 1) // _BR
    blk_start = jnp.cumsum(blk_cnt) - blk_cnt
    base = blk_start[None, :] * _BR + blk_tok_off
    bidx = jnp.arange(_N, dtype=jnp.int32) // _BT
    dest = base.reshape(-1)[bidx[:, None] * _E + topi] + ranks
    t_ids = jnp.arange(_T, dtype=jnp.int32)
    block_expert = jnp.clip(
        jnp.sum((t_ids[:, None] >= blk_start[None, :]).astype(jnp.int32),
                axis=1) - 1, 0, _E - 1).astype(jnp.int32)
    valid = (t_ids < jnp.sum(blk_cnt)).astype(jnp.int32)
    return dest[:, 0], dest[:, 1], jnp.stack([block_expert, valid])


def _sc_scatter_rows(xw, g0x128, g1x128, d0, d1):
    chunk = 64
    n_ch = _N // (_NW * chunk)
    mesh = plsc.VectorSubcoreMesh(core_axis_name="c", subcore_axis_name="s")

    @functools.partial(
        pl.kernel, mesh=mesh,
        out_type=[
            jax.ShapeDtypeStruct((_R, _H // 2), jnp.int32),
            jax.ShapeDtypeStruct((_R, 128), jnp.float32),
        ],
        scratch_types=[
            pltpu.VMEM((chunk,), jnp.int32),
            pltpu.VMEM((chunk,), jnp.int32),
            pltpu.VMEM((chunk, _H // 2), jnp.int32),
            pltpu.VMEM((chunk, 128), jnp.float32),
            pltpu.VMEM((chunk, 128), jnp.float32),
            pltpu.VMEM((chunk,), jnp.int32),
            pltpu.VMEM((chunk,), jnp.int32),
            pltpu.VMEM((chunk, _H // 2), jnp.int32),
            pltpu.VMEM((chunk, 128), jnp.float32),
            pltpu.VMEM((chunk, 128), jnp.float32),
            pltpu.SemaphoreType.DMA,
            pltpu.SemaphoreType.DMA,
        ],
    )
    def k(feat_hbm, g0_hbm, g1_hbm, d0_hbm, d1_hbm, xg_hbm, gate_hbm,
          i0a, i1a, fa, g0a, g1a, i0b, i1b, fb, g0b, g1b, sema, semb):
        wid = lax.axis_index("s") * 2 + lax.axis_index("c")
        base = wid * (n_ch * chunk)
        sets = [(i0a, i1a, fa, g0a, g1a, sema),
                (i0b, i1b, fb, g0b, g1b, semb)]
        pend = [None, None]
        for c in range(n_ch):
            i0_v, i1_v, f_v, g0_v, g1_v, sem = sets[c % 2]
            if pend[c % 2] is not None:
                for cp in pend[c % 2]:
                    cp.wait()
            off = base + c * chunk
            pltpu.sync_copy(d0_hbm.at[pl.ds(off, chunk)], i0_v)
            pltpu.sync_copy(d1_hbm.at[pl.ds(off, chunk)], i1_v)
            pltpu.sync_copy(feat_hbm.at[pl.ds(off, chunk)], f_v)
            pltpu.sync_copy(g0_hbm.at[pl.ds(off, chunk)], g0_v)
            pltpu.sync_copy(g1_hbm.at[pl.ds(off, chunk)], g1_v)
            pend[c % 2] = [
                pltpu.async_copy(f_v, xg_hbm.at[i0_v], sem),
                pltpu.async_copy(f_v, xg_hbm.at[i1_v], sem),
                pltpu.async_copy(g0_v, gate_hbm.at[i0_v], sem),
                pltpu.async_copy(g1_v, gate_hbm.at[i1_v], sem),
            ]
        for s in (0, 1):
            if pend[s] is not None:
                for cp in pend[s]:
                    cp.wait()

    return k(xw, g0x128, g1x128, d0, d1)


def _sc_combine(rows, d0, d1):
    chunk = 16
    n_ch = _N // (_NW * chunk)
    mesh = plsc.VectorSubcoreMesh(core_axis_name="c", subcore_axis_name="s")

    @functools.partial(
        pl.kernel, mesh=mesh,
        out_type=jax.ShapeDtypeStruct((_N, _CP), jnp.float32),
        scratch_types=[
            pltpu.VMEM((chunk,), jnp.int32),
            pltpu.VMEM((chunk,), jnp.int32),
            pltpu.VMEM((chunk, _CP), jnp.float32),
            pltpu.VMEM((chunk, _CP), jnp.float32),
            pltpu.VMEM((chunk, _CP), jnp.float32),
            pltpu.VMEM((chunk, _CP), jnp.float32),
            pltpu.SemaphoreType.DMA,
            pltpu.SemaphoreType.DMA,
            pltpu.SemaphoreType.DMA,
        ],
    )
    def k(rows_hbm, d0_hbm, d1_hbm, out_hbm, i0_v, i1_v, a0_v, b0_v,
          a1_v, b1_v, sem0, sem1, semw):
        wid = lax.axis_index("s") * 2 + lax.axis_index("c")
        base = wid * (n_ch * chunk)

        def add_rows(a_v, b_v):
            def add_row(r, _):
                for j in range(_C // 16 + 1):
                    sl = pl.ds(j * 16, 16)
                    a_v[r, sl] = a_v[r, sl] + b_v[r, sl]
                return 0
            lax.fori_loop(0, chunk, add_row, 0)

        def body(g, _):
            off0 = base + (2 * g) * chunk
            pltpu.sync_copy(d0_hbm.at[pl.ds(off0, chunk)], i0_v)
            pltpu.sync_copy(d1_hbm.at[pl.ds(off0, chunk)], i1_v)
            c0 = pltpu.async_copy(rows_hbm.at[i0_v], a0_v, sem0)
            c1 = pltpu.async_copy(rows_hbm.at[i1_v], b0_v, sem1)
            c0.wait()
            c1.wait()
            add_rows(a0_v, b0_v)
            w0 = pltpu.async_copy(a0_v, out_hbm.at[pl.ds(off0, chunk)], semw)
            off1 = base + (2 * g + 1) * chunk
            pltpu.sync_copy(d0_hbm.at[pl.ds(off1, chunk)], i0_v)
            pltpu.sync_copy(d1_hbm.at[pl.ds(off1, chunk)], i1_v)
            c2 = pltpu.async_copy(rows_hbm.at[i0_v], a1_v, sem0)
            c3 = pltpu.async_copy(rows_hbm.at[i1_v], b1_v, sem1)
            c2.wait()
            c3.wait()
            add_rows(a1_v, b1_v)
            w1 = pltpu.async_copy(a1_v, out_hbm.at[pl.ds(off1, chunk)], semw)
            w0.wait()
            w1.wait()
            return 0

        lax.fori_loop(0, n_ch // 2, body, 0)

    return k(rows, d0, d1)


def _k3_body(be_ref, xg_ref, w1_ref, b1_ref, w2_ref, b2_ref, w3_ref, b3_ref,
             g_ref, out_ref):
  @pl.when(be_ref[1, pl.program_id(0)] == 1)
  def _():
    xw = xg_ref[...]
    xlo = lax.bitcast_convert_type(xw << 16, jnp.float32).astype(jnp.bfloat16)
    xhi = lax.bitcast_convert_type(xw & -65536,
                                   jnp.float32).astype(jnp.bfloat16)
    w1 = w1_ref[0]
    h1 = jnp.maximum(
        lax.dot_general(xlo, w1[:_H // 2], (((1,), (0,)), ((), ())),
                        preferred_element_type=jnp.float32)
        + lax.dot_general(xhi, w1[_H // 2:], (((1,), (0,)), ((), ())),
                          preferred_element_type=jnp.float32)
        + b1_ref[0], 0.0)
    h2 = jnp.maximum(
        lax.dot_general(h1.astype(jnp.bfloat16), w2_ref[0],
                        (((1,), (0,)), ((), ())),
                        preferred_element_type=jnp.float32) + b2_ref[0], 0.0)
    o = (lax.dot_general(h2.astype(jnp.bfloat16), w3_ref[0],
                         (((1,), (0,)), ((), ())),
                         preferred_element_type=jnp.float32) + b3_ref[0])
    out_ref[...] = o * g_ref[:, :1]


def _expert_gemm(xg, block_expert, gate16, W1b, b1, W2b, b2, W3b, b3p):
    grid_spec = pltpu.PrefetchScalarGridSpec(
        num_scalar_prefetch=1,
        grid=(_T,),
        in_specs=[
            pl.BlockSpec((_BR, _H // 2), lambda t, be: (t, 0)),
            pl.BlockSpec((1, _H, _H), lambda t, be: (be[0, t], 0, 0)),
            pl.BlockSpec((1, 1, _H), lambda t, be: (be[0, t], 0, 0)),
            pl.BlockSpec((1, _H, _H2), lambda t, be: (be[0, t], 0, 0)),
            pl.BlockSpec((1, 1, _H2), lambda t, be: (be[0, t], 0, 0)),
            pl.BlockSpec((1, _H2, _CP), lambda t, be: (be[0, t], 0, 0)),
            pl.BlockSpec((1, 1, _CP), lambda t, be: (be[0, t], 0, 0)),
            pl.BlockSpec((_BR, 128), lambda t, be: (t, 0)),
        ],
        out_specs=pl.BlockSpec((_BR, _CP), lambda t, be: (t, 0)),
    )
    return pl.pallas_call(
        _k3_body,
        grid_spec=grid_spec,
        out_shape=jax.ShapeDtypeStruct((_R, _CP), jnp.float32),
        compiler_params=pltpu.CompilerParams(
            dimension_semantics=("arbitrary",)),
    )(block_expert, xg, W1b, b1.reshape(_E, 1, _H), W2b,
      b2.reshape(_E, 1, _H2), W3b, b3p.reshape(_E, 1, _CP), gate16)


def kernel(x, Wf1, bf1, Wf2, bf2, Wk, bk, keys_e, W1, b1, W2, b2, W3, b3):
    features = jnp.maximum(x @ Wf1 + bf1, 0.0) @ Wf2 + bf2
    proj = features @ Wk + bk
    proj = proj / jnp.clip(jnp.linalg.norm(proj, axis=-1, keepdims=True),
                           1e-12, None)
    kn = keys_e / jnp.clip(jnp.linalg.norm(keys_e, axis=-1, keepdims=True),
                           1e-12, None)
    sims = proj @ kn.T
    topv, topi = jax.lax.top_k(sims, 2)
    soft = jax.nn.softmax(topv, axis=-1)

    xw, ranks, g0x128, g1x128, weights = _pack_rank(features, topi, soft)
    d0, d1, block_expert = _routing_metadata(topi, ranks)
    xg, gate16 = _sc_scatter_rows(xw, g0x128, g1x128, d0, d1)
    W1b = W1.astype(jnp.bfloat16)
    W2b = W2.astype(jnp.bfloat16)
    W3b = jnp.pad(W3, ((0, 0), (0, 0), (0, _CP - _C))).astype(jnp.bfloat16)
    b3p = jnp.pad(b3, ((0, 0), (0, _CP - _C)))
    out_rows = _expert_gemm(xg, block_expert, gate16,
                            W1b, b1, W2b, b2, W3b, b3p)
    final = _sc_combine(out_rows, d0, d1)[:, :_C]
    return final, weights, topi, sims

# --- scband reference (transcript-rebuilt; emitter-appended) ---
"""Pipeline reference for scband-mo-eclassifier-35957466202332 (READ-ONLY COPY).

The authoritative reference and input builder live on the scoring server;
editing this copy changes nothing except your own understanding.
"""

import jax, jax.numpy as jnp
import numpy as np

N = 8192   # tokens (batch*seq)
D = 1024   # input_dim
H = 1024   # hidden_dim
H2 = 512   # hidden_dim // 2
C = 1000   # num_classes
E = 8      # num_experts
KD = 64    # key_dim
TOPK = 2


def setup_inputs(seed: int = 0) -> dict:
    key = jax.random.key(seed)
    ks = jax.random.split(key, 10)
    s = 0.02
    x = jax.random.normal(ks[0], (N, D), dtype=jnp.float32)
    Wf1 = jax.random.normal(ks[1], (D, H), dtype=jnp.float32) * s
    bf1 = jnp.zeros((H,), dtype=jnp.float32)
    Wf2 = jax.random.normal(ks[2], (H, H), dtype=jnp.float32) * s
    bf2 = jnp.zeros((H,), dtype=jnp.float32)
    Wk = jax.random.normal(ks[3], (H, KD), dtype=jnp.float32) * s
    bk = jnp.zeros((KD,), dtype=jnp.float32)
    keys_e = jax.random.normal(ks[4], (E, KD), dtype=jnp.float32)
    W1 = jax.random.normal(ks[5], (E, H, H), dtype=jnp.float32) * s
    b1 = jnp.zeros((E, H), dtype=jnp.float32)
    W2 = jax.random.normal(ks[6], (E, H, H2), dtype=jnp.float32) * s
    b2 = jnp.zeros((E, H2), dtype=jnp.float32)
    W3 = jax.random.normal(ks[7], (E, H2, C), dtype=jnp.float32) * s
    b3 = jnp.zeros((E, C), dtype=jnp.float32)
    return dict(x=x, Wf1=Wf1, bf1=bf1, Wf2=Wf2, bf2=bf2, Wk=Wk, bk=bk,
                keys_e=keys_e, W1=W1, b1=b1, W2=W2, b2=b2, W3=W3, b3=b3)


def _normalize(v, axis=-1):
    n = jnp.linalg.norm(v, axis=axis, keepdims=True)
    return v / jnp.clip(n, 1e-12, None)


def reference(x, Wf1, bf1, Wf2, bf2, Wk, bk, keys_e, W1, b1, W2, b2, W3, b3):
    # feature_extractor: Linear -> ReLU -> (Dropout eval=identity) -> Linear
    features = jnp.maximum(x @ Wf1 + bf1, 0.0) @ Wf2 + bf2
    # compute_expert_weights
    proj = _normalize(features @ Wk + bk, axis=-1)
    kn = _normalize(keys_e, axis=-1)  # per-expert key normalization (dim=0 of key vec)
    sims = proj @ kn.T                # cosine similarity [N, E]
    topv, topi = jax.lax.top_k(sims, TOPK)
    soft = jax.nn.softmax(topv, axis=-1)
    weights = jnp.zeros_like(sims).at[jnp.arange(sims.shape[0])[:, None], topi].set(soft)
    # dense expert evaluation (all experts run on all tokens)
    h1 = jnp.maximum(jnp.einsum('nh,ehk->enk', features, W1) + b1[:, None, :], 0.0)
    h2 = jnp.maximum(jnp.einsum('enk,ekm->enm', h1, W2) + b2[:, None, :], 0.0)
    out_e = jnp.einsum('enm,emc->enc', h2, W3) + b3[:, None, :]  # [E, N, C]
    final = jnp.einsum('enc,ne->nc', out_e, weights)             # weighted sum over experts
    return final, weights, topi, sims

if __name__ == "__main__":
    import jax
    _d = setup_inputs()
    print(jax.jit(kernel)(*tuple(_d.values())))

</pallas_src>

<mosaic_0001>
#map = affine_map<(d0, d1) -> (0, 0)>
#map1 = affine_map<(d0, d1) -> (0)>
module attributes {stable_mosaic.version = 14 : i64} {
  func.func @k(%arg0: i32, %arg1: i32, %arg2: memref<8192x512xi32, #tpu.memory_space<hbm>>, %arg3: memref<8192x128xf32, #tpu.memory_space<hbm>>, %arg4: memref<8192x128xf32, #tpu.memory_space<hbm>>, %arg5: memref<8192xi32, #tpu.memory_space<hbm>>, %arg6: memref<8192xi32, #tpu.memory_space<hbm>>, %arg7: memref<18432x512xi32, #tpu.memory_space<hbm>>, %arg8: memref<18432x128xf32, #tpu.memory_space<hbm>>, %arg9: memref<64xi32, #tpu.memory_space<vmem>>, %arg10: memref<64xi32, #tpu.memory_space<vmem>>, %arg11: memref<64x512xi32, #tpu.memory_space<vmem>>, %arg12: memref<64x128xf32, #tpu.memory_space<vmem>>, %arg13: memref<64x128xf32, #tpu.memory_space<vmem>>, %arg14: memref<64xi32, #tpu.memory_space<vmem>>, %arg15: memref<64xi32, #tpu.memory_space<vmem>>, %arg16: memref<64x512xi32, #tpu.memory_space<vmem>>, %arg17: memref<64x128xf32, #tpu.memory_space<vmem>>, %arg18: memref<64x128xf32, #tpu.memory_space<vmem>>, %arg19: memref<!tpu.dma_semaphore, #tpu.memory_space<semaphore_mem>>, %arg20: memref<!tpu.dma_semaphore, #tpu.memory_space<semaphore_mem>>) attributes {dimension_semantics = [#tpu.dimension_semantics<core_parallel>, #tpu.dimension_semantics<subcore_parallel>], iteration_bounds = array<i64: 2, 16>, scalar_prefetch = 0 : i64, scratch_operands = 12 : i64, tpu.core_type = #tpu.core_type<sc_vector_subcore>, window_params = [{transform_indices = #map}, {transform_indices = #map}, {transform_indices = #map}, {transform_indices = #map1}, {transform_indices = #map1}, {transform_indices = #map}, {transform_indices = #map}]} {
    %mul3A = arith.constant 2 : i32
    %mul3A_0 = arith.muli %arg1, %mul3A : i32
    %add3A = arith.addi %mul3A_0, %arg0 : i32
    %mul3A_1 = arith.constant 256 : i32
    %mul3A_2 = arith.muli %add3A, %mul3A_1 : i32
    %add3A_3 = arith.constant 0 : i32
    %add3A_4 = arith.addi %mul3A_2, %add3A_3 : i32
    "tpu.region"() ({
      %run_scoped3A = tpu.sem_alloc : memref<!tpu.dma_semaphore, #tpu.memory_space<semaphore_mem>>
      %dma_start3A_105 = tpu.memref_slice %arg5[%add3A_4] : memref<8192xi32, #tpu.memory_space<hbm>> -> memref<64xi32, #tpu.memory_space<hbm>>
      %dma_start3A_106 = tpu.memref_slice %arg5[%add3A_4] : memref<8192xi32, #tpu.memory_space<hbm>> -> memref<64xi32, #tpu.memory_space<hbm>>
      tpu.enqueue_dma source(%dma_start3A_106 : memref<64xi32, #tpu.memory_space<hbm>>) target(%arg9 : memref<64xi32, #tpu.memory_space<vmem>>) target_semaphore(%run_scoped3A : memref<!tpu.dma_semaphore, #tpu.memory_space<semaphore_mem>>)
      %dma_wait3A_107 = tpu.memref_slice %arg5[%add3A_4] : memref<8192xi32, #tpu.memory_space<hbm>> -> memref<64xi32, #tpu.memory_space<hbm>>
      %dma_wait3A_108 = tpu.memref_slice %arg5[%add3A_4] : memref<8192xi32, #tpu.memory_space<hbm>> -> memref<64xi32, #tpu.memory_space<hbm>>
      tpu.wait_dma2 semaphore(%run_scoped3A : memref<!tpu.dma_semaphore, #tpu.memory_space<semaphore_mem>>) src(%dma_wait3A_108 : memref<64xi32, #tpu.memory_space<hbm>>) dst(%arg9 : memref<64xi32, #tpu.memory_space<vmem>>)
      tpu.yield
    }) : () -> ()
    "tpu.region"() ({
      %run_scoped3A = tpu.sem_alloc : memref<!tpu.dma_semaphore, #tpu.memory_space<semaphore_mem>>
      %dma_start3A_105 = tpu.memref_slice %arg6[%add3A_4] : memref<8192xi32, #tpu.memory_space<hbm>> -> memref<64xi32, #tpu.memory_space<hbm>>
      %dma_start3A_106 = tpu.memref_slice %arg6[%add3A_4] : memref<8192xi32, #tpu.memory_space<hbm>> -> memref<64xi32, #tpu.memory_space<hbm>>
      tpu.enqueue_dma source(%dma_start3A_106 : memref<64xi32, #tpu.memory_space<hbm>>) target(%arg10 : memref<64xi32, #tpu.memory_space<vmem>>) target_semaphore(%run_scoped3A : memref<!tpu.dma_semaphore, #tpu.memory_space<semaphore_mem>>)
      %dma_wait3A_107 = tpu.memref_slice %arg6[%add3A_4] : memref<8192xi32, #tpu.memory_space<hbm>> -> memref<64xi32, #tpu.memory_space<hbm>>
      %dma_wait3A_108 = tpu.memref_slice %arg6[%add3A_4] : memref<8192xi32, #tpu.memory_space<hbm>> -> memref<64xi32, #tpu.memory_space<hbm>>
      tpu.wait_dma2 semaphore(%run_scoped3A : memref<!tpu.dma_semaphore, #tpu.memory_space<semaphore_mem>>) src(%dma_wait3A_108 : memref<64xi32, #tpu.memory_space<hbm>>) dst(%arg10 : memref<64xi32, #tpu.memory_space<vmem>>)
      tpu.yield
    }) : () -> ()
    "tpu.region"() ({
      %run_scoped3A = tpu.sem_alloc : memref<!tpu.dma_semaphore, #tpu.memory_space<semaphore_mem>>
      %dma_start3A_105 = arith.constant 0 : i32
      %dma_start3A_106 = tpu.memref_slice %arg2[%add3A_4, %dma_start3A_105] : memref<8192x512xi32, #tpu.memory_space<hbm>> -> memref<64x512xi32, #tpu.memory_space<hbm>>
      %dma_start3A_107 = arith.constant 0 : i32
      %dma_start3A_108 = tpu.memref_slice %arg2[%add3A_4, %dma_start3A_107] : memref<8192x512xi32, #tpu.memory_space<hbm>> -> memref<64x512xi32, #tpu.memory_space<hbm>>
      tpu.enqueue_dma source(%dma_start3A_108 : memref<64x512xi32, #tpu.memory_space<hbm>>) target(%arg11 : memref<64x512xi32, #tpu.memory_space<vmem>>) target_semaphore(%run_scoped3A : memref<!tpu.dma_semaphore, #tpu.memory_space<semaphore_mem>>)
      %dma_wait3A_109 = arith.constant 0 : i32
      %dma_wait3A_110 = tpu.memref_slice %arg2[%add3A_4, %dma_wait3A_109] : memref<8192x512xi32, #tpu.memory_space<hbm>> -> memref<64x512xi32, #tpu.memory_space<hbm>>
      %dma_wait3A_111 = arith.constant 0 : i32
      %dma_wait3A_112 = tpu.memref_slice %arg2[%add3A_4, %dma_wait3A_111] : memref<8192x512xi32, #tpu.memory_space<hbm>> -> memref<64x512xi32, #tpu.memory_space<hbm>>
      tpu.wait_dma2 semaphore(%run_scoped3A : memref<!tpu.dma_semaphore, #tpu.memory_space<semaphore_mem>>) src(%dma_wait3A_112 : memref<64x512xi32, #tpu.memory_space<hbm>>) dst(%arg11 : memref<64x512xi32, #tpu.memory_space<vmem>>)
      tpu.yield
    }) : () -> ()
    "tpu.region"() ({
      %run_scoped3A = tpu.sem_alloc : memref<!tpu.dma_semaphore, #tpu.memory_space<semaphore_mem>>
      %dma_start3A_105 = arith.constant 0 : i32
      %dma_start3A_106 = tpu.memref_slice %arg3[%add3A_4, %dma_start3A_105] : memref<8192x128xf32, #tpu.memory_space<hbm>> -> memref<64x128xf32, #tpu.memory_space<hbm>>
      %dma_start3A_107 = arith.constant 0 : i32
      %dma_start3A_108 = tpu.memref_slice %arg3[%add3A_4, %dma_start3A_107] : memref<8192x128xf32, #tpu.memory_space<hbm>> -> memref<64x128xf32, #tpu.memory_space<hbm>>
      tpu.enqueue_dma source(%dma_start3A_108 : memref<64x128xf32, #tpu.memory_space<hbm>>) target(%arg12 : memref<64x128xf32, #tpu.memory_space<vmem>>) target_semaphore(%run_scoped3A : memref<!tpu.dma_semaphore, #tpu.memory_space<semaphore_mem>>)
      %dma_wait3A_109 = arith.constant 0 : i32
      %dma_wait3A_110 = tpu.memref_slice %arg3[%add3A_4, %dma_wait3A_109] : memref<8192x128xf32, #tpu.memory_space<hbm>> -> memref<64x128xf32, #tpu.memory_space<hbm>>
      %dma_wait3A_111 = arith.constant 0 : i32
      %dma_wait3A_112 = tpu.memref_slice %arg3[%add3A_4, %dma_wait3A_111] : memref<8192x128xf32, #tpu.memory_space<hbm>> -> memref<64x128xf32, #tpu.memory_space<hbm>>
      tpu.wait_dma2 semaphore(%run_scoped3A : memref<!tpu.dma_semaphore, #tpu.memory_space<semaphore_mem>>) src(%dma_wait3A_112 : memref<64x128xf32, #tpu.memory_space<hbm>>) dst(%arg12 : memref<64x128xf32, #tpu.memory_space<vmem>>)
      tpu.yield
    }) : () -> ()
    "tpu.region"() ({
      %run_scoped3A = tpu.sem_alloc : memref<!tpu.dma_semaphore, #tpu.memory_space<semaphore_mem>>
      %dma_start3A_105 = arith.constant 0 : i32
      %dma_start3A_106 = tpu.memref_slice %arg4[%add3A_4, %dma_start3A_105] : memref<8192x128xf32, #tpu.memory_space<hbm>> -> memref<64x128xf32, #tpu.memory_space<hbm>>
      %dma_start3A_107 = arith.constant 0 : i32
      %dma_start3A_108 = tpu.memref_slice %arg4[%add3A_4, %dma_start3A_107] : memref<8192x128xf32, #tpu.memory_space<hbm>> -> memref<64x128xf32, #tpu.memory_space<hbm>>
      tpu.enqueue_dma source(%dma_start3A_108 : memref<64x128xf32, #tpu.memory_space<hbm>>) target(%arg13 : memref<64x128xf32, #tpu.memory_space<vmem>>) target_semaphore(%run_scoped3A : memref<!tpu.dma_semaphore, #tpu.memory_space<semaphore_mem>>)
      %dma_wait3A_109 = arith.constant 0 : i32
      %dma_wait3A_110 = tpu.memref_slice %arg4[%add3A_4, %dma_wait3A_109] : memref<8192x128xf32, #tpu.memory_space<hbm>> -> memref<64x128xf32, #tpu.memory_space<hbm>>
      %dma_wait3A_111 = arith.constant 0 : i32
      %dma_wait3A_112 = tpu.memref_slice %arg4[%add3A_4, %dma_wait3A_111] : memref<8192x128xf32, #tpu.memory_space<hbm>> -> memref<64x128xf32, #tpu.memory_space<hbm>>
      tpu.wait_dma2 semaphore(%run_scoped3A : memref<!tpu.dma_semaphore, #tpu.memory_space<semaphore_mem>>) src(%dma_wait3A_112 : memref<64x128xf32, #tpu.memory_space<hbm>>) dst(%arg13 : memref<64x128xf32, #tpu.memory_space<vmem>>)
      tpu.yield
    }) : () -> ()
    %dma_start3A = arith.constant 0 : i32
    %dma_start3A_5 = arith.constant 0 : i32
    %dma_start3A_6 = tpu.memref_slice %arg7[%dma_start3A, %dma_start3A_5] : memref<18432x512xi32, #tpu.memory_space<hbm>> -> memref<18432x512xi32, #tpu.memory_space<hbm>>
    tpu.enqueue_indirect_dma source(%arg11 : memref<64x512xi32, #tpu.memory_space<vmem>>) target(%dma_start3A_6 : memref<18432x512xi32, #tpu.memory_space<hbm>>) offsets(%arg9 : memref<64xi32, #tpu.memory_space<vmem>>) semaphore(%arg19 : memref<!tpu.dma_semaphore, #tpu.memory_space<semaphore_mem>>)
    %dma_start3A_7 = arith.constant 0 : i32
    %dma_start3A_8 = arith.constant 0 : i32
    %dma_start3A_9 = tpu.memref_slice %arg7[%dma_start3A_7, %dma_start3A_8] : memref<18432x512xi32, #tpu.memory_space<hbm>> -> memref<18432x512xi32, #tpu.memory_space<hbm>>
    tpu.enqueue_indirect_dma source(%arg11 : memref<64x512xi32, #tpu.memory_space<vmem>>) target(%dma_start3A_9 : memref<18432x512xi32, #tpu.memory_space<hbm>>) offsets(%arg10 : memref<64xi32, #tpu.memory_space<vmem>>) semaphore(%arg19 : memref<!tpu.dma_semaphore, #tpu.memory_space<semaphore_mem>>)
    %dma_start3A_10 = arith.constant 0 : i32
    %dma_start3A_11 = arith.constant 0 : i32
    %dma_start3A_12 = tpu.memref_slice %arg8[%dma_start3A_10, %dma_start3A_11] : memref<18432x128xf32, #tpu.memory_space<hbm>> -> memref<18432x128xf32, #tpu.memory_space<hbm>>
    tpu.enqueue_indirect_dma source(%arg12 : memref<64x128xf32, #tpu.memory_space<vmem>>) target(%dma_start3A_12 : memref<18432x128xf32, #tpu.memory_space<hbm>>) offsets(%arg9 : memref<64xi32, #tpu.memory_space<vmem>>) semaphore(%arg19 : memref<!tpu.dma_semaphore, #tpu.memory_space<semaphore_mem>>)
    %dma_start3A_13 = arith.constant 0 : i32
    %dma_start3A_14 = arith.constant 0 : i32
    %dma_start3A_15 = tpu.memref_slice %arg8[%dma_start3A_13, %dma_start3A_14] : memref<18432x128xf32, #tpu.memory_space<hbm>> -> memref<18432x128xf32, #tpu.memory_space<hbm>>
    tpu.enqueue_indirect_dma source(%arg13 : memref<64x128xf32, #tpu.memory_space<vmem>>) target(%dma_start3A_15 : memref<18432x128xf32, #tpu.memory_space<hbm>>) offsets(%arg10 : memref<64xi32, #tpu.memory_space<vmem>>) semaphore(%arg19 : memref<!tpu.dma_semaphore, #tpu.memory_space<semaphore_mem>>)
    %add3A_16 = arith.constant 64 : i32
    %add3A_17 = arith.addi %mul3A_2, %add3A_16 : i32
    "tpu.region"() ({
      %run_scoped3A = tpu.sem_alloc : memref<!tpu.dma_semaphore, #tpu.memory_space<semaphore_mem>>
      %dma_start3A_105 = tpu.memref_slice %arg5[%add3A_17] : memref<8192xi32, #tpu.memory_space<hbm>> -> memref<64xi32, #tpu.memory_space<hbm>>
      %dma_start3A_106 = tpu.memref_slice %arg5[%add3A_17] : memref<8192xi32, #tpu.memory_space<hbm>> -> memref<64xi32, #tpu.memory_space<hbm>>
      tpu.enqueue_dma source(%dma_start3A_106 : memref<64xi32, #tpu.memory_space<hbm>>) target(%arg14 : memref<64xi32, #tpu.memory_space<vmem>>) target_semaphore(%run_scoped3A : memref<!tpu.dma_semaphore, #tpu.memory_space<semaphore_mem>>)
      %dma_wait3A_107 = tpu.memref_slice %arg5[%add3A_17] : memref<8192xi32, #tpu.memory_space<hbm>> -> memref<64xi32, #tpu.memory_space<hbm>>
      %dma_wait3A_108 = tpu.memref_slice %arg5[%add3A_17] : memref<8192xi32, #tpu.memory_space<hbm>> -> memref<64xi32, #tpu.memory_space<hbm>>
      tpu.wait_dma2 semaphore(%run_scoped3A : memref<!tpu.dma_semaphore, #tpu.memory_space<semaphore_mem>>) src(%dma_wait3A_108 : memref<64xi32, #tpu.memory_space<hbm>>) dst(%arg14 : memref<64xi32, #tpu.memory_space<vmem>>)
      tpu.yield
    }) : () -> ()
    "tpu.region"() ({
      %run_scoped3A = tpu.sem_alloc : memref<!tpu.dma_semaphore, #tpu.memory_space<semaphore_mem>>
      %dma_start3A_105 = tpu.memref_slice %arg6[%add3A_17] : memref<8192xi32, #tpu.memory_space<hbm>> -> memref<64xi32, #tpu.memory_space<hbm>>
      %dma_start3A_106 = tpu.memref_slice %arg6[%add3A_17] : memref<8192xi32, #tpu.memory_space<hbm>> -> memref<64xi32, #tpu.memory_space<hbm>>
      tpu.enqueue_dma source(%dma_start3A_106 : memref<64xi32, #tpu.memory_space<hbm>>) target(%arg15 : memref<64xi32, #tpu.memory_space<vmem>>) target_semaphore(%run_scoped3A : memref<!tpu.dma_semaphore, #tpu.memory_space<semaphore_mem>>)
      %dma_wait3A_107 = tpu.memref_slice %arg6[%add3A_17] : memref<8192xi32, #tpu.memory_space<hbm>> -> memref<64xi32, #tpu.memory_space<hbm>>
      %dma_wait3A_108 = tpu.memref_slice %arg6[%add3A_17] : memref<8192xi32, #tpu.memory_space<hbm>> -> memref<64xi32, #tpu.memory_space<hbm>>
      tpu.wait_dma2 semaphore(%run_scoped3A : memref<!tpu.dma_semaphore, #tpu.memory_space<semaphore_mem>>) src(%dma_wait3A_108 : memref<64xi32, #tpu.memory_space<hbm>>) dst(%arg15 : memref<64xi32, #tpu.memory_space<vmem>>)
      tpu.yield
    }) : () -> ()
    "tpu.region"() ({
      %run_scoped3A = tpu.sem_alloc : memref<!tpu.dma_semaphore, #tpu.memory_space<semaphore_mem>>
      %dma_start3A_105 = arith.constant 0 : i32
      %dma_start3A_106 = tpu.memref_slice %arg2[%add3A_17, %dma_start3A_105] : memref<8192x512xi32, #tpu.memory_space<hbm>> -> memref<64x512xi32, #tpu.memory_space<hbm>>
      %dma_start3A_107 = arith.constant 0 : i32
      %dma_start3A_108 = tpu.memref_slice %arg2[%add3A_17, %dma_start3A_107] : memref<8192x512xi32, #tpu.memory_space<hbm>> -> memref<64x512xi32, #tpu.memory_space<hbm>>
      tpu.enqueue_dma source(%dma_start3A_108 : memref<64x512xi32, #tpu.memory_space<hbm>>) target(%arg16 : memref<64x512xi32, #tpu.memory_space<vmem>>) target_semaphore(%run_scoped3A : memref<!tpu.dma_semaphore, #tpu.memory_space<semaphore_mem>>)
      %dma_wait3A_109 = arith.constant 0 : i32
      %dma_wait3A_110 = tpu.memref_slice %arg2[%add3A_17, %dma_wait3A_109] : memref<8192x512xi32, #tpu.memory_space<hbm>> -> memref<64x512xi32, #tpu.memory_space<hbm>>
      %dma_wait3A_111 = arith.constant 0 : i32
      %dma_wait3A_112 = tpu.memref_slice %arg2[%add3A_17, %dma_wait3A_111] : memref<8192x512xi32, #tpu.memory_space<hbm>> -> memref<64x512xi32, #tpu.memory_space<hbm>>
      tpu.wait_dma2 semaphore(%run_scoped3A : memref<!tpu.dma_semaphore, #tpu.memory_space<semaphore_mem>>) src(%dma_wait3A_112 : memref<64x512xi32, #tpu.memory_space<hbm>>) dst(%arg16 : memref<64x512xi32, #tpu.memory_space<vmem>>)
      tpu.yield
    }) : () -> ()
    "tpu.region"() ({
      %run_scoped3A = tpu.sem_alloc : memref<!tpu.dma_semaphore, #tpu.memory_space<semaphore_mem>>
      %dma_start3A_105 = arith.constant 0 : i32
      %dma_start3A_106 = tpu.memref_slice %arg3[%add3A_17, %dma_start3A_105] : memref<8192x128xf32, #tpu.memory_space<hbm>> -> memref<64x128xf32, #tpu.memory_space<hbm>>
      %dma_start3A_107 = arith.constant 0 : i32
      %dma_start3A_108 = tpu.memref_slice %arg3[%add3A_17, %dma_start3A_107] : memref<8192x128xf32, #tpu.memory_space<hbm>> -> memref<64x128xf32, #tpu.memory_space<hbm>>
      tpu.enqueue_dma source(%dma_start3A_108 : memref<64x128xf32, #tpu.memory_space<hbm>>) target(%arg17 : memref<64x128xf32, #tpu.memory_space<vmem>>) target_semaphore(%run_scoped3A : memref<!tpu.dma_semaphore, #tpu.memory_space<semaphore_mem>>)
      %dma_wait3A_109 = arith.constant 0 : i32
      %dma_wait3A_110 = tpu.memref_slice %arg3[%add3A_17, %dma_wait3A_109] : memref<8192x128xf32, #tpu.memory_space<hbm>> -> memref<64x128xf32, #tpu.memory_space<hbm>>
      %dma_wait3A_111 = arith.constant 0 : i32
      %dma_wait3A_112 = tpu.memref_slice %arg3[%add3A_17, %dma_wait3A_111] : memref<8192x128xf32, #tpu.memory_space<hbm>> -> memref<64x128xf32, #tpu.memory_space<hbm>>
      tpu.wait_dma2 semaphore(%run_scoped3A : memref<!tpu.dma_semaphore, #tpu.memory_space<semaphore_mem>>) src(%dma_wait3A_112 : memref<64x128xf32, #tpu.memory_space<hbm>>) dst(%arg17 : memref<64x128xf32, #tpu.memory_space<vmem>>)
      tpu.yield
    }) : () -> ()
    "tpu.region"() ({
      %run_scoped3A = tpu.sem_alloc : memref<!tpu.dma_semaphore, #tpu.memory_space<semaphore_mem>>
      %dma_start3A_105 = arith.constant 0 : i32
      %dma_start3A_106 = tpu.memref_slice %arg4[%add3A_17, %dma_start3A_105] : memref<8192x128xf32, #tpu.memory_space<hbm>> -> memref<64x128xf32, #tpu.memory_space<hbm>>
      %dma_start3A_107 = arith.constant 0 : i32
      %dma_start3A_108 = tpu.memref_slice %arg4[%add3A_17, %dma_start3A_107] : memref<8192x128xf32, #tpu.memory_space<hbm>> -> memref<64x128xf32, #tpu.memory_space<hbm>>
      tpu.enqueue_dma source(%dma_start3A_108 : memref<64x128xf32, #tpu.memory_space<hbm>>) target(%arg18 : memref<64x128xf32, #tpu.memory_space<vmem>>) target_semaphore(%run_scoped3A : memref<!tpu.dma_semaphore, #tpu.memory_space<semaphore_mem>>)
      %dma_wait3A_109 = arith.constant 0 : i32
      %dma_wait3A_110 = tpu.memref_slice %arg4[%add3A_17, %dma_wait3A_109] : memref<8192x128xf32, #tpu.memory_space<hbm>> -> memref<64x128xf32, #tpu.memory_space<hbm>>
      %dma_wait3A_111 = arith.constant 0 : i32
      %dma_wait3A_112 = tpu.memref_slice %arg4[%add3A_17, %dma_wait3A_111] : memref<8192x128xf32, #tpu.memory_space<hbm>> -> memref<64x128xf32, #tpu.memory_space<hbm>>
      tpu.wait_dma2 semaphore(%run_scoped3A : memref<!tpu.dma_semaphore, #tpu.memory_space<semaphore_mem>>) src(%dma_wait3A_112 : memref<64x128xf32, #tpu.memory_space<hbm>>) dst(%arg18 : memref<64x128xf32, #tpu.memory_space<vmem>>)
      tpu.yield
    }) : () -> ()
    %dma_start3A_18 = arith.constant 0 : i32
    %dma_start3A_19 = arith.constant 0 : i32
    %dma_start3A_20 = tpu.memref_slice %arg7[%dma_start3A_18, %dma_start3A_19] : memref<18432x512xi32, #tpu.memory_space<hbm>> -> memref<18432x512xi32, #tpu.memory_space<hbm>>
    tpu.enqueue_indirect_dma source(%arg16 : memref<64x512xi32, #tpu.memory_space<vmem>>) target(%dma_start3A_20 : memref<18432x512xi32, #tpu.memory_space<hbm>>) offsets(%arg14 : memref<64xi32, #tpu.memory_space<vmem>>) semaphore(%arg20 : memref<!tpu.dma_semaphore, #tpu.memory_space<semaphore_mem>>)
    %dma_start3A_21 = arith.constant 0 : i32
    %dma_start3A_22 = arith.constant 0 : i32
    %dma_start3A_23 = tpu.memref_slice %arg7[%dma_start3A_21, %dma_start3A_22] : memref<18432x512xi32, #tpu.memory_space<hbm>> -> memref<18432x512xi32, #tpu.memory_space<hbm>>
    tpu.enqueue_indirect_dma source(%arg16 : memref<64x512xi32, #tpu.memory_space<vmem>>) target(%dma_start3A_23 : memref<18432x512xi32, #tpu.memory_space<hbm>>) offsets(%arg15 : memref<64xi32, #tpu.memory_space<vmem>>) semaphore(%arg20 : memref<!tpu.dma_semaphore, #tpu.memory_space<semaphore_mem>>)
    %dma_start3A_24 = arith.constant 0 : i32
    %dma_start3A_25 = arith.constant 0 : i32
    %dma_start3A_26 = tpu.memref_slice %arg8[%dma_start3A_24, %dma_start3A_25] : memref<18432x128xf32, #tpu.memory_space<hbm>> -> memref<18432x128xf32, #tpu.memory_space<hbm>>
    tpu.enqueue_indirect_dma source(%arg17 : memref<64x128xf32, #tpu.memory_space<vmem>>) target(%dma_start3A_26 : memref<18432x128xf32, #tpu.memory_space<hbm>>) offsets(%arg14 : memref<64xi32, #tpu.memory_space<vmem>>) semaphore(%arg20 : memref<!tpu.dma_semaphore, #tpu.memory_space<semaphore_mem>>)
    %dma_start3A_27 = arith.constant 0 : i32
    %dma_start3A_28 = arith.constant 0 : i32
    %dma_start3A_29 = tpu.memref_slice %arg8[%dma_start3A_27, %dma_start3A_28] : memref<18432x128xf32, #tpu.memory_space<hbm>> -> memref<18432x128xf32, #tpu.memory_space<hbm>>
    tpu.enqueue_indirect_dma source(%arg18 : memref<64x128xf32, #tpu.memory_space<vmem>>) target(%dma_start3A_29 : memref<18432x128xf32, #tpu.memory_space<hbm>>) offsets(%arg15 : memref<64xi32, #tpu.memory_space<vmem>>) semaphore(%arg20 : memref<!tpu.dma_semaphore, #tpu.memory_space<semaphore_mem>>)
    %dma_wait3A = arith.constant 0 : i32
    %dma_wait3A_30 = arith.constant 0 : i32
    %dma_wait3A_31 = tpu.memref_slice %arg7[%dma_wait3A, %dma_wait3A_30] : memref<18432x512xi32, #tpu.memory_space<hbm>> -> memref<18432x512xi32, #tpu.memory_space<hbm>>
    tpu.wait_indirect_dma semaphore(%arg19 : memref<!tpu.dma_semaphore, #tpu.memory_space<semaphore_mem>>) src(%arg11 : memref<64x512xi32, #tpu.memory_space<vmem>>) dst(%dma_wait3A_31 : memref<18432x512xi32, #tpu.memory_space<hbm>>)
    %dma_wait3A_32 = arith.constant 0 : i32
    %dma_wait3A_33 = arith.constant 0 : i32
    %dma_wait3A_34 = tpu.memref_slice %arg7[%dma_wait3A_32, %dma_wait3A_33] : memref<18432x512xi32, #tpu.memory_space<hbm>> -> memref<18432x512xi32, #tpu.memory_space<hbm>>
    tpu.wait_indirect_dma semaphore(%arg19 : memref<!tpu.dma_semaphore, #tpu.memory_space<semaphore_mem>>) src(%arg11 : memref<64x512xi32, #tpu.memory_space<vmem>>) dst(%dma_wait3A_34 : memref<18432x512xi32, #tpu.memory_space<hbm>>)
    %dma_wait3A_35 = arith.constant 0 : i32
    %dma_wait3A_36 = arith.constant 0 : i32
    %dma_wait3A_37 = tpu.memref_slice %arg8[%dma_wait3A_35, %dma_wait3A_36] : memref<18432x128xf32, #tpu.memory_space<hbm>> -> memref<18432x128xf32, #tpu.memory_space<hbm>>
    tpu.wait_indirect_dma semaphore(%arg19 : memref<!tpu.dma_semaphore, #tpu.memory_space<semaphore_mem>>) src(%arg12 : memref<64x128xf32, #tpu.memory_space<vmem>>) dst(%dma_wait3A_37 : memref<18432x128xf32, #tpu.memory_space<hbm>>)
    %dma_wait3A_38 = arith.constant 0 : i32
    %dma_wait3A_39 = arith.constant 0 : i32
    %dma_wait3A_40 = tpu.memref_slice %arg8[%dma_wait3A_38, %dma_wait3A_39] : memref<18432x128xf32, #tpu.memory_space<hbm>> -> memref<18432x128xf32, #tpu.memory_space<hbm>>
    tpu.wait_indirect_dma semaphore(%arg19 : memref<!tpu.dma_semaphore, #tpu.memory_space<semaphore_mem>>) src(%arg13 : memref<64x128xf32, #tpu.memory_space<vmem>>) dst(%dma_wait3A_40 : memref<18432x128xf32, #tpu.memory_space<hbm>>)
    %add3A_41 = arith.constant 128 : i32
    %add3A_42 = arith.addi %mul3A_2, %add3A_41 : i32
    "tpu.region"() ({
      %run_scoped3A = tpu.sem_alloc : memref<!tpu.dma_semaphore, #tpu.memory_space<semaphore_mem>>
      %dma_start3A_105 = tpu.memref_slice %arg5[%add3A_42] : memref<8192xi32, #tpu.memory_space<hbm>> -> memref<64xi32, #tpu.memory_space<hbm>>
      %dma_start3A_106 = tpu.memref_slice %arg5[%add3A_42] : memref<8192xi32, #tpu.memory_space<hbm>> -> memref<64xi32, #tpu.memory_space<hbm>>
      tpu.enqueue_dma source(%dma_start3A_106 : memref<64xi32, #tpu.memory_space<hbm>>) target(%arg9 : memref<64xi32, #tpu.memory_space<vmem>>) target_semaphore(%run_scoped3A : memref<!tpu.dma_semaphore, #tpu.memory_space<semaphore_mem>>)
      %dma_wait3A_107 = tpu.memref_slice %arg5[%add3A_42] : memref<8192xi32, #tpu.memory_space<hbm>> -> memref<64xi32, #tpu.memory_space<hbm>>
      %dma_wait3A_108 = tpu.memref_slice %arg5[%add3A_42] : memref<8192xi32, #tpu.memory_space<hbm>> -> memref<64xi32, #tpu.memory_space<hbm>>
      tpu.wait_dma2 semaphore(%run_scoped3A : memref<!tpu.dma_semaphore, #tpu.memory_space<semaphore_mem>>) src(%dma_wait3A_108 : memref<64xi32, #tpu.memory_space<hbm>>) dst(%arg9 : memref<64xi32, #tpu.memory_space<vmem>>)
      tpu.yield
    }) : () -> ()
    "tpu.region"() ({
      %run_scoped3A = tpu.sem_alloc : memref<!tpu.dma_semaphore, #tpu.memory_space<semaphore_mem>>
      %dma_start3A_105 = tpu.memref_slice %arg6[%add3A_42] : memref<8192xi32, #tpu.memory_space<hbm>> -> memref<64xi32, #tpu.memory_space<hbm>>
      %dma_start3A_106 = tpu.memref_slice %arg6[%add3A_42] : memref<8192xi32, #tpu.memory_space<hbm>> -> memref<64xi32, #tpu.memory_space<hbm>>
      tpu.enqueue_dma source(%dma_start3A_106 : memref<64xi32, #tpu.memory_space<hbm>>) target(%arg10 : memref<64xi32, #tpu.memory_space<vmem>>) target_semaphore(%run_scoped3A : memref<!tpu.dma_semaphore, #tpu.memory_space<semaphore_mem>>)
      %dma_wait3A_107 = tpu.memref_slice %arg6[%add3A_42] : memref<8192xi32, #tpu.memory_space<hbm>> -> memref<64xi32, #tpu.memory_space<hbm>>
      %dma_wait3A_108 = tpu.memref_slice %arg6[%add3A_42] : memref<8192xi32, #tpu.memory_space<hbm>> -> memref<64xi32, #tpu.memory_space<hbm>>
      tpu.wait_dma2 semaphore(%run_scoped3A : memref<!tpu.dma_semaphore, #tpu.memory_space<semaphore_mem>>) src(%dma_wait3A_108 : memref<64xi32, #tpu.memory_space<hbm>>) dst(%arg10 : memref<64xi32, #tpu.memory_space<vmem>>)
      tpu.yield
    }) : () -> ()
    "tpu.region"() ({
      %run_scoped3A = tpu.sem_alloc : memref<!tpu.dma_semaphore, #tpu.memory_space<semaphore_mem>>
      %dma_start3A_105 = arith.constant 0 : i32
      %dma_start3A_106 = tpu.memref_slice %arg2[%add3A_42, %dma_start3A_105] : memref<8192x512xi32, #tpu.memory_space<hbm>> -> memref<64x512xi32, #tpu.memory_space<hbm>>
      %dma_start3A_107 = arith.constant 0 : i32
      %dma_start3A_108 = tpu.memref_slice %arg2[%add3A_42, %dma_start3A_107] : memref<8192x512xi32, #tpu.memory_space<hbm>> -> memref<64x512xi32, #tpu.memory_space<hbm>>
      tpu.enqueue_dma source(%dma_start3A_108 : memref<64x512xi32, #tpu.memory_space<hbm>>) target(%arg11 : memref<64x512xi32, #tpu.memory_space<vmem>>) target_semaphore(%run_scoped3A : memref<!tpu.dma_semaphore, #tpu.memory_space<semaphore_mem>>)
      %dma_wait3A_109 = arith.constant 0 : i32
      %dma_wait3A_110 = tpu.memref_slice %arg2[%add3A_42, %dma_wait3A_109] : memref<8192x512xi32, #tpu.memory_space<hbm>> -> memref<64x512xi32, #tpu.memory_space<hbm>>
      %dma_wait3A_111 = arith.constant 0 : i32
      %dma_wait3A_112 = tpu.memref_slice %arg2[%add3A_42, %dma_wait3A_111] : memref<8192x512xi32, #tpu.memory_space<hbm>> -> memref<64x512xi32, #tpu.memory_space<hbm>>
      tpu.wait_dma2 semaphore(%run_scoped3A : memref<!tpu.dma_semaphore, #tpu.memory_space<semaphore_mem>>) src(%dma_wait3A_112 : memref<64x512xi32, #tpu.memory_space<hbm>>) dst(%arg11 : memref<64x512xi32, #tpu.memory_space<vmem>>)
      tpu.yield
    }) : () -> ()
    "tpu.region"() ({
      %run_scoped3A = tpu.sem_alloc : memref<!tpu.dma_semaphore, #tpu.memory_space<semaphore_mem>>
      %dma_start3A_105 = arith.constant 0 : i32
      %dma_start3A_106 = tpu.memref_slice %arg3[%add3A_42, %dma_start3A_105] : memref<8192x128xf32, #tpu.memory_space<hbm>> -> memref<64x128xf32, #tpu.memory_space<hbm>>
      %dma_start3A_107 = arith.constant 0 : i32
      %dma_start3A_108 = tpu.memref_slice %arg3[%add3A_42, %dma_start3A_107] : memref<8192x128xf32, #tpu.memory_space<hbm>> -> memref<64x128xf32, #tpu.memory_space<hbm>>
      tpu.enqueue_dma source(%dma_start3A_108 : memref<64x128xf32, #tpu.memory_space<hbm>>) target(%arg12 : memref<64x128xf32, #tpu.memory_space<vmem>>) target_semaphore(%run_scoped3A : memref<!tpu.dma_semaphore, #tpu.memory_space<semaphore_mem>>)
      %dma_wait3A_109 = arith.constant 0 : i32
      %dma_wait3A_110 = tpu.memref_slice %arg3[%add3A_42, %dma_wait3A_109] : memref<8192x128xf32, #tpu.memory_space<hbm>> -> memref<64x128xf32, #tpu.memory_space<hbm>>
      %dma_wait3A_111 = arith.constant 0 : i32
      %dma_wait3A_112 = tpu.memref_slice %arg3[%add3A_42, %dma_wait3A_111] : memref<8192x128xf32, #tpu.memory_space<hbm>> -> memref<64x128xf32, #tpu.memory_space<hbm>>
      tpu.wait_dma2 semaphore(%run_scoped3A : memref<!tpu.dma_semaphore, #tpu.memory_space<semaphore_mem>>) src(%dma_wait3A_112 : memref<64x128xf32, #tpu.memory_space<hbm>>) dst(%arg12 : memref<64x128xf32, #tpu.memory_space<vmem>>)
      tpu.yield
    }) : () -> ()
    "tpu.region"() ({
      %run_scoped3A = tpu.sem_alloc : memref<!tpu.dma_semaphore, #tpu.memory_space<semaphore_mem>>
      %dma_start3A_105 = arith.constant 0 : i32
      %dma_start3A_106 = tpu.memref_slice %arg4[%add3A_42, %dma_start3A_105] : memref<8192x128xf32, #tpu.memory_space<hbm>> -> memref<64x128xf32, #tpu.memory_space<hbm>>
      %dma_start3A_107 = arith.constant 0 : i32
      %dma_start3A_108 = tpu.memref_slice %arg4[%add3A_42, %dma_start3A_107] : memref<8192x128xf32, #tpu.memory_space<hbm>> -> memref<64x128xf32, #tpu.memory_space<hbm>>
      tpu.enqueue_dma source(%dma_start3A_108 : memref<64x128xf32, #tpu.memory_space<hbm>>) target(%arg13 : memref<64x128xf32, #tpu.memory_space<vmem>>) target_semaphore(%run_scoped3A : memref<!tpu.dma_semaphore, #tpu.memory_space<semaphore_mem>>)
      %dma_wait3A_109 = arith.constant 0 : i32
      %dma_wait3A_110 = tpu.memref_slice %arg4[%add3A_42, %dma_wait3A_109] : memref<8192x128xf32, #tpu.memory_space<hbm>> -> memref<64x128xf32, #tpu.memory_space<hbm>>
      %dma_wait3A_111 = arith.constant 0 : i32
      %dma_wait3A_112 = tpu.memref_slice %arg4[%add3A_42, %dma_wait3A_111] : memref<8192x128xf32, #tpu.memory_space<hbm>> -> memref<64x128xf32, #tpu.memory_space<hbm>>
      tpu.wait_dma2 semaphore(%run_scoped3A : memref<!tpu.dma_semaphore, #tpu.memory_space<semaphore_mem>>) src(%dma_wait3A_112 : memref<64x128xf32, #tpu.memory_space<hbm>>) dst(%arg13 : memref<64x128xf32, #tpu.memory_space<vmem>>)
      tpu.yield
    }) : () -> ()
    %dma_start3A_43 = arith.constant 0 : i32
    %dma_start3A_44 = arith.constant 0 : i32
    %dma_start3A_45 = tpu.memref_slice %arg7[%dma_start3A_43, %dma_start3A_44] : memref<18432x512xi32, #tpu.memory_space<hbm>> -> memref<18432x512xi32, #tpu.memory_space<hbm>>
    tpu.enqueue_indirect_dma source(%arg11 : memref<64x512xi32, #tpu.memory_space<vmem>>) target(%dma_start3A_45 : memref<18432x512xi32, #tpu.memory_space<hbm>>) offsets(%arg9 : memref<64xi32, #tpu.memory_space<vmem>>) semaphore(%arg19 : memref<!tpu.dma_semaphore, #tpu.memory_space<semaphore_mem>>)
    %dma_start3A_46 = arith.constant 0 : i32
    %dma_start3A_47 = arith.constant 0 : i32
    %dma_start3A_48 = tpu.memref_slice %arg7[%dma_start3A_46, %dma_start3A_47] : memref<18432x512xi32, #tpu.memory_space<hbm>> -> memref<18432x512xi32, #tpu.memory_space<hbm>>
    tpu.enqueue_indirect_dma source(%arg11 : memref<64x512xi32, #tpu.memory_space<vmem>>) target(%dma_start3A_48 : memref<18432x512xi32, #tpu.memory_space<hbm>>) offsets(%arg10 : memref<64xi32, #tpu.memory_space<vmem>>) semaphore(%arg19 : memref<!tpu.dma_semaphore, #tpu.memory_space<semaphore_mem>>)
    %dma_start3A_49 = arith.constant 0 : i32
    %dma_start3A_50 = arith.constant 0 : i32
    %dma_start3A_51 = tpu.memref_slice %arg8[%dma_start3A_49, %dma_start3A_50] : memref<18432x128xf32, #tpu.memory_space<hbm>> -> memref<18432x128xf32, #tpu.memory_space<hbm>>
    tpu.enqueue_indirect_dma source(%arg12 : memref<64x128xf32, #tpu.memory_space<vmem>>) target(%dma_start3A_51 : memref<18432x128xf32, #tpu.memory_space<hbm>>) offsets(%arg9 : memref<64xi32, #tpu.memory_space<vmem>>) semaphore(%arg19 : memref<!tpu.dma_semaphore, #tpu.memory_space<semaphore_mem>>)
    %dma_start3A_52 = arith.constant 0 : i32
    %dma_start3A_53 = arith.constant 0 : i32
    %dma_start3A_54 = tpu.memref_slice %arg8[%dma_start3A_52, %dma_start3A_53] : memref<18432x128xf32, #tpu.memory_space<hbm>> -> memref<18432x128xf32, #tpu.memory_space<hbm>>
    tpu.enqueue_indirect_dma source(%arg13 : memref<64x128xf32, #tpu.memory_space<vmem>>) target(%dma_start3A_54 : memref<18432x128xf32, #tpu.memory_space<hbm>>) offsets(%arg10 : memref<64xi32, #tpu.memory_space<vmem>>) semaphore(%arg19 : memref<!tpu.dma_semaphore, #tpu.memory_space<semaphore_mem>>)
    %dma_wait3A_55 = arith.constant 0 : i32
    %dma_wait3A_56 = arith.constant 0 : i32
    %dma_wait3A_57 = tpu.memref_slice %arg7[%dma_wait3A_55, %dma_wait3A_56] : memref<18432x512xi32, #tpu.memory_space<hbm>> -> memref<18432x512xi32, #tpu.memory_space<hbm>>
    tpu.wait_indirect_dma semaphore(%arg20 : memref<!tpu.dma_semaphore, #tpu.memory_space<semaphore_mem>>) src(%arg16 : memref<64x512xi32, #tpu.memory_space<vmem>>) dst(%dma_wait3A_57 : memref<18432x512xi32, #tpu.memory_space<hbm>>)
    %dma_wait3A_58 = arith.constant 0 : i32
    %dma_wait3A_59 = arith.constant 0 : i32
    %dma_wait3A_60 = tpu.memref_slice %arg7[%dma_wait3A_58, %dma_wait3A_59] : memref<18432x512xi32, #tpu.memory_space<hbm>> -> memref<18432x512xi32, #tpu.memory_space<hbm>>
    tpu.wait_indirect_dma semaphore(%arg20 : memref<!tpu.dma_semaphore, #tpu.memory_space<semaphore_mem>>) src(%arg16 : memref<64x512xi32, #tpu.memory_space<vmem>>) dst(%dma_wait3A_60 : memref<18432x512xi32, #tpu.memory_space<hbm>>)
    %dma_wait3A_61 = arith.constant 0 : i32
    %dma_wait3A_62 = arith.constant 0 : i32
    %dma_wait3A_63 = tpu.memref_slice %arg8[%dma_wait3A_61, %dma_wait3A_62] : memref<18432x128xf32, #tpu.memory_space<hbm>> -> memref<18432x128xf32, #tpu.memory_space<hbm>>
    tpu.wait_indirect_dma semaphore(%arg20 : memref<!tpu.dma_semaphore, #tpu.memory_space<semaphore_mem>>) src(%arg17 : memref<64x128xf32, #tpu.memory_space<vmem>>) dst(%dma_wait3A_63 : memref<18432x128xf32, #tpu.memory_space<hbm>>)
    %dma_wait3A_64 = arith.constant 0 : i32
    %dma_wait3A_65 = arith.constant 0 : i32
    %dma_wait3A_66 = tpu.memref_slice %arg8[%dma_wait3A_64, %dma_wait3A_65] : memref<18432x128xf32, #tpu.memory_space<hbm>> -> memref<18432x128xf32, #tpu.memory_space<hbm>>
    tpu.wait_indirect_dma semaphore(%arg20 : memref<!tpu.dma_semaphore, #tpu.memory_space<semaphore_mem>>) src(%arg18 : memref<64x128xf32, #tpu.memory_space<vmem>>) dst(%dma_wait3A_66 : memref<18432x128xf32, #tpu.memory_space<hbm>>)
    %add3A_67 = arith.constant 192 : i32
    %add3A_68 = arith.addi %mul3A_2, %add3A_67 : i32
    "tpu.region"() ({
      %run_scoped3A = tpu.sem_alloc : memref<!tpu.dma_semaphore, #tpu.memory_space<semaphore_mem>>
      %dma_start3A_105 = tpu.memref_slice %arg5[%add3A_68] : memref<8192xi32, #tpu.memory_space<hbm>> -> memref<64xi32, #tpu.memory_space<hbm>>
      %dma_start3A_106 = tpu.memref_slice %arg5[%add3A_68] : memref<8192xi32, #tpu.memory_space<hbm>> -> memref<64xi32, #tpu.memory_space<hbm>>
      tpu.enqueue_dma source(%dma_start3A_106 : memref<64xi32, #tpu.memory_space<hbm>>) target(%arg14 : memref<64xi32, #tpu.memory_space<vmem>>) target_semaphore(%run_scoped3A : memref<!tpu.dma_semaphore, #tpu.memory_space<semaphore_mem>>)
      %dma_wait3A_107 = tpu.memref_slice %arg5[%add3A_68] : memref<8192xi32, #tpu.memory_space<hbm>> -> memref<64xi32, #tpu.memory_space<hbm>>
      %dma_wait3A_108 = tpu.memref_slice %arg5[%add3A_68] : memref<8192xi32, #tpu.memory_space<hbm>> -> memref<64xi32, #tpu.memory_space<hbm>>
      tpu.wait_dma2 semaphore(%run_scoped3A : memref<!tpu.dma_semaphore, #tpu.memory_space<semaphore_mem>>) src(%dma_wait3A_108 : memref<64xi32, #tpu.memory_space<hbm>>) dst(%arg14 : memref<64xi32, #tpu.memory_space<vmem>>)
      tpu.yield
    }) : () -> ()
    "tpu.region"() ({
      %run_scoped3A = tpu.sem_alloc : memref<!tpu.dma_semaphore, #tpu.memory_space<semaphore_mem>>
      %dma_start3A_105 = tpu.memref_slice %arg6[%add3A_68] : memref<8192xi32, #tpu.memory_space<hbm>> -> memref<64xi32, #tpu.memory_space<hbm>>
      %dma_start3A_106 = tpu.memref_slice %arg6[%add3A_68] : memref<8192xi32, #tpu.memory_space<hbm>> -> memref<64xi32, #tpu.memory_space<hbm>>
      tpu.enqueue_dma source(%dma_start3A_106 : memref<64xi32, #tpu.memory_space<hbm>>) target(%arg15 : memref<64xi32, #tpu.memory_space<vmem>>) target_semaphore(%run_scoped3A : memref<!tpu.dma_semaphore, #tpu.memory_space<semaphore_mem>>)
      %dma_wait3A_107 = tpu.memref_slice %arg6[%add3A_68] : memref<8192xi32, #tpu.memory_space<hbm>> -> memref<64xi32, #tpu.memory_space<hbm>>
      %dma_wait3A_108 = tpu.memref_slice %arg6[%add3A_68] : memref<8192xi32, #tpu.memory_space<hbm>> -> memref<64xi32, #tpu.memory_space<hbm>>
      tpu.wait_dma2 semaphore(%run_scoped3A : memref<!tpu.dma_semaphore, #tpu.memory_space<semaphore_mem>>) src(%dma_wait3A_108 : memref<64xi32, #tpu.memory_space<hbm>>) dst(%arg15 : memref<64xi32, #tpu.memory_space<vmem>>)
      tpu.yield
    }) : () -> ()
    "tpu.region"() ({
      %run_scoped3A = tpu.sem_alloc : memref<!tpu.dma_semaphore, #tpu.memory_space<semaphore_mem>>
      %dma_start3A_105 = arith.constant 0 : i32
      %dma_start3A_106 = tpu.memref_slice %arg2[%add3A_68, %dma_start3A_105] : memref<8192x512xi32, #tpu.memory_space<hbm>> -> memref<64x512xi32, #tpu.memory_space<hbm>>
      %dma_start3A_107 = arith.constant 0 : i32
      %dma_start3A_108 = tpu.memref_slice %arg2[%add3A_68, %dma_start3A_107] : memref<8192x512xi32, #tpu.memory_space<hbm>> -> memref<64x512xi32, #tpu.memory_space<hbm>>
      tpu.enqueue_dma source(%dma_start3A_108 : memref<64x512xi32, #tpu.memory_space<hbm>>) target(%arg16 : memref<64x512xi32, #tpu.memory_space<vmem>>) target_semaphore(%run_scoped3A : memref<!tpu.dma_semaphore, #tpu.memory_space<semaphore_mem>>)
      %dma_wait3A_109 = arith.constant 0 : i32
      %dma_wait3A_110 = tpu.memref_slice %arg2[%add3A_68, %dma_wait3A_109] : memref<8192x512xi32, #tpu.memory_space<hbm>> -> memref<64x512xi32, #tpu.memory_space<hbm>>
      %dma_wait3A_111 = arith.constant 0 : i32
      %dma_wait3A_112 = tpu.memref_slice %arg2[%add3A_68, %dma_wait3A_111] : memref<8192x512xi32, #tpu.memory_space<hbm>> -> memref<64x512xi32, #tpu.memory_space<hbm>>
      tpu.wait_dma2 semaphore(%run_scoped3A : memref<!tpu.dma_semaphore, #tpu.memory_space<semaphore_mem>>) src(%dma_wait3A_112 : memref<64x512xi32, #tpu.memory_space<hbm>>) dst(%arg16 : memref<64x512xi32, #tpu.memory_space<vmem>>)
      tpu.yield
    }) : () -> ()
    "tpu.region"() ({
      %run_scoped3A = tpu.sem_alloc : memref<!tpu.dma_semaphore, #tpu.memory_space<semaphore_mem>>
      %dma_start3A_105 = arith.constant 0 : i32
      %dma_start3A_106 = tpu.memref_slice %arg3[%add3A_68, %dma_start3A_105] : memref<8192x128xf32, #tpu.memory_space<hbm>> -> memref<64x128xf32, #tpu.memory_space<hbm>>
      %dma_start3A_107 = arith.constant 0 : i32
      %dma_start3A_108 = tpu.memref_slice %arg3[%add3A_68, %dma_start3A_107] : memref<8192x128xf32, #tpu.memory_space<hbm>> -> memref<64x128xf32, #tpu.memory_space<hbm>>
      tpu.enqueue_dma source(%dma_start3A_108 : memref<64x128xf32, #tpu.memory_space<hbm>>) target(%arg17 : memref<64x128xf32, #tpu.memory_space<vmem>>) target_semaphore(%run_scoped3A : memref<!tpu.dma_semaphore, #tpu.memory_space<semaphore_mem>>)
      %dma_wait3A_109 = arith.constant 0 : i32
      %dma_wait3A_110 = tpu.memref_slice %arg3[%add3A_68, %dma_wait3A_109] : memref<8192x128xf32, #tpu.memory_space<hbm>> -> memref<64x128xf32, #tpu.memory_space<hbm>>
      %dma_wait3A_111 = arith.constant 0 : i32
      %dma_wait3A_112 = tpu.memref_slice %arg3[%add3A_68, %dma_wait3A_111] : memref<8192x128xf32, #tpu.memory_space<hbm>> -> memref<64x128xf32, #tpu.memory_space<hbm>>
      tpu.wait_dma2 semaphore(%run_scoped3A : memref<!tpu.dma_semaphore, #tpu.memory_space<semaphore_mem>>) src(%dma_wait3A_112 : memref<64x128xf32, #tpu.memory_space<hbm>>) dst(%arg17 : memref<64x128xf32, #tpu.memory_space<vmem>>)
      tpu.yield
    }) : () -> ()
    "tpu.region"() ({
      %run_scoped3A = tpu.sem_alloc : memref<!tpu.dma_semaphore, #tpu.memory_space<semaphore_mem>>
      %dma_start3A_105 = arith.constant 0 : i32
      %dma_start3A_106 = tpu.memref_slice %arg4[%add3A_68, %dma_start3A_105] : memref<8192x128xf32, #tpu.memory_space<hbm>> -> memref<64x128xf32, #tpu.memory_space<hbm>>
      %dma_start3A_107 = arith.constant 0 : i32
      %dma_start3A_108 = tpu.memref_slice %arg4[%add3A_68, %dma_start3A_107] : memref<8192x128xf32, #tpu.memory_space<hbm>> -> memref<64x128xf32, #tpu.memory_space<hbm>>
      tpu.enqueue_dma source(%dma_start3A_108 : memref<64x128xf32, #tpu.memory_space<hbm>>) target(%arg18 : memref<64x128xf32, #tpu.memory_space<vmem>>) target_semaphore(%run_scoped3A : memref<!tpu.dma_semaphore, #tpu.memory_space<semaphore_mem>>)
      %dma_wait3A_109 = arith.constant 0 : i32
      %dma_wait3A_110 = tpu.memref_slice %arg4[%add3A_68, %dma_wait3A_109] : memref<8192x128xf32, #tpu.memory_space<hbm>> -> memref<64x128xf32, #tpu.memory_space<hbm>>
      %dma_wait3A_111 = arith.constant 0 : i32
      %dma_wait3A_112 = tpu.memref_slice %arg4[%add3A_68, %dma_wait3A_111] : memref<8192x128xf32, #tpu.memory_space<hbm>> -> memref<64x128xf32, #tpu.memory_space<hbm>>
      tpu.wait_dma2 semaphore(%run_scoped3A : memref<!tpu.dma_semaphore, #tpu.memory_space<semaphore_mem>>) src(%dma_wait3A_112 : memref<64x128xf32, #tpu.memory_space<hbm>>) dst(%arg18 : memref<64x128xf32, #tpu.memory_space<vmem>>)
      tpu.yield
    }) : () -> ()
    %dma_start3A_69 = arith.constant 0 : i32
    %dma_start3A_70 = arith.constant 0 : i32
    %dma_start3A_71 = tpu.memref_slice %arg7[%dma_start3A_69, %dma_start3A_70] : memref<18432x512xi32, #tpu.memory_space<hbm>> -> memref<18432x512xi32, #tpu.memory_space<hbm>>
    tpu.enqueue_indirect_dma source(%arg16 : memref<64x512xi32, #tpu.memory_space<vmem>>) target(%dma_start3A_71 : memref<18432x512xi32, #tpu.memory_space<hbm>>) offsets(%arg14 : memref<64xi32, #tpu.memory_space<vmem>>) semaphore(%arg20 : memref<!tpu.dma_semaphore, #tpu.memory_space<semaphore_mem>>)
    %dma_start3A_72 = arith.constant 0 : i32
    %dma_start3A_73 = arith.constant 0 : i32
    %dma_start3A_74 = tpu.memref_slice %arg7[%dma_start3A_72, %dma_start3A_73] : memref<18432x512xi32, #tpu.memory_space<hbm>> -> memref<18432x512xi32, #tpu.memory_space<hbm>>
    tpu.enqueue_indirect_dma source(%arg16 : memref<64x512xi32, #tpu.memory_space<vmem>>) target(%dma_start3A_74 : memref<18432x512xi32, #tpu.memory_space<hbm>>) offsets(%arg15 : memref<64xi32, #tpu.memory_space<vmem>>) semaphore(%arg20 : memref<!tpu.dma_semaphore, #tpu.memory_space<semaphore_mem>>)
    %dma_start3A_75 = arith.constant 0 : i32
    %dma_start3A_76 = arith.constant 0 : i32
    %dma_start3A_77 = tpu.memref_slice %arg8[%dma_start3A_75, %dma_start3A_76] : memref<18432x128xf32, #tpu.memory_space<hbm>> -> memref<18432x128xf32, #tpu.memory_space<hbm>>
    tpu.enqueue_indirect_dma source(%arg17 : memref<64x128xf32, #tpu.memory_space<vmem>>) target(%dma_start3A_77 : memref<18432x128xf32, #tpu.memory_space<hbm>>) offsets(%arg14 : memref<64xi32, #tpu.memory_space<vmem>>) semaphore(%arg20 : memref<!tpu.dma_semaphore, #tpu.memory_space<semaphore_mem>>)
    %dma_start3A_78 = arith.constant 0 : i32
    %dma_start3A_79 = arith.constant 0 : i32
    %dma_start3A_80 = tpu.memref_slice %arg8[%dma_start3A_78, %dma_start3A_79] : memref<18432x128xf32, #tpu.memory_space<hbm>> -> memref<18432x128xf32, #tpu.memory_space<hbm>>
    tpu.enqueue_indirect_dma source(%arg18 : memref<64x128xf32, #tpu.memory_space<vmem>>) target(%dma_start3A_80 : memref<18432x128xf32, #tpu.memory_space<hbm>>) offsets(%arg15 : memref<64xi32, #tpu.memory_space<vmem>>) semaphore(%arg20 : memref<!tpu.dma_semaphore, #tpu.memory_space<semaphore_mem>>)
    %dma_wait3A_81 = arith.constant 0 : i32
    %dma_wait3A_82 = arith.constant 0 : i32
    %dma_wait3A_83 = tpu.memref_slice %arg7[%dma_wait3A_81, %dma_wait3A_82] : memref<18432x512xi32, #tpu.memory_space<hbm>> -> memref<18432x512xi32, #tpu.memory_space<hbm>>
    tpu.wait_indirect_dma semaphore(%arg19 : memref<!tpu.dma_semaphore, #tpu.memory_space<semaphore_mem>>) src(%arg11 : memref<64x512xi32, #tpu.memory_space<vmem>>) dst(%dma_wait3A_83 : memref<18432x512xi32, #tpu.memory_space<hbm>>)
    %dma_wait3A_84 = arith.constant 0 : i32
    %dma_wait3A_85 = arith.constant 0 : i32
    %dma_wait3A_86 = tpu.memref_slice %arg7[%dma_wait3A_84, %dma_wait3A_85] : memref<18432x512xi32, #tpu.memory_space<hbm>> -> memref<18432x512xi32, #tpu.memory_space<hbm>>
    tpu.wait_indirect_dma semaphore(%arg19 : memref<!tpu.dma_semaphore, #tpu.memory_space<semaphore_mem>>) src(%arg11 : memref<64x512xi32, #tpu.memory_space<vmem>>) dst(%dma_wait3A_86 : memref<18432x512xi32, #tpu.memory_space<hbm>>)
    %dma_wait3A_87 = arith.constant 0 : i32
    %dma_wait3A_88 = arith.constant 0 : i32
    %dma_wait3A_89 = tpu.memref_slice %arg8[%dma_wait3A_87, %dma_wait3A_88] : memref<18432x128xf32, #tpu.memory_space<hbm>> -> memref<18432x128xf32, #tpu.memory_space<hbm>>
    tpu.wait_indirect_dma semaphore(%arg19 : memref<!tpu.dma_semaphore, #tpu.memory_space<semaphore_mem>>) src(%arg12 : memref<64x128xf32, #tpu.memory_space<vmem>>) dst(%dma_wait3A_89 : memref<18432x128xf32, #tpu.memory_space<hbm>>)
    %dma_wait3A_90 = arith.constant 0 : i32
    %dma_wait3A_91 = arith.constant 0 : i32
    %dma_wait3A_92 = tpu.memref_slice %arg8[%dma_wait3A_90, %dma_wait3A_91] : memref<18432x128xf32, #tpu.memory_space<hbm>> -> memref<18432x128xf32, #tpu.memory_space<hbm>>
    tpu.wait_indirect_dma semaphore(%arg19 : memref<!tpu.dma_semaphore, #tpu.memory_space<semaphore_mem>>) src(%arg13 : memref<64x128xf32, #tpu.memory_space<vmem>>) dst(%dma_wait3A_92 : memref<18432x128xf32, #tpu.memory_space<hbm>>)
    %dma_wait3A_93 = arith.constant 0 : i32
    %dma_wait3A_94 = arith.constant 0 : i32
    %dma_wait3A_95 = tpu.memref_slice %arg7[%dma_wait3A_93, %dma_wait3A_94] : memref<18432x512xi32, #tpu.memory_space<hbm>> -> memref<18432x512xi32, #tpu.memory_space<hbm>>
    tpu.wait_indirect_dma semaphore(%arg20 : memref<!tpu.dma_semaphore, #tpu.memory_space<semaphore_mem>>) src(%arg16 : memref<64x512xi32, #tpu.memory_space<vmem>>) dst(%dma_wait3A_95 : memref<18432x512xi32, #tpu.memory_space<hbm>>)
    %dma_wait3A_96 = arith.constant 0 : i32
    %dma_wait3A_97 = arith.constant 0 : i32
    %dma_wait3A_98 = tpu.memref_slice %arg7[%dma_wait3A_96, %dma_wait3A_97] : memref<18432x512xi32, #tpu.memory_space<hbm>> -> memref<18432x512xi32, #tpu.memory_space<hbm>>
    tpu.wait_indirect_dma semaphore(%arg20 : memref<!tpu.dma_semaphore, #tpu.memory_space<semaphore_mem>>) src(%arg16 : memref<64x512xi32, #tpu.memory_space<vmem>>) dst(%dma_wait3A_98 : memref<18432x512xi32, #tpu.memory_space<hbm>>)
    %dma_wait3A_99 = arith.constant 0 : i32
    %dma_wait3A_100 = arith.constant 0 : i32
    %dma_wait3A_101 = tpu.memref_slice %arg8[%dma_wait3A_99, %dma_wait3A_100] : memref<18432x128xf32, #tpu.memory_space<hbm>> -> memref<18432x128xf32, #tpu.memory_space<hbm>>
    tpu.wait_indirect_dma semaphore(%arg20 : memref<!tpu.dma_semaphore, #tpu.memory_space<semaphore_mem>>) src(%arg17 : memref<64x128xf32, #tpu.memory_space<vmem>>) dst(%dma_wait3A_101 : memref<18432x128xf32, #tpu.memory_space<hbm>>)
    %dma_wait3A_102 = arith.constant 0 : i32
    %dma_wait3A_103 = arith.constant 0 : i32
    %dma_wait3A_104 = tpu.memref_slice %arg8[%dma_wait3A_102, %dma_wait3A_103] : memref<18432x128xf32, #tpu.memory_space<hbm>> -> memref<18432x128xf32, #tpu.memory_space<hbm>>
    tpu.wait_indirect_dma semaphore(%arg20 : memref<!tpu.dma_semaphore, #tpu.memory_space<semaphore_mem>>) src(%arg18 : memref<64x128xf32, #tpu.memory_space<vmem>>) dst(%dma_wait3A_104 : memref<18432x128xf32, #tpu.memory_space<hbm>>)
    return
  }
}

#map = affine_map<(d0, d1) -> (0, 0)>
#map1 = affine_map<(d0, d1) -> (0)>
module attributes {stable_mosaic.version = 14 : i64} {
  func.func @k(%arg0: i32, %arg1: i32, %arg2: memref<18432x1024xf32, #tpu.memory_space<hbm>>, %arg3: memref<8192xi32, #tpu.memory_space<hbm>>, %arg4: memref<8192xi32, #tpu.memory_space<hbm>>, %arg5: memref<8192x1024xf32, #tpu.memory_space<hbm>>, %arg6: memref<16xi32, #tpu.memory_space<vmem>>, %arg7: memref<16xi32, #tpu.memory_space<vmem>>, %arg8: memref<16x1024xf32, #tpu.memory_space<vmem>>, %arg9: memref<16x1024xf32, #tpu.memory_space<vmem>>, %arg10: memref<16x1024xf32, #tpu.memory_space<vmem>>, %arg11: memref<16x1024xf32, #tpu.memory_space<vmem>>, %arg12: memref<!tpu.dma_semaphore, #tpu.memory_space<semaphore_mem>>, %arg13: memref<!tpu.dma_semaphore, #tpu.memory_space<semaphore_mem>>, %arg14: memref<!tpu.dma_semaphore, #tpu.memory_space<semaphore_mem>>) attributes {dimension_semantics = [#tpu.dimension_semantics<core_parallel>, #tpu.dimension_semantics<subcore_parallel>], iteration_bounds = array<i64: 2, 16>, scalar_prefetch = 0 : i64, scratch_operands = 9 : i64, tpu.core_type = #tpu.core_type<sc_vector_subcore>, window_params = [{transform_indices = #map}, {transform_indices = #map1}, {transform_indices = #map1}, {transform_indices = #map}]} {
    %mul3A = arith.constant 2 : i32
    %mul3A_0 = arith.muli %arg1, %mul3A : i32
    %add3A = arith.addi %mul3A_0, %arg0 : i32
    %mul3A_1 = arith.constant 256 : i32
    %mul3A_2 = arith.muli %add3A, %mul3A_1 : i32
    %scan3A = arith.constant 0 : i32
    %scan3A_3 = arith.constant 0 : i32
    %scan3A_4 = arith.constant 8 : i32
    %scan3A_5 = arith.addi %scan3A_3, %scan3A_4 : i32
    %scan3A_6 = arith.constant 1 : i32
    %scan3A_7 = scf.for %scan3A_9 = %scan3A_3 to %scan3A_5 step %scan3A_6 iter_args(%scan3A_10 = %scan3A) -> (i32)  : i32 {
      %mul3A_11 = arith.constant 2 : i32
      %mul3A_12 = arith.muli %mul3A_11, %scan3A_9 : i32
      %mul3A_13 = arith.constant 16 : i32
      %mul3A_14 = arith.muli %mul3A_12, %mul3A_13 : i32
      %add3A_15 = arith.addi %mul3A_2, %mul3A_14 : i32
      "tpu.region"() ({
        %run_scoped3A = tpu.sem_alloc : memref<!tpu.dma_semaphore, #tpu.memory_space<semaphore_mem>>
        %dma_start3A_76 = tpu.memref_slice %arg3[%add3A_15] : memref<8192xi32, #tpu.memory_space<hbm>> -> memref<16xi32, #tpu.memory_space<hbm>>
        %dma_start3A_77 = tpu.memref_slice %arg3[%add3A_15] : memref<8192xi32, #tpu.memory_space<hbm>> -> memref<16xi32, #tpu.memory_space<hbm>>
        tpu.enqueue_dma source(%dma_start3A_77 : memref<16xi32, #tpu.memory_space<hbm>>) target(%arg6 : memref<16xi32, #tpu.memory_space<vmem>>) target_semaphore(%run_scoped3A : memref<!tpu.dma_semaphore, #tpu.memory_space<semaphore_mem>>)
        %dma_wait3A_78 = tpu.memref_slice %arg3[%add3A_15] : memref<8192xi32, #tpu.memory_space<hbm>> -> memref<16xi32, #tpu.memory_space<hbm>>
        %dma_wait3A_79 = tpu.memref_slice %arg3[%add3A_15] : memref<8192xi32, #tpu.memory_space<hbm>> -> memref<16xi32, #tpu.memory_space<hbm>>
        tpu.wait_dma2 semaphore(%run_scoped3A : memref<!tpu.dma_semaphore, #tpu.memory_space<semaphore_mem>>) src(%dma_wait3A_79 : memref<16xi32, #tpu.memory_space<hbm>>) dst(%arg6 : memref<16xi32, #tpu.memory_space<vmem>>)
        tpu.yield
      }) : () -> ()
      "tpu.region"() ({
        %run_scoped3A = tpu.sem_alloc : memref<!tpu.dma_semaphore, #tpu.memory_space<semaphore_mem>>
        %dma_start3A_76 = tpu.memref_slice %arg4[%add3A_15] : memref<8192xi32, #tpu.memory_space<hbm>> -> memref<16xi32, #tpu.memory_space<hbm>>
        %dma_start3A_77 = tpu.memref_slice %arg4[%add3A_15] : memref<8192xi32, #tpu.memory_space<hbm>> -> memref<16xi32, #tpu.memory_space<hbm>>
        tpu.enqueue_dma source(%dma_start3A_77 : memref<16xi32, #tpu.memory_space<hbm>>) target(%arg7 : memref<16xi32, #tpu.memory_space<vmem>>) target_semaphore(%run_scoped3A : memref<!tpu.dma_semaphore, #tpu.memory_space<semaphore_mem>>)
        %dma_wait3A_78 = tpu.memref_slice %arg4[%add3A_15] : memref<8192xi32, #tpu.memory_space<hbm>> -> memref<16xi32, #tpu.memory_space<hbm>>
        %dma_wait3A_79 = tpu.memref_slice %arg4[%add3A_15] : memref<8192xi32, #tpu.memory_space<hbm>> -> memref<16xi32, #tpu.memory_space<hbm>>
        tpu.wait_dma2 semaphore(%run_scoped3A : memref<!tpu.dma_semaphore, #tpu.memory_space<semaphore_mem>>) src(%dma_wait3A_79 : memref<16xi32, #tpu.memory_space<hbm>>) dst(%arg7 : memref<16xi32, #tpu.memory_space<vmem>>)
        tpu.yield
      }) : () -> ()
      %dma_start3A = arith.constant 0 : i32
      %dma_start3A_16 = arith.constant 0 : i32
      %dma_start3A_17 = tpu.memref_slice %arg2[%dma_start3A, %dma_start3A_16] : memref<18432x1024xf32, #tpu.memory_space<hbm>> -> memref<18432x1024xf32, #tpu.memory_space<hbm>>
      tpu.enqueue_indirect_dma source(%dma_start3A_17 : memref<18432x1024xf32, #tpu.memory_space<hbm>>) target(%arg8 : memref<16x1024xf32, #tpu.memory_space<vmem>>) offsets(%arg6 : memref<16xi32, #tpu.memory_space<vmem>>) semaphore(%arg12 : memref<!tpu.dma_semaphore, #tpu.memory_space<semaphore_mem>>)
      %dma_start3A_18 = arith.constant 0 : i32
      %dma_start3A_19 = arith.constant 0 : i32
      %dma_start3A_20 = tpu.memref_slice %arg2[%dma_start3A_18, %dma_start3A_19] : memref<18432x1024xf32, #tpu.memory_space<hbm>> -> memref<18432x1024xf32, #tpu.memory_space<hbm>>
      tpu.enqueue_indirect_dma source(%dma_start3A_20 : memref<18432x1024xf32, #tpu.memory_space<hbm>>) target(%arg9 : memref<16x1024xf32, #tpu.memory_space<vmem>>) offsets(%arg7 : memref<16xi32, #tpu.memory_space<vmem>>) semaphore(%arg13 : memref<!tpu.dma_semaphore, #tpu.memory_space<semaphore_mem>>)
      %dma_wait3A = arith.constant 0 : i32
      %dma_wait3A_21 = arith.constant 0 : i32
      %dma_wait3A_22 = tpu.memref_slice %arg2[%dma_wait3A, %dma_wait3A_21] : memref<18432x1024xf32, #tpu.memory_space<hbm>> -> memref<18432x1024xf32, #tpu.memory_space<hbm>>
      tpu.wait_indirect_dma semaphore(%arg12 : memref<!tpu.dma_semaphore, #tpu.memory_space<semaphore_mem>>) src(%dma_wait3A_22 : memref<18432x1024xf32, #tpu.memory_space<hbm>>) dst(%arg8 : memref<16x1024xf32, #tpu.memory_space<vmem>>)
      %dma_wait3A_23 = arith.constant 0 : i32
      %dma_wait3A_24 = arith.constant 0 : i32
      %dma_wait3A_25 = tpu.memref_slice %arg2[%dma_wait3A_23, %dma_wait3A_24] : memref<18432x1024xf32, #tpu.memory_space<hbm>> -> memref<18432x1024xf32, #tpu.memory_space<hbm>>
      tpu.wait_indirect_dma semaphore(%arg13 : memref<!tpu.dma_semaphore, #tpu.memory_space<semaphore_mem>>) src(%dma_wait3A_25 : memref<18432x1024xf32, #tpu.memory_space<hbm>>) dst(%arg9 : memref<16x1024xf32, #tpu.memory_space<vmem>>)
      %scan3A_26 = arith.constant 0 : i32
      %scan3A_27 = arith.constant 0 : i32
      %scan3A_28 = arith.constant 16 : i32
      %scan3A_29 = arith.addi %scan3A_27, %scan3A_28 : i32
      %scan3A_30 = arith.constant 1 : i32
      %scan3A_31 = scf.for %scan3A_76 = %scan3A_27 to %scan3A_29 step %scan3A_30 iter_args(%scan3A_77 = %scan3A_26) -> (i32)  : i32 {
        %get3A = arith.index_cast %scan3A_76 : i32 to index
        %get3A_78 = arith.constant 0 : index
        %get3A_79 = tpu.vector_load %arg8[%get3A, %get3A_78] {strides = array<i32>} : memref<16x1024xf32, #tpu.memory_space<vmem>>, vector<1x16xf32>,
        %get3A_80 = vector.shape_cast %get3A_79 : vector<1x16xf32> to vector<16xf32>
        %get3A_81 = arith.index_cast %scan3A_76 : i32 to index
        %get3A_82 = arith.constant 0 : index
        %get3A_83 = tpu.vector_load %arg9[%get3A_81, %get3A_82] {strides = array<i32>} : memref<16x1024xf32, #tpu.memory_space<vmem>>, vector<1x16xf32>,
        %get3A_84 = vector.shape_cast %get3A_83 : vector<1x16xf32> to vector<16xf32>
        %add3A_85 = arith.addf %get3A_80, %get3A_84 : vector<16xf32>
        %swap3A = arith.index_cast %scan3A_76 : i32 to index
        %swap3A_86 = arith.constant 0 : index
        %swap3A_87 = tpu.vector_load %arg8[%swap3A, %swap3A_86] {strides = array<i32>} : memref<16x1024xf32, #tpu.memory_space<vmem>>, vector<1x16xf32>,
        %swap3A_88 = vector.shape_cast %swap3A_87 : vector<1x16xf32> to vector<16xf32>
        %swap3A_89 = vector.shape_cast %add3A_85 : vector<16xf32> to vector<1x16xf32>
        tpu.vector_store %arg8[%swap3A, %swap3A_86], %swap3A_89 {strides = array<i32>} : memref<16x1024xf32, #tpu.memory_space<vmem>>, vector<1x16xf32>,
        %get3A_90 = arith.index_cast %scan3A_76 : i32 to index
        %get3A_91 = arith.constant 16 : index
        %get3A_92 = tpu.vector_load %arg8[%get3A_90, %get3A_91] {strides = array<i32>} : memref<16x1024xf32, #tpu.memory_space<vmem>>, vector<1x16xf32>,
        %get3A_93 = vector.shape_cast %get3A_92 : vector<1x16xf32> to vector<16xf32>
        %get3A_94 = arith.index_cast %scan3A_76 : i32 to index
        %get3A_95 = arith.constant 16 : index
        %get3A_96 = tpu.vector_load %arg9[%get3A_94, %get3A_95] {strides = array<i32>} : memref<16x1024xf32, #tpu.memory_space<vmem>>, vector<1x16xf32>,
        %get3A_97 = vector.shape_cast %get3A_96 : vector<1x16xf32> to vector<16xf32>
        %add3A_98 = arith.addf %get3A_93, %get3A_97 : vector<16xf32>
        %swap3A_99 = arith.index_cast %scan3A_76 : i32 to index
        %swap3A_100 = arith.constant 16 : index
        %swap3A_101 = tpu.vector_load %arg8[%swap3A_99, %swap3A_100] {strides = array<i32>} : memref<16x1024xf32, #tpu.memory_space<vmem>>, vector<1x16xf32>,
        %swap3A_102 = vector.shape_cast %swap3A_101 : vector<1x16xf32> to vector<16xf32>
        %swap3A_103 = vector.shape_cast %add3A_98 : vector<16xf32> to vector<1x16xf32>
        tpu.vector_store %arg8[%swap3A_99, %swap3A_100], %swap3A_103 {strides = array<i32>} : memref<16x1024xf32, #tpu.memory_space<vmem>>, vector<1x16xf32>,
        %get3A_104 = arith.index_cast %scan3A_76 : i32 to index
        %get3A_105 = arith.constant 32 : index
        %get3A_106 = tpu.vector_load %arg8[%get3A_104, %get3A_105] {strides = array<i32>} : memref<16x1024xf32, #tpu.memory_space<vmem>>, vector<1x16xf32>,
        %get3A_107 = vector.shape_cast %get3A_106 : vector<1x16xf32> to vector<16xf32>
        %get3A_108 = arith.index_cast %scan3A_76 : i32 to index
        %get3A_109 = arith.constant 32 : index
        %get3A_110 = tpu.vector_load %arg9[%get3A_108, %get3A_109] {strides = array<i32>} : memref<16x1024xf32, #tpu.memory_space<vmem>>, vector<1x16xf32>,
        %get3A_111 = vector.shape_cast %get3A_110 : vector<1x16xf32> to vector<16xf32>
        %add3A_112 = arith.addf %get3A_107, %get3A_111 : vector<16xf32>
        %swap3A_113 = arith.index_cast %scan3A_76 : i32 to index
        %swap3A_114 = arith.constant 32 : index
        %swap3A_115 = tpu.vector_load %arg8[%swap3A_113, %swap3A_114] {strides = array<i32>} : memref<16x1024xf32, #tpu.memory_space<vmem>>, vector<1x16xf32>,
        %swap3A_116 = vector.shape_cast %swap3A_115 : vector<1x16xf32> to vector<16xf32>
        %swap3A_117 = vector.shape_cast %add3A_112 : vector<16xf32> to vector<1x16xf32>
        tpu.vector_store %arg8[%swap3A_113, %swap3A_114], %swap3A_117 {strides = array<i32>} : memref<16x1024xf32, #tpu.memory_space<vmem>>, vector<1x16xf32>,
        %get3A_118 = arith.index_cast %scan3A_76 : i32 to index
        %get3A_119 = arith.constant 48 : index
        %get3A_120 = tpu.vector_load %arg8[%get3A_118, %get3A_119] {strides = array<i32>} : memref<16x1024xf32, #tpu.memory_space<vmem>>, vector<1x16xf32>,
        %get3A_121 = vector.shape_cast %get3A_120 : vector<1x16xf32> to vector<16xf32>
        %get3A_122 = arith.index_cast %scan3A_76 : i32 to index
        %get3A_123 = arith.constant 48 : index
        %get3A_124 = tpu.vector_load %arg9[%get3A_122, %get3A_123] {strides = array<i32>} : memref<16x1024xf32, #tpu.memory_space<vmem>>, vector<1x16xf32>,
        %get3A_125 = vector.shape_cast %get3A_124 : vector<1x16xf32> to vector<16xf32>
        %add3A_126 = arith.addf %get3A_121, %get3A_125 : vector<16xf32>
        %swap3A_127 = arith.index_cast %scan3A_76 : i32 to index
        %swap3A_128 = arith.constant 48 : index
        %swap3A_129 = tpu.vector_load %arg8[%swap3A_127, %swap3A_128] {strides = array<i32>} : memref<16x1024xf32, #tpu.memory_space<vmem>>, vector<1x16xf32>,
        %swap3A_130 = vector.shape_cast %swap3A_129 : vector<1x16xf32> to vector<16xf32>
        %swap3A_131 = vector.shape_cast %add3A_126 : vector<16xf32> to vector<1x16xf32>
        tpu.vector_store %arg8[%swap3A_127, %swap3A_128], %swap3A_131 {strides = array<i32>} : memref<16x1024xf32, #tpu.memory_space<vmem>>, vector<1x16xf32>,
        %get3A_132 = arith.index_cast %scan3A_76 : i32 to index
        %get3A_133 = arith.constant 64 : index
        %get3A_134 = tpu.vector_load %arg8[%get3A_132, %get3A_133] {strides = array<i32>} : memref<16x1024xf32, #tpu.memory_space<vmem>>, vector<1x16xf32>,
        %get3A_135 = vector.shape_cast %get3A_134 : vector<1x16xf32> to vector<16xf32>
        %get3A_136 = arith.index_cast %scan3A_76 : i32 to index
        %get3A_137 = arith.constant 64 : index
        %get3A_138 = tpu.vector_load %arg9[%get3A_136, %get3A_137] {strides = array<i32>} : memref<16x1024xf32, #tpu.memory_space<vmem>>, vector<1x16xf32>,
        %get3A_139 = vector.shape_cast %get3A_138 : vector<1x16xf32> to vector<16xf32>
        %add3A_140 = arith.addf %get3A_135, %get3A_139 : vector<16xf32>
        %swap3A_141 = arith.index_cast %scan3A_76 : i32 to index
        %swap3A_142 = arith.constant 64 : index
        %swap3A_143 = tpu.vector_load %arg8[%swap3A_141, %swap3A_142] {strides = array<i32>} : memref<16x1024xf32, #tpu.memory_space<vmem>>, vector<1x16xf32>,
        %swap3A_144 = vector.shape_cast %swap3A_143 : vector<1x16xf32> to vector<16xf32>
        %swap3A_145 = vector.shape_cast %add3A_140 : vector<16xf32> to vector<1x16xf32>
        tpu.vector_store %arg8[%swap3A_141, %swap3A_142], %swap3A_145 {strides = array<i32>} : memref<16x1024xf32, #tpu.memory_space<vmem>>, vector<1x16xf32>,
        %get3A_146 = arith.index_cast %scan3A_76 : i32 to index
        %get3A_147 = arith.constant 80 : index
        %get3A_148 = tpu.vector_load %arg8[%get3A_146, %get3A_147] {strides = array<i32>} : memref<16x1024xf32, #tpu.memory_space<vmem>>, vector<1x16xf32>,
        %get3A_149 = vector.shape_cast %get3A_148 : vector<1x16xf32> to vector<16xf32>
        %get3A_150 = arith.index_cast %scan3A_76 : i32 to index
        %get3A_151 = arith.constant 80 : index
        %get3A_152 = tpu.vector_load %arg9[%get3A_150, %get3A_151] {strides = array<i32>} : memref<16x1024xf32, #tpu.memory_space<vmem>>, vector<1x16xf32>,
        %get3A_153 = vector.shape_cast %get3A_152 : vector<1x16xf32> to vector<16xf32>
        %add3A_154 = arith.addf %get3A_149, %get3A_153 : vector<16xf32>
        %swap3A_155 = arith.index_cast %scan3A_76 : i32 to index
        %swap3A_156 = arith.constant 80 : index
        %swap3A_157 = tpu.vector_load %arg8[%swap3A_155, %swap3A_156] {strides = array<i32>} : memref<16x1024xf32, #tpu.memory_space<vmem>>, vector<1x16xf32>,
        %swap3A_158 = vector.shape_cast %swap3A_157 : vector<1x16xf32> to vector<16xf32>
        %swap3A_159 = vector.shape_cast %add3A_154 : vector<16xf32> to vector<1x16xf32>
        tpu.vector_store %arg8[%swap3A_155, %swap3A_156], %swap3A_159 {strides = array<i32>} : memref<16x1024xf32, #tpu.memory_space<vmem>>, vector<1x16xf32>,
        %get3A_160 = arith.index_cast %scan3A_76 : i32 to index
        %get3A_161 = arith.constant 96 : index
        %get3A_162 = tpu.vector_load %arg8[%get3A_160, %get3A_161] {strides = array<i32>} : memref<16x1024xf32, #tpu.memory_space<vmem>>, vector<1x16xf32>,
        %get3A_163 = vector.shape_cast %get3A_162 : vector<1x16xf32> to vector<16xf32>
        %get3A_164 = arith.index_cast %scan3A_76 : i32 to index
        %get3A_165 = arith.constant 96 : index
        %get3A_166 = tpu.vector_load %arg9[%get3A_164, %get3A_165] {strides = array<i32>} : memref<16x1024xf32, #tpu.memory_space<vmem>>, vector<1x16xf32>,
        %get3A_167 = vector.shape_cast %get3A_166 : vector<1x16xf32> to vector<16xf32>
        %add3A_168 = arith.addf %get3A_163, %get3A_167 : vector<16xf32>
        %swap3A_169 = arith.index_cast %scan3A_76 : i32 to index
        %swap3A_170 = arith.constant 96 : index
        %swap3A_171 = tpu.vector_load %arg8[%swap3A_169, %swap3A_170] {strides = array<i32>} : memref<16x1024xf32, #tpu.memory_space<vmem>>, vector<1x16xf32>,
        %swap3A_172 = vector.shape_cast %swap3A_171 : vector<1x16xf32> to vector<16xf32>
        %swap3A_173 = vector.shape_cast %add3A_168 : vector<16xf32> to vector<1x16xf32>
        tpu.vector_store %arg8[%swap3A_169, %swap3A_170], %swap3A_173 {strides = array<i32>} : memref<16x1024xf32, #tpu.memory_space<vmem>>, vector<1x16xf32>,
        %get3A_174 = arith.index_cast %scan3A_76 : i32 to index
        %get3A_175 = arith.constant 112 : index
        %get3A_176 = tpu.vector_load %arg8[%get3A_174, %get3A_175] {strides = array<i32>} : memref<16x1024xf32, #tpu.memory_space<vmem>>, vector<1x16xf32>,
        %get3A_177 = vector.shape_cast %get3A_176 : vector<1x16xf32> to vector<16xf32>
        %get3A_178 = arith.index_cast %scan3A_76 : i32 to index
        %get3A_179 = arith.constant 112 : index
        %get3A_180 = tpu.vector_load %arg9[%get3A_178, %get3A_179] {strides = array<i32>} : memref<16x1024xf32, #tpu.memory_space<vmem>>, vector<1x16xf32>,
        %get3A_181 = vector.shape_cast %get3A_180 : vector<1x16xf32> to vector<16xf32>
        %add3A_182 = arith.addf %get3A_177, %get3A_181 : vector<16xf32>
        %swap3A_183 = arith.index_cast %scan3A_76 : i32 to index
        %swap3A_184 = arith.constant 112 : index
        %swap3A_185 = tpu.vector_load %arg8[%swap3A_183, %swap3A_184] {strides = array<i32>} : memref<16x1024xf32, #tpu.memory_space<vmem>>, vector<1x16xf32>,
        %swap3A_186 = vector.shape_cast %swap3A_185 : vector<1x16xf32> to vector<16xf32>
        %swap3A_187 = vector.shape_cast %add3A_182 : vector<16xf32> to vector<1x16xf32>
        tpu.vector_store %arg8[%swap3A_183, %swap3A_184], %swap3A_187 {strides = array<i32>} : memref<16x1024xf32, #tpu.memory_space<vmem>>, vector<1x16xf32>,
        %get3A_188 = arith.index_cast %scan3A_76 : i32 to index
        %get3A_189 = arith.constant 128 : index
        %get3A_190 = tpu.vector_load %arg8[%get3A_188, %get3A_189] {strides = array<i32>} : memref<16x1024xf32, #tpu.memory_space<vmem>>, vector<1x16xf32>,
        %get3A_191 = vector.shape_cast %get3A_190 : vector<1x16xf32> to vector<16xf32>
        %get3A_192 = arith.index_cast %scan3A_76 : i32 to index
        %get3A_193 = arith.constant 128 : index
        %get3A_194 = tpu.vector_load %arg9[%get3A_192, %get3A_193] {strides = array<i32>} : memref<16x1024xf32, #tpu.memory_space<vmem>>, vector<1x16xf32>,
        %get3A_195 = vector.shape_cast %get3A_194 : vector<1x16xf32> to vector<16xf32>
        %add3A_196 = arith.addf %get3A_191, %get3A_195 : vector<16xf32>
        %swap3A_197 = arith.index_cast %scan3A_76 : i32 to index
        %swap3A_198 = arith.constant 128 : index
        %swap3A_199 = tpu.vector_load %arg8[%swap3A_197, %swap3A_198] {strides = array<i32>} : memref<16x1024xf32, #tpu.memory_space<vmem>>, vector<1x16xf32>,
        %swap3A_200 = vector.shape_cast %swap3A_199 : vector<1x16xf32> to vector<16xf32>
        %swap3A_201 = vector.shape_cast %add3A_196 : vector<16xf32> to vector<1x16xf32>
        tpu.vector_store %arg8[%swap3A_197, %swap3A_198], %swap3A_201 {strides = array<i32>} : memref<16x1024xf32, #tpu.memory_space<vmem>>, vector<1x16xf32>,
        %get3A_202 = arith.index_cast %scan3A_76 : i32 to index
        %get3A_203 = arith.constant 144 : index
        %get3A_204 = tpu.vector_load %arg8[%get3A_202, %get3A_203] {strides = array<i32>} : memref<16x1024xf32, #tpu.memory_space<vmem>>, vector<1x16xf32>,
        %get3A_205 = vector.shape_cast %get3A_204 : vector<1x16xf32> to vector<16xf32>
        %get3A_206 = arith.index_cast %scan3A_76 : i32 to index
        %get3A_207 = arith.constant 144 : index
        %get3A_208 = tpu.vector_load %arg9[%get3A_206, %get3A_207] {strides = array<i32>} : memref<16x1024xf32, #tpu.memory_space<vmem>>, vector<1x16xf32>,
        %get3A_209 = vector.shape_cast %get3A_208 : vector<1x16xf32> to vector<16xf32>
        %add3A_210 = arith.addf %get3A_205, %get3A_209 : vector<16xf32>
        %swap3A_211 = arith.index_cast %scan3A_76 : i32 to index
        %swap3A_212 = arith.constant 144 : index
        %swap3A_213 = tpu.vector_load %arg8[%swap3A_211, %swap3A_212] {strides = array<i32>} : memref<16x1024xf32, #tpu.memory_space<vmem>>, vector<1x16xf32>,
        %swap3A_214 = vector.shape_cast %swap3A_213 : vector<1x16xf32> to vector<16xf32>
        %swap3A_215 = vector.shape_cast %add3A_210 : vector<16xf32> to vector<1x16xf32>
        tpu.vector_store %arg8[%swap3A_211, %swap3A_212], %swap3A_215 {strides = array<i32>} : memref<16x1024xf32, #tpu.memory_space<vmem>>, vector<1x16xf32>,
        %get3A_216 = arith.index_cast %scan3A_76 : i32 to index
        %get3A_217 = arith.constant 160 : index
        %get3A_218 = tpu.vector_load %arg8[%get3A_216, %get3A_217] {strides = array<i32>} : memref<16x1024xf32, #tpu.memory_space<vmem>>, vector<1x16xf32>,
        %get3A_219 = vector.shape_cast %get3A_218 : vector<1x16xf32> to vector<16xf32>
        %get3A_220 = arith.index_cast %scan3A_76 : i32 to index
        %get3A_221 = arith.constant 160 : index
        %get3A_222 = tpu.vector_load %arg9[%get3A_220, %get3A_221] {strides = array<i32>} : memref<16x1024xf32, #tpu.memory_space<vmem>>, vector<1x16xf32>,
        %get3A_223 = vector.shape_cast %get3A_222 : vector<1x16xf32> to vector<16xf32>
        %add3A_224 = arith.addf %get3A_219, %get3A_223 : vector<16xf32>
        %swap3A_225 = arith.index_cast %scan3A_76 : i32 to index
        %swap3A_226 = arith.constant 160 : index
        %swap3A_227 = tpu.vector_load %arg8[%swap3A_225, %swap3A_226] {strides = array<i32>} : memref<16x1024xf32, #tpu.memory_space<vmem>>, vector<1x16xf32>,
        %swap3A_228 = vector.shape_cast %swap3A_227 : vector<1x16xf32> to vector<16xf32>
        %swap3A_229 = vector.shape_cast %add3A_224 : vector<16xf32> to vector<1x16xf32>
        tpu.vector_store %arg8[%swap3A_225, %swap3A_226], %swap3A_229 {strides = array<i32>} : memref<16x1024xf32, #tpu.memory_space<vmem>>, vector<1x16xf32>,
        %get3A_230 = arith.index_cast %scan3A_76 : i32 to index
        %get3A_231 = arith.constant 176 : index
        %get3A_232 = tpu.vector_load %arg8[%get3A_230, %get3A_231] {strides = array<i32>} : memref<16x1024xf32, #tpu.memory_space<vmem>>, vector<1x16xf32>,
        %get3A_233 = vector.shape_cast %get3A_232 : vector<1x16xf32> to vector<16xf32>
        %get3A_234 = arith.index_cast %scan3A_76 : i32 to index
        %get3A_235 = arith.constant 176 : index
        %get3A_236 = tpu.vector_load %arg9[%get3A_234, %get3A_235] {strides = array<i32>} : memref<16x1024xf32, #tpu.memory_space<vmem>>, vector<1x16xf32>,
        %get3A_237 = vector.shape_cast %get3A_236 : vector<1x16xf32> to vector<16xf32>
        %add3A_238 = arith.addf %get3A_233, %get3A_237 : vector<16xf32>
        %swap3A_239 = arith.index_cast %scan3A_76 : i32 to index
        %swap3A_240 = arith.constant 176 : index
        %swap3A_241 = tpu.vector_load %arg8[%swap3A_239, %swap3A_240] {strides = array<i32>} : memref<16x1024xf32, #tpu.memory_space<vmem>>, vector<1x16xf32>,
        %swap3A_242 = vector.shape_cast %swap3A_241 : vector<1x16xf32> to vector<16xf32>
        %swap3A_243 = vector.shape_cast %add3A_238 : vector<16xf32> to vector<1x16xf32>
        tpu.vector_store %arg8[%swap3A_239, %swap3A_240], %swap3A_243 {strides = array<i32>} : memref<16x1024xf32, #tpu.memory_space<vmem>>, vector<1x16xf32>,
        %get3A_244 = arith.index_cast %scan3A_76 : i32 to index
        %get3A_245 = arith.constant 192 : index
        %get3A_246 = tpu.vector_load %arg8[%get3A_244, %get3A_245] {strides = array<i32>} : memref<16x1024xf32, #tpu.memory_space<vmem>>, vector<1x16xf32>,
        %get3A_247 = vector.shape_cast %get3A_246 : vector<1x16xf32> to vector<16xf32>
        %get3A_248 = arith.index_cast %scan3A_76 : i32 to index
        %get3A_249 = arith.constant 192 : index
        %get3A_250 = tpu.vector_load %arg9[%get3A_248, %get3A_249] {strides = array<i32>} : memref<16x1024xf32, #tpu.memory_space<vmem>>, vector<1x16xf32>,
        %get3A_251 = vector.shape_cast %get3A_250 : vector<1x16xf32> to vector<16xf32>
        %add3A_252 = arith.addf %get3A_247, %get3A_251 : vector<16xf32>
        %swap3A_253 = arith.index_cast %scan3A_76 : i32 to index
        %swap3A_254 = arith.constant 192 : index
        %swap3A_255 = tpu.vector_load %arg8[%swap3A_253, %swap3A_254] {strides = array<i32>} : memref<16x1024xf32, #tpu.memory_space<vmem>>, vector<1x16xf32>,
        %swap3A_256 = vector.shape_cast %swap3A_255 : vector<1x16xf32> to vector<16xf32>
        %swap3A_257 = vector.shape_cast %add3A_252 : vector<16xf32> to vector<1x16xf32>
        tpu.vector_store %arg8[%swap3A_253, %swap3A_254], %swap3A_257 {strides = array<i32>} : memref<16x1024xf32, #tpu.memory_space<vmem>>, vector<1x16xf32>,
        %get3A_258 = arith.index_cast %scan3A_76 : i32 to index
        %get3A_259 = arith.constant 208 : index
        %get3A_260 = tpu.vector_load %arg8[%get3A_258, %get3A_259] {strides = array<i32>} : memref<16x1024xf32, #tpu.memory_space<vmem>>, vector<1x16xf32>,
        %get3A_261 = vector.shape_cast %get3A_260 : vector<1x16xf32> to vector<16xf32>
        %get3A_262 = arith.index_cast %scan3A_76 : i32 to index
        %get3A_263 = arith.constant 208 : index
        %get3A_264 = tpu.vector_load %arg9[%get3A_262, %get3A_263] {strides = array<i32>} : memref<16x1024xf32, #tpu.memory_space<vmem>>, vector<1x16xf32>,
        %get3A_265 = vector.shape_cast %get3A_264 : vector<1x16xf32> to vector<16xf32>
        %add3A_266 = arith.addf %get3A_261, %get3A_265 : vector<16xf32>
        %swap3A_267 = arith.index_cast %scan3A_76 : i32 to index
        %swap3A_268 = arith.constant 208 : index
        %swap3A_269 = tpu.vector_load %arg8[%swap3A_267, %swap3A_268] {strides = array<i32>} : memref<16x1024xf32, #tpu.memory_space<vmem>>, vector<1x16xf32>,
        %swap3A_270 = vector.shape_cast %swap3A_269 : vector<1x16xf32> to vector<16xf32>
        %swap3A_271 = vector.shape_cast %add3A_266 : vector<16xf32> to vector<1x16xf32>
        tpu.vector_store %arg8[%swap3A_267, %swap3A_268], %swap3A_271 {strides = array<i32>} : memref<16x1024xf32, #tpu.memory_space<vmem>>, vector<1x16xf32>,
        %get3A_272 = arith.index_cast %scan3A_76 : i32 to index
        %get3A_273 = arith.constant 224 : index
        %get3A_274 = tpu.vector_load %arg8[%get3A_272, %get3A_273] {strides = array<i32>} : memref<16x1024xf32, #tpu.memory_space<vmem>>, vector<1x16xf32>,
        %get3A_275 = vector.shape_cast %get3A_274 : vector<1x16xf32> to vector<16xf32>
        %get3A_276 = arith.index_cast %scan3A_76 : i32 to index
        %get3A_277 = arith.constant 224 : index
        %get3A_278 = tpu.vector_load %arg9[%get3A_276, %get3A_277] {strides = array<i32>} : memref<16x1024xf32, #tpu.memory_space<vmem>>, vector<1x16xf32>,
        %get3A_279 = vector.shape_cast %get3A_278 : vector<1x16xf32> to vector<16xf32>
        %add3A_280 = arith.addf %get3A_275, %get3A_279 : vector<16xf32>
        %swap3A_281 = arith.index_cast %scan3A_76 : i32 to index
        %swap3A_282 = arith.constant 224 : index
        %swap3A_283 = tpu.vector_load %arg8[%swap3A_281, %swap3A_282] {strides = array<i32>} : memref<16x1024xf32, #tpu.memory_space<vmem>>, vector<1x16xf32>,
        %swap3A_284 = vector.shape_cast %swap3A_283 : vector<1x16xf32> to vector<16xf32>
        %swap3A_285 = vector.shape_cast %add3A_280 : vector<16xf32> to vector<1x16xf32>
        tpu.vector_store %arg8[%swap3A_281, %swap3A_282], %swap3A_285 {strides = array<i32>} : memref<16x1024xf32, #tpu.memory_space<vmem>>, vector<1x16xf32>,
        %get3A_286 = arith.index_cast %scan3A_76 : i32 to index
        %get3A_287 = arith.constant 240 : index
        %get3A_288 = tpu.vector_load %arg8[%get3A_286, %get3A_287] {strides = array<i32>} : memref<16x1024xf32, #tpu.memory_space<vmem>>, vector<1x16xf32>,
        %get3A_289 = vector.shape_cast %get3A_288 : vector<1x16xf32> to vector<16xf32>
        %get3A_290 = arith.index_cast %scan3A_76 : i32 to index
        %get3A_291 = arith.constant 240 : index
        %get3A_292 = tpu.vector_load %arg9[%get3A_290, %get3A_291] {strides = array<i32>} : memref<16x1024xf32, #tpu.memory_space<vmem>>, vector<1x16xf32>,
        %get3A_293 = vector.shape_cast %get3A_292 : vector<1x16xf32> to vector<16xf32>
        %add3A_294 = arith.addf %get3A_289, %get3A_293 : vector<16xf32>
        %swap3A_295 = arith.index_cast %scan3A_76 : i32 to index
        %swap3A_296 = arith.constant 240 : index
        %swap3A_297 = tpu.vector_load %arg8[%swap3A_295, %swap3A_296] {strides = array<i32>} : memref<16x1024xf32, #tpu.memory_space<vmem>>, vector<1x16xf32>,
        %swap3A_298 = vector.shape_cast %swap3A_297 : vector<1x16xf32> to vector<16xf32>
        %swap3A_299 = vector.shape_cast %add3A_294 : vector<16xf32> to vector<1x16xf32>
        tpu.vector_store %arg8[%swap3A_295, %swap3A_296], %swap3A_299 {strides = array<i32>} : memref<16x1024xf32, #tpu.memory_space<vmem>>, vector<1x16xf32>,
        %get3A_300 = arith.index_cast %scan3A_76 : i32 to index
        %get3A_301 = arith.constant 256 : index
        %get3A_302 = tpu.vector_load %arg8[%get3A_300, %get3A_301] {strides = array<i32>} : memref<16x1024xf32, #tpu.memory_space<vmem>>, vector<1x16xf32>,
        %get3A_303 = vector.shape_cast %get3A_302 : vector<1x16xf32> to vector<16xf32>
        %get3A_304 = arith.index_cast %scan3A_76 : i32 to index
        %get3A_305 = arith.constant 256 : index
        %get3A_306 = tpu.vector_load %arg9[%get3A_304, %get3A_305] {strides = array<i32>} : memref<16x1024xf32, #tpu.memory_space<vmem>>, vector<1x16xf32>,
        %get3A_307 = vector.shape_cast %get3A_306 : vector<1x16xf32> to vector<16xf32>
        %add3A_308 = arith.addf %get3A_303, %get3A_307 : vector<16xf32>
        %swap3A_309 = arith.index_cast %scan3A_76 : i32 to index
        %swap3A_310 = arith.constant 256 : index
        %swap3A_311 = tpu.vector_load %arg8[%swap3A_309, %swap3A_310] {strides = array<i32>} : memref<16x1024xf32, #tpu.memory_space<vmem>>, vector<1x16xf32>,
        %swap3A_312 = vector.shape_cast %swap3A_311 : vector<1x16xf32> to vector<16xf32>
        %swap3A_313 = vector.shape_cast %add3A_308 : vector<16xf32> to vector<1x16xf32>
        tpu.vector_store %arg8[%swap3A_309, %swap3A_310], %swap3A_313 {strides = array<i32>} : memref<16x1024xf32, #tpu.memory_space<vmem>>, vector<1x16xf32>,
        %get3A_314 = arith.index_cast %scan3A_76 : i32 to index
        %get3A_315 = arith.constant 272 : index
        %get3A_316 = tpu.vector_load %arg8[%get3A_314, %get3A_315] {strides = array<i32>} : memref<16x1024xf32, #tpu.memory_space<vmem>>, vector<1x16xf32>,
        %get3A_317 = vector.shape_cast %get3A_316 : vector<1x16xf32> to vector<16xf32>
        %get3A_318 = arith.index_cast %scan3A_76 : i32 to index
        %get3A_319 = arith.constant 272 : index
        %get3A_320 = tpu.vector_load %arg9[%get3A_318, %get3A_319] {strides = array<i32>} : memref<16x1024xf32, #tpu.memory_space<vmem>>, vector<1x16xf32>,
        %get3A_321 = vector.shape_cast %get3A_320 : vector<1x16xf32> to vector<16xf32>
        %add3A_322 = arith.addf %get3A_317, %get3A_321 : vector<16xf32>
        %swap3A_323 = arith.index_cast %scan3A_76 : i32 to index
        %swap3A_324 = arith.constant 272 : index
        %swap3A_325 = tpu.vector_load %arg8[%swap3A_323, %swap3A_324] {strides = array<i32>} : memref<16x1024xf32, #tpu.memory_space<vmem>>, vector<1x16xf32>,
        %swap3A_326 = vector.shape_cast %swap3A_325 : vector<1x16xf32> to vector<16xf32>
        %swap3A_327 = vector.shape_cast %add3A_322 : vector<16xf32> to vector<1x16xf32>
        tpu.vector_store %arg8[%swap3A_323, %swap3A_324], %swap3A_327 {strides = array<i32>} : memref<16x1024xf32, #tpu.memory_space<vmem>>, vector<1x16xf32>,
        %get3A_328 = arith.index_cast %scan3A_76 : i32 to index
        %get3A_329 = arith.constant 288 : index
        %get3A_330 = tpu.vector_load %arg8[%get3A_328, %get3A_329] {strides = array<i32>} : memref<16x1024xf32, #tpu.memory_space<vmem>>, vector<1x16xf32>,
        %get3A_331 = vector.shape_cast %get3A_330 : vector<1x16xf32> to vector<16xf32>
        %get3A_332 = arith.index_cast %scan3A_76 : i32 to index
        %get3A_333 = arith.constant 288 : index
        %get3A_334 = tpu.vector_load %arg9[%get3A_332, %get3A_333] {strides = array<i32>} : memref<16x1024xf32, #tpu.memory_space<vmem>>, vector<1x16xf32>,
        %get3A_335 = vector.shape_cast %get3A_334 : vector<1x16xf32> to vector<16xf32>
        %add3A_336 = arith.addf %get3A_331, %get3A_335 : vector<16xf32>
        %swap3A_337 = arith.index_cast %scan3A_76 : i32 to index
        %swap3A_338 = arith.constant 288 : index
        %swap3A_339 = tpu.vector_load %arg8[%swap3A_337, %swap3A_338] {strides = array<i32>} : memref<16x1024xf32, #tpu.memory_space<vmem>>, vector<1x16xf32>,
        %swap3A_340 = vector.shape_cast %swap3A_339 : vector<1x16xf32> to vector<16xf32>
        %swap3A_341 = vector.shape_cast %add3A_336 : vector<16xf32> to vector<1x16xf32>
        tpu.vector_store %arg8[%swap3A_337, %swap3A_338], %swap3A_341 {strides = array<i32>} : memref<16x1024xf32, #tpu.memory_space<vmem>>, vector<1x16xf32>,
        %get3A_342 = arith.index_cast %scan3A_76 : i32 to index
        %get3A_343 = arith.constant 304 : index
        %get3A_344 = tpu.vector_load %arg8[%get3A_342, %get3A_343] {strides = array<i32>} : memref<16x1024xf32, #tpu.memory_space<vmem>>, vector<1x16xf32>,
        %get3A_345 = vector.shape_cast %get3A_344 : vector<1x16xf32> to vector<16xf32>
        %get3A_346 = arith.index_cast %scan3A_76 : i32 to index
        %get3A_347 = arith.constant 304 : index
        %get3A_348 = tpu.vector_load %arg9[%get3A_346, %get3A_347] {strides = array<i32>} : memref<16x1024xf32, #tpu.memory_space<vmem>>, vector<1x16xf32>,
        %get3A_349 = vector.shape_cast %get3A_348 : vector<1x16xf32> to vector<16xf32>
        %add3A_350 = arith.addf %get3A_345, %get3A_349 : vector<16xf32>
        %swap3A_351 = arith.index_cast %scan3A_76 : i32 to index
        %swap3A_352 = arith.constant 304 : index
        %swap3A_353 = tpu.vector_load %arg8[%swap3A_351, %swap3A_352] {strides = array<i32>} : memref<16x1024xf32, #tpu.memory_space<vmem>>, vector<1x16xf32>,
        %swap3A_354 = vector.shape_cast %swap3A_353 : vector<1x16xf32> to vector<16xf32>
        %swap3A_355 = vector.shape_cast %add3A_350 : vector<16xf32> to vector<1x16xf32>
        tpu.vector_store %arg8[%swap3A_351, %swap3A_352], %swap3A_355 {strides = array<i32>} : memref<16x1024xf32, #tpu.memory_space<vmem>>, vector<1x16xf32>,
        %get3A_356 = arith.index_cast %scan3A_76 : i32 to index
        %get3A_357 = arith.constant 320 : index
        %get3A_358 = tpu.vector_load %arg8[%get3A_356, %get3A_357] {strides = array<i32>} : memref<16x1024xf32, #tpu.memory_space<vmem>>, vector<1x16xf32>,
        %get3A_359 = vector.shape_cast %get3A_358 : vector<1x16xf32> to vector<16xf32>
        %get3A_360 = arith.index_cast %scan3A_76 : i32 to index
        %get3A_361 = arith.constant 320 : index
        %get3A_362 = tpu.vector_load %arg9[%get3A_360, %get3A_361] {strides = array<i32>} : memref<16x1024xf32, #tpu.memory_space<vmem>>, vector<1x16xf32>,
        %get3A_363 = vector.shape_cast %get3A_362 : vector<1x16xf32> to vector<16xf32>
        %add3A_364 = arith.addf %get3A_359, %get3A_363 : vector<16xf32>
        %swap3A_365 = arith.index_cast %scan3A_76 : i32 to index
        %swap3A_366 = arith.constant 320 : index
        %swap3A_367 = tpu.vector_load %arg8[%swap3A_365, %swap3A_366] {strides = array<i32>} : memref<16x1024xf32, #tpu.memory_space<vmem>>, vector<1x16xf32>,
        %swap3A_368 = vector.shape_cast %swap3A_367 : vector<1x16xf32> to vector<16xf32>
        %swap3A_369 = vector.shape_cast %add3A_364 : vector<16xf32> to vector<1x16xf32>
        tpu.vector_store %arg8[%swap3A_365, %swap3A_366], %swap3A_369 {strides = array<i32>} : memref<16x1024xf32, #tpu.memory_space<vmem>>, vector<1x16xf32>,
        %get3A_370 = arith.index_cast %scan3A_76 : i32 to index
        %get3A_371 = arith.constant 336 : index
        %get3A_372 = tpu.vector_load %arg8[%get3A_370, %get3A_371] {strides = array<i32>} : memref<16x1024xf32, #tpu.memory_space<vmem>>, vector<1x16xf32>,
        %get3A_373 = vector.shape_cast %get3A_372 : vector<1x16xf32> to vector<16xf32>
        %get3A_374 = arith.index_cast %scan3A_76 : i32 to index
        %get3A_375 = arith.constant 336 : index
        %get3A_376 = tpu.vector_load %arg9[%get3A_374, %get3A_375] {strides = array<i32>} : memref<16x1024xf32, #tpu.memory_space<vmem>>, vector<1x16xf32>,
        %get3A_377 = vector.shape_cast %get3A_376 : vector<1x16xf32> to vector<16xf32>
        %add3A_378 = arith.addf %get3A_373, %get3A_377 : vector<16xf32>
        %swap3A_379 = arith.index_cast %scan3A_76 : i32 to index
        %swap3A_380 = arith.constant 336 : index
        %swap3A_381 = tpu.vector_load %arg8[%swap3A_379, %swap3A_380] {strides = array<i32>} : memref<16x1024xf32, #tpu.memory_space<vmem>>, vector<1x16xf32>,
        %swap3A_382 = vector.shape_cast %swap3A_381 : vector<1x16xf32> to vector<16xf32>
        %swap3A_383 = vector.shape_cast %add3A_378 : vector<16xf32> to vector<1x16xf32>
        tpu.vector_store %arg8[%swap3A_379, %swap3A_380], %swap3A_383 {strides = array<i32>} : memref<16x1024xf32, #tpu.memory_space<vmem>>, vector<1x16xf32>,
        %get3A_384 = arith.index_cast %scan3A_76 : i32 to index
        %get3A_385 = arith.constant 352 : index
        %get3A_386 = tpu.vector_load %arg8[%get3A_384, %get3A_385] {strides = array<i32>} : memref<16x1024xf32, #tpu.memory_space<vmem>>, vector<1x16xf32>,
        %get3A_387 = vector.shape_cast %get3A_386 : vector<1x16xf32> to vector<16xf32>
        %get3A_388 = arith.index_cast %scan3A_76 : i32 to index
        %get3A_389 = arith.constant 352 : index
        %get3A_390 = tpu.vector_load %arg9[%get3A_388, %get3A_389] {strides = array<i32>} : memref<16x1024xf32, #tpu.memory_space<vmem>>, vector<1x16xf32>,
        %get3A_391 = vector.shape_cast %get3A_390 : vector<1x16xf32> to vector<16xf32>
        %add3A_392 = arith.addf %get3A_387, %get3A_391 : vector<16xf32>
        %swap3A_393 = arith.index_cast %scan3A_76 : i32 to index
        %swap3A_394 = arith.constant 352 : index
        %swap3A_395 = tpu.vector_load %arg8[%swap3A_393, %swap3A_394] {strides = array<i32>} : memref<16x1024xf32, #tpu.memory_space<vmem>>, vector<1x16xf32>,
        %swap3A_396 = vector.shape_cast %swap3A_395 : vector<1x16xf32> to vector<16xf32>
        %swap3A_397 = vector.shape_cast %add3A_392 : vector<16xf32> to vector<1x16xf32>
        tpu.vector_store %arg8[%swap3A_393, %swap3A_394], %swap3A_397 {strides = array<i32>} : memref<16x1024xf32, #tpu.memory_space<vmem>>, vector<1x16xf32>,
        %get3A_398 = arith.index_cast %scan3A_76 : i32 to index
        %get3A_399 = arith.constant 368 : index
        %get3A_400 = tpu.vector_load %arg8[%get3A_398, %get3A_399] {strides = array<i32>} : memref<16x1024xf32, #tpu.memory_space<vmem>>, vector<1x16xf32>,
        %get3A_401 = vector.shape_cast %get3A_400 : vector<1x16xf32> to vector<16xf32>
        %get3A_402 = arith.index_cast %scan3A_76 : i32 to index
        %get3A_403 = arith.constant 368 : index
        %get3A_404 = tpu.vector_load %arg9[%get3A_402, %get3A_403] {strides = array<i32>} : memref<16x1024xf32, #tpu.memory_space<vmem>>, vector<1x16xf32>,
        %get3A_405 = vector.shape_cast %get3A_404 : vector<1x16xf32> to vector<16xf32>
        %add3A_406 = arith.addf %get3A_401, %get3A_405 : vector<16xf32>
        %swap3A_407 = arith.index_cast %scan3A_76 : i32 to index
        %swap3A_408 = arith.constant 368 : index
        %swap3A_409 = tpu.vector_load %arg8[%swap3A_407, %swap3A_408] {strides = array<i32>} : memref<16x1024xf32, #tpu.memory_space<vmem>>, vector<1x16xf32>,
        %swap3A_410 = vector.shape_cast %swap3A_409 : vector<1x16xf32> to vector<16xf32>
        %swap3A_411 = vector.shape_cast %add3A_406 : vector<16xf32> to vector<1x16xf32>
        tpu.vector_store %arg8[%swap3A_407, %swap3A_408], %swap3A_411 {strides = array<i32>} : memref<16x1024xf32, #tpu.memory_space<vmem>>, vector<1x16xf32>,
        %get3A_412 = arith.index_cast %scan3A_76 : i32 to index
        %get3A_413 = arith.constant 384 : index
        %get3A_414 = tpu.vector_load %arg8[%get3A_412, %get3A_413] {strides = array<i32>} : memref<16x1024xf32, #tpu.memory_space<vmem>>, vector<1x16xf32>,
        %get3A_415 = vector.shape_cast %get3A_414 : vector<1x16xf32> to vector<16xf32>
        %get3A_416 = arith.index_cast %scan3A_76 : i32 to index
        %get3A_417 = arith.constant 384 : index
        %get3A_418 = tpu.vector_load %arg9[%get3A_416, %get3A_417] {strides = array<i32>} : memref<16x1024xf32, #tpu.memory_space<vmem>>, vector<1x16xf32>,
        %get3A_419 = vector.shape_cast %get3A_418 : vector<1x16xf32> to vector<16xf32>
        %add3A_420 = arith.addf %get3A_415, %get3A_419 : vector<16xf32>
        %swap3A_421 = arith.index_cast %scan3A_76 : i32 to index
        %swap3A_422 = arith.constant 384 : index
        %swap3A_423 = tpu.vector_load %arg8[%swap3A_421, %swap3A_422] {strides = array<i32>} : memref<16x1024xf32, #tpu.memory_space<vmem>>, vector<1x16xf32>,
        %swap3A_424 = vector.shape_cast %swap3A_423 : vector<1x16xf32> to vector<16xf32>
        %swap3A_425 = vector.shape_cast %add3A_420 : vector<16xf32> to vector<1x16xf32>
        tpu.vector_store %arg8[%swap3A_421, %swap3A_422], %swap3A_425 {strides = array<i32>} : memref<16x1024xf32, #tpu.memory_space<vmem>>, vector<1x16xf32>,
        %get3A_426 = arith.index_cast %scan3A_76 : i32 to index
        %get3A_427 = arith.constant 400 : index
        %get3A_428 = tpu.vector_load %arg8[%get3A_426, %get3A_427] {strides = array<i32>} : memref<16x1024xf32, #tpu.memory_space<vmem>>, vector<1x16xf32>,
        %get3A_429 = vector.shape_cast %get3A_428 : vector<1x16xf32> to vector<16xf32>
        %get3A_430 = arith.index_cast %scan3A_76 : i32 to index
        %get3A_431 = arith.constant 400 : index
        %get3A_432 = tpu.vector_load %arg9[%get3A_430, %get3A_431] {strides = array<i32>} : memref<16x1024xf32, #tpu.memory_space<vmem>>, vector<1x16xf32>,
        %get3A_433 = vector.shape_cast %get3A_432 : vector<1x16xf32> to vector<16xf32>
        %add3A_434 = arith.addf %get3A_429, %get3A_433 : vector<16xf32>
        %swap3A_435 = arith.index_cast %scan3A_76 : i32 to index
        %swap3A_436 = arith.constant 400 : index
        %swap3A_437 = tpu.vector_load %arg8[%swap3A_435, %swap3A_436] {strides = array<i32>} : memref<16x1024xf32, #tpu.memory_space<vmem>>, vector<1x16xf32>,
        %swap3A_438 = vector.shape_cast %swap3A_437 : vector<1x16xf32> to vector<16xf32>
        %swap3A_439 = vector.shape_cast %add3A_434 : vector<16xf32> to vector<1x16xf32>
        tpu.vector_store %arg8[%swap3A_435, %swap3A_436], %swap3A_439 {strides = array<i32>} : memref<16x1024xf32, #tpu.memory_space<vmem>>, vector<1x16xf32>,
        %get3A_440 = arith.index_cast %scan3A_76 : i32 to index
        %get3A_441 = arith.constant 416 : index
        %get3A_442 = tpu.vector_load %arg8[%get3A_440, %get3A_441] {strides = array<i32>} : memref<16x1024xf32, #tpu.memory_space<vmem>>, vector<1x16xf32>,
        %get3A_443 = vector.shape_cast %get3A_442 : vector<1x16xf32> to vector<16xf32>
        %get3A_444 = arith.index_cast %scan3A_76 : i32 to index
        %get3A_445 = arith.constant 416 : index
        %get3A_446 = tpu.vector_load %arg9[%get3A_444, %get3A_445] {strides = array<i32>} : memref<16x1024xf32, #tpu.memory_space<vmem>>, vector<1x16xf32>,
        %get3A_447 = vector.shape_cast %get3A_446 : vector<1x16xf32> to vector<16xf32>
        %add3A_448 = arith.addf %get3A_443, %get3A_447 : vector<16xf32>
        %swap3A_449 = arith.index_cast %scan3A_76 : i32 to index
        %swap3A_450 = arith.constant 416 : index
        %swap3A_451 = tpu.vector_load %arg8[%swap3A_449, %swap3A_450] {strides = array<i32>} : memref<16x1024xf32, #tpu.memory_space<vmem>>, vector<1x16xf32>,
        %swap3A_452 = vector.shape_cast %swap3A_451 : vector<1x16xf32> to vector<16xf32>
        %swap3A_453 = vector.shape_cast %add3A_448 : vector<16xf32> to vector<1x16xf32>
        tpu.vector_store %arg8[%swap3A_449, %swap3A_450], %swap3A_453 {strides = array<i32>} : memref<16x1024xf32, #tpu.memory_space<vmem>>, vector<1x16xf32>,
        %get3A_454 = arith.index_cast %scan3A_76 : i32 to index
        %get3A_455 = arith.constant 432 : index
        %get3A_456 = tpu.vector_load %arg8[%get3A_454, %get3A_455] {strides = array<i32>} : memref<16x1024xf32, #tpu.memory_space<vmem>>, vector<1x16xf32>,
        %get3A_457 = vector.shape_cast %get3A_456 : vector<1x16xf32> to vector<16xf32>
        %get3A_458 = arith.index_cast %scan3A_76 : i32 to index
        %get3A_459 = arith.constant 432 : index
        %get3A_460 = tpu.vector_load %arg9[%get3A_458, %get3A_459] {strides = array<i32>} : memref<16x1024xf32, #tpu.memory_space<vmem>>, vector<1x16xf32>,
        %get3A_461 = vector.shape_cast %get3A_460 : vector<1x16xf32> to vector<16xf32>
        %add3A_462 = arith.addf %get3A_457, %get3A_461 : vector<16xf32>
        %swap3A_463 = arith.index_cast %scan3A_76 : i32 to index
        %swap3A_464 = arith.constant 432 : index
        %swap3A_465 = tpu.vector_load %arg8[%swap3A_463, %swap3A_464] {strides = array<i32>} : memref<16x1024xf32, #tpu.memory_space<vmem>>, vector<1x16xf32>,
        %swap3A_466 = vector.shape_cast %swap3A_465 : vector<1x16xf32> to vector<16xf32>
        %swap3A_467 = vector.shape_cast %add3A_462 : vector<16xf32> to vector<1x16xf32>
        tpu.vector_store %arg8[%swap3A_463, %swap3A_464], %swap3A_467 {strides = array<i32>} : memref<16x1024xf32, #tpu.memory_space<vmem>>, vector<1x16xf32>,
        %get3A_468 = arith.index_cast %scan3A_76 : i32 to index
        %get3A_469 = arith.constant 448 : index
        %get3A_470 = tpu.vector_load %arg8[%get3A_468, %get3A_469] {strides = array<i32>} : memref<16x1024xf32, #tpu.memory_space<vmem>>, vector<1x16xf32>,
        %get3A_471 = vector.shape_cast %get3A_470 : vector<1x16xf32> to vector<16xf32>
        %get3A_472 = arith.index_cast %scan3A_76 : i32 to index
        %get3A_473 = arith.constant 448 : index
        %get3A_474 = tpu.vector_load %arg9[%get3A_472, %get3A_473] {strides = array<i32>} : memref<16x1024xf32, #tpu.memory_space<vmem>>, vector<1x16xf32>,
        %get3A_475 = vector.shape_cast %get3A_474 : vector<1x16xf32> to vector<16xf32>
        %add3A_476 = arith.addf %get3A_471, %get3A_475 : vector<16xf32>
        %swap3A_477 = arith.index_cast %scan3A_76 : i32 to index
        %swap3A_478 = arith.constant 448 : index
        %swap3A_479 = tpu.vector_load %arg8[%swap3A_477, %swap3A_478] {strides = array<i32>} : memref<16x1024xf32, #tpu.memory_space<vmem>>, vector<1x16xf32>,
        %swap3A_480 = vector.shape_cast %swap3A_479 : vector<1x16xf32> to vector<16xf32>
        %swap3A_481 = vector.shape_cast %add3A_476 : vector<16xf32> to vector<1x16xf32>
        tpu.vector_store %arg8[%swap3A_477, %swap3A_478], %swap3A_481 {strides = array<i32>} : memref<16x1024xf32, #tpu.memory_space<vmem>>, vector<1x16xf32>,
        %get3A_482 = arith.index_cast %scan3A_76 : i32 to index
        %get3A_483 = arith.constant 464 : index
        %get3A_484 = tpu.vector_load %arg8[%get3A_482, %get3A_483] {strides = array<i32>} : memref<16x1024xf32, #tpu.memory_space<vmem>>, vector<1x16xf32>,
        %get3A_485 = vector.shape_cast %get3A_484 : vector<1x16xf32> to vector<16xf32>
        %get3A_486 = arith.index_cast %scan3A_76 : i32 to index
        %get3A_487 = arith.constant 464 : index
        %get3A_488 = tpu.vector_load %arg9[%get3A_486, %get3A_487] {strides = array<i32>} : memref<16x1024xf32, #tpu.memory_space<vmem>>, vector<1x16xf32>,
        %get3A_489 = vector.shape_cast %get3A_488 : vector<1x16xf32> to vector<16xf32>
        %add3A_490 = arith.addf %get3A_485, %get3A_489 : vector<16xf32>
        %swap3A_491 = arith.index_cast %scan3A_76 : i32 to index
        %swap3A_492 = arith.constant 464 : index
        %swap3A_493 = tpu.vector_load %arg8[%swap3A_491, %swap3A_492] {strides = array<i32>} : memref<16x1024xf32, #tpu.memory_space<vmem>>, vector<1x16xf32>,
        %swap3A_494 = vector.shape_cast %swap3A_493 : vector<1x16xf32> to vector<16xf32>
        %swap3A_495 = vector.shape_cast %add3A_490 : vector<16xf32> to vector<1x16xf32>
        tpu.vector_store %arg8[%swap3A_491, %swap3A_492], %swap3A_495 {strides = array<i32>} : memref<16x1024xf32, #tpu.memory_space<vmem>>, vector<1x16xf32>,
        %get3A_496 = arith.index_cast %scan3A_76 : i32 to index
        %get3A_497 = arith.constant 480 : index
        %get3A_498 = tpu.vector_load %arg8[%get3A_496, %get3A_497] {strides = array<i32>} : memref<16x1024xf32, #tpu.memory_space<vmem>>, vector<1x16xf32>,
        %get3A_499 = vector.shape_cast %get3A_498 : vector<1x16xf32> to vector<16xf32>
        %get3A_500 = arith.index_cast %scan3A_76 : i32 to index
        %get3A_501 = arith.constant 480 : index
        %get3A_502 = tpu.vector_load %arg9[%get3A_500, %get3A_501] {strides = array<i32>} : memref<16x1024xf32, #tpu.memory_space<vmem>>, vector<1x16xf32>,
        %get3A_503 = vector.shape_cast %get3A_502 : vector<1x16xf32> to vector<16xf32>
        %add3A_504 = arith.addf %get3A_499, %get3A_503 : vector<16xf32>
        %swap3A_505 = arith.index_cast %scan3A_76 : i32 to index
        %swap3A_506 = arith.constant 480 : index
        %swap3A_507 = tpu.vector_load %arg8[%swap3A_505, %swap3A_506] {strides = array<i32>} : memref<16x1024xf32, #tpu.memory_space<vmem>>, vector<1x16xf32>,
        %swap3A_508 = vector.shape_cast %swap3A_507 : vector<1x16xf32> to vector<16xf32>
        %swap3A_509 = vector.shape_cast %add3A_504 : vector<16xf32> to vector<1x16xf32>
        tpu.vector_store %arg8[%swap3A_505, %swap3A_506], %swap3A_509 {strides = array<i32>} : memref<16x1024xf32, #tpu.memory_space<vmem>>, vector<1x16xf32>,
        %get3A_510 = arith.index_cast %scan3A_76 : i32 to index
        %get3A_511 = arith.constant 496 : index
        %get3A_512 = tpu.vector_load %arg8[%get3A_510, %get3A_511] {strides = array<i32>} : memref<16x1024xf32, #tpu.memory_space<vmem>>, vector<1x16xf32>,
        %get3A_513 = vector.shape_cast %get3A_512 : vector<1x16xf32> to vector<16xf32>
        %get3A_514 = arith.index_cast %scan3A_76 : i32 to index
        %get3A_515 = arith.constant 496 : index
        %get3A_516 = tpu.vector_load %arg9[%get3A_514, %get3A_515] {strides = array<i32>} : memref<16x1024xf32, #tpu.memory_space<vmem>>, vector<1x16xf32>,
        %get3A_517 = vector.shape_cast %get3A_516 : vector<1x16xf32> to vector<16xf32>
        %add3A_518 = arith.addf %get3A_513, %get3A_517 : vector<16xf32>
        %swap3A_519 = arith.index_cast %scan3A_76 : i32 to index
        %swap3A_520 = arith.constant 496 : index
        %swap3A_521 = tpu.vector_load %arg8[%swap3A_519, %swap3A_520] {strides = array<i32>} : memref<16x1024xf32, #tpu.memory_space<vmem>>, vector<1x16xf32>,
        %swap3A_522 = vector.shape_cast %swap3A_521 : vector<1x16xf32> to vector<16xf32>
        %swap3A_523 = vector.shape_cast %add3A_518 : vector<16xf32> to vector<1x16xf32>
        tpu.vector_store %arg8[%swap3A_519, %swap3A_520], %swap3A_523 {strides = array<i32>} : memref<16x1024xf32, #tpu.memory_space<vmem>>, vector<1x16xf32>,
        %get3A_524 = arith.index_cast %scan3A_76 : i32 to index
        %get3A_525 = arith.constant 512 : index
        %get3A_526 = tpu.vector_load %arg8[%get3A_524, %get3A_525] {strides = array<i32>} : memref<16x1024xf32, #tpu.memory_space<vmem>>, vector<1x16xf32>,
        %get3A_527 = vector.shape_cast %get3A_526 : vector<1x16xf32> to vector<16xf32>
        %get3A_528 = arith.index_cast %scan3A_76 : i32 to index
        %get3A_529 = arith.constant 512 : index
        %get3A_530 = tpu.vector_load %arg9[%get3A_528, %get3A_529] {strides = array<i32>} : memref<16x1024xf32, #tpu.memory_space<vmem>>, vector<1x16xf32>,
        %get3A_531 = vector.shape_cast %get3A_530 : vector<1x16xf32> to vector<16xf32>
        %add3A_532 = arith.addf %get3A_527, %get3A_531 : vector<16xf32>
        %swap3A_533 = arith.index_cast %scan3A_76 : i32 to index
        %swap3A_534 = arith.constant 512 : index
        %swap3A_535 = tpu.vector_load %arg8[%swap3A_533, %swap3A_534] {strides = array<i32>} : memref<16x1024xf32, #tpu.memory_space<vmem>>, vector<1x16xf32>,
        %swap3A_536 = vector.shape_cast %swap3A_535 : vector<1x16xf32> to vector<16xf32>
        %swap3A_537 = vector.shape_cast %add3A_532 : vector<16xf32> to vector<1x16xf32>
        tpu.vector_store %arg8[%swap3A_533, %swap3A_534], %swap3A_537 {strides = array<i32>} : memref<16x1024xf32, #tpu.memory_space<vmem>>, vector<1x16xf32>,
        %get3A_538 = arith.index_cast %scan3A_76 : i32 to index
        %get3A_539 = arith.constant 528 : index
        %get3A_540 = tpu.vector_load %arg8[%get3A_538, %get3A_539] {strides = array<i32>} : memref<16x1024xf32, #tpu.memory_space<vmem>>, vector<1x16xf32>,
        %get3A_541 = vector.shape_cast %get3A_540 : vector<1x16xf32> to vector<16xf32>
        %get3A_542 = arith.index_cast %scan3A_76 : i32 to index
        %get3A_543 = arith.constant 528 : index
        %get3A_544 = tpu.vector_load %arg9[%get3A_542, %get3A_543] {strides = array<i32>} : memref<16x1024xf32, #tpu.memory_space<vmem>>, vector<1x16xf32>,
        %get3A_545 = vector.shape_cast %get3A_544 : vector<1x16xf32> to vector<16xf32>
        %add3A_546 = arith.addf %get3A_541, %get3A_545 : vector<16xf32>
        %swap3A_547 = arith.index_cast %scan3A_76 : i32 to index
        %swap3A_548 = arith.constant 528 : index
        %swap3A_549 = tpu.vector_load %arg8[%swap3A_547, %swap3A_548] {strides = array<i32>} : memref<16x1024xf32, #tpu.memory_space<vmem>>, vector<1x16xf32>,
        %swap3A_550 = vector.shape_cast %swap3A_549 : vector<1x16xf32> to vector<16xf32>
        %swap3A_551 = vector.shape_cast %add3A_546 : vector<16xf32> to vector<1x16xf32>
        tpu.vector_store %arg8[%swap3A_547, %swap3A_548], %swap3A_551 {strides = array<i32>} : memref<16x1024xf32, #tpu.memory_space<vmem>>, vector<1x16xf32>,
        %get3A_552 = arith.index_cast %scan3A_76 : i32 to index
        %get3A_553 = arith.constant 544 : index
        %get3A_554 = tpu.vector_load %arg8[%get3A_552, %get3A_553] {strides = array<i32>} : memref<16x1024xf32, #tpu.memory_space<vmem>>, vector<1x16xf32>,
        %get3A_555 = vector.shape_cast %get3A_554 : vector<1x16xf32> to vector<16xf32>
        %get3A_556 = arith.index_cast %scan3A_76 : i32 to index
        %get3A_557 = arith.constant 544 : index
        %get3A_558 = tpu.vector_load %arg9[%get3A_556, %get3A_557] {strides = array<i32>} : memref<16x1024xf32, #tpu.memory_space<vmem>>, vector<1x16xf32>,
        %get3A_559 = vector.shape_cast %get3A_558 : vector<1x16xf32> to vector<16xf32>
        %add3A_560 = arith.addf %get3A_555, %get3A_559 : vector<16xf32>
        %swap3A_561 = arith.index_cast %scan3A_76 : i32 to index
        %swap3A_562 = arith.constant 544 : index
        %swap3A_563 = tpu.vector_load %arg8[%swap3A_561, %swap3A_562] {strides = array<i32>} : memref<16x1024xf32, #tpu.memory_space<vmem>>, vector<1x16xf32>,
        %swap3A_564 = vector.shape_cast %swap3A_563 : vector<1x16xf32> to vector<16xf32>
        %swap3A_565 = vector.shape_cast %add3A_560 : vector<16xf32> to vector<1x16xf32>
        tpu.vector_store %arg8[%swap3A_561, %swap3A_562], %swap3A_565 {strides = array<i32>} : memref<16x1024xf32, #tpu.memory_space<vmem>>, vector<1x16xf32>,
        %get3A_566 = arith.index_cast %scan3A_76 : i32 to index
        %get3A_567 = arith.constant 560 : index
        %get3A_568 = tpu.vector_load %arg8[%get3A_566, %get3A_567] {strides = array<i32>} : memref<16x1024xf32, #tpu.memory_space<vmem>>, vector<1x16xf32>,
        %get3A_569 = vector.shape_cast %get3A_568 : vector<1x16xf32> to vector<16xf32>
        %get3A_570 = arith.index_cast %scan3A_76 : i32 to index
        %get3A_571 = arith.constant 560 : index
        %get3A_572 = tpu.vector_load %arg9[%get3A_570, %get3A_571] {strides = array<i32>} : memref<16x1024xf32, #tpu.memory_space<vmem>>, vector<1x16xf32>,
        %get3A_573 = vector.shape_cast %get3A_572 : vector<1x16xf32> to vector<16xf32>
        %add3A_574 = arith.addf %get3A_569, %get3A_573 : vector<16xf32>
        %swap3A_575 = arith.index_cast %scan3A_76 : i32 to index
        %swap3A_576 = arith.constant 560 : index
        %swap3A_577 = tpu.vector_load %arg8[%swap3A_575, %swap3A_576] {strides = array<i32>} : memref<16x1024xf32, #tpu.memory_space<vmem>>, vector<1x16xf32>,
        %swap3A_578 = vector.shape_cast %swap3A_577 : vector<1x16xf32> to vector<16xf32>
        %swap3A_579 = vector.shape_cast %add3A_574 : vector<16xf32> to vector<1x16xf32>
        tpu.vector_store %arg8[%swap3A_575, %swap3A_576], %swap3A_579 {strides = array<i32>} : memref<16x1024xf32, #tpu.memory_space<vmem>>, vector<1x16xf32>,
        %get3A_580 = arith.index_cast %scan3A_76 : i32 to index
        %get3A_581 = arith.constant 576 : index
        %get3A_582 = tpu.vector_load %arg8[%get3A_580, %get3A_581] {strides = array<i32>} : memref<16x1024xf32, #tpu.memory_space<vmem>>, vector<1x16xf32>,
        %get3A_583 = vector.shape_cast %get3A_582 : vector<1x16xf32> to vector<16xf32>
        %get3A_584 = arith.index_cast %scan3A_76 : i32 to index
        %get3A_585 = arith.constant 576 : index
        %get3A_586 = tpu.vector_load %arg9[%get3A_584, %get3A_585] {strides = array<i32>} : memref<16x1024xf32, #tpu.memory_space<vmem>>, vector<1x16xf32>,
        %get3A_587 = vector.shape_cast %get3A_586 : vector<1x16xf32> to vector<16xf32>
        %add3A_588 = arith.addf %get3A_583, %get3A_587 : vector<16xf32>
        %swap3A_589 = arith.index_cast %scan3A_76 : i32 to index
        %swap3A_590 = arith.constant 576 : index
        %swap3A_591 = tpu.vector_load %arg8[%swap3A_589, %swap3A_590] {strides = array<i32>} : memref<16x1024xf32, #tpu.memory_space<vmem>>, vector<1x16xf32>,
        %swap3A_592 = vector.shape_cast %swap3A_591 : vector<1x16xf32> to vector<16xf32>
        %swap3A_593 = vector.shape_cast %add3A_588 : vector<16xf32> to vector<1x16xf32>
        tpu.vector_store %arg8[%swap3A_589, %swap3A_590], %swap3A_593 {strides = array<i32>} : memref<16x1024xf32, #tpu.memory_space<vmem>>, vector<1x16xf32>,
        %get3A_594 = arith.index_cast %scan3A_76 : i32 to index
        %get3A_595 = arith.constant 592 : index
        %get3A_596 = tpu.vector_load %arg8[%get3A_594, %get3A_595] {strides = array<i32>} : memref<16x1024xf32, #tpu.memory_space<vmem>>, vector<1x16xf32>,
        %get3A_597 = vector.shape_cast %get3A_596 : vector<1x16xf32> to vector<16xf32>
        %get3A_598 = arith.index_cast %scan3A_76 : i32 to index
        %get3A_599 = arith.constant 592 : index
        %get3A_600 = tpu.vector_load %arg9[%get3A_598, %get3A_599] {strides = array<i32>} : memref<16x1024xf32, #tpu.memory_space<vmem>>, vector<1x16xf32>,
        %get3A_601 = vector.shape_cast %get3A_600 : vector<1x16xf32> to vector<16xf32>
        %add3A_602 = arith.addf %get3A_597, %get3A_601 : vector<16xf32>
        %swap3A_603 = arith.index_cast %scan3A_76 : i32 to index
        %swap3A_604 = arith.constant 592 : index
        %swap3A_605 = tpu.vector_load %arg8[%swap3A_603, %swap3A_604] {strides = array<i32>} : memref<16x1024xf32, #tpu.memory_space<vmem>>, vector<1x16xf32>,
        %swap3A_606 = vector.shape_cast %swap3A_605 : vector<1x16xf32> to vector<16xf32>
        %swap3A_607 = vector.shape_cast %add3A_602 : vector<16xf32> to vector<1x16xf32>
        tpu.vector_store %arg8[%swap3A_603, %swap3A_604], %swap3A_607 {strides = array<i32>} : memref<16x1024xf32, #tpu.memory_space<vmem>>, vector<1x16xf32>,
        %get3A_608 = arith.index_cast %scan3A_76 : i32 to index
        %get3A_609 = arith.constant 608 : index
        %get3A_610 = tpu.vector_load %arg8[%get3A_608, %get3A_609] {strides = array<i32>} : memref<16x1024xf32, #tpu.memory_space<vmem>>, vector<1x16xf32>,
        %get3A_611 = vector.shape_cast %get3A_610 : vector<1x16xf32> to vector<16xf32>
        %get3A_612 = arith.index_cast %scan3A_76 : i32 to index
        %get3A_613 = arith.constant 608 : index
        %get3A_614 = tpu.vector_load %arg9[%get3A_612, %get3A_613] {strides = array<i32>} : memref<16x1024xf32, #tpu.memory_space<vmem>>, vector<1x16xf32>,
        %get3A_615 = vector.shape_cast %get3A_614 : vector<1x16xf32> to vector<16xf32>
        %add3A_616 = arith.addf %get3A_611, %get3A_615 : vector<16xf32>
        %swap3A_617 = arith.index_cast %scan3A_76 : i32 to index
        %swap3A_618 = arith.constant 608 : index
        %swap3A_619 = tpu.vector_load %arg8[%swap3A_617, %swap3A_618] {strides = array<i32>} : memref<16x1024xf32, #tpu.memory_space<vmem>>, vector<1x16xf32>,
        %swap3A_620 = vector.shape_cast %swap3A_619 : vector<1x16xf32> to vector<16xf32>
        %swap3A_621 = vector.shape_cast %add3A_616 : vector<16xf32> to vector<1x16xf32>
        tpu.vector_store %arg8[%swap3A_617, %swap3A_618], %swap3A_621 {strides = array<i32>} : memref<16x1024xf32, #tpu.memory_space<vmem>>, vector<1x16xf32>,
        %get3A_622 = arith.index_cast %scan3A_76 : i32 to index
        %get3A_623 = arith.constant 624 : index
        %get3A_624 = tpu.vector_load %arg8[%get3A_622, %get3A_623] {strides = array<i32>} : memref<16x1024xf32, #tpu.memory_space<vmem>>, vector<1x16xf32>,
        %get3A_625 = vector.shape_cast %get3A_624 : vector<1x16xf32> to vector<16xf32>
        %get3A_626 = arith.index_cast %scan3A_76 : i32 to index
        %get3A_627 = arith.constant 624 : index
        %get3A_628 = tpu.vector_load %arg9[%get3A_626, %get3A_627] {strides = array<i32>} : memref<16x1024xf32, #tpu.memory_space<vmem>>, vector<1x16xf32>,
        %get3A_629 = vector.shape_cast %get3A_628 : vector<1x16xf32> to vector<16xf32>
        %add3A_630 = arith.addf %get3A_625, %get3A_629 : vector<16xf32>
        %swap3A_631 = arith.index_cast %scan3A_76 : i32 to index
        %swap3A_632 = arith.constant 624 : index
        %swap3A_633 = tpu.vector_load %arg8[%swap3A_631, %swap3A_632] {strides = array<i32>} : memref<16x1024xf32, #tpu.memory_space<vmem>>, vector<1x16xf32>,
        %swap3A_634 = vector.shape_cast %swap3A_633 : vector<1x16xf32> to vector<16xf32>
        %swap3A_635 = vector.shape_cast %add3A_630 : vector<16xf32> to vector<1x16xf32>
        tpu.vector_store %arg8[%swap3A_631, %swap3A_632], %swap3A_635 {strides = array<i32>} : memref<16x1024xf32, #tpu.memory_space<vmem>>, vector<1x16xf32>,
        %get3A_636 = arith.index_cast %scan3A_76 : i32 to index
        %get3A_637 = arith.constant 640 : index
        %get3A_638 = tpu.vector_load %arg8[%get3A_636, %get3A_637] {strides = array<i32>} : memref<16x1024xf32, #tpu.memory_space<vmem>>, vector<1x16xf32>,
        %get3A_639 = vector.shape_cast %get3A_638 : vector<1x16xf32> to vector<16xf32>
        %get3A_640 = arith.index_cast %scan3A_76 : i32 to index
        %get3A_641 = arith.constant 640 : index
        %get3A_642 = tpu.vector_load %arg9[%get3A_640, %get3A_641] {strides = array<i32>} : memref<16x1024xf32, #tpu.memory_space<vmem>>, vector<1x16xf32>,
        %get3A_643 = vector.shape_cast %get3A_642 : vector<1x16xf32> to vector<16xf32>
        %add3A_644 = arith.addf %get3A_639, %get3A_643 : vector<16xf32>
        %swap3A_645 = arith.index_cast %scan3A_76 : i32 to index
        %swap3A_646 = arith.constant 640 : index
        %swap3A_647 = tpu.vector_load %arg8[%swap3A_645, %swap3A_646] {strides = array<i32>} : memref<16x1024xf32, #tpu.memory_space<vmem>>, vector<1x16xf32>,
        %swap3A_648 = vector.shape_cast %swap3A_647 : vector<1x16xf32> to vector<16xf32>
        %swap3A_649 = vector.shape_cast %add3A_644 : vector<16xf32> to vector<1x16xf32>
        tpu.vector_store %arg8[%swap3A_645, %swap3A_646], %swap3A_649 {strides = array<i32>} : memref<16x1024xf32, #tpu.memory_space<vmem>>, vector<1x16xf32>,
        %get3A_650 = arith.index_cast %scan3A_76 : i32 to index
        %get3A_651 = arith.constant 656 : index
        %get3A_652 = tpu.vector_load %arg8[%get3A_650, %get3A_651] {strides = array<i32>} : memref<16x1024xf32, #tpu.memory_space<vmem>>, vector<1x16xf32>,
        %get3A_653 = vector.shape_cast %get3A_652 : vector<1x16xf32> to vector<16xf32>
        %get3A_654 = arith.index_cast %scan3A_76 : i32 to index
        %get3A_655 = arith.constant 656 : index
        %get3A_656 = tpu.vector_load %arg9[%get3A_654, %get3A_655] {strides = array<i32>} : memref<16x1024xf32, #tpu.memory_space<vmem>>, vector<1x16xf32>,
        %get3A_657 = vector.shape_cast %get3A_656 : vector<1x16xf32> to vector<16xf32>
        %add3A_658 = arith.addf %get3A_653, %get3A_657 : vector<16xf32>
        %swap3A_659 = arith.index_cast %scan3A_76 : i32 to index
        %swap3A_660 = arith.constant 656 : index
        %swap3A_661 = tpu.vector_load %arg8[%swap3A_659, %swap3A_660] {strides = array<i32>} : memref<16x1024xf32, #tpu.memory_space<vmem>>, vector<1x16xf32>,
        %swap3A_662 = vector.shape_cast %swap3A_661 : vector<1x16xf32> to vector<16xf32>
        %swap3A_663 = vector.shape_cast %add3A_658 : vector<16xf32> to vector<1x16xf32>
        tpu.vector_store %arg8[%swap3A_659, %swap3A_660], %swap3A_663 {strides = array<i32>} : memref<16x1024xf32, #tpu.memory_space<vmem>>, vector<1x16xf32>,
        %get3A_664 = arith.index_cast %scan3A_76 : i32 to index
        %get3A_665 = arith.constant 672 : index
        %get3A_666 = tpu.vector_load %arg8[%get3A_664, %get3A_665] {strides = array<i32>} : memref<16x1024xf32, #tpu.memory_space<vmem>>, vector<1x16xf32>,
        %get3A_667 = vector.shape_cast %get3A_666 : vector<1x16xf32> to vector<16xf32>
        %get3A_668 = arith.index_cast %scan3A_76 : i32 to index
        %get3A_669 = arith.constant 672 : index
        %get3A_670 = tpu.vector_load %arg9[%get3A_668, %get3A_669] {strides = array<i32>} : memref<16x1024xf32, #tpu.memory_space<vmem>>, vector<1x16xf32>,
        %get3A_671 = vector.shape_cast %get3A_670 : vector<1x16xf32> to vector<16xf32>
        %add3A_672 = arith.addf %get3A_667, %get3A_671 : vector<16xf32>
        %swap3A_673 = arith.index_cast %scan3A_76 : i32 to index
        %swap3A_674 = arith.constant 672 : index
        %swap3A_675 = tpu.vector_load %arg8[%swap3A_673, %swap3A_674] {strides = array<i32>} : memref<16x1024xf32, #tpu.memory_space<vmem>>, vector<1x16xf32>,
        %swap3A_676 = vector.shape_cast %swap3A_675 : vector<1x16xf32> to vector<16xf32>
        %swap3A_677 = vector.shape_cast %add3A_672 : vector<16xf32> to vector<1x16xf32>
        tpu.vector_store %arg8[%swap3A_673, %swap3A_674], %swap3A_677 {strides = array<i32>} : memref<16x1024xf32, #tpu.memory_space<vmem>>, vector<1x16xf32>,
        %get3A_678 = arith.index_cast %scan3A_76 : i32 to index
        %get3A_679 = arith.constant 688 : index
        %get3A_680 = tpu.vector_load %arg8[%get3A_678, %get3A_679] {strides = array<i32>} : memref<16x1024xf32, #tpu.memory_space<vmem>>, vector<1x16xf32>,
        %get3A_681 = vector.shape_cast %get3A_680 : vector<1x16xf32> to vector<16xf32>
        %get3A_682 = arith.index_cast %scan3A_76 : i32 to index
        %get3A_683 = arith.constant 688 : index
        %get3A_684 = tpu.vector_load %arg9[%get3A_682, %get3A_683] {strides = array<i32>} : memref<16x1024xf32, #tpu.memory_space<vmem>>, vector<1x16xf32>,
        %get3A_685 = vector.shape_cast %get3A_684 : vector<1x16xf32> to vector<16xf32>
        %add3A_686 = arith.addf %get3A_681, %get3A_685 : vector<16xf32>
        %swap3A_687 = arith.index_cast %scan3A_76 : i32 to index
        %swap3A_688 = arith.constant 688 : index
        %swap3A_689 = tpu.vector_load %arg8[%swap3A_687, %swap3A_688] {strides = array<i32>} : memref<16x1024xf32, #tpu.memory_space<vmem>>, vector<1x16xf32>,
        %swap3A_690 = vector.shape_cast %swap3A_689 : vector<1x16xf32> to vector<16xf32>
        %swap3A_691 = vector.shape_cast %add3A_686 : vector<16xf32> to vector<1x16xf32>
        tpu.vector_store %arg8[%swap3A_687, %swap3A_688], %swap3A_691 {strides = array<i32>} : memref<16x1024xf32, #tpu.memory_space<vmem>>, vector<1x16xf32>,
        %get3A_692 = arith.index_cast %scan3A_76 : i32 to index
        %get3A_693 = arith.constant 704 : index
        %get3A_694 = tpu.vector_load %arg8[%get3A_692, %get3A_693] {strides = array<i32>} : memref<16x1024xf32, #tpu.memory_space<vmem>>, vector<1x16xf32>,
        %get3A_695 = vector.shape_cast %get3A_694 : vector<1x16xf32> to vector<16xf32>
        %get3A_696 = arith.index_cast %scan3A_76 : i32 to index
        %get3A_697 = arith.constant 704 : index
        %get3A_698 = tpu.vector_load %arg9[%get3A_696, %get3A_697] {strides = array<i32>} : memref<16x1024xf32, #tpu.memory_space<vmem>>, vector<1x16xf32>,
        %get3A_699 = vector.shape_cast %get3A_698 : vector<1x16xf32> to vector<16xf32>
        %add3A_700 = arith.addf %get3A_695, %get3A_699 : vector<16xf32>
        %swap3A_701 = arith.index_cast %scan3A_76 : i32 to index
        %swap3A_702 = arith.constant 704 : index
        %swap3A_703 = tpu.vector_load %arg8[%swap3A_701, %swap3A_702] {strides = array<i32>} : memref<16x1024xf32, #tpu.memory_space<vmem>>, vector<1x16xf32>,
        %swap3A_704 = vector.shape_cast %swap3A_703 : vector<1x16xf32> to vector<16xf32>
        %swap3A_705 = vector.shape_cast %add3A_700 : vector<16xf32> to vector<1x16xf32>
        tpu.vector_store %arg8[%swap3A_701, %swap3A_702], %swap3A_705 {strides = array<i32>} : memref<16x1024xf32, #tpu.memory_space<vmem>>, vector<1x16xf32>,
        %get3A_706 = arith.index_cast %scan3A_76 : i32 to index
        %get3A_707 = arith.constant 720 : index
        %get3A_708 = tpu.vector_load %arg8[%get3A_706, %get3A_707] {strides = array<i32>} : memref<16x1024xf32, #tpu.memory_space<vmem>>, vector<1x16xf32>,
        %get3A_709 = vector.shape_cast %get3A_708 : vector<1x16xf32> to vector<16xf32>
        %get3A_710 = arith.index_cast %scan3A_76 : i32 to index
        %get3A_711 = arith.constant 720 : index
        %get3A_712 = tpu.vector_load %arg9[%get3A_710, %get3A_711] {strides = array<i32>} : memref<16x1024xf32, #tpu.memory_space<vmem>>, vector<1x16xf32>,
        %get3A_713 = vector.shape_cast %get3A_712 : vector<1x16xf32> to vector<16xf32>
        %add3A_714 = arith.addf %get3A_709, %get3A_713 : vector<16xf32>
        %swap3A_715 = arith.index_cast %scan3A_76 : i32 to index
        %swap3A_716 = arith.constant 720 : index
        %swap3A_717 = tpu.vector_load %arg8[%swap3A_715, %swap3A_716] {strides = array<i32>} : memref<16x1024xf32, #tpu.memory_space<vmem>>, vector<1x16xf32>,
        %swap3A_718 = vector.shape_cast %swap3A_717 : vector<1x16xf32> to vector<16xf32>
        %swap3A_719 = vector.shape_cast %add3A_714 : vector<16xf32> to vector<1x16xf32>
        tpu.vector_store %arg8[%swap3A_715, %swap3A_716], %swap3A_719 {strides = array<i32>} : memref<16x1024xf32, #tpu.memory_space<vmem>>, vector<1x16xf32>,
        %get3A_720 = arith.index_cast %scan3A_76 : i32 to index
        %get3A_721 = arith.constant 736 : index
        %get3A_722 = tpu.vector_load %arg8[%get3A_720, %get3A_721] {strides = array<i32>} : memref<16x1024xf32, #tpu.memory_space<vmem>>, vector<1x16xf32>,
        %get3A_723 = vector.shape_cast %get3A_722 : vector<1x16xf32> to vector<16xf32>
        %get3A_724 = arith.index_cast %scan3A_76 : i32 to index
        %get3A_725 = arith.constant 736 : index
        %get3A_726 = tpu.vector_load %arg9[%get3A_724, %get3A_725] {strides = array<i32>} : memref<16x1024xf32, #tpu.memory_space<vmem>>, vector<1x16xf32>,
        %get3A_727 = vector.shape_cast %get3A_726 : vector<1x16xf32> to vector<16xf32>
        %add3A_728 = arith.addf %get3A_723, %get3A_727 : vector<16xf32>
        %swap3A_729 = arith.index_cast %scan3A_76 : i32 to index
        %swap3A_730 = arith.constant 736 : index
        %swap3A_731 = tpu.vector_load %arg8[%swap3A_729, %swap3A_730] {strides = array<i32>} : memref<16x1024xf32, #tpu.memory_space<vmem>>, vector<1x16xf32>,
        %swap3A_732 = vector.shape_cast %swap3A_731 : vector<1x16xf32> to vector<16xf32>
        %swap3A_733 = vector.shape_cast %add3A_728 : vector<16xf32> to vector<1x16xf32>
        tpu.vector_store %arg8[%swap3A_729, %swap3A_730], %swap3A_733 {strides = array<i32>} : memref<16x1024xf32, #tpu.memory_space<vmem>>, vector<1x16xf32>,
        %get3A_734 = arith.index_cast %scan3A_76 : i32 to index
        %get3A_735 = arith.constant 752 : index
        %get3A_736 = tpu.vector_load %arg8[%get3A_734, %get3A_735] {strides = array<i32>} : memref<16x1024xf32, #tpu.memory_space<vmem>>, vector<1x16xf32>,
        %get3A_737 = vector.shape_cast %get3A_736 : vector<1x16xf32> to vector<16xf32>
        %get3A_738 = arith.index_cast %scan3A_76 : i32 to index
        %get3A_739 = arith.constant 752 : index
        %get3A_740 = tpu.vector_load %arg9[%get3A_738, %get3A_739] {strides = array<i32>} : memref<16x1024xf32, #tpu.memory_space<vmem>>, vector<1x16xf32>,
        %get3A_741 = vector.shape_cast %get3A_740 : vector<1x16xf32> to vector<16xf32>
        %add3A_742 = arith.addf %get3A_737, %get3A_741 : vector<16xf32>
        %swap3A_743 = arith.index_cast %scan3A_76 : i32 to index
        %swap3A_744 = arith.constant 752 : index
        %swap3A_745 = tpu.vector_load %arg8[%swap3A_743, %swap3A_744] {strides = array<i32>} : memref<16x1024xf32, #tpu.memory_space<vmem>>, vector<1x16xf32>,
        %swap3A_746 = vector.shape_cast %swap3A_745 : vector<1x16xf32> to vector<16xf32>
        %swap3A_747 = vector.shape_cast %add3A_742 : vector<16xf32> to vector<1x16xf32>
        tpu.vector_store %arg8[%swap3A_743, %swap3A_744], %swap3A_747 {strides = array<i32>} : memref<16x1024xf32, #tpu.memory_space<vmem>>, vector<1x16xf32>,
        %get3A_748 = arith.index_cast %scan3A_76 : i32 to index
        %get3A_749 = arith.constant 768 : index
        %get3A_750 = tpu.vector_load %arg8[%get3A_748, %get3A_749] {strides = array<i32>} : memref<16x1024xf32, #tpu.memory_space<vmem>>, vector<1x16xf32>,
        %get3A_751 = vector.shape_cast %get3A_750 : vector<1x16xf32> to vector<16xf32>
        %get3A_752 = arith.index_cast %scan3A_76 : i32 to index
        %get3A_753 = arith.constant 768 : index
        %get3A_754 = tpu.vector_load %arg9[%get3A_752, %get3A_753] {strides = array<i32>} : memref<16x1024xf32, #tpu.memory_space<vmem>>, vector<1x16xf32>,
        %get3A_755 = vector.shape_cast %get3A_754 : vector<1x16xf32> to vector<16xf32>
        %add3A_756 = arith.addf %get3A_751, %get3A_755 : vector<16xf32>
        %swap3A_757 = arith.index_cast %scan3A_76 : i32 to index
        %swap3A_758 = arith.constant 768 : index
        %swap3A_759 = tpu.vector_load %arg8[%swap3A_757, %swap3A_758] {strides = array<i32>} : memref<16x1024xf32, #tpu.memory_space<vmem>>, vector<1x16xf32>,
        %swap3A_760 = vector.shape_cast %swap3A_759 : vector<1x16xf32> to vector<16xf32>
        %swap3A_761 = vector.shape_cast %add3A_756 : vector<16xf32> to vector<1x16xf32>
        tpu.vector_store %arg8[%swap3A_757, %swap3A_758], %swap3A_761 {strides = array<i32>} : memref<16x1024xf32, #tpu.memory_space<vmem>>, vector<1x16xf32>,
        %get3A_762 = arith.index_cast %scan3A_76 : i32 to index
        %get3A_763 = arith.constant 784 : index
        %get3A_764 = tpu.vector_load %arg8[%get3A_762, %get3A_763] {strides = array<i32>} : memref<16x1024xf32, #tpu.memory_space<vmem>>, vector<1x16xf32>,
        %get3A_765 = vector.shape_cast %get3A_764 : vector<1x16xf32> to vector<16xf32>
        %get3A_766 = arith.index_cast %scan3A_76 : i32 to index
        %get3A_767 = arith.constant 784 : index
        %get3A_768 = tpu.vector_load %arg9[%get3A_766, %get3A_767] {strides = array<i32>} : memref<16x1024xf32, #tpu.memory_space<vmem>>, vector<1x16xf32>,
        %get3A_769 = vector.shape_cast %get3A_768 : vector<1x16xf32> to vector<16xf32>
        %add3A_770 = arith.addf %get3A_765, %get3A_769 : vector<16xf32>
        %swap3A_771 = arith.index_cast %scan3A_76 : i32 to index
        %swap3A_772 = arith.constant 784 : index
        %swap3A_773 = tpu.vector_load %arg8[%swap3A_771, %swap3A_772] {strides = array<i32>} : memref<16x1024xf32, #tpu.memory_space<vmem>>, vector<1x16xf32>,
        %swap3A_774 = vector.shape_cast %swap3A_773 : vector<1x16xf32> to vector<16xf32>
        %swap3A_775 = vector.shape_cast %add3A_770 : vector<16xf32> to vector<1x16xf32>
        tpu.vector_store %arg8[%swap3A_771, %swap3A_772], %swap3A_775 {strides = array<i32>} : memref<16x1024xf32, #tpu.memory_space<vmem>>, vector<1x16xf32>,
        %get3A_776 = arith.index_cast %scan3A_76 : i32 to index
        %get3A_777 = arith.constant 800 : index
        %get3A_778 = tpu.vector_load %arg8[%get3A_776, %get3A_777] {strides = array<i32>} : memref<16x1024xf32, #tpu.memory_space<vmem>>, vector<1x16xf32>,
        %get3A_779 = vector.shape_cast %get3A_778 : vector<1x16xf32> to vector<16xf32>
        %get3A_780 = arith.index_cast %scan3A_76 : i32 to index
        %get3A_781 = arith.constant 800 : index
        %get3A_782 = tpu.vector_load %arg9[%get3A_780, %get3A_781] {strides = array<i32>} : memref<16x1024xf32, #tpu.memory_space<vmem>>, vector<1x16xf32>,
        %get3A_783 = vector.shape_cast %get3A_782 : vector<1x16xf32> to vector<16xf32>
        %add3A_784 = arith.addf %get3A_779, %get3A_783 : vector<16xf32>
        %swap3A_785 = arith.index_cast %scan3A_76 : i32 to index
        %swap3A_786 = arith.constant 800 : index
        %swap3A_787 = tpu.vector_load %arg8[%swap3A_785, %swap3A_786] {strides = array<i32>} : memref<16x1024xf32, #tpu.memory_space<vmem>>, vector<1x16xf32>,
        %swap3A_788 = vector.shape_cast %swap3A_787 : vector<1x16xf32> to vector<16xf32>
        %swap3A_789 = vector.shape_cast %add3A_784 : vector<16xf32> to vector<1x16xf32>
        tpu.vector_store %arg8[%swap3A_785, %swap3A_786], %swap3A_789 {strides = array<i32>} : memref<16x1024xf32, #tpu.memory_space<vmem>>, vector<1x16xf32>,
        %get3A_790 = arith.index_cast %scan3A_76 : i32 to index
        %get3A_791 = arith.constant 816 : index
        %get3A_792 = tpu.vector_load %arg8[%get3A_790, %get3A_791] {strides = array<i32>} : memref<16x1024xf32, #tpu.memory_space<vmem>>, vector<1x16xf32>,
        %get3A_793 = vector.shape_cast %get3A_792 : vector<1x16xf32> to vector<16xf32>
        %get3A_794 = arith.index_cast %scan3A_76 : i32 to index
        %get3A_795 = arith.constant 816 : index
        %get3A_796 = tpu.vector_load %arg9[%get3A_794, %get3A_795] {strides = array<i32>} : memref<16x1024xf32, #tpu.memory_space<vmem>>, vector<1x16xf32>,
        %get3A_797 = vector.shape_cast %get3A_796 : vector<1x16xf32> to vector<16xf32>
        %add3A_798 = arith.addf %get3A_793, %get3A_797 : vector<16xf32>
        %swap3A_799 = arith.index_cast %scan3A_76 : i32 to index
        %swap3A_800 = arith.constant 816 : index
        %swap3A_801 = tpu.vector_load %arg8[%swap3A_799, %swap3A_800] {strides = array<i32>} : memref<16x1024xf32, #tpu.memory_space<vmem>>, vector<1x16xf32>,
        %swap3A_802 = vector.shape_cast %swap3A_801 : vector<1x16xf32> to vector<16xf32>
        %swap3A_803 = vector.shape_cast %add3A_798 : vector<16xf32> to vector<1x16xf32>
        tpu.vector_store %arg8[%swap3A_799, %swap3A_800], %swap3A_803 {strides = array<i32>} : memref<16x1024xf32, #tpu.memory_space<vmem>>, vector<1x16xf32>,
        %get3A_804 = arith.index_cast %scan3A_76 : i32 to index
        %get3A_805 = arith.constant 832 : index
        %get3A_806 = tpu.vector_load %arg8[%get3A_804, %get3A_805] {strides = array<i32>} : memref<16x1024xf32, #tpu.memory_space<vmem>>, vector<1x16xf32>,
        %get3A_807 = vector.shape_cast %get3A_806 : vector<1x16xf32> to vector<16xf32>
        %get3A_808 = arith.index_cast %scan3A_76 : i32 to index
        %get3A_809 = arith.constant 832 : index
        %get3A_810 = tpu.vector_load %arg9[%get3A_808, %get3A_809] {strides = array<i32>} : memref<16x1024xf32, #tpu.memory_space<vmem>>, vector<1x16xf32>,
        %get3A_811 = vector.shape_cast %get3A_810 : vector<1x16xf32> to vector<16xf32>
        %add3A_812 = arith.addf %get3A_807, %get3A_811 : vector<16xf32>
        %swap3A_813 = arith.index_cast %scan3A_76 : i32 to index
        %swap3A_814 = arith.constant 832 : index
        %swap3A_815 = tpu.vector_load %arg8[%swap3A_813, %swap3A_814] {strides = array<i32>} : memref<16x1024xf32, #tpu.memory_space<vmem>>, vector<1x16xf32>,
        %swap3A_816 = vector.shape_cast %swap3A_815 : vector<1x16xf32> to vector<16xf32>
        %swap3A_817 = vector.shape_cast %add3A_812 : vector<16xf32> to vector<1x16xf32>
        tpu.vector_store %arg8[%swap3A_813, %swap3A_814], %swap3A_817 {strides = array<i32>} : memref<16x1024xf32, #tpu.memory_space<vmem>>, vector<1x16xf32>,
        %get3A_818 = arith.index_cast %scan3A_76 : i32 to index
        %get3A_819 = arith.constant 848 : index
        %get3A_820 = tpu.vector_load %arg8[%get3A_818, %get3A_819] {strides = array<i32>} : memref<16x1024xf32, #tpu.memory_space<vmem>>, vector<1x16xf32>,
        %get3A_821 = vector.shape_cast %get3A_820 : vector<1x16xf32> to vector<16xf32>
        %get3A_822 = arith.index_cast %scan3A_76 : i32 to index
        %get3A_823 = arith.constant 848 : index
        %get3A_824 = tpu.vector_load %arg9[%get3A_822, %get3A_823] {strides = array<i32>} : memref<16x1024xf32, #tpu.memory_space<vmem>>, vector<1x16xf32>,
        %get3A_825 = vector.shape_cast %get3A_824 : vector<1x16xf32> to vector<16xf32>
        %add3A_826 = arith.addf %get3A_821, %get3A_825 : vector<16xf32>
        %swap3A_827 = arith.index_cast %scan3A_76 : i32 to index
        %swap3A_828 = arith.constant 848 : index
        %swap3A_829 = tpu.vector_load %arg8[%swap3A_827, %swap3A_828] {strides = array<i32>} : memref<16x1024xf32, #tpu.memory_space<vmem>>, vector<1x16xf32>,
        %swap3A_830 = vector.shape_cast %swap3A_829 : vector<1x16xf32> to vector<16xf32>
        %swap3A_831 = vector.shape_cast %add3A_826 : vector<16xf32> to vector<1x16xf32>
        tpu.vector_store %arg8[%swap3A_827, %swap3A_828], %swap3A_831 {strides = array<i32>} : memref<16x1024xf32, #tpu.memory_space<vmem>>, vector<1x16xf32>,
        %get3A_832 = arith.index_cast %scan3A_76 : i32 to index
        %get3A_833 = arith.constant 864 : index
        %get3A_834 = tpu.vector_load %arg8[%get3A_832, %get3A_833] {strides = array<i32>} : memref<16x1024xf32, #tpu.memory_space<vmem>>, vector<1x16xf32>,
        %get3A_835 = vector.shape_cast %get3A_834 : vector<1x16xf32> to vector<16xf32>
        %get3A_836 = arith.index_cast %scan3A_76 : i32 to index
        %get3A_837 = arith.constant 864 : index
        %get3A_838 = tpu.vector_load %arg9[%get3A_836, %get3A_837] {strides = array<i32>} : memref<16x1024xf32, #tpu.memory_space<vmem>>, vector<1x16xf32>,
        %get3A_839 = vector.shape_cast %get3A_838 : vector<1x16xf32> to vector<16xf32>
        %add3A_840 = arith.addf %get3A_835, %get3A_839 : vector<16xf32>
        %swap3A_841 = arith.index_cast %scan3A_76 : i32 to index
        %swap3A_842 = arith.constant 864 : index
        %swap3A_843 = tpu.vector_load %arg8[%swap3A_841, %swap3A_842] {strides = array<i32>} : memref<16x1024xf32, #tpu.memory_space<vmem>>, vector<1x16xf32>,
        %swap3A_844 = vector.shape_cast %swap3A_843 : vector<1x16xf32> to vector<16xf32>
        %swap3A_845 = vector.shape_cast %add3A_840 : vector<16xf32> to vector<1x16xf32>
        tpu.vector_store %arg8[%swap3A_841, %swap3A_842], %swap3A_845 {strides = array<i32>} : memref<16x1024xf32, #tpu.memory_space<vmem>>, vector<1x16xf32>,
        %get3A_846 = arith.index_cast %scan3A_76 : i32 to index
        %get3A_847 = arith.constant 880 : index
        %get3A_848 = tpu.vector_load %arg8[%get3A_846, %get3A_847] {strides = array<i32>} : memref<16x1024xf32, #tpu.memory_space<vmem>>, vector<1x16xf32>,
        %get3A_849 = vector.shape_cast %get3A_848 : vector<1x16xf32> to vector<16xf32>
        %get3A_850 = arith.index_cast %scan3A_76 : i32 to index
        %get3A_851 = arith.constant 880 : index
        %get3A_852 = tpu.vector_load %arg9[%get3A_850, %get3A_851] {strides = array<i32>} : memref<16x1024xf32, #tpu.memory_space<vmem>>, vector<1x16xf32>,
        %get3A_853 = vector.shape_cast %get3A_852 : vector<1x16xf32> to vector<16xf32>
        %add3A_854 = arith.addf %get3A_849, %get3A_853 : vector<16xf32>
        %swap3A_855 = arith.index_cast %scan3A_76 : i32 to index
        %swap3A_856 = arith.constant 880 : index
        %swap3A_857 = tpu.vector_load %arg8[%swap3A_855, %swap3A_856] {strides = array<i32>} : memref<16x1024xf32, #tpu.memory_space<vmem>>, vector<1x16xf32>,
        %swap3A_858 = vector.shape_cast %swap3A_857 : vector<1x16xf32> to vector<16xf32>
        %swap3A_859 = vector.shape_cast %add3A_854 : vector<16xf32> to vector<1x16xf32>
        tpu.vector_store %arg8[%swap3A_855, %swap3A_856], %swap3A_859 {strides = array<i32>} : memref<16x1024xf32, #tpu.memory_space<vmem>>, vector<1x16xf32>,
        %get3A_860 = arith.index_cast %scan3A_76 : i32 to index
        %get3A_861 = arith.constant 896 : index
        %get3A_862 = tpu.vector_load %arg8[%get3A_860, %get3A_861] {strides = array<i32>} : memref<16x1024xf32, #tpu.memory_space<vmem>>, vector<1x16xf32>,
        %get3A_863 = vector.shape_cast %get3A_862 : vector<1x16xf32> to vector<16xf32>
        %get3A_864 = arith.index_cast %scan3A_76 : i32 to index
        %get3A_865 = arith.constant 896 : index
        %get3A_866 = tpu.vector_load %arg9[%get3A_864, %get3A_865] {strides = array<i32>} : memref<16x1024xf32, #tpu.memory_space<vmem>>, vector<1x16xf32>,
        %get3A_867 = vector.shape_cast %get3A_866 : vector<1x16xf32> to vector<16xf32>
        %add3A_868 = arith.addf %get3A_863, %get3A_867 : vector<16xf32>
        %swap3A_869 = arith.index_cast %scan3A_76 : i32 to index
        %swap3A_870 = arith.constant 896 : index
        %swap3A_871 = tpu.vector_load %arg8[%swap3A_869, %swap3A_870] {strides = array<i32>} : memref<16x1024xf32, #tpu.memory_space<vmem>>, vector<1x16xf32>,
        %swap3A_872 = vector.shape_cast %swap3A_871 : vector<1x16xf32> to vector<16xf32>
        %swap3A_873 = vector.shape_cast %add3A_868 : vector<16xf32> to vector<1x16xf32>
        tpu.vector_store %arg8[%swap3A_869, %swap3A_870], %swap3A_873 {strides = array<i32>} : memref<16x1024xf32, #tpu.memory_space<vmem>>, vector<1x16xf32>,
        %get3A_874 = arith.index_cast %scan3A_76 : i32 to index
        %get3A_875 = arith.constant 912 : index
        %get3A_876 = tpu.vector_load %arg8[%get3A_874, %get3A_875] {strides = array<i32>} : memref<16x1024xf32, #tpu.memory_space<vmem>>, vector<1x16xf32>,
        %get3A_877 = vector.shape_cast %get3A_876 : vector<1x16xf32> to vector<16xf32>
        %get3A_878 = arith.index_cast %scan3A_76 : i32 to index
        %get3A_879 = arith.constant 912 : index
        %get3A_880 = tpu.vector_load %arg9[%get3A_878, %get3A_879] {strides = array<i32>} : memref<16x1024xf32, #tpu.memory_space<vmem>>, vector<1x16xf32>,
        %get3A_881 = vector.shape_cast %get3A_880 : vector<1x16xf32> to vector<16xf32>
        %add3A_882 = arith.addf %get3A_877, %get3A_881 : vector<16xf32>
        %swap3A_883 = arith.index_cast %scan3A_76 : i32 to index
        %swap3A_884 = arith.constant 912 : index
        %swap3A_885 = tpu.vector_load %arg8[%swap3A_883, %swap3A_884] {strides = array<i32>} : memref<16x1024xf32, #tpu.memory_space<vmem>>, vector<1x16xf32>,
        %swap3A_886 = vector.shape_cast %swap3A_885 : vector<1x16xf32> to vector<16xf32>
        %swap3A_887 = vector.shape_cast %add3A_882 : vector<16xf32> to vector<1x16xf32>
        tpu.vector_store %arg8[%swap3A_883, %swap3A_884], %swap3A_887 {strides = array<i32>} : memref<16x1024xf32, #tpu.memory_space<vmem>>, vector<1x16xf32>,
        %get3A_888 = arith.index_cast %scan3A_76 : i32 to index
        %get3A_889 = arith.constant 928 : index
        %get3A_890 = tpu.vector_load %arg8[%get3A_888, %get3A_889] {strides = array<i32>} : memref<16x1024xf32, #tpu.memory_space<vmem>>, vector<1x16xf32>,
        %get3A_891 = vector.shape_cast %get3A_890 : vector<1x16xf32> to vector<16xf32>
        %get3A_892 = arith.index_cast %scan3A_76 : i32 to index
        %get3A_893 = arith.constant 928 : index
        %get3A_894 = tpu.vector_load %arg9[%get3A_892, %get3A_893] {strides = array<i32>} : memref<16x1024xf32, #tpu.memory_space<vmem>>, vector<1x16xf32>,
        %get3A_895 = vector.shape_cast %get3A_894 : vector<1x16xf32> to vector<16xf32>
        %add3A_896 = arith.addf %get3A_891, %get3A_895 : vector<16xf32>
        %swap3A_897 = arith.index_cast %scan3A_76 : i32 to index
        %swap3A_898 = arith.constant 928 : index
        %swap3A_899 = tpu.vector_load %arg8[%swap3A_897, %swap3A_898] {strides = array<i32>} : memref<16x1024xf32, #tpu.memory_space<vmem>>, vector<1x16xf32>,
        %swap3A_900 = vector.shape_cast %swap3A_899 : vector<1x16xf32> to vector<16xf32>
        %swap3A_901 = vector.shape_cast %add3A_896 : vector<16xf32> to vector<1x16xf32>
        tpu.vector_store %arg8[%swap3A_897, %swap3A_898], %swap3A_901 {strides = array<i32>} : memref<16x1024xf32, #tpu.memory_space<vmem>>, vector<1x16xf32>,
        %get3A_902 = arith.index_cast %scan3A_76 : i32 to index
        %get3A_903 = arith.constant 944 : index
        %get3A_904 = tpu.vector_load %arg8[%get3A_902, %get3A_903] {strides = array<i32>} : memref<16x1024xf32, #tpu.memory_space<vmem>>, vector<1x16xf32>,
        %get3A_905 = vector.shape_cast %get3A_904 : vector<1x16xf32> to vector<16xf32>
        %get3A_906 = arith.index_cast %scan3A_76 : i32 to index
        %get3A_907 = arith.constant 944 : index
        %get3A_908 = tpu.vector_load %arg9[%get3A_906, %get3A_907] {strides = array<i32>} : memref<16x1024xf32, #tpu.memory_space<vmem>>, vector<1x16xf32>,
        %get3A_909 = vector.shape_cast %get3A_908 : vector<1x16xf32> to vector<16xf32>
        %add3A_910 = arith.addf %get3A_905, %get3A_909 : vector<16xf32>
        %swap3A_911 = arith.index_cast %scan3A_76 : i32 to index
        %swap3A_912 = arith.constant 944 : index
        %swap3A_913 = tpu.vector_load %arg8[%swap3A_911, %swap3A_912] {strides = array<i32>} : memref<16x1024xf32, #tpu.memory_space<vmem>>, vector<1x16xf32>,
        %swap3A_914 = vector.shape_cast %swap3A_913 : vector<1x16xf32> to vector<16xf32>
        %swap3A_915 = vector.shape_cast %add3A_910 : vector<16xf32> to vector<1x16xf32>
        tpu.vector_store %arg8[%swap3A_911, %swap3A_912], %swap3A_915 {strides = array<i32>} : memref<16x1024xf32, #tpu.memory_space<vmem>>, vector<1x16xf32>,
        %get3A_916 = arith.index_cast %scan3A_76 : i32 to index
        %get3A_917 = arith.constant 960 : index
        %get3A_918 = tpu.vector_load %arg8[%get3A_916, %get3A_917] {strides = array<i32>} : memref<16x1024xf32, #tpu.memory_space<vmem>>, vector<1x16xf32>,
        %get3A_919 = vector.shape_cast %get3A_918 : vector<1x16xf32> to vector<16xf32>
        %get3A_920 = arith.index_cast %scan3A_76 : i32 to index
        %get3A_921 = arith.constant 960 : index
        %get3A_922 = tpu.vector_load %arg9[%get3A_920, %get3A_921] {strides = array<i32>} : memref<16x1024xf32, #tpu.memory_space<vmem>>, vector<1x16xf32>,
        %get3A_923 = vector.shape_cast %get3A_922 : vector<1x16xf32> to vector<16xf32>
        %add3A_924 = arith.addf %get3A_919, %get3A_923 : vector<16xf32>
        %swap3A_925 = arith.index_cast %scan3A_76 : i32 to index
        %swap3A_926 = arith.constant 960 : index
        %swap3A_927 = tpu.vector_load %arg8[%swap3A_925, %swap3A_926] {strides = array<i32>} : memref<16x1024xf32, #tpu.memory_space<vmem>>, vector<1x16xf32>,
        %swap3A_928 = vector.shape_cast %swap3A_927 : vector<1x16xf32> to vector<16xf32>
        %swap3A_929 = vector.shape_cast %add3A_924 : vector<16xf32> to vector<1x16xf32>
        tpu.vector_store %arg8[%swap3A_925, %swap3A_926], %swap3A_929 {strides = array<i32>} : memref<16x1024xf32, #tpu.memory_space<vmem>>, vector<1x16xf32>,
        %get3A_930 = arith.index_cast %scan3A_76 : i32 to index
        %get3A_931 = arith.constant 976 : index
        %get3A_932 = tpu.vector_load %arg8[%get3A_930, %get3A_931] {strides = array<i32>} : memref<16x1024xf32, #tpu.memory_space<vmem>>, vector<1x16xf32>,
        %get3A_933 = vector.shape_cast %get3A_932 : vector<1x16xf32> to vector<16xf32>
        %get3A_934 = arith.index_cast %scan3A_76 : i32 to index
        %get3A_935 = arith.constant 976 : index
        %get3A_936 = tpu.vector_load %arg9[%get3A_934, %get3A_935] {strides = array<i32>} : memref<16x1024xf32, #tpu.memory_space<vmem>>, vector<1x16xf32>,
        %get3A_937 = vector.shape_cast %get3A_936 : vector<1x16xf32> to vector<16xf32>
        %add3A_938 = arith.addf %get3A_933, %get3A_937 : vector<16xf32>
        %swap3A_939 = arith.index_cast %scan3A_76 : i32 to index
        %swap3A_940 = arith.constant 976 : index
        %swap3A_941 = tpu.vector_load %arg8[%swap3A_939, %swap3A_940] {strides = array<i32>} : memref<16x1024xf32, #tpu.memory_space<vmem>>, vector<1x16xf32>,
        %swap3A_942 = vector.shape_cast %swap3A_941 : vector<1x16xf32> to vector<16xf32>
        %swap3A_943 = vector.shape_cast %add3A_938 : vector<16xf32> to vector<1x16xf32>
        tpu.vector_store %arg8[%swap3A_939, %swap3A_940], %swap3A_943 {strides = array<i32>} : memref<16x1024xf32, #tpu.memory_space<vmem>>, vector<1x16xf32>,
        %get3A_944 = arith.index_cast %scan3A_76 : i32 to index
        %get3A_945 = arith.constant 992 : index
        %get3A_946 = tpu.vector_load %arg8[%get3A_944, %get3A_945] {strides = array<i32>} : memref<16x1024xf32, #tpu.memory_space<vmem>>, vector<1x16xf32>,
        %get3A_947 = vector.shape_cast %get3A_946 : vector<1x16xf32> to vector<16xf32>
        %get3A_948 = arith.index_cast %scan3A_76 : i32 to index
        %get3A_949 = arith.constant 992 : index
        %get3A_950 = tpu.vector_load %arg9[%get3A_948, %get3A_949] {strides = array<i32>} : memref<16x1024xf32, #tpu.memory_space<vmem>>, vector<1x16xf32>,
        %get3A_951 = vector.shape_cast %get3A_950 : vector<1x16xf32> to vector<16xf32>
        %add3A_952 = arith.addf %get3A_947, %get3A_951 : vector<16xf32>
        %swap3A_953 = arith.index_cast %scan3A_76 : i32 to index
        %swap3A_954 = arith.constant 992 : index
        %swap3A_955 = tpu.vector_load %arg8[%swap3A_953, %swap3A_954] {strides = array<i32>} : memref<16x1024xf32, #tpu.memory_space<vmem>>, vector<1x16xf32>,
        %swap3A_956 = vector.shape_cast %swap3A_955 : vector<1x16xf32> to vector<16xf32>
        %swap3A_957 = vector.shape_cast %add3A_952 : vector<16xf32> to vector<1x16xf32>
        tpu.vector_store %arg8[%swap3A_953, %swap3A_954], %swap3A_957 {strides = array<i32>} : memref<16x1024xf32, #tpu.memory_space<vmem>>, vector<1x16xf32>,
        %scan3A_958 = arith.constant 0 : i32
        scf.yield %scan3A_958 : i32
      }
      %scan3A_32 = arith.constant 16 : i32
      %dma_start3A_33 = arith.constant 0 : i32
      %dma_start3A_34 = tpu.memref_slice %arg5[%add3A_15, %dma_start3A_33] : memref<8192x1024xf32, #tpu.memory_space<hbm>> -> memref<16x1024xf32, #tpu.memory_space<hbm>>
      %dma_start3A_35 = arith.constant 0 : i32
      %dma_start3A_36 = tpu.memref_slice %arg5[%add3A_15, %dma_start3A_35] : memref<8192x1024xf32, #tpu.memory_space<hbm>> -> memref<16x1024xf32, #tpu.memory_space<hbm>>
      tpu.enqueue_dma source(%arg8 : memref<16x1024xf32, #tpu.memory_space<vmem>>) target(%dma_start3A_36 : memref<16x1024xf32, #tpu.memory_space<hbm>>) target_semaphore(%arg14 : memref<!tpu.dma_semaphore, #tpu.memory_space<semaphore_mem>>)
      %mul3A_37 = arith.constant 2 : i32
      %mul3A_38 = arith.muli %mul3A_37, %scan3A_9 : i32
      %add3A_39 = arith.constant 1 : i32
      %add3A_40 = arith.addi %mul3A_38, %add3A_39 : i32
      %mul3A_41 = arith.constant 16 : i32
      %mul3A_42 = arith.muli %add3A_40, %mul3A_41 : i32
      %add3A_43 = arith.addi %mul3A_2, %mul3A_42 : i32
      "tpu.region"() ({
        %run_scoped3A = tpu.sem_alloc : memref<!tpu.dma_semaphore, #tpu.memory_space<semaphore_mem>>
        %dma_start3A_76 = tpu.memref_slice %arg3[%add3A_43] : memref<8192xi32, #tpu.memory_space<hbm>> -> memref<16xi32, #tpu.memory_space<hbm>>
        %dma_start3A_77 = tpu.memref_slice %arg3[%add3A_43] : memref<8192xi32, #tpu.memory_space<hbm>> -> memref<16xi32, #tpu.memory_space<hbm>>
        tpu.enqueue_dma source(%dma_start3A_77 : memref<16xi32, #tpu.memory_space<hbm>>) target(%arg6 : memref<16xi32, #tpu.memory_space<vmem>>) target_semaphore(%run_scoped3A : memref<!tpu.dma_semaphore, #tpu.memory_space<semaphore_mem>>)
        %dma_wait3A_78 = tpu.memref_slice %arg3[%add3A_43] : memref<8192xi32, #tpu.memory_space<hbm>> -> memref<16xi32, #tpu.memory_space<hbm>>
        %dma_wait3A_79 = tpu.memref_slice %arg3[%add3A_43] : memref<8192xi32, #tpu.memory_space<hbm>> -> memref<16xi32, #tpu.memory_space<hbm>>
        tpu.wait_dma2 semaphore(%run_scoped3A : memref<!tpu.dma_semaphore, #tpu.memory_space<semaphore_mem>>) src(%dma_wait3A_79 : memref<16xi32, #tpu.memory_space<hbm>>) dst(%arg6 : memref<16xi32, #tpu.memory_space<vmem>>)
        tpu.yield
      }) : () -> ()
      "tpu.region"() ({
        %run_scoped3A = tpu.sem_alloc : memref<!tpu.dma_semaphore, #tpu.memory_space<semaphore_mem>>
        %dma_start3A_76 = tpu.memref_slice %arg4[%add3A_43] : memref<8192xi32, #tpu.memory_space<hbm>> -> memref<16xi32, #tpu.memory_space<hbm>>
        %dma_start3A_77 = tpu.memref_slice %arg4[%add3A_43] : memref<8192xi32, #tpu.memory_space<hbm>> -> memref<16xi32, #tpu.memory_space<hbm>>
        tpu.enqueue_dma source(%dma_start3A_77 : memref<16xi32, #tpu.memory_space<hbm>>) target(%arg7 : memref<16xi32, #tpu.memory_space<vmem>>) target_semaphore(%run_scoped3A : memref<!tpu.dma_semaphore, #tpu.memory_space<semaphore_mem>>)
        %dma_wait3A_78 = tpu.memref_slice %arg4[%add3A_43] : memref<8192xi32, #tpu.memory_space<hbm>> -> memref<16xi32, #tpu.memory_space<hbm>>
        %dma_wait3A_79 = tpu.memref_slice %arg4[%add3A_43] : memref<8192xi32, #tpu.memory_space<hbm>> -> memref<16xi32, #tpu.memory_space<hbm>>
        tpu.wait_dma2 semaphore(%run_scoped3A : memref<!tpu.dma_semaphore, #tpu.memory_space<semaphore_mem>>) src(%dma_wait3A_79 : memref<16xi32, #tpu.memory_space<hbm>>) dst(%arg7 : memref<16xi32, #tpu.memory_space<vmem>>)
        tpu.yield
      }) : () -> ()
      %dma_start3A_44 = arith.constant 0 : i32
      %dma_start3A_45 = arith.constant 0 : i32
      %dma_start3A_46 = tpu.memref_slice %arg2[%dma_start3A_44, %dma_start3A_45] : memref<18432x1024xf32, #tpu.memory_space<hbm>> -> memref<18432x1024xf32, #tpu.memory_space<hbm>>
      tpu.enqueue_indirect_dma source(%dma_start3A_46 : memref<18432x1024xf32, #tpu.memory_space<hbm>>) target(%arg10 : memref<16x1024xf32, #tpu.memory_space<vmem>>) offsets(%arg6 : memref<16xi32, #tpu.memory_space<vmem>>) semaphore(%arg12 : memref<!tpu.dma_semaphore, #tpu.memory_space<semaphore_mem>>)
      %dma_start3A_47 = arith.constant 0 : i32
      %dma_start3A_48 = arith.constant 0 : i32
      %dma_start3A_49 = tpu.memref_slice %arg2[%dma_start3A_47, %dma_start3A_48] : memref<18432x1024xf32, #tpu.memory_space<hbm>> -> memref<18432x1024xf32, #tpu.memory_space<hbm>>
      tpu.enqueue_indirect_dma source(%dma_start3A_49 : memref<18432x1024xf32, #tpu.memory_space<hbm>>) target(%arg11 : memref<16x1024xf32, #tpu.memory_space<vmem>>) offsets(%arg7 : memref<16xi32, #tpu.memory_space<vmem>>) semaphore(%arg13 : memref<!tpu.dma_semaphore, #tpu.memory_space<semaphore_mem>>)
      %dma_wait3A_50 = arith.constant 0 : i32
      %dma_wait3A_51 = arith.constant 0 : i32
      %dma_wait3A_52 = tpu.memref_slice %arg2[%dma_wait3A_50, %dma_wait3A_51] : memref<18432x1024xf32, #tpu.memory_space<hbm>> -> memref<18432x1024xf32, #tpu.memory_space<hbm>>
      tpu.wait_indirect_dma semaphore(%arg12 : memref<!tpu.dma_semaphore, #tpu.memory_space<semaphore_mem>>) src(%dma_wait3A_52 : memref<18432x1024xf32, #tpu.memory_space<hbm>>) dst(%arg10 : memref<16x1024xf32, #tpu.memory_space<vmem>>)
      %dma_wait3A_53 = arith.constant 0 : i32
      %dma_wait3A_54 = arith.constant 0 : i32
      %dma_wait3A_55 = tpu.memref_slice %arg2[%dma_wait3A_53, %dma_wait3A_54] : memref<18432x1024xf32, #tpu.memory_space<hbm>> -> memref<18432x1024xf32, #tpu.memory_space<hbm>>
      tpu.wait_indirect_dma semaphore(%arg13 : memref<!tpu.dma_semaphore, #tpu.memory_space<semaphore_mem>>) src(%dma_wait3A_55 : memref<18432x1024xf32, #tpu.memory_space<hbm>>) dst(%arg11 : memref<16x1024xf32, #tpu.memory_space<vmem>>)
      %scan3A_56 = arith.constant 0 : i32
      %scan3A_57 = arith.constant 0 : i32
      %scan3A_58 = arith.constant 16 : i32
      %scan3A_59 = arith.addi %scan3A_57, %scan3A_58 : i32
      %scan3A_60 = arith.constant 1 : i32
      %scan3A_61 = scf.for %scan3A_76 = %scan3A_57 to %scan3A_59 step %scan3A_60 iter_args(%scan3A_77 = %scan3A_56) -> (i32)  : i32 {
        %get3A = arith.index_cast %scan3A_76 : i32 to index
        %get3A_78 = arith.constant 0 : index
        %get3A_79 = tpu.vector_load %arg10[%get3A, %get3A_78] {strides = array<i32>} : memref<16x1024xf32, #tpu.memory_space<vmem>>, vector<1x16xf32>,
        %get3A_80 = vector.shape_cast %get3A_79 : vector<1x16xf32> to vector<16xf32>
        %get3A_81 = arith.index_cast %scan3A_76 : i32 to index
        %get3A_82 = arith.constant 0 : index
        %get3A_83 = tpu.vector_load %arg11[%get3A_81, %get3A_82] {strides = array<i32>} : memref<16x1024xf32, #tpu.memory_space<vmem>>, vector<1x16xf32>,
        %get3A_84 = vector.shape_cast %get3A_83 : vector<1x16xf32> to vector<16xf32>
        %add3A_85 = arith.addf %get3A_80, %get3A_84 : vector<16xf32>
        %swap3A = arith.index_cast %scan3A_76 : i32 to index
        %swap3A_86 = arith.constant 0 : index
        %swap3A_87 = tpu.vector_load %arg10[%swap3A, %swap3A_86] {strides = array<i32>} : memref<16x1024xf32, #tpu.memory_space<vmem>>, vector<1x16xf32>,
        %swap3A_88 = vector.shape_cast %swap3A_87 : vector<1x16xf32> to vector<16xf32>
        %swap3A_89 = vector.shape_cast %add3A_85 : vector<16xf32> to vector<1x16xf32>
        tpu.vector_store %arg10[%swap3A, %swap3A_86], %swap3A_89 {strides = array<i32>} : memref<16x1024xf32, #tpu.memory_space<vmem>>, vector<1x16xf32>,
        %get3A_90 = arith.index_cast %scan3A_76 : i32 to index
        %get3A_91 = arith.constant 16 : index
        %get3A_92 = tpu.vector_load %arg10[%get3A_90, %get3A_91] {strides = array<i32>} : memref<16x1024xf32, #tpu.memory_space<vmem>>, vector<1x16xf32>,
        %get3A_93 = vector.shape_cast %get3A_92 : vector<1x16xf32> to vector<16xf32>
        %get3A_94 = arith.index_cast %scan3A_76 : i32 to index
        %get3A_95 = arith.constant 16 : index
        %get3A_96 = tpu.vector_load %arg11[%get3A_94, %get3A_95] {strides = array<i32>} : memref<16x1024xf32, #tpu.memory_space<vmem>>, vector<1x16xf32>,
        %get3A_97 = vector.shape_cast %get3A_96 : vector<1x16xf32> to vector<16xf32>
        %add3A_98 = arith.addf %get3A_93, %get3A_97 : vector<16xf32>
        %swap3A_99 = arith.index_cast %scan3A_76 : i32 to index
        %swap3A_100 = arith.constant 16 : index
        %swap3A_101 = tpu.vector_load %arg10[%swap3A_99, %swap3A_100] {strides = array<i32>} : memref<16x1024xf32, #tpu.memory_space<vmem>>, vector<1x16xf32>,
        %swap3A_102 = vector.shape_cast %swap3A_101 : vector<1x16xf32> to vector<16xf32>
        %swap3A_103 = vector.shape_cast %add3A_98 : vector<16xf32> to vector<1x16xf32>
        tpu.vector_store %arg10[%swap3A_99, %swap3A_100], %swap3A_103 {strides = array<i32>} : memref<16x1024xf32, #tpu.memory_space<vmem>>, vector<1x16xf32>,
        %get3A_104 = arith.index_cast %scan3A_76 : i32 to index
        %get3A_105 = arith.constant 32 : index
        %get3A_106 = tpu.vector_load %arg10[%get3A_104, %get3A_105] {strides = array<i32>} : memref<16x1024xf32, #tpu.memory_space<vmem>>, vector<1x16xf32>,
        %get3A_107 = vector.shape_cast %get3A_106 : vector<1x16xf32> to vector<16xf32>
        %get3A_108 = arith.index_cast %scan3A_76 : i32 to index
        %get3A_109 = arith.constant 32 : index
        %get3A_110 = tpu.vector_load %arg11[%get3A_108, %get3A_109] {strides = array<i32>} : memref<16x1024xf32, #tpu.memory_space<vmem>>, vector<1x16xf32>,
        %get3A_111 = vector.shape_cast %get3A_110 : vector<1x16xf32> to vector<16xf32>
        %add3A_112 = arith.addf %get3A_107, %get3A_111 : vector<16xf32>
        %swap3A_113 = arith.index_cast %scan3A_76 : i32 to index
        %swap3A_114 = arith.constant 32 : index
        %swap3A_115 = tpu.vector_load %arg10[%swap3A_113, %swap3A_114] {strides = array<i32>} : memref<16x1024xf32, #tpu.memory_space<vmem>>, vector<1x16xf32>,
        %swap3A_116 = vector.shape_cast %swap3A_115 : vector<1x16xf32> to vector<16xf32>
        %swap3A_117 = vector.shape_cast %add3A_112 : vector<16xf32> to vector<1x16xf32>
        tpu.vector_store %arg10[%swap3A_113, %swap3A_114], %swap3A_117 {strides = array<i32>} : memref<16x1024xf32, #tpu.memory_space<vmem>>, vector<1x16xf32>,
        %get3A_118 = arith.index_cast %scan3A_76 : i32 to index
        %get3A_119 = arith.constant 48 : index
        %get3A_120 = tpu.vector_load %arg10[%get3A_118, %get3A_119] {strides = array<i32>} : memref<16x1024xf32, #tpu.memory_space<vmem>>, vector<1x16xf32>,
        %get3A_121 = vector.shape_cast %get3A_120 : vector<1x16xf32> to vector<16xf32>
        %get3A_122 = arith.index_cast %scan3A_76 : i32 to index
        %get3A_123 = arith.constant 48 : index
        %get3A_124 = tpu.vector_load %arg11[%get3A_122, %get3A_123] {strides = array<i32>} : memref<16x1024xf32, #tpu.memory_space<vmem>>, vector<1x16xf32>,
        %get3A_125 = vector.shape_cast %get3A_124 : vector<1x16xf32> to vector<16xf32>
        %add3A_126 = arith.addf %get3A_121, %get3A_125 : vector<16xf32>
        %swap3A_127 = arith.index_cast %scan3A_76 : i32 to index
        %swap3A_128 = arith.constant 48 : index
        %swap3A_129 = tpu.vector_load %arg10[%swap3A_127, %swap3A_128] {strides = array<i32>} : memref<16x1024xf32, #tpu.memory_space<vmem>>, vector<1x16xf32>,
        %swap3A_130 = vector.shape_cast %swap3A_129 : vector<1x16xf32> to vector<16xf32>
        %swap3A_131 = vector.shape_cast %add3A_126 : vector<16xf32> to vector<1x16xf32>
        tpu.vector_store %arg10[%swap3A_127, %swap3A_128], %swap3A_131 {strides = array<i32>} : memref<16x1024xf32, #tpu.memory_space<vmem>>, vector<1x16xf32>,
        %get3A_132 = arith.index_cast %scan3A_76 : i32 to index
        %get3A_133 = arith.constant 64 : index
        %get3A_134 = tpu.vector_load %arg10[%get3A_132, %get3A_133] {strides = array<i32>} : memref<16x1024xf32, #tpu.memory_space<vmem>>, vector<1x16xf32>,
        %get3A_135 = vector.shape_cast %get3A_134 : vector<1x16xf32> to vector<16xf32>
        %get3A_136 = arith.index_cast %scan3A_76 : i32 to index
        %get3A_137 = arith.constant 64 : index
        %get3A_138 = tpu.vector_load %arg11[%get3A_136, %get3A_137] {strides = array<i32>} : memref<16x1024xf32, #tpu.memory_space<vmem>>, vector<1x16xf32>,
        %get3A_139 = vector.shape_cast %get3A_138 : vector<1x16xf32> to vector<16xf32>
        %add3A_140 = arith.addf %get3A_135, %get3A_139 : vector<16xf32>
        %swap3A_141 = arith.index_cast %scan3A_76 : i32 to index
        %swap3A_142 = arith.constant 64 : index
        %swap3A_143 = tpu.vector_load %arg10[%swap3A_141, %swap3A_142] {strides = array<i32>} : memref<16x1024xf32, #tpu.memory_space<vmem>>, vector<1x16xf32>,
        %swap3A_144 = vector.shape_cast %swap3A_143 : vector<1x16xf32> to vector<16xf32>
        %swap3A_145 = vector.shape_cast %add3A_140 : vector<16xf32> to vector<1x16xf32>
        tpu.vector_store %arg10[%swap3A_141, %swap3A_142], %swap3A_145 {strides = array<i32>} : memref<16x1024xf32, #tpu.memory_space<vmem>>, vector<1x16xf32>,
        %get3A_146 = arith.index_cast %scan3A_76 : i32 to index
        %get3A_147 = arith.constant 80 : index
        %get3A_148 = tpu.vector_load %arg10[%get3A_146, %get3A_147] {strides = array<i32>} : memref<16x1024xf32, #tpu.memory_space<vmem>>, vector<1x16xf32>,
        %get3A_149 = vector.shape_cast %get3A_148 : vector<1x16xf32> to vector<16xf32>
        %get3A_150 = arith.index_cast %scan3A_76 : i32 to index
        %get3A_151 = arith.constant 80 : index
        %get3A_152 = tpu.vector_load %arg11[%get3A_150, %get3A_151] {strides = array<i32>} : memref<16x1024xf32, #tpu.memory_space<vmem>>, vector<1x16xf32>,
        %get3A_153 = vector.shape_cast %get3A_152 : vector<1x16xf32> to vector<16xf32>
        %add3A_154 = arith.addf %get3A_149, %get3A_153 : vector<16xf32>
        %swap3A_155 = arith.index_cast %scan3A_76 : i32 to index
        %swap3A_156 = arith.constant 80 : index
        %swap3A_157 = tpu.vector_load %arg10[%swap3A_155, %swap3A_156] {strides = array<i32>} : memref<16x1024xf32, #tpu.memory_space<vmem>>, vector<1x16xf32>,
        %swap3A_158 = vector.shape_cast %swap3A_157 : vector<1x16xf32> to vector<16xf32>
        %swap3A_159 = vector.shape_cast %add3A_154 : vector<16xf32> to vector<1x16xf32>
        tpu.vector_store %arg10[%swap3A_155, %swap3A_156], %swap3A_159 {strides = array<i32>} : memref<16x1024xf32, #tpu.memory_space<vmem>>, vector<1x16xf32>,
        %get3A_160 = arith.index_cast %scan3A_76 : i32 to index
        %get3A_161 = arith.constant 96 : index
        %get3A_162 = tpu.vector_load %arg10[%get3A_160, %get3A_161] {strides = array<i32>} : memref<16x1024xf32, #tpu.memory_space<vmem>>, vector<1x16xf32>,
        %get3A_163 = vector.shape_cast %get3A_162 : vector<1x16xf32> to vector<16xf32>
        %get3A_164 = arith.index_cast %scan3A_76 : i32 to index
        %get3A_165 = arith.constant 96 : index
        %get3A_166 = tpu.vector_load %arg11[%get3A_164, %get3A_165] {strides = array<i32>} : memref<16x1024xf32, #tpu.memory_space<vmem>>, vector<1x16xf32>,
        %get3A_167 = vector.shape_cast %get3A_166 : vector<1x16xf32> to vector<16xf32>
        %add3A_168 = arith.addf %get3A_163, %get3A_167 : vector<16xf32>
        %swap3A_169 = arith.index_cast %scan3A_76 : i32 to index
        %swap3A_170 = arith.constant 96 : index
        %swap3A_171 = tpu.vector_load %arg10[%swap3A_169, %swap3A_170] {strides = array<i32>} : memref<16x1024xf32, #tpu.memory_space<vmem>>, vector<1x16xf32>,
        %swap3A_172 = vector.shape_cast %swap3A_171 : vector<1x16xf32> to vector<16xf32>
        %swap3A_173 = vector.shape_cast %add3A_168 : vector<16xf32> to vector<1x16xf32>
        tpu.vector_store %arg10[%swap3A_169, %swap3A_170], %swap3A_173 {strides = array<i32>} : memref<16x1024xf32, #tpu.memory_space<vmem>>, vector<1x16xf32>,
        %get3A_174 = arith.index_cast %scan3A_76 : i32 to index
        %get3A_175 = arith.constant 112 : index
        %get3A_176 = tpu.vector_load %arg10[%get3A_174, %get3A_175] {strides = array<i32>} : memref<16x1024xf32, #tpu.memory_space<vmem>>, vector<1x16xf32>,
        %get3A_177 = vector.shape_cast %get3A_176 : vector<1x16xf32> to vector<16xf32>
        %get3A_178 = arith.index_cast %scan3A_76 : i32 to index
        %get3A_179 = arith.constant 112 : index
        %get3A_180 = tpu.vector_load %arg11[%get3A_178, %get3A_179] {strides = array<i32>} : memref<16x1024xf32, #tpu.memory_space<vmem>>, vector<1x16xf32>,
        %get3A_181 = vector.shape_cast %get3A_180 : vector<1x16xf32> to vector<16xf32>
        %add3A_182 = arith.addf %get3A_177, %get3A_181 : vector<16xf32>
        %swap3A_183 = arith.index_cast %scan3A_76 : i32 to index
        %swap3A_184 = arith.constant 112 : index
        %swap3A_185 = tpu.vector_load %arg10[%swap3A_183, %swap3A_184] {strides = array<i32>} : memref<16x1024xf32, #tpu.memory_space<vmem>>, vector<1x16xf32>,
        %swap3A_186 = vector.shape_cast %swap3A_185 : vector<1x16xf32> to vector<16xf32>
        %swap3A_187 = vector.shape_cast %add3A_182 : vector<16xf32> to vector<1x16xf32>
        tpu.vector_store %arg10[%swap3A_183, %swap3A_184], %swap3A_187 {strides = array<i32>} : memref<16x1024xf32, #tpu.memory_space<vmem>>, vector<1x16xf32>,
        %get3A_188 = arith.index_cast %scan3A_76 : i32 to index
        %get3A_189 = arith.constant 128 : index
        %get3A_190 = tpu.vector_load %arg10[%get3A_188, %get3A_189] {strides = array<i32>} : memref<16x1024xf32, #tpu.memory_space<vmem>>, vector<1x16xf32>,
        %get3A_191 = vector.shape_cast %get3A_190 : vector<1x16xf32> to vector<16xf32>
        %get3A_192 = arith.index_cast %scan3A_76 : i32 to index
        %get3A_193 = arith.constant 128 : index
        %get3A_194 = tpu.vector_load %arg11[%get3A_192, %get3A_193] {strides = array<i32>} : memref<16x1024xf32, #tpu.memory_space<vmem>>, vector<1x16xf32>,
        %get3A_195 = vector.shape_cast %get3A_194 : vector<1x16xf32> to vector<16xf32>
        %add3A_196 = arith.addf %get3A_191, %get3A_195 : vector<16xf32>
        %swap3A_197 = arith.index_cast %scan3A_76 : i32 to index
        %swap3A_198 = arith.constant 128 : index
        %swap3A_199 = tpu.vector_load %arg10[%swap3A_197, %swap3A_198] {strides = array<i32>} : memref<16x1024xf32, #tpu.memory_space<vmem>>, vector<1x16xf32>,
        %swap3A_200 = vector.shape_cast %swap3A_199 : vector<1x16xf32> to vector<16xf32>
        %swap3A_201 = vector.shape_cast %add3A_196 : vector<16xf32> to vector<1x16xf32>
        tpu.vector_store %arg10[%swap3A_197, %swap3A_198], %swap3A_201 {strides = array<i32>} : memref<16x1024xf32, #tpu.memory_space<vmem>>, vector<1x16xf32>,
        %get3A_202 = arith.index_cast %scan3A_76 : i32 to index
        %get3A_203 = arith.constant 144 : index
        %get3A_204 = tpu.vector_load %arg10[%get3A_202, %get3A_203] {strides = array<i32>} : memref<16x1024xf32, #tpu.memory_space<vmem>>, vector<1x16xf32>,
        %get3A_205 = vector.shape_cast %get3A_204 : vector<1x16xf32> to vector<16xf32>
        %get3A_206 = arith.index_cast %scan3A_76 : i32 to index
        %get3A_207 = arith.constant 144 : index
        %get3A_208 = tpu.vector_load %arg11[%get3A_206, %get3A_207] {strides = array<i32>} : memref<16x1024xf32, #tpu.memory_space<vmem>>, vector<1x16xf32>,
        %get3A_209 = vector.shape_cast %get3A_208 : vector<1x16xf32> to vector<16xf32>
        %add3A_210 = arith.addf %get3A_205, %get3A_209 : vector<16xf32>
        %swap3A_211 = arith.index_cast %scan3A_76 : i32 to index
        %swap3A_212 = arith.constant 144 : index
        %swap3A_213 = tpu.vector_load %arg10[%swap3A_211, %swap3A_212] {strides = array<i32>} : memref<16x1024xf32, #tpu.memory_space<vmem>>, vector<1x16xf32>,
        %swap3A_214 = vector.shape_cast %swap3A_213 : vector<1x16xf32> to vector<16xf32>
        %swap3A_215 = vector.shape_cast %add3A_210 : vector<16xf32> to vector<1x16xf32>
        tpu.vector_store %arg10[%swap3A_211, %swap3A_212], %swap3A_215 {strides = array<i32>} : memref<16x1024xf32, #tpu.memory_space<vmem>>, vector<1x16xf32>,
        %get3A_216 = arith.index_cast %scan3A_76 : i32 to index
        %get3A_217 = arith.constant 160 : index
        %get3A_218 = tpu.vector_load %arg10[%get3A_216, %get3A_217] {strides = array<i32>} : memref<16x1024xf32, #tpu.memory_space<vmem>>, vector<1x16xf32>,
        %get3A_219 = vector.shape_cast %get3A_218 : vector<1x16xf32> to vector<16xf32>
        %get3A_220 = arith.index_cast %scan3A_76 : i32 to index
        %get3A_221 = arith.constant 160 : index
        %get3A_222 = tpu.vector_load %arg11[%get3A_220, %get3A_221] {strides = array<i32>} : memref<16x1024xf32, #tpu.memory_space<vmem>>, vector<1x16xf32>,
        %get3A_223 = vector.shape_cast %get3A_222 : vector<1x16xf32> to vector<16xf32>
        %add3A_224 = arith.addf %get3A_219, %get3A_223 : vector<16xf32>
        %swap3A_225 = arith.index_cast %scan3A_76 : i32 to index
        %swap3A_226 = arith.constant 160 : index
        %swap3A_227 = tpu.vector_load %arg10[%swap3A_225, %swap3A_226] {strides = array<i32>} : memref<16x1024xf32, #tpu.memory_space<vmem>>, vector<1x16xf32>,
        %swap3A_228 = vector.shape_cast %swap3A_227 : vector<1x16xf32> to vector<16xf32>
        %swap3A_229 = vector.shape_cast %add3A_224 : vector<16xf32> to vector<1x16xf32>
        tpu.vector_store %arg10[%swap3A_225, %swap3A_226], %swap3A_229 {strides = array<i32>} : memref<16x1024xf32, #tpu.memory_space<vmem>>, vector<1x16xf32>,
        %get3A_230 = arith.index_cast %scan3A_76 : i32 to index
        %get3A_231 = arith.constant 176 : index
        %get3A_232 = tpu.vector_load %arg10[%get3A_230, %get3A_231] {strides = array<i32>} : memref<16x1024xf32, #tpu.memory_space<vmem>>, vector<1x16xf32>,
        %get3A_233 = vector.shape_cast %get3A_232 : vector<1x16xf32> to vector<16xf32>
        %get3A_234 = arith.index_cast %scan3A_76 : i32 to index
        %get3A_235 = arith.constant 176 : index
        %get3A_236 = tpu.vector_load %arg11[%get3A_234, %get3A_235] {strides = array<i32>} : memref<16x1024xf32, #tpu.memory_space<vmem>>, vector<1x16xf32>,
        %get3A_237 = vector.shape_cast %get3A_236 : vector<1x16xf32> to vector<16xf32>
        %add3A_238 = arith.addf %get3A_233, %get3A_237 : vector<16xf32>
        %swap3A_239 = arith.index_cast %scan3A_76 : i32 to index
        %swap3A_240 = arith.constant 176 : index
        %swap3A_241 = tpu.vector_load %arg10[%swap3A_239, %swap3A_240] {strides = array<i32>} : memref<16x1024xf32, #tpu.memory_space<vmem>>, vector<1x16xf32>,
        %swap3A_242 = vector.shape_cast %swap3A_241 : vector<1x16xf32> to vector<16xf32>
        %swap3A_243 = vector.shape_cast %add3A_238 : vector<16xf32> to vector<1x16xf32>
        tpu.vector_store %arg10[%swap3A_239, %swap3A_240], %swap3A_243 {strides = array<i32>} : memref<16x1024xf32, #tpu.memory_space<vmem>>, vector<1x16xf32>,
        %get3A_244 = arith.index_cast %scan3A_76 : i32 to index
        %get3A_245 = arith.constant 192 : index
        %get3A_246 = tpu.vector_load %arg10[%get3A_244, %get3A_245] {strides = array<i32>} : memref<16x1024xf32, #tpu.memory_space<vmem>>, vector<1x16xf32>,
        %get3A_247 = vector.shape_cast %get3A_246 : vector<1x16xf32> to vector<16xf32>
        %get3A_248 = arith.index_cast %scan3A_76 : i32 to index
        %get3A_249 = arith.constant 192 : index
        %get3A_250 = tpu.vector_load %arg11[%get3A_248, %get3A_249] {strides = array<i32>} : memref<16x1024xf32, #tpu.memory_space<vmem>>, vector<1x16xf32>,
        %get3A_251 = vector.shape_cast %get3A_250 : vector<1x16xf32> to vector<16xf32>
        %add3A_252 = arith.addf %get3A_247, %get3A_251 : vector<16xf32>
        %swap3A_253 = arith.index_cast %scan3A_76 : i32 to index
        %swap3A_254 = arith.constant 192 : index
        %swap3A_255 = tpu.vector_load %arg10[%swap3A_253, %swap3A_254] {strides = array<i32>} : memref<16x1024xf32, #tpu.memory_space<vmem>>, vector<1x16xf32>,
        %swap3A_256 = vector.shape_cast %swap3A_255 : vector<1x16xf32> to vector<16xf32>
        %swap3A_257 = vector.shape_cast %add3A_252 : vector<16xf32> to vector<1x16xf32>
        tpu.vector_store %arg10[%swap3A_253, %swap3A_254], %swap3A_257 {strides = array<i32>} : memref<16x1024xf32, #tpu.memory_space<vmem>>, vector<1x16xf32>,
        %get3A_258 = arith.index_cast %scan3A_76 : i32 to index
        %get3A_259 = arith.constant 208 : index
        %get3A_260 = tpu.vector_load %arg10[%get3A_258, %get3A_259] {strides = array<i32>} : memref<16x1024xf32, #tpu.memory_space<vmem>>, vector<1x16xf32>,
        %get3A_261 = vector.shape_cast %get3A_260 : vector<1x16xf32> to vector<16xf32>
        %get3A_262 = arith.index_cast %scan3A_76 : i32 to index
        %get3A_263 = arith.constant 208 : index
        %get3A_264 = tpu.vector_load %arg11[%get3A_262, %get3A_263] {strides = array<i32>} : memref<16x1024xf32, #tpu.memory_space<vmem>>, vector<1x16xf32>,
        %get3A_265 = vector.shape_cast %get3A_264 : vector<1x16xf32> to vector<16xf32>
        %add3A_266 = arith.addf %get3A_261, %get3A_265 : vector<16xf32>
        %swap3A_267 = arith.index_cast %scan3A_76 : i32 to index
        %swap3A_268 = arith.constant 208 : index
        %swap3A_269 = tpu.vector_load %arg10[%swap3A_267, %swap3A_268] {strides = array<i32>} : memref<16x1024xf32, #tpu.memory_space<vmem>>, vector<1x16xf32>,
        %swap3A_270 = vector.shape_cast %swap3A_269 : vector<1x16xf32> to vector<16xf32>
        %swap3A_271 = vector.shape_cast %add3A_266 : vector<16xf32> to vector<1x16xf32>
        tpu.vector_store %arg10[%swap3A_267, %swap3A_268], %swap3A_271 {strides = array<i32>} : memref<16x1024xf32, #tpu.memory_space<vmem>>, vector<1x16xf32>,
        %get3A_272 = arith.index_cast %scan3A_76 : i32 to index
        %get3A_273 = arith.constant 224 : index
        %get3A_274 = tpu.vector_load %arg10[%get3A_272, %get3A_273] {strides = array<i32>} : memref<16x1024xf32, #tpu.memory_space<vmem>>, vector<1x16xf32>,
        %get3A_275 = vector.shape_cast %get3A_274 : vector<1x16xf32> to vector<16xf32>
        %get3A_276 = arith.index_cast %scan3A_76 : i32 to index
        %get3A_277 = arith.constant 224 : index
        %get3A_278 = tpu.vector_load %arg11[%get3A_276, %get3A_277] {strides = array<i32>} : memref<16x1024xf32, #tpu.memory_space<vmem>>, vector<1x16xf32>,
        %get3A_279 = vector.shape_cast %get3A_278 : vector<1x16xf32> to vector<16xf32>
        %add3A_280 = arith.addf %get3A_275, %get3A_279 : vector<16xf32>
        %swap3A_281 = arith.index_cast %scan3A_76 : i32 to index
        %swap3A_282 = arith.constant 224 : index
        %swap3A_283 = tpu.vector_load %arg10[%swap3A_281, %swap3A_282] {strides = array<i32>} : memref<16x1024xf32, #tpu.memory_space<vmem>>, vector<1x16xf32>,
        %swap3A_284 = vector.shape_cast %swap3A_283 : vector<1x16xf32> to vector<16xf32>
        %swap3A_285 = vector.shape_cast %add3A_280 : vector<16xf32> to vector<1x16xf32>
        tpu.vector_store %arg10[%swap3A_281, %swap3A_282], %swap3A_285 {strides = array<i32>} : memref<16x1024xf32, #tpu.memory_space<vmem>>, vector<1x16xf32>,
        %get3A_286 = arith.index_cast %scan3A_76 : i32 to index
        %get3A_287 = arith.constant 240 : index
        %get3A_288 = tpu.vector_load %arg10[%get3A_286, %get3A_287] {strides = array<i32>} : memref<16x1024xf32, #tpu.memory_space<vmem>>, vector<1x16xf32>,
        %get3A_289 = vector.shape_cast %get3A_288 : vector<1x16xf32> to vector<16xf32>
        %get3A_290 = arith.index_cast %scan3A_76 : i32 to index
        %get3A_291 = arith.constant 240 : index
        %get3A_292 = tpu.vector_load %arg11[%get3A_290, %get3A_291] {strides = array<i32>} : memref<16x1024xf32, #tpu.memory_space<vmem>>, vector<1x16xf32>,
        %get3A_293 = vector.shape_cast %get3A_292 : vector<1x16xf32> to vector<16xf32>
        %add3A_294 = arith.addf %get3A_289, %get3A_293 : vector<16xf32>
        %swap3A_295 = arith.index_cast %scan3A_76 : i32 to index
        %swap3A_296 = arith.constant 240 : index
        %swap3A_297 = tpu.vector_load %arg10[%swap3A_295, %swap3A_296] {strides = array<i32>} : memref<16x1024xf32, #tpu.memory_space<vmem>>, vector<1x16xf32>,
        %swap3A_298 = vector.shape_cast %swap3A_297 : vector<1x16xf32> to vector<16xf32>
        %swap3A_299 = vector.shape_cast %add3A_294 : vector<16xf32> to vector<1x16xf32>
        tpu.vector_store %arg10[%swap3A_295, %swap3A_296], %swap3A_299 {strides = array<i32>} : memref<16x1024xf32, #tpu.memory_space<vmem>>, vector<1x16xf32>,
        %get3A_300 = arith.index_cast %scan3A_76 : i32 to index
        %get3A_301 = arith.constant 256 : index
        %get3A_302 = tpu.vector_load %arg10[%get3A_300, %get3A_301] {strides = array<i32>} : memref<16x1024xf32, #tpu.memory_space<vmem>>, vector<1x16xf32>,
        %get3A_303 = vector.shape_cast %get3A_302 : vector<1x16xf32> to vector<16xf32>
        %get3A_304 = arith.index_cast %scan3A_76 : i32 to index
        %get3A_305 = arith.constant 256 : index
        %get3A_306 = tpu.vector_load %arg11[%get3A_304, %get3A_305] {strides = array<i32>} : memref<16x1024xf32, #tpu.memory_space<vmem>>, vector<1x16xf32>,
        %get3A_307 = vector.shape_cast %get3A_306 : vector<1x16xf32> to vector<16xf32>
        %add3A_308 = arith.addf %get3A_303, %get3A_307 : vector<16xf32>
        %swap3A_309 = arith.index_cast %scan3A_76 : i32 to index
        %swap3A_310 = arith.constant 256 : index
        %swap3A_311 = tpu.vector_load %arg10[%swap3A_309, %swap3A_310] {strides = array<i32>} : memref<16x1024xf32, #tpu.memory_space<vmem>>, vector<1x16xf32>,
        %swap3A_312 = vector.shape_cast %swap3A_311 : vector<1x16xf32> to vector<16xf32>
        %swap3A_313 = vector.shape_cast %add3A_308 : vector<16xf32> to vector<1x16xf32>
        tpu.vector_store %arg10[%swap3A_309, %swap3A_310], %swap3A_313 {strides = array<i32>} : memref<16x1024xf32, #tpu.memory_space<vmem>>, vector<1x16xf32>,
        %get3A_314 = arith.index_cast %scan3A_76 : i32 to index
        %get3A_315 = arith.constant 272 : index
        %get3A_316 = tpu.vector_load %arg10[%get3A_314, %get3A_315] {strides = array<i32>} : memref<16x1024xf32, #tpu.memory_space<vmem>>, vector<1x16xf32>,
        %get3A_317 = vector.shape_cast %get3A_316 : vector<1x16xf32> to vector<16xf32>
        %get3A_318 = arith.index_cast %scan3A_76 : i32 to index
        %get3A_319 = arith.constant 272 : index
        %get3A_320 = tpu.vector_load %arg11[%get3A_318, %get3A_319] {strides = array<i32>} : memref<16x1024xf32, #tpu.memory_space<vmem>>, vector<1x16xf32>,
        %get3A_321 = vector.shape_cast %get3A_320 : vector<1x16xf32> to vector<16xf32>
        %add3A_322 = arith.addf %get3A_317, %get3A_321 : vector<16xf32>
        %swap3A_323 = arith.index_cast %scan3A_76 : i32 to index
        %swap3A_324 = arith.constant 272 : index
        %swap3A_325 = tpu.vector_load %arg10[%swap3A_323, %swap3A_324] {strides = array<i32>} : memref<16x1024xf32, #tpu.memory_space<vmem>>, vector<1x16xf32>,
        %swap3A_326 = vector.shape_cast %swap3A_325 : vector<1x16xf32> to vector<16xf32>
        %swap3A_327 = vector.shape_cast %add3A_322 : vector<16xf32> to vector<1x16xf32>
        tpu.vector_store %arg10[%swap3A_323, %swap3A_324], %swap3A_327 {strides = array<i32>} : memref<16x1024xf32, #tpu.memory_space<vmem>>, vector<1x16xf32>,
        %get3A_328 = arith.index_cast %scan3A_76 : i32 to index
        %get3A_329 = arith.constant 288 : index
        %get3A_330 = tpu.vector_load %arg10[%get3A_328, %get3A_329] {strides = array<i32>} : memref<16x1024xf32, #tpu.memory_space<vmem>>, vector<1x16xf32>,
        %get3A_331 = vector.shape_cast %get3A_330 : vector<1x16xf32> to vector<16xf32>
        %get3A_332 = arith.index_cast %scan3A_76 : i32 to index
        %get3A_333 = arith.constant 288 : index
        %get3A_334 = tpu.vector_load %arg11[%get3A_332, %get3A_333] {strides = array<i32>} : memref<16x1024xf32, #tpu.memory_space<vmem>>, vector<1x16xf32>,
        %get3A_335 = vector.shape_cast %get3A_334 : vector<1x16xf32> to vector<16xf32>
        %add3A_336 = arith.addf %get3A_331, %get3A_335 : vector<16xf32>
        %swap3A_337 = arith.index_cast %scan3A_76 : i32 to index
        %swap3A_338 = arith.constant 288 : index
        %swap3A_339 = tpu.vector_load %arg10[%swap3A_337, %swap3A_338] {strides = array<i32>} : memref<16x1024xf32, #tpu.memory_space<vmem>>, vector<1x16xf32>,
        %swap3A_340 = vector.shape_cast %swap3A_339 : vector<1x16xf32> to vector<16xf32>
        %swap3A_341 = vector.shape_cast %add3A_336 : vector<16xf32> to vector<1x16xf32>
        tpu.vector_store %arg10[%swap3A_337, %swap3A_338], %swap3A_341 {strides = array<i32>} : memref<16x1024xf32, #tpu.memory_space<vmem>>, vector<1x16xf32>,
        %get3A_342 = arith.index_cast %scan3A_76 : i32 to index
        %get3A_343 = arith.constant 304 : index
        %get3A_344 = tpu.vector_load %arg10[%get3A_342, %get3A_343] {strides = array<i32>} : memref<16x1024xf32, #tpu.memory_space<vmem>>, vector<1x16xf32>,
        %get3A_345 = vector.shape_cast %get3A_344 : vector<1x16xf32> to vector<16xf32>
        %get3A_346 = arith.index_cast %scan3A_76 : i32 to index
        %get3A_347 = arith.constant 304 : index
        %get3A_348 = tpu.vector_load %arg11[%get3A_346, %get3A_347] {strides = array<i32>} : memref<16x1024xf32, #tpu.memory_space<vmem>>, vector<1x16xf32>,
        %get3A_349 = vector.shape_cast %get3A_348 : vector<1x16xf32> to vector<16xf32>
        %add3A_350 = arith.addf %get3A_345, %get3A_349 : vector<16xf32>
        %swap3A_351 = arith.index_cast %scan3A_76 : i32 to index
        %swap3A_352 = arith.constant 304 : index
        %swap3A_353 = tpu.vector_load %arg10[%swap3A_351, %swap3A_352] {strides = array<i32>} : memref<16x1024xf32, #tpu.memory_space<vmem>>, vector<1x16xf32>,
        %swap3A_354 = vector.shape_cast %swap3A_353 : vector<1x16xf32> to vector<16xf32>
        %swap3A_355 = vector.shape_cast %add3A_350 : vector<16xf32> to vector<1x16xf32>
        tpu.vector_store %arg10[%swap3A_351, %swap3A_352], %swap3A_355 {strides = array<i32>} : memref<16x1024xf32, #tpu.memory_space<vmem>>, vector<1x16xf32>,
        %get3A_356 = arith.index_cast %scan3A_76 : i32 to index
        %get3A_357 = arith.constant 320 : index
        %get3A_358 = tpu.vector_load %arg10[%get3A_356, %get3A_357] {strides = array<i32>} : memref<16x1024xf32, #tpu.memory_space<vmem>>, vector<1x16xf32>,
        %get3A_359 = vector.shape_cast %get3A_358 : vector<1x16xf32> to vector<16xf32>
        %get3A_360 = arith.index_cast %scan3A_76 : i32 to index
        %get3A_361 = arith.constant 320 : index
        %get3A_362 = tpu.vector_load %arg11[%get3A_360, %get3A_361] {strides = array<i32>} : memref<16x1024xf32, #tpu.memory_space<vmem>>, vector<1x16xf32>,
        %get3A_363 = vector.shape_cast %get3A_362 : vector<1x16xf32> to vector<16xf32>
        %add3A_364 = arith.addf %get3A_359, %get3A_363 : vector<16xf32>
        %swap3A_365 = arith.index_cast %scan3A_76 : i32 to index
        %swap3A_366 = arith.constant 320 : index
        %swap3A_367 = tpu.vector_load %arg10[%swap3A_365, %swap3A_366] {strides = array<i32>} : memref<16x1024xf32, #tpu.memory_space<vmem>>, vector<1x16xf32>,
        %swap3A_368 = vector.shape_cast %swap3A_367 : vector<1x16xf32> to vector<16xf32>
        %swap3A_369 = vector.shape_cast %add3A_364 : vector<16xf32> to vector<1x16xf32>
        tpu.vector_store %arg10[%swap3A_365, %swap3A_366], %swap3A_369 {strides = array<i32>} : memref<16x1024xf32, #tpu.memory_space<vmem>>, vector<1x16xf32>,
        %get3A_370 = arith.index_cast %scan3A_76 : i32 to index
        %get3A_371 = arith.constant 336 : index
        %get3A_372 = tpu.vector_load %arg10[%get3A_370, %get3A_371] {strides = array<i32>} : memref<16x1024xf32, #tpu.memory_space<vmem>>, vector<1x16xf32>,
        %get3A_373 = vector.shape_cast %get3A_372 : vector<1x16xf32> to vector<16xf32>
        %get3A_374 = arith.index_cast %scan3A_76 : i32 to index
        %get3A_375 = arith.constant 336 : index
        %get3A_376 = tpu.vector_load %arg11[%get3A_374, %get3A_375] {strides = array<i32>} : memref<16x1024xf32, #tpu.memory_space<vmem>>, vector<1x16xf32>,
        %get3A_377 = vector.shape_cast %get3A_376 : vector<1x16xf32> to vector<16xf32>
        %add3A_378 = arith.addf %get3A_373, %get3A_377 : vector<16xf32>
        %swap3A_379 = arith.index_cast %scan3A_76 : i32 to index
        %swap3A_380 = arith.constant 336 : index
        %swap3A_381 = tpu.vector_load %arg10[%swap3A_379, %swap3A_380] {strides = array<i32>} : memref<16x1024xf32, #tpu.memory_space<vmem>>, vector<1x16xf32>,
        %swap3A_382 = vector.shape_cast %swap3A_381 : vector<1x16xf32> to vector<16xf32>
        %swap3A_383 = vector.shape_cast %add3A_378 : vector<16xf32> to vector<1x16xf32>
        tpu.vector_store %arg10[%swap3A_379, %swap3A_380], %swap3A_383 {strides = array<i32>} : memref<16x1024xf32, #tpu.memory_space<vmem>>, vector<1x16xf32>,
        %get3A_384 = arith.index_cast %scan3A_76 : i32 to index
        %get3A_385 = arith.constant 352 : index
        %get3A_386 = tpu.vector_load %arg10[%get3A_384, %get3A_385] {strides = array<i32>} : memref<16x1024xf32, #tpu.memory_space<vmem>>, vector<1x16xf32>,
        %get3A_387 = vector.shape_cast %get3A_386 : vector<1x16xf32> to vector<16xf32>
        %get3A_388 = arith.index_cast %scan3A_76 : i32 to index
        %get3A_389 = arith.constant 352 : index
        %get3A_390 = tpu.vector_load %arg11[%get3A_388, %get3A_389] {strides = array<i32>} : memref<16x1024xf32, #tpu.memory_space<vmem>>, vector<1x16xf32>,
        %get3A_391 = vector.shape_cast %get3A_390 : vector<1x16xf32> to vector<16xf32>
        %add3A_392 = arith.addf %get3A_387, %get3A_391 : vector<16xf32>
        %swap3A_393 = arith.index_cast %scan3A_76 : i32 to index
        %swap3A_394 = arith.constant 352 : index
        %swap3A_395 = tpu.vector_load %arg10[%swap3A_393, %swap3A_394] {strides = array<i32>} : memref<16x1024xf32, #tpu.memory_space<vmem>>, vector<1x16xf32>,
        %swap3A_396 = vector.shape_cast %swap3A_395 : vector<1x16xf32> to vector<16xf32>
        %swap3A_397 = vector.shape_cast %add3A_392 : vector<16xf32> to vector<1x16xf32>
        tpu.vector_store %arg10[%swap3A_393, %swap3A_394], %swap3A_397 {strides = array<i32>} : memref<16x1024xf32, #tpu.memory_space<vmem>>, vector<1x16xf32>,
        %get3A_398 = arith.index_cast %scan3A_76 : i32 to index
        %get3A_399 = arith.constant 368 : index
        %get3A_400 = tpu.vector_load %arg10[%get3A_398, %get3A_399] {strides = array<i32>} : memref<16x1024xf32, #tpu.memory_space<vmem>>, vector<1x16xf32>,
        %get3A_401 = vector.shape_cast %get3A_400 : vector<1x16xf32> to vector<16xf32>
        %get3A_402 = arith.index_cast %scan3A_76 : i32 to index
        %get3A_403 = arith.constant 368 : index
        %get3A_404 = tpu.vector_load %arg11[%get3A_402, %get3A_403] {strides = array<i32>} : memref<16x1024xf32, #tpu.memory_space<vmem>>, vector<1x16xf32>,
        %get3A_405 = vector.shape_cast %get3A_404 : vector<1x16xf32> to vector<16xf32>
        %add3A_406 = arith.addf %get3A_401, %get3A_405 : vector<16xf32>
        %swap3A_407 = arith.index_cast %scan3A_76 : i32 to index
        %swap3A_408 = arith.constant 368 : index
        %swap3A_409 = tpu.vector_load %arg10[%swap3A_407, %swap3A_408] {strides = array<i32>} : memref<16x1024xf32, #tpu.memory_space<vmem>>, vector<1x16xf32>,
        %swap3A_410 = vector.shape_cast %swap3A_409 : vector<1x16xf32> to vector<16xf32>
        %swap3A_411 = vector.shape_cast %add3A_406 : vector<16xf32> to vector<1x16xf32>
        tpu.vector_store %arg10[%swap3A_407, %swap3A_408], %swap3A_411 {strides = array<i32>} : memref<16x1024xf32, #tpu.memory_space<vmem>>, vector<1x16xf32>,
        %get3A_412 = arith.index_cast %scan3A_76 : i32 to index
        %get3A_413 = arith.constant 384 : index
        %get3A_414 = tpu.vector_load %arg10[%get3A_412, %get3A_413] {strides = array<i32>} : memref<16x1024xf32, #tpu.memory_space<vmem>>, vector<1x16xf32>,
        %get3A_415 = vector.shape_cast %get3A_414 : vector<1x16xf32> to vector<16xf32>
        %get3A_416 = arith.index_cast %scan3A_76 : i32 to index
        %get3A_417 = arith.constant 384 : index
        %get3A_418 = tpu.vector_load %arg11[%get3A_416, %get3A_417] {strides = array<i32>} : memref<16x1024xf32, #tpu.memory_space<vmem>>, vector<1x16xf32>,
        %get3A_419 = vector.shape_cast %get3A_418 : vector<1x16xf32> to vector<16xf32>
        %add3A_420 = arith.addf %get3A_415, %get3A_419 : vector<16xf32>
        %swap3A_421 = arith.index_cast %scan3A_76 : i32 to index
        %swap3A_422 = arith.constant 384 : index
        %swap3A_423 = tpu.vector_load %arg10[%swap3A_421, %swap3A_422] {strides = array<i32>} : memref<16x1024xf32, #tpu.memory_space<vmem>>, vector<1x16xf32>,
        %swap3A_424 = vector.shape_cast %swap3A_423 : vector<1x16xf32> to vector<16xf32>
        %swap3A_425 = vector.shape_cast %add3A_420 : vector<16xf32> to vector<1x16xf32>
        tpu.vector_store %arg10[%swap3A_421, %swap3A_422], %swap3A_425 {strides = array<i32>} : memref<16x1024xf32, #tpu.memory_space<vmem>>, vector<1x16xf32>,
        %get3A_426 = arith.index_cast %scan3A_76 : i32 to index
        %get3A_427 = arith.constant 400 : index
        %get3A_428 = tpu.vector_load %arg10[%get3A_426, %get3A_427] {strides = array<i32>} : memref<16x1024xf32, #tpu.memory_space<vmem>>, vector<1x16xf32>,
        %get3A_429 = vector.shape_cast %get3A_428 : vector<1x16xf32> to vector<16xf32>
        %get3A_430 = arith.index_cast %scan3A_76 : i32 to index
        %get3A_431 = arith.constant 400 : index
        %get3A_432 = tpu.vector_load %arg11[%get3A_430, %get3A_431] {strides = array<i32>} : memref<16x1024xf32, #tpu.memory_space<vmem>>, vector<1x16xf32>,
        %get3A_433 = vector.shape_cast %get3A_432 : vector<1x16xf32> to vector<16xf32>
        %add3A_434 = arith.addf %get3A_429, %get3A_433 : vector<16xf32>
        %swap3A_435 = arith.index_cast %scan3A_76 : i32 to index
        %swap3A_436 = arith.constant 400 : index
        %swap3A_437 = tpu.vector_load %arg10[%swap3A_435, %swap3A_436] {strides = array<i32>} : memref<16x1024xf32, #tpu.memory_space<vmem>>, vector<1x16xf32>,
        %swap3A_438 = vector.shape_cast %swap3A_437 : vector<1x16xf32> to vector<16xf32>
        %swap3A_439 = vector.shape_cast %add3A_434 : vector<16xf32> to vector<1x16xf32>
        tpu.vector_store %arg10[%swap3A_435, %swap3A_436], %swap3A_439 {strides = array<i32>} : memref<16x1024xf32, #tpu.memory_space<vmem>>, vector<1x16xf32>,
        %get3A_440 = arith.index_cast %scan3A_76 : i32 to index
        %get3A_441 = arith.constant 416 : index
        %get3A_442 = tpu.vector_load %arg10[%get3A_440, %get3A_441] {strides = array<i32>} : memref<16x1024xf32, #tpu.memory_space<vmem>>, vector<1x16xf32>,
        %get3A_443 = vector.shape_cast %get3A_442 : vector<1x16xf32> to vector<16xf32>
        %get3A_444 = arith.index_cast %scan3A_76 : i32 to index
        %get3A_445 = arith.constant 416 : index
        %get3A_446 = tpu.vector_load %arg11[%get3A_444, %get3A_445] {strides = array<i32>} : memref<16x1024xf32, #tpu.memory_space<vmem>>, vector<1x16xf32>,
        %get3A_447 = vector.shape_cast %get3A_446 : vector<1x16xf32> to vector<16xf32>
        %add3A_448 = arith.addf %get3A_443, %get3A_447 : vector<16xf32>
        %swap3A_449 = arith.index_cast %scan3A_76 : i32 to index
        %swap3A_450 = arith.constant 416 : index
        %swap3A_451 = tpu.vector_load %arg10[%swap3A_449, %swap3A_450] {strides = array<i32>} : memref<16x1024xf32, #tpu.memory_space<vmem>>, vector<1x16xf32>,
        %swap3A_452 = vector.shape_cast %swap3A_451 : vector<1x16xf32> to vector<16xf32>
        %swap3A_453 = vector.shape_cast %add3A_448 : vector<16xf32> to vector<1x16xf32>
        tpu.vector_store %arg10[%swap3A_449, %swap3A_450], %swap3A_453 {strides = array<i32>} : memref<16x1024xf32, #tpu.memory_space<vmem>>, vector<1x16xf32>,
        %get3A_454 = arith.index_cast %scan3A_76 : i32 to index
        %get3A_455 = arith.constant 432 : index
        %get3A_456 = tpu.vector_load %arg10[%get3A_454, %get3A_455] {strides = array<i32>} : memref<16x1024xf32, #tpu.memory_space<vmem>>, vector<1x16xf32>,
        %get3A_457 = vector.shape_cast %get3A_456 : vector<1x16xf32> to vector<16xf32>
        %get3A_458 = arith.index_cast %scan3A_76 : i32 to index
        %get3A_459 = arith.constant 432 : index
        %get3A_460 = tpu.vector_load %arg11[%get3A_458, %get3A_459] {strides = array<i32>} : memref<16x1024xf32, #tpu.memory_space<vmem>>, vector<1x16xf32>,
        %get3A_461 = vector.shape_cast %get3A_460 : vector<1x16xf32> to vector<16xf32>
        %add3A_462 = arith.addf %get3A_457, %get3A_461 : vector<16xf32>
        %swap3A_463 = arith.index_cast %scan3A_76 : i32 to index
        %swap3A_464 = arith.constant 432 : index
        %swap3A_465 = tpu.vector_load %arg10[%swap3A_463, %swap3A_464] {strides = array<i32>} : memref<16x1024xf32, #tpu.memory_space<vmem>>, vector<1x16xf32>,
        %swap3A_466 = vector.shape_cast %swap3A_465 : vector<1x16xf32> to vector<16xf32>
        %swap3A_467 = vector.shape_cast %add3A_462 : vector<16xf32> to vector<1x16xf32>
        tpu.vector_store %arg10[%swap3A_463, %swap3A_464], %swap3A_467 {strides = array<i32>} : memref<16x1024xf32, #tpu.memory_space<vmem>>, vector<1x16xf32>,
        %get3A_468 = arith.index_cast %scan3A_76 : i32 to index
        %get3A_469 = arith.constant 448 : index
        %get3A_470 = tpu.vector_load %arg10[%get3A_468, %get3A_469] {strides = array<i32>} : memref<16x1024xf32, #tpu.memory_space<vmem>>, vector<1x16xf32>,
        %get3A_471 = vector.shape_cast %get3A_470 : vector<1x16xf32> to vector<16xf32>
        %get3A_472 = arith.index_cast %scan3A_76 : i32 to index
        %get3A_473 = arith.constant 448 : index
        %get3A_474 = tpu.vector_load %arg11[%get3A_472, %get3A_473] {strides = array<i32>} : memref<16x1024xf32, #tpu.memory_space<vmem>>, vector<1x16xf32>,
        %get3A_475 = vector.shape_cast %get3A_474 : vector<1x16xf32> to vector<16xf32>
        %add3A_476 = arith.addf %get3A_471, %get3A_475 : vector<16xf32>
        %swap3A_477 = arith.index_cast %scan3A_76 : i32 to index
        %swap3A_478 = arith.constant 448 : index
        %swap3A_479 = tpu.vector_load %arg10[%swap3A_477, %swap3A_478] {strides = array<i32>} : memref<16x1024xf32, #tpu.memory_space<vmem>>, vector<1x16xf32>,
        %swap3A_480 = vector.shape_cast %swap3A_479 : vector<1x16xf32> to vector<16xf32>
        %swap3A_481 = vector.shape_cast %add3A_476 : vector<16xf32> to vector<1x16xf32>
        tpu.vector_store %arg10[%swap3A_477, %swap3A_478], %swap3A_481 {strides = array<i32>} : memref<16x1024xf32, #tpu.memory_space<vmem>>, vector<1x16xf32>,
        %get3A_482 = arith.index_cast %scan3A_76 : i32 to index
        %get3A_483 = arith.constant 464 : index
        %get3A_484 = tpu.vector_load %arg10[%get3A_482, %get3A_483] {strides = array<i32>} : memref<16x1024xf32, #tpu.memory_space<vmem>>, vector<1x16xf32>,
        %get3A_485 = vector.shape_cast %get3A_484 : vector<1x16xf32> to vector<16xf32>
        %get3A_486 = arith.index_cast %scan3A_76 : i32 to index
        %get3A_487 = arith.constant 464 : index
        %get3A_488 = tpu.vector_load %arg11[%get3A_486, %get3A_487] {strides = array<i32>} : memref<16x1024xf32, #tpu.memory_space<vmem>>, vector<1x16xf32>,
        %get3A_489 = vector.shape_cast %get3A_488 : vector<1x16xf32> to vector<16xf32>
        %add3A_490 = arith.addf %get3A_485, %get3A_489 : vector<16xf32>
        %swap3A_491 = arith.index_cast %scan3A_76 : i32 to index
        %swap3A_492 = arith.constant 464 : index
        %swap3A_493 = tpu.vector_load %arg10[%swap3A_491, %swap3A_492] {strides = array<i32>} : memref<16x1024xf32, #tpu.memory_space<vmem>>, vector<1x16xf32>,
        %swap3A_494 = vector.shape_cast %swap3A_493 : vector<1x16xf32> to vector<16xf32>
        %swap3A_495 = vector.shape_cast %add3A_490 : vector<16xf32> to vector<1x16xf32>
        tpu.vector_store %arg10[%swap3A_491, %swap3A_492], %swap3A_495 {strides = array<i32>} : memref<16x1024xf32, #tpu.memory_space<vmem>>, vector<1x16xf32>,
        %get3A_496 = arith.index_cast %scan3A_76 : i32 to index
        %get3A_497 = arith.constant 480 : index
        %get3A_498 = tpu.vector_load %arg10[%get3A_496, %get3A_497] {strides = array<i32>} : memref<16x1024xf32, #tpu.memory_space<vmem>>, vector<1x16xf32>,
        %get3A_499 = vector.shape_cast %get3A_498 : vector<1x16xf32> to vector<16xf32>
        %get3A_500 = arith.index_cast %scan3A_76 : i32 to index
        %get3A_501 = arith.constant 480 : index
        %get3A_502 = tpu.vector_load %arg11[%get3A_500, %get3A_501] {strides = array<i32>} : memref<16x1024xf32, #tpu.memory_space<vmem>>, vector<1x16xf32>,
        %get3A_503 = vector.shape_cast %get3A_502 : vector<1x16xf32> to vector<16xf32>
        %add3A_504 = arith.addf %get3A_499, %get3A_503 : vector<16xf32>
        %swap3A_505 = arith.index_cast %scan3A_76 : i32 to index
        %swap3A_506 = arith.constant 480 : index
        %swap3A_507 = tpu.vector_load %arg10[%swap3A_505, %swap3A_506] {strides = array<i32>} : memref<16x1024xf32, #tpu.memory_space<vmem>>, vector<1x16xf32>,
        %swap3A_508 = vector.shape_cast %swap3A_507 : vector<1x16xf32> to vector<16xf32>
        %swap3A_509 = vector.shape_cast %add3A_504 : vector<16xf32> to vector<1x16xf32>
        tpu.vector_store %arg10[%swap3A_505, %swap3A_506], %swap3A_509 {strides = array<i32>} : memref<16x1024xf32, #tpu.memory_space<vmem>>, vector<1x16xf32>,
        %get3A_510 = arith.index_cast %scan3A_76 : i32 to index
        %get3A_511 = arith.constant 496 : index
        %get3A_512 = tpu.vector_load %arg10[%get3A_510, %get3A_511] {strides = array<i32>} : memref<16x1024xf32, #tpu.memory_space<vmem>>, vector<1x16xf32>,
        %get3A_513 = vector.shape_cast %get3A_512 : vector<1x16xf32> to vector<16xf32>
        %get3A_514 = arith.index_cast %scan3A_76 : i32 to index
        %get3A_515 = arith.constant 496 : index
        %get3A_516 = tpu.vector_load %arg11[%get3A_514, %get3A_515] {strides = array<i32>} : memref<16x1024xf32, #tpu.memory_space<vmem>>, vector<1x16xf32>,
        %get3A_517 = vector.shape_cast %get3A_516 : vector<1x16xf32> to vector<16xf32>
        %add3A_518 = arith.addf %get3A_513, %get3A_517 : vector<16xf32>
        %swap3A_519 = arith.index_cast %scan3A_76 : i32 to index
        %swap3A_520 = arith.constant 496 : index
        %swap3A_521 = tpu.vector_load %arg10[%swap3A_519, %swap3A_520] {strides = array<i32>} : memref<16x1024xf32, #tpu.memory_space<vmem>>, vector<1x16xf32>,
        %swap3A_522 = vector.shape_cast %swap3A_521 : vector<1x16xf32> to vector<16xf32>
        %swap3A_523 = vector.shape_cast %add3A_518 : vector<16xf32> to vector<1x16xf32>
        tpu.vector_store %arg10[%swap3A_519, %swap3A_520], %swap3A_523 {strides = array<i32>} : memref<16x1024xf32, #tpu.memory_space<vmem>>, vector<1x16xf32>,
        %get3A_524 = arith.index_cast %scan3A_76 : i32 to index
        %get3A_525 = arith.constant 512 : index
        %get3A_526 = tpu.vector_load %arg10[%get3A_524, %get3A_525] {strides = array<i32>} : memref<16x1024xf32, #tpu.memory_space<vmem>>, vector<1x16xf32>,
        %get3A_527 = vector.shape_cast %get3A_526 : vector<1x16xf32> to vector<16xf32>
        %get3A_528 = arith.index_cast %scan3A_76 : i32 to index
        %get3A_529 = arith.constant 512 : index
        %get3A_530 = tpu.vector_load %arg11[%get3A_528, %get3A_529] {strides = array<i32>} : memref<16x1024xf32, #tpu.memory_space<vmem>>, vector<1x16xf32>,
        %get3A_531 = vector.shape_cast %get3A_530 : vector<1x16xf32> to vector<16xf32>
        %add3A_532 = arith.addf %get3A_527, %get3A_531 : vector<16xf32>
        %swap3A_533 = arith.index_cast %scan3A_76 : i32 to index
        %swap3A_534 = arith.constant 512 : index
        %swap3A_535 = tpu.vector_load %arg10[%swap3A_533, %swap3A_534] {strides = array<i32>} : memref<16x1024xf32, #tpu.memory_space<vmem>>, vector<1x16xf32>,
        %swap3A_536 = vector.shape_cast %swap3A_535 : vector<1x16xf32> to vector<16xf32>
        %swap3A_537 = vector.shape_cast %add3A_532 : vector<16xf32> to vector<1x16xf32>
        tpu.vector_store %arg10[%swap3A_533, %swap3A_534], %swap3A_537 {strides = array<i32>} : memref<16x1024xf32, #tpu.memory_space<vmem>>, vector<1x16xf32>,
        %get3A_538 = arith.index_cast %scan3A_76 : i32 to index
        %get3A_539 = arith.constant 528 : index
        %get3A_540 = tpu.vector_load %arg10[%get3A_538, %get3A_539] {strides = array<i32>} : memref<16x1024xf32, #tpu.memory_space<vmem>>, vector<1x16xf32>,
        %get3A_541 = vector.shape_cast %get3A_540 : vector<1x16xf32> to vector<16xf32>
        %get3A_542 = arith.index_cast %scan3A_76 : i32 to index
        %get3A_543 = arith.constant 528 : index
        %get3A_544 = tpu.vector_load %arg11[%get3A_542, %get3A_543] {strides = array<i32>} : memref<16x1024xf32, #tpu.memory_space<vmem>>, vector<1x16xf32>,
        %get3A_545 = vector.shape_cast %get3A_544 : vector<1x16xf32> to vector<16xf32>
        %add3A_546 = arith.addf %get3A_541, %get3A_545 : vector<16xf32>
        %swap3A_547 = arith.index_cast %scan3A_76 : i32 to index
        %swap3A_548 = arith.constant 528 : index
        %swap3A_549 = tpu.vector_load %arg10[%swap3A_547, %swap3A_548] {strides = array<i32>} : memref<16x1024xf32, #tpu.memory_space<vmem>>, vector<1x16xf32>,
        %swap3A_550 = vector.shape_cast %swap3A_549 : vector<1x16xf32> to vector<16xf32>
        %swap3A_551 = vector.shape_cast %add3A_546 : vector<16xf32> to vector<1x16xf32>
        tpu.vector_store %arg10[%swap3A_547, %swap3A_548], %swap3A_551 {strides = array<i32>} : memref<16x1024xf32, #tpu.memory_space<vmem>>, vector<1x16xf32>,
        %get3A_552 = arith.index_cast %scan3A_76 : i32 to index
        %get3A_553 = arith.constant 544 : index
        %get3A_554 = tpu.vector_load %arg10[%get3A_552, %get3A_553] {strides = array<i32>} : memref<16x1024xf32, #tpu.memory_space<vmem>>, vector<1x16xf32>,
        %get3A_555 = vector.shape_cast %get3A_554 : vector<1x16xf32> to vector<16xf32>
        %get3A_556 = arith.index_cast %scan3A_76 : i32 to index
        %get3A_557 = arith.constant 544 : index
        %get3A_558 = tpu.vector_load %arg11[%get3A_556, %get3A_557] {strides = array<i32>} : memref<16x1024xf32, #tpu.memory_space<vmem>>, vector<1x16xf32>,
        %get3A_559 = vector.shape_cast %get3A_558 : vector<1x16xf32> to vector<16xf32>
        %add3A_560 = arith.addf %get3A_555, %get3A_559 : vector<16xf32>
        %swap3A_561 = arith.index_cast %scan3A_76 : i32 to index
        %swap3A_562 = arith.constant 544 : index
        %swap3A_563 = tpu.vector_load %arg10[%swap3A_561, %swap3A_562] {strides = array<i32>} : memref<16x1024xf32, #tpu.memory_space<vmem>>, vector<1x16xf32>,
        %swap3A_564 = vector.shape_cast %swap3A_563 : vector<1x16xf32> to vector<16xf32>
        %swap3A_565 = vector.shape_cast %add3A_560 : vector<16xf32> to vector<1x16xf32>
        tpu.vector_store %arg10[%swap3A_561, %swap3A_562], %swap3A_565 {strides = array<i32>} : memref<16x1024xf32, #tpu.memory_space<vmem>>, vector<1x16xf32>,
        %get3A_566 = arith.index_cast %scan3A_76 : i32 to index
        %get3A_567 = arith.constant 560 : index
        %get3A_568 = tpu.vector_load %arg10[%get3A_566, %get3A_567] {strides = array<i32>} : memref<16x1024xf32, #tpu.memory_space<vmem>>, vector<1x16xf32>,
        %get3A_569 = vector.shape_cast %get3A_568 : vector<1x16xf32> to vector<16xf32>
        %get3A_570 = arith.index_cast %scan3A_76 : i32 to index
        %get3A_571 = arith.constant 560 : index
        %get3A_572 = tpu.vector_load %arg11[%get3A_570, %get3A_571] {strides = array<i32>} : memref<16x1024xf32, #tpu.memory_space<vmem>>, vector<1x16xf32>,
        %get3A_573 = vector.shape_cast %get3A_572 : vector<1x16xf32> to vector<16xf32>
        %add3A_574 = arith.addf %get3A_569, %get3A_573 : vector<16xf32>
        %swap3A_575 = arith.index_cast %scan3A_76 : i32 to index
        %swap3A_576 = arith.constant 560 : index
        %swap3A_577 = tpu.vector_load %arg10[%swap3A_575, %swap3A_576] {strides = array<i32>} : memref<16x1024xf32, #tpu.memory_space<vmem>>, vector<1x16xf32>,
        %swap3A_578 = vector.shape_cast %swap3A_577 : vector<1x16xf32> to vector<16xf32>
        %swap3A_579 = vector.shape_cast %add3A_574 : vector<16xf32> to vector<1x16xf32>
        tpu.vector_store %arg10[%swap3A_575, %swap3A_576], %swap3A_579 {strides = array<i32>} : memref<16x1024xf32, #tpu.memory_space<vmem>>, vector<1x16xf32>,
        %get3A_580 = arith.index_cast %scan3A_76 : i32 to index
        %get3A_581 = arith.constant 576 : index
        %get3A_582 = tpu.vector_load %arg10[%get3A_580, %get3A_581] {strides = array<i32>} : memref<16x1024xf32, #tpu.memory_space<vmem>>, vector<1x16xf32>,
        %get3A_583 = vector.shape_cast %get3A_582 : vector<1x16xf32> to vector<16xf32>
        %get3A_584 = arith.index_cast %scan3A_76 : i32 to index
        %get3A_585 = arith.constant 576 : index
        %get3A_586 = tpu.vector_load %arg11[%get3A_584, %get3A_585] {strides = array<i32>} : memref<16x1024xf32, #tpu.memory_space<vmem>>, vector<1x16xf32>,
        %get3A_587 = vector.shape_cast %get3A_586 : vector<1x16xf32> to vector<16xf32>
        %add3A_588 = arith.addf %get3A_583, %get3A_587 : vector<16xf32>
        %swap3A_589 = arith.index_cast %scan3A_76 : i32 to index
        %swap3A_590 = arith.constant 576 : index
        %swap3A_591 = tpu.vector_load %arg10[%swap3A_589, %swap3A_590] {strides = array<i32>} : memref<16x1024xf32, #tpu.memory_space<vmem>>, vector<1x16xf32>,
        %swap3A_592 = vector.shape_cast %swap3A_591 : vector<1x16xf32> to vector<16xf32>
        %swap3A_593 = vector.shape_cast %add3A_588 : vector<16xf32> to vector<1x16xf32>
        tpu.vector_store %arg10[%swap3A_589, %swap3A_590], %swap3A_593 {strides = array<i32>} : memref<16x1024xf32, #tpu.memory_space<vmem>>, vector<1x16xf32>,
        %get3A_594 = arith.index_cast %scan3A_76 : i32 to index
        %get3A_595 = arith.constant 592 : index
        %get3A_596 = tpu.vector_load %arg10[%get3A_594, %get3A_595] {strides = array<i32>} : memref<16x1024xf32, #tpu.memory_space<vmem>>, vector<1x16xf32>,
        %get3A_597 = vector.shape_cast %get3A_596 : vector<1x16xf32> to vector<16xf32>
        %get3A_598 = arith.index_cast %scan3A_76 : i32 to index
        %get3A_599 = arith.constant 592 : index
        %get3A_600 = tpu.vector_load %arg11[%get3A_598, %get3A_599] {strides = array<i32>} : memref<16x1024xf32, #tpu.memory_space<vmem>>, vector<1x16xf32>,
        %get3A_601 = vector.shape_cast %get3A_600 : vector<1x16xf32> to vector<16xf32>
        %add3A_602 = arith.addf %get3A_597, %get3A_601 : vector<16xf32>
        %swap3A_603 = arith.index_cast %scan3A_76 : i32 to index
        %swap3A_604 = arith.constant 592 : index
        %swap3A_605 = tpu.vector_load %arg10[%swap3A_603, %swap3A_604] {strides = array<i32>} : memref<16x1024xf32, #tpu.memory_space<vmem>>, vector<1x16xf32>,
        %swap3A_606 = vector.shape_cast %swap3A_605 : vector<1x16xf32> to vector<16xf32>
        %swap3A_607 = vector.shape_cast %add3A_602 : vector<16xf32> to vector<1x16xf32>
        tpu.vector_store %arg10[%swap3A_603, %swap3A_604], %swap3A_607 {strides = array<i32>} : memref<16x1024xf32, #tpu.memory_space<vmem>>, vector<1x16xf32>,
        %get3A_608 = arith.index_cast %scan3A_76 : i32 to index
        %get3A_609 = arith.constant 608 : index
        %get3A_610 = tpu.vector_load %arg10[%get3A_608, %get3A_609] {strides = array<i32>} : memref<16x1024xf32, #tpu.memory_space<vmem>>, vector<1x16xf32>,
        %get3A_611 = vector.shape_cast %get3A_610 : vector<1x16xf32> to vector<16xf32>
        %get3A_612 = arith.index_cast %scan3A_76 : i32 to index
        %get3A_613 = arith.constant 608 : index
        %get3A_614 = tpu.vector_load %arg11[%get3A_612, %get3A_613] {strides = array<i32>} : memref<16x1024xf32, #tpu.memory_space<vmem>>, vector<1x16xf32>,
        %get3A_615 = vector.shape_cast %get3A_614 : vector<1x16xf32> to vector<16xf32>
        %add3A_616 = arith.addf %get3A_611, %get3A_615 : vector<16xf32>
        %swap3A_617 = arith.index_cast %scan3A_76 : i32 to index
        %swap3A_618 = arith.constant 608 : index
        %swap3A_619 = tpu.vector_load %arg10[%swap3A_617, %swap3A_618] {strides = array<i32>} : memref<16x1024xf32, #tpu.memory_space<vmem>>, vector<1x16xf32>,
        %swap3A_620 = vector.shape_cast %swap3A_619 : vector<1x16xf32> to vector<16xf32>
        %swap3A_621 = vector.shape_cast %add3A_616 : vector<16xf32> to vector<1x16xf32>
        tpu.vector_store %arg10[%swap3A_617, %swap3A_618], %swap3A_621 {strides = array<i32>} : memref<16x1024xf32, #tpu.memory_space<vmem>>, vector<1x16xf32>,
        %get3A_622 = arith.index_cast %scan3A_76 : i32 to index
        %get3A_623 = arith.constant 624 : index
        %get3A_624 = tpu.vector_load %arg10[%get3A_622, %get3A_623] {strides = array<i32>} : memref<16x1024xf32, #tpu.memory_space<vmem>>, vector<1x16xf32>,
        %get3A_625 = vector.shape_cast %get3A_624 : vector<1x16xf32> to vector<16xf32>
        %get3A_626 = arith.index_cast %scan3A_76 : i32 to index
        %get3A_627 = arith.constant 624 : index
        %get3A_628 = tpu.vector_load %arg11[%get3A_626, %get3A_627] {strides = array<i32>} : memref<16x1024xf32, #tpu.memory_space<vmem>>, vector<1x16xf32>,
        %get3A_629 = vector.shape_cast %get3A_628 : vector<1x16xf32> to vector<16xf32>
        %add3A_630 = arith.addf %get3A_625, %get3A_629 : vector<16xf32>
        %swap3A_631 = arith.index_cast %scan3A_76 : i32 to index
        %swap3A_632 = arith.constant 624 : index
        %swap3A_633 = tpu.vector_load %arg10[%swap3A_631, %swap3A_632] {strides = array<i32>} : memref<16x1024xf32, #tpu.memory_space<vmem>>, vector<1x16xf32>,
        %swap3A_634 = vector.shape_cast %swap3A_633 : vector<1x16xf32> to vector<16xf32>
        %swap3A_635 = vector.shape_cast %add3A_630 : vector<16xf32> to vector<1x16xf32>
        tpu.vector_store %arg10[%swap3A_631, %swap3A_632], %swap3A_635 {strides = array<i32>} : memref<16x1024xf32, #tpu.memory_space<vmem>>, vector<1x16xf32>,
        %get3A_636 = arith.index_cast %scan3A_76 : i32 to index
        %get3A_637 = arith.constant 640 : index
        %get3A_638 = tpu.vector_load %arg10[%get3A_636, %get3A_637] {strides = array<i32>} : memref<16x1024xf32, #tpu.memory_space<vmem>>, vector<1x16xf32>,
        %get3A_639 = vector.shape_cast %get3A_638 : vector<1x16xf32> to vector<16xf32>
        %get3A_640 = arith.index_cast %scan3A_76 : i32 to index
        %get3A_641 = arith.constant 640 : index
        %get3A_642 = tpu.vector_load %arg11[%get3A_640, %get3A_641] {strides = array<i32>} : memref<16x1024xf32, #tpu.memory_space<vmem>>, vector<1x16xf32>,
        %get3A_643 = vector.shape_cast %get3A_642 : vector<1x16xf32> to vector<16xf32>
        %add3A_644 = arith.addf %get3A_639, %get3A_643 : vector<16xf32>
        %swap3A_645 = arith.index_cast %scan3A_76 : i32 to index
        %swap3A_646 = arith.constant 640 : index
        %swap3A_647 = tpu.vector_load %arg10[%swap3A_645, %swap3A_646] {strides = array<i32>} : memref<16x1024xf32, #tpu.memory_space<vmem>>, vector<1x16xf32>,
        %swap3A_648 = vector.shape_cast %swap3A_647 : vector<1x16xf32> to vector<16xf32>
        %swap3A_649 = vector.shape_cast %add3A_644 : vector<16xf32> to vector<1x16xf32>
        tpu.vector_store %arg10[%swap3A_645, %swap3A_646], %swap3A_649 {strides = array<i32>} : memref<16x1024xf32, #tpu.memory_space<vmem>>, vector<1x16xf32>,
        %get3A_650 = arith.index_cast %scan3A_76 : i32 to index
        %get3A_651 = arith.constant 656 : index
        %get3A_652 = tpu.vector_load %arg10[%get3A_650, %get3A_651] {strides = array<i32>} : memref<16x1024xf32, #tpu.memory_space<vmem>>, vector<1x16xf32>,
        %get3A_653 = vector.shape_cast %get3A_652 : vector<1x16xf32> to vector<16xf32>
        %get3A_654 = arith.index_cast %scan3A_76 : i32 to index
        %get3A_655 = arith.constant 656 : index
        %get3A_656 = tpu.vector_load %arg11[%get3A_654, %get3A_655] {strides = array<i32>} : memref<16x1024xf32, #tpu.memory_space<vmem>>, vector<1x16xf32>,
        %get3A_657 = vector.shape_cast %get3A_656 : vector<1x16xf32> to vector<16xf32>
        %add3A_658 = arith.addf %get3A_653, %get3A_657 : vector<16xf32>
        %swap3A_659 = arith.index_cast %scan3A_76 : i32 to index
        %swap3A_660 = arith.constant 656 : index
        %swap3A_661 = tpu.vector_load %arg10[%swap3A_659, %swap3A_660] {strides = array<i32>} : memref<16x1024xf32, #tpu.memory_space<vmem>>, vector<1x16xf32>,
        %swap3A_662 = vector.shape_cast %swap3A_661 : vector<1x16xf32> to vector<16xf32>
        %swap3A_663 = vector.shape_cast %add3A_658 : vector<16xf32> to vector<1x16xf32>
        tpu.vector_store %arg10[%swap3A_659, %swap3A_660], %swap3A_663 {strides = array<i32>} : memref<16x1024xf32, #tpu.memory_space<vmem>>, vector<1x16xf32>,
        %get3A_664 = arith.index_cast %scan3A_76 : i32 to index
        %get3A_665 = arith.constant 672 : index
        %get3A_666 = tpu.vector_load %arg10[%get3A_664, %get3A_665] {strides = array<i32>} : memref<16x1024xf32, #tpu.memory_space<vmem>>, vector<1x16xf32>,
        %get3A_667 = vector.shape_cast %get3A_666 : vector<1x16xf32> to vector<16xf32>
        %get3A_668 = arith.index_cast %scan3A_76 : i32 to index
        %get3A_669 = arith.constant 672 : index
        %get3A_670 = tpu.vector_load %arg11[%get3A_668, %get3A_669] {strides = array<i32>} : memref<16x1024xf32, #tpu.memory_space<vmem>>, vector<1x16xf32>,
        %get3A_671 = vector.shape_cast %get3A_670 : vector<1x16xf32> to vector<16xf32>
        %add3A_672 = arith.addf %get3A_667, %get3A_671 : vector<16xf32>
        %swap3A_673 = arith.index_cast %scan3A_76 : i32 to index
        %swap3A_674 = arith.constant 672 : index
        %swap3A_675 = tpu.vector_load %arg10[%swap3A_673, %swap3A_674] {strides = array<i32>} : memref<16x1024xf32, #tpu.memory_space<vmem>>, vector<1x16xf32>,
        %swap3A_676 = vector.shape_cast %swap3A_675 : vector<1x16xf32> to vector<16xf32>
        %swap3A_677 = vector.shape_cast %add3A_672 : vector<16xf32> to vector<1x16xf32>
        tpu.vector_store %arg10[%swap3A_673, %swap3A_674], %swap3A_677 {strides = array<i32>} : memref<16x1024xf32, #tpu.memory_space<vmem>>, vector<1x16xf32>,
        %get3A_678 = arith.index_cast %scan3A_76 : i32 to index
        %get3A_679 = arith.constant 688 : index
        %get3A_680 = tpu.vector_load %arg10[%get3A_678, %get3A_679] {strides = array<i32>} : memref<16x1024xf32, #tpu.memory_space<vmem>>, vector<1x16xf32>,
        %get3A_681 = vector.shape_cast %get3A_680 : vector<1x16xf32> to vector<16xf32>
        %get3A_682 = arith.index_cast %scan3A_76 : i32 to index
        %get3A_683 = arith.constant 688 : index
        %get3A_684 = tpu.vector_load %arg11[%get3A_682, %get3A_683] {strides = array<i32>} : memref<16x1024xf32, #tpu.memory_space<vmem>>, vector<1x16xf32>,
        %get3A_685 = vector.shape_cast %get3A_684 : vector<1x16xf32> to vector<16xf32>
        %add3A_686 = arith.addf %get3A_681, %get3A_685 : vector<16xf32>
        %swap3A_687 = arith.index_cast %scan3A_76 : i32 to index
        %swap3A_688 = arith.constant 688 : index
        %swap3A_689 = tpu.vector_load %arg10[%swap3A_687, %swap3A_688] {strides = array<i32>} : memref<16x1024xf32, #tpu.memory_space<vmem>>, vector<1x16xf32>,
        %swap3A_690 = vector.shape_cast %swap3A_689 : vector<1x16xf32> to vector<16xf32>
        %swap3A_691 = vector.shape_cast %add3A_686 : vector<16xf32> to vector<1x16xf32>
        tpu.vector_store %arg10[%swap3A_687, %swap3A_688], %swap3A_691 {strides = array<i32>} : memref<16x1024xf32, #tpu.memory_space<vmem>>, vector<1x16xf32>,
        %get3A_692 = arith.index_cast %scan3A_76 : i32 to index
        %get3A_693 = arith.constant 704 : index
        %get3A_694 = tpu.vector_load %arg10[%get3A_692, %get3A_693] {strides = array<i32>} : memref<16x1024xf32, #tpu.memory_space<vmem>>, vector<1x16xf32>,
        %get3A_695 = vector.shape_cast %get3A_694 : vector<1x16xf32> to vector<16xf32>
        %get3A_696 = arith.index_cast %scan3A_76 : i32 to index
        %get3A_697 = arith.constant 704 : index
        %get3A_698 = tpu.vector_load %arg11[%get3A_696, %get3A_697] {strides = array<i32>} : memref<16x1024xf32, #tpu.memory_space<vmem>>, vector<1x16xf32>,
        %get3A_699 = vector.shape_cast %get3A_698 : vector<1x16xf32> to vector<16xf32>
        %add3A_700 = arith.addf %get3A_695, %get3A_699 : vector<16xf32>
        %swap3A_701 = arith.index_cast %scan3A_76 : i32 to index
        %swap3A_702 = arith.constant 704 : index
        %swap3A_703 = tpu.vector_load %arg10[%swap3A_701, %swap3A_702] {strides = array<i32>} : memref<16x1024xf32, #tpu.memory_space<vmem>>, vector<1x16xf32>,
        %swap3A_704 = vector.shape_cast %swap3A_703 : vector<1x16xf32> to vector<16xf32>
        %swap3A_705 = vector.shape_cast %add3A_700 : vector<16xf32> to vector<1x16xf32>
        tpu.vector_store %arg10[%swap3A_701, %swap3A_702], %swap3A_705 {strides = array<i32>} : memref<16x1024xf32, #tpu.memory_space<vmem>>, vector<1x16xf32>,
        %get3A_706 = arith.index_cast %scan3A_76 : i32 to index
        %get3A_707 = arith.constant 720 : index
        %get3A_708 = tpu.vector_load %arg10[%get3A_706, %get3A_707] {strides = array<i32>} : memref<16x1024xf32, #tpu.memory_space<vmem>>, vector<1x16xf32>,
        %get3A_709 = vector.shape_cast %get3A_708 : vector<1x16xf32> to vector<16xf32>
        %get3A_710 = arith.index_cast %scan3A_76 : i32 to index
        %get3A_711 = arith.constant 720 : index
        %get3A_712 = tpu.vector_load %arg11[%get3A_710, %get3A_711] {strides = array<i32>} : memref<16x1024xf32, #tpu.memory_space<vmem>>, vector<1x16xf32>,
        %get3A_713 = vector.shape_cast %get3A_712 : vector<1x16xf32> to vector<16xf32>
        %add3A_714 = arith.addf %get3A_709, %get3A_713 : vector<16xf32>
        %swap3A_715 = arith.index_cast %scan3A_76 : i32 to index
        %swap3A_716 = arith.constant 720 : index
        %swap3A_717 = tpu.vector_load %arg10[%swap3A_715, %swap3A_716] {strides = array<i32>} : memref<16x1024xf32, #tpu.memory_space<vmem>>, vector<1x16xf32>,
        %swap3A_718 = vector.shape_cast %swap3A_717 : vector<1x16xf32> to vector<16xf32>
        %swap3A_719 = vector.shape_cast %add3A_714 : vector<16xf32> to vector<1x16xf32>
        tpu.vector_store %arg10[%swap3A_715, %swap3A_716], %swap3A_719 {strides = array<i32>} : memref<16x1024xf32, #tpu.memory_space<vmem>>, vector<1x16xf32>,
        %get3A_720 = arith.index_cast %scan3A_76 : i32 to index
        %get3A_721 = arith.constant 736 : index
        %get3A_722 = tpu.vector_load %arg10[%get3A_720, %get3A_721] {strides = array<i32>} : memref<16x1024xf32, #tpu.memory_space<vmem>>, vector<1x16xf32>,
        %get3A_723 = vector.shape_cast %get3A_722 : vector<1x16xf32> to vector<16xf32>
        %get3A_724 = arith.index_cast %scan3A_76 : i32 to index
        %get3A_725 = arith.constant 736 : index
        %get3A_726 = tpu.vector_load %arg11[%get3A_724, %get3A_725] {strides = array<i32>} : memref<16x1024xf32, #tpu.memory_space<vmem>>, vector<1x16xf32>,
        %get3A_727 = vector.shape_cast %get3A_726 : vector<1x16xf32> to vector<16xf32>
        %add3A_728 = arith.addf %get3A_723, %get3A_727 : vector<16xf32>
        %swap3A_729 = arith.index_cast %scan3A_76 : i32 to index
        %swap3A_730 = arith.constant 736 : index
        %swap3A_731 = tpu.vector_load %arg10[%swap3A_729, %swap3A_730] {strides = array<i32>} : memref<16x1024xf32, #tpu.memory_space<vmem>>, vector<1x16xf32>,
        %swap3A_732 = vector.shape_cast %swap3A_731 : vector<1x16xf32> to vector<16xf32>
        %swap3A_733 = vector.shape_cast %add3A_728 : vector<16xf32> to vector<1x16xf32>
        tpu.vector_store %arg10[%swap3A_729, %swap3A_730], %swap3A_733 {strides = array<i32>} : memref<16x1024xf32, #tpu.memory_space<vmem>>, vector<1x16xf32>,
        %get3A_734 = arith.index_cast %scan3A_76 : i32 to index
        %get3A_735 = arith.constant 752 : index
        %get3A_736 = tpu.vector_load %arg10[%get3A_734, %get3A_735] {strides = array<i32>} : memref<16x1024xf32, #tpu.memory_space<vmem>>, vector<1x16xf32>,
        %get3A_737 = vector.shape_cast %get3A_736 : vector<1x16xf32> to vector<16xf32>
        %get3A_738 = arith.index_cast %scan3A_76 : i32 to index
        %get3A_739 = arith.constant 752 : index
        %get3A_740 = tpu.vector_load %arg11[%get3A_738, %get3A_739] {strides = array<i32>} : memref<16x1024xf32, #tpu.memory_space<vmem>>, vector<1x16xf32>,
        %get3A_741 = vector.shape_cast %get3A_740 : vector<1x16xf32> to vector<16xf32>
        %add3A_742 = arith.addf %get3A_737, %get3A_741 : vector<16xf32>
        %swap3A_743 = arith.index_cast %scan3A_76 : i32 to index
        %swap3A_744 = arith.constant 752 : index
        %swap3A_745 = tpu.vector_load %arg10[%swap3A_743, %swap3A_744] {strides = array<i32>} : memref<16x1024xf32, #tpu.memory_space<vmem>>, vector<1x16xf32>,
        %swap3A_746 = vector.shape_cast %swap3A_745 : vector<1x16xf32> to vector<16xf32>
        %swap3A_747 = vector.shape_cast %add3A_742 : vector<16xf32> to vector<1x16xf32>
        tpu.vector_store %arg10[%swap3A_743, %swap3A_744], %swap3A_747 {strides = array<i32>} : memref<16x1024xf32, #tpu.memory_space<vmem>>, vector<1x16xf32>,
        %get3A_748 = arith.index_cast %scan3A_76 : i32 to index
        %get3A_749 = arith.constant 768 : index
        %get3A_750 = tpu.vector_load %arg10[%get3A_748, %get3A_749] {strides = array<i32>} : memref<16x1024xf32, #tpu.memory_space<vmem>>, vector<1x16xf32>,
        %get3A_751 = vector.shape_cast %get3A_750 : vector<1x16xf32> to vector<16xf32>
        %get3A_752 = arith.index_cast %scan3A_76 : i32 to index
        %get3A_753 = arith.constant 768 : index
        %get3A_754 = tpu.vector_load %arg11[%get3A_752, %get3A_753] {strides = array<i32>} : memref<16x1024xf32, #tpu.memory_space<vmem>>, vector<1x16xf32>,
        %get3A_755 = vector.shape_cast %get3A_754 : vector<1x16xf32> to vector<16xf32>
        %add3A_756 = arith.addf %get3A_751, %get3A_755 : vector<16xf32>
        %swap3A_757 = arith.index_cast %scan3A_76 : i32 to index
        %swap3A_758 = arith.constant 768 : index
        %swap3A_759 = tpu.vector_load %arg10[%swap3A_757, %swap3A_758] {strides = array<i32>} : memref<16x1024xf32, #tpu.memory_space<vmem>>, vector<1x16xf32>,
        %swap3A_760 = vector.shape_cast %swap3A_759 : vector<1x16xf32> to vector<16xf32>
        %swap3A_761 = vector.shape_cast %add3A_756 : vector<16xf32> to vector<1x16xf32>
        tpu.vector_store %arg10[%swap3A_757, %swap3A_758], %swap3A_761 {strides = array<i32>} : memref<16x1024xf32, #tpu.memory_space<vmem>>, vector<1x16xf32>,
        %get3A_762 = arith.index_cast %scan3A_76 : i32 to index
        %get3A_763 = arith.constant 784 : index
        %get3A_764 = tpu.vector_load %arg10[%get3A_762, %get3A_763] {strides = array<i32>} : memref<16x1024xf32, #tpu.memory_space<vmem>>, vector<1x16xf32>,
        %get3A_765 = vector.shape_cast %get3A_764 : vector<1x16xf32> to vector<16xf32>
        %get3A_766 = arith.index_cast %scan3A_76 : i32 to index
        %get3A_767 = arith.constant 784 : index
        %get3A_768 = tpu.vector_load %arg11[%get3A_766, %get3A_767] {strides = array<i32>} : memref<16x1024xf32, #tpu.memory_space<vmem>>, vector<1x16xf32>,
        %get3A_769 = vector.shape_cast %get3A_768 : vector<1x16xf32> to vector<16xf32>
        %add3A_770 = arith.addf %get3A_765, %get3A_769 : vector<16xf32>
        %swap3A_771 = arith.index_cast %scan3A_76 : i32 to index
        %swap3A_772 = arith.constant 784 : index
        %swap3A_773 = tpu.vector_load %arg10[%swap3A_771, %swap3A_772] {strides = array<i32>} : memref<16x1024xf32, #tpu.memory_space<vmem>>, vector<1x16xf32>,
        %swap3A_774 = vector.shape_cast %swap3A_773 : vector<1x16xf32> to vector<16xf32>
        %swap3A_775 = vector.shape_cast %add3A_770 : vector<16xf32> to vector<1x16xf32>
        tpu.vector_store %arg10[%swap3A_771, %swap3A_772], %swap3A_775 {strides = array<i32>} : memref<16x1024xf32, #tpu.memory_space<vmem>>, vector<1x16xf32>,
        %get3A_776 = arith.index_cast %scan3A_76 : i32 to index
        %get3A_777 = arith.constant 800 : index
        %get3A_778 = tpu.vector_load %arg10[%get3A_776, %get3A_777] {strides = array<i32>} : memref<16x1024xf32, #tpu.memory_space<vmem>>, vector<1x16xf32>,
        %get3A_779 = vector.shape_cast %get3A_778 : vector<1x16xf32> to vector<16xf32>
        %get3A_780 = arith.index_cast %scan3A_76 : i32 to index
        %get3A_781 = arith.constant 800 : index
        %get3A_782 = tpu.vector_load %arg11[%get3A_780, %get3A_781] {strides = array<i32>} : memref<16x1024xf32, #tpu.memory_space<vmem>>, vector<1x16xf32>,
        %get3A_783 = vector.shape_cast %get3A_782 : vector<1x16xf32> to vector<16xf32>
        %add3A_784 = arith.addf %get3A_779, %get3A_783 : vector<16xf32>
        %swap3A_785 = arith.index_cast %scan3A_76 : i32 to index
        %swap3A_786 = arith.constant 800 : index
        %swap3A_787 = tpu.vector_load %arg10[%swap3A_785, %swap3A_786] {strides = array<i32>} : memref<16x1024xf32, #tpu.memory_space<vmem>>, vector<1x16xf32>,
        %swap3A_788 = vector.shape_cast %swap3A_787 : vector<1x16xf32> to vector<16xf32>
        %swap3A_789 = vector.shape_cast %add3A_784 : vector<16xf32> to vector<1x16xf32>
        tpu.vector_store %arg10[%swap3A_785, %swap3A_786], %swap3A_789 {strides = array<i32>} : memref<16x1024xf32, #tpu.memory_space<vmem>>, vector<1x16xf32>,
        %get3A_790 = arith.index_cast %scan3A_76 : i32 to index
        %get3A_791 = arith.constant 816 : index
        %get3A_792 = tpu.vector_load %arg10[%get3A_790, %get3A_791] {strides = array<i32>} : memref<16x1024xf32, #tpu.memory_space<vmem>>, vector<1x16xf32>,
        %get3A_793 = vector.shape_cast %get3A_792 : vector<1x16xf32> to vector<16xf32>
        %get3A_794 = arith.index_cast %scan3A_76 : i32 to index
        %get3A_795 = arith.constant 816 : index
        %get3A_796 = tpu.vector_load %arg11[%get3A_794, %get3A_795] {strides = array<i32>} : memref<16x1024xf32, #tpu.memory_space<vmem>>, vector<1x16xf32>,
        %get3A_797 = vector.shape_cast %get3A_796 : vector<1x16xf32> to vector<16xf32>
        %add3A_798 = arith.addf %get3A_793, %get3A_797 : vector<16xf32>
        %swap3A_799 = arith.index_cast %scan3A_76 : i32 to index
        %swap3A_800 = arith.constant 816 : index
        %swap3A_801 = tpu.vector_load %arg10[%swap3A_799, %swap3A_800] {strides = array<i32>} : memref<16x1024xf32, #tpu.memory_space<vmem>>, vector<1x16xf32>,
        %swap3A_802 = vector.shape_cast %swap3A_801 : vector<1x16xf32> to vector<16xf32>
        %swap3A_803 = vector.shape_cast %add3A_798 : vector<16xf32> to vector<1x16xf32>
        tpu.vector_store %arg10[%swap3A_799, %swap3A_800], %swap3A_803 {strides = array<i32>} : memref<16x1024xf32, #tpu.memory_space<vmem>>, vector<1x16xf32>,
        %get3A_804 = arith.index_cast %scan3A_76 : i32 to index
        %get3A_805 = arith.constant 832 : index
        %get3A_806 = tpu.vector_load %arg10[%get3A_804, %get3A_805] {strides = array<i32>} : memref<16x1024xf32, #tpu.memory_space<vmem>>, vector<1x16xf32>,
        %get3A_807 = vector.shape_cast %get3A_806 : vector<1x16xf32> to vector<16xf32>
        %get3A_808 = arith.index_cast %scan3A_76 : i32 to index
        %get3A_809 = arith.constant 832 : index
        %get3A_810 = tpu.vector_load %arg11[%get3A_808, %get3A_809] {strides = array<i32>} : memref<16x1024xf32, #tpu.memory_space<vmem>>, vector<1x16xf32>,
        %get3A_811 = vector.shape_cast %get3A_810 : vector<1x16xf32> to vector<16xf32>
        %add3A_812 = arith.addf %get3A_807, %get3A_811 : vector<16xf32>
        %swap3A_813 = arith.index_cast %scan3A_76 : i32 to index
        %swap3A_814 = arith.constant 832 : index
        %swap3A_815 = tpu.vector_load %arg10[%swap3A_813, %swap3A_814] {strides = array<i32>} : memref<16x1024xf32, #tpu.memory_space<vmem>>, vector<1x16xf32>,
        %swap3A_816 = vector.shape_cast %swap3A_815 : vector<1x16xf32> to vector<16xf32>
        %swap3A_817 = vector.shape_cast %add3A_812 : vector<16xf32> to vector<1x16xf32>
        tpu.vector_store %arg10[%swap3A_813, %swap3A_814], %swap3A_817 {strides = array<i32>} : memref<16x1024xf32, #tpu.memory_space<vmem>>, vector<1x16xf32>,
        %get3A_818 = arith.index_cast %scan3A_76 : i32 to index
        %get3A_819 = arith.constant 848 : index
        %get3A_820 = tpu.vector_load %arg10[%get3A_818, %get3A_819] {strides = array<i32>} : memref<16x1024xf32, #tpu.memory_space<vmem>>, vector<1x16xf32>,
        %get3A_821 = vector.shape_cast %get3A_820 : vector<1x16xf32> to vector<16xf32>
        %get3A_822 = arith.index_cast %scan3A_76 : i32 to index
        %get3A_823 = arith.constant 848 : index
        %get3A_824 = tpu.vector_load %arg11[%get3A_822, %get3A_823] {strides = array<i32>} : memref<16x1024xf32, #tpu.memory_space<vmem>>, vector<1x16xf32>,
        %get3A_825 = vector.shape_cast %get3A_824 : vector<1x16xf32> to vector<16xf32>
        %add3A_826 = arith.addf %get3A_821, %get3A_825 : vector<16xf32>
        %swap3A_827 = arith.index_cast %scan3A_76 : i32 to index
        %swap3A_828 = arith.constant 848 : index
        %swap3A_829 = tpu.vector_load %arg10[%swap3A_827, %swap3A_828] {strides = array<i32>} : memref<16x1024xf32, #tpu.memory_space<vmem>>, vector<1x16xf32>,
        %swap3A_830 = vector.shape_cast %swap3A_829 : vector<1x16xf32> to vector<16xf32>
        %swap3A_831 = vector.shape_cast %add3A_826 : vector<16xf32> to vector<1x16xf32>
        tpu.vector_store %arg10[%swap3A_827, %swap3A_828], %swap3A_831 {strides = array<i32>} : memref<16x1024xf32, #tpu.memory_space<vmem>>, vector<1x16xf32>,
        %get3A_832 = arith.index_cast %scan3A_76 : i32 to index
        %get3A_833 = arith.constant 864 : index
        %get3A_834 = tpu.vector_load %arg10[%get3A_832, %get3A_833] {strides = array<i32>} : memref<16x1024xf32, #tpu.memory_space<vmem>>, vector<1x16xf32>,
        %get3A_835 = vector.shape_cast %get3A_834 : vector<1x16xf32> to vector<16xf32>
        %get3A_836 = arith.index_cast %scan3A_76 : i32 to index
        %get3A_837 = arith.constant 864 : index
        %get3A_838 = tpu.vector_load %arg11[%get3A_836, %get3A_837] {strides = array<i32>} : memref<16x1024xf32, #tpu.memory_space<vmem>>, vector<1x16xf32>,
        %get3A_839 = vector.shape_cast %get3A_838 : vector<1x16xf32> to vector<16xf32>
        %add3A_840 = arith.addf %get3A_835, %get3A_839 : vector<16xf32>
        %swap3A_841 = arith.index_cast %scan3A_76 : i32 to index
        %swap3A_842 = arith.constant 864 : index
        %swap3A_843 = tpu.vector_load %arg10[%swap3A_841, %swap3A_842] {strides = array<i32>} : memref<16x1024xf32, #tpu.memory_space<vmem>>, vector<1x16xf32>,
        %swap3A_844 = vector.shape_cast %swap3A_843 : vector<1x16xf32> to vector<16xf32>
        %swap3A_845 = vector.shape_cast %add3A_840 : vector<16xf32> to vector<1x16xf32>
        tpu.vector_store %arg10[%swap3A_841, %swap3A_842], %swap3A_845 {strides = array<i32>} : memref<16x1024xf32, #tpu.memory_space<vmem>>, vector<1x16xf32>,
        %get3A_846 = arith.index_cast %scan3A_76 : i32 to index
        %get3A_847 = arith.constant 880 : index
        %get3A_848 = tpu.vector_load %arg10[%get3A_846, %get3A_847] {strides = array<i32>} : memref<16x1024xf32, #tpu.memory_space<vmem>>, vector<1x16xf32>,
        %get3A_849 = vector.shape_cast %get3A_848 : vector<1x16xf32> to vector<16xf32>
        %get3A_850 = arith.index_cast %scan3A_76 : i32 to index
        %get3A_851 = arith.constant 880 : index
        %get3A_852 = tpu.vector_load %arg11[%get3A_850, %get3A_851] {strides = array<i32>} : memref<16x1024xf32, #tpu.memory_space<vmem>>, vector<1x16xf32>,
        %get3A_853 = vector.shape_cast %get3A_852 : vector<1x16xf32> to vector<16xf32>
        %add3A_854 = arith.addf %get3A_849, %get3A_853 : vector<16xf32>
        %swap3A_855 = arith.index_cast %scan3A_76 : i32 to index
        %swap3A_856 = arith.constant 880 : index
        %swap3A_857 = tpu.vector_load %arg10[%swap3A_855, %swap3A_856] {strides = array<i32>} : memref<16x1024xf32, #tpu.memory_space<vmem>>, vector<1x16xf32>,
        %swap3A_858 = vector.shape_cast %swap3A_857 : vector<1x16xf32> to vector<16xf32>
        %swap3A_859 = vector.shape_cast %add3A_854 : vector<16xf32> to vector<1x16xf32>
        tpu.vector_store %arg10[%swap3A_855, %swap3A_856], %swap3A_859 {strides = array<i32>} : memref<16x1024xf32, #tpu.memory_space<vmem>>, vector<1x16xf32>,
        %get3A_860 = arith.index_cast %scan3A_76 : i32 to index
        %get3A_861 = arith.constant 896 : index
        %get3A_862 = tpu.vector_load %arg10[%get3A_860, %get3A_861] {strides = array<i32>} : memref<16x1024xf32, #tpu.memory_space<vmem>>, vector<1x16xf32>,
        %get3A_863 = vector.shape_cast %get3A_862 : vector<1x16xf32> to vector<16xf32>
        %get3A_864 = arith.index_cast %scan3A_76 : i32 to index
        %get3A_865 = arith.constant 896 : index
        %get3A_866 = tpu.vector_load %arg11[%get3A_864, %get3A_865] {strides = array<i32>} : memref<16x1024xf32, #tpu.memory_space<vmem>>, vector<1x16xf32>,
        %get3A_867 = vector.shape_cast %get3A_866 : vector<1x16xf32> to vector<16xf32>
        %add3A_868 = arith.addf %get3A_863, %get3A_867 : vector<16xf32>
        %swap3A_869 = arith.index_cast %scan3A_76 : i32 to index
        %swap3A_870 = arith.constant 896 : index
        %swap3A_871 = tpu.vector_load %arg10[%swap3A_869, %swap3A_870] {strides = array<i32>} : memref<16x1024xf32, #tpu.memory_space<vmem>>, vector<1x16xf32>,
        %swap3A_872 = vector.shape_cast %swap3A_871 : vector<1x16xf32> to vector<16xf32>
        %swap3A_873 = vector.shape_cast %add3A_868 : vector<16xf32> to vector<1x16xf32>
        tpu.vector_store %arg10[%swap3A_869, %swap3A_870], %swap3A_873 {strides = array<i32>} : memref<16x1024xf32, #tpu.memory_space<vmem>>, vector<1x16xf32>,
        %get3A_874 = arith.index_cast %scan3A_76 : i32 to index
        %get3A_875 = arith.constant 912 : index
        %get3A_876 = tpu.vector_load %arg10[%get3A_874, %get3A_875] {strides = array<i32>} : memref<16x1024xf32, #tpu.memory_space<vmem>>, vector<1x16xf32>,
        %get3A_877 = vector.shape_cast %get3A_876 : vector<1x16xf32> to vector<16xf32>
        %get3A_878 = arith.index_cast %scan3A_76 : i32 to index
        %get3A_879 = arith.constant 912 : index
        %get3A_880 = tpu.vector_load %arg11[%get3A_878, %get3A_879] {strides = array<i32>} : memref<16x1024xf32, #tpu.memory_space<vmem>>, vector<1x16xf32>,
        %get3A_881 = vector.shape_cast %get3A_880 : vector<1x16xf32> to vector<16xf32>
        %add3A_882 = arith.addf %get3A_877, %get3A_881 : vector<16xf32>
        %swap3A_883 = arith.index_cast %scan3A_76 : i32 to index
        %swap3A_884 = arith.constant 912 : index
        %swap3A_885 = tpu.vector_load %arg10[%swap3A_883, %swap3A_884] {strides = array<i32>} : memref<16x1024xf32, #tpu.memory_space<vmem>>, vector<1x16xf32>,
        %swap3A_886 = vector.shape_cast %swap3A_885 : vector<1x16xf32> to vector<16xf32>
        %swap3A_887 = vector.shape_cast %add3A_882 : vector<16xf32> to vector<1x16xf32>
        tpu.vector_store %arg10[%swap3A_883, %swap3A_884], %swap3A_887 {strides = array<i32>} : memref<16x1024xf32, #tpu.memory_space<vmem>>, vector<1x16xf32>,
        %get3A_888 = arith.index_cast %scan3A_76 : i32 to index
        %get3A_889 = arith.constant 928 : index
        %get3A_890 = tpu.vector_load %arg10[%get3A_888, %get3A_889] {strides = array<i32>} : memref<16x1024xf32, #tpu.memory_space<vmem>>, vector<1x16xf32>,
        %get3A_891 = vector.shape_cast %get3A_890 : vector<1x16xf32> to vector<16xf32>
        %get3A_892 = arith.index_cast %scan3A_76 : i32 to index
        %get3A_893 = arith.constant 928 : index
        %get3A_894 = tpu.vector_load %arg11[%get3A_892, %get3A_893] {strides = array<i32>} : memref<16x1024xf32, #tpu.memory_space<vmem>>, vector<1x16xf32>,
        %get3A_895 = vector.shape_cast %get3A_894 : vector<1x16xf32> to vector<16xf32>
        %add3A_896 = arith.addf %get3A_891, %get3A_895 : vector<16xf32>
        %swap3A_897 = arith.index_cast %scan3A_76 : i32 to index
        %swap3A_898 = arith.constant 928 : index
        %swap3A_899 = tpu.vector_load %arg10[%swap3A_897, %swap3A_898] {strides = array<i32>} : memref<16x1024xf32, #tpu.memory_space<vmem>>, vector<1x16xf32>,
        %swap3A_900 = vector.shape_cast %swap3A_899 : vector<1x16xf32> to vector<16xf32>
        %swap3A_901 = vector.shape_cast %add3A_896 : vector<16xf32> to vector<1x16xf32>
        tpu.vector_store %arg10[%swap3A_897, %swap3A_898], %swap3A_901 {strides = array<i32>} : memref<16x1024xf32, #tpu.memory_space<vmem>>, vector<1x16xf32>,
        %get3A_902 = arith.index_cast %scan3A_76 : i32 to index
        %get3A_903 = arith.constant 944 : index
        %get3A_904 = tpu.vector_load %arg10[%get3A_902, %get3A_903] {strides = array<i32>} : memref<16x1024xf32, #tpu.memory_space<vmem>>, vector<1x16xf32>,
        %get3A_905 = vector.shape_cast %get3A_904 : vector<1x16xf32> to vector<16xf32>
        %get3A_906 = arith.index_cast %scan3A_76 : i32 to index
        %get3A_907 = arith.constant 944 : index
        %get3A_908 = tpu.vector_load %arg11[%get3A_906, %get3A_907] {strides = array<i32>} : memref<16x1024xf32, #tpu.memory_space<vmem>>, vector<1x16xf32>,
        %get3A_909 = vector.shape_cast %get3A_908 : vector<1x16xf32> to vector<16xf32>
        %add3A_910 = arith.addf %get3A_905, %get3A_909 : vector<16xf32>
        %swap3A_911 = arith.index_cast %scan3A_76 : i32 to index
        %swap3A_912 = arith.constant 944 : index
        %swap3A_913 = tpu.vector_load %arg10[%swap3A_911, %swap3A_912] {strides = array<i32>} : memref<16x1024xf32, #tpu.memory_space<vmem>>, vector<1x16xf32>,
        %swap3A_914 = vector.shape_cast %swap3A_913 : vector<1x16xf32> to vector<16xf32>
        %swap3A_915 = vector.shape_cast %add3A_910 : vector<16xf32> to vector<1x16xf32>
        tpu.vector_store %arg10[%swap3A_911, %swap3A_912], %swap3A_915 {strides = array<i32>} : memref<16x1024xf32, #tpu.memory_space<vmem>>, vector<1x16xf32>,
        %get3A_916 = arith.index_cast %scan3A_76 : i32 to index
        %get3A_917 = arith.constant 960 : index
        %get3A_918 = tpu.vector_load %arg10[%get3A_916, %get3A_917] {strides = array<i32>} : memref<16x1024xf32, #tpu.memory_space<vmem>>, vector<1x16xf32>,
        %get3A_919 = vector.shape_cast %get3A_918 : vector<1x16xf32> to vector<16xf32>
        %get3A_920 = arith.index_cast %scan3A_76 : i32 to index
        %get3A_921 = arith.constant 960 : index
        %get3A_922 = tpu.vector_load %arg11[%get3A_920, %get3A_921] {strides = array<i32>} : memref<16x1024xf32, #tpu.memory_space<vmem>>, vector<1x16xf32>,
        %get3A_923 = vector.shape_cast %get3A_922 : vector<1x16xf32> to vector<16xf32>
        %add3A_924 = arith.addf %get3A_919, %get3A_923 : vector<16xf32>
        %swap3A_925 = arith.index_cast %scan3A_76 : i32 to index
        %swap3A_926 = arith.constant 960 : index
        %swap3A_927 = tpu.vector_load %arg10[%swap3A_925, %swap3A_926] {strides = array<i32>} : memref<16x1024xf32, #tpu.memory_space<vmem>>, vector<1x16xf32>,
        %swap3A_928 = vector.shape_cast %swap3A_927 : vector<1x16xf32> to vector<16xf32>
        %swap3A_929 = vector.shape_cast %add3A_924 : vector<16xf32> to vector<1x16xf32>
        tpu.vector_store %arg10[%swap3A_925, %swap3A_926], %swap3A_929 {strides = array<i32>} : memref<16x1024xf32, #tpu.memory_space<vmem>>, vector<1x16xf32>,
        %get3A_930 = arith.index_cast %scan3A_76 : i32 to index
        %get3A_931 = arith.constant 976 : index
        %get3A_932 = tpu.vector_load %arg10[%get3A_930, %get3A_931] {strides = array<i32>} : memref<16x1024xf32, #tpu.memory_space<vmem>>, vector<1x16xf32>,
        %get3A_933 = vector.shape_cast %get3A_932 : vector<1x16xf32> to vector<16xf32>
        %get3A_934 = arith.index_cast %scan3A_76 : i32 to index
        %get3A_935 = arith.constant 976 : index
        %get3A_936 = tpu.vector_load %arg11[%get3A_934, %get3A_935] {strides = array<i32>} : memref<16x1024xf32, #tpu.memory_space<vmem>>, vector<1x16xf32>,
        %get3A_937 = vector.shape_cast %get3A_936 : vector<1x16xf32> to vector<16xf32>
        %add3A_938 = arith.addf %get3A_933, %get3A_937 : vector<16xf32>
        %swap3A_939 = arith.index_cast %scan3A_76 : i32 to index
        %swap3A_940 = arith.constant 976 : index
        %swap3A_941 = tpu.vector_load %arg10[%swap3A_939, %swap3A_940] {strides = array<i32>} : memref<16x1024xf32, #tpu.memory_space<vmem>>, vector<1x16xf32>,
        %swap3A_942 = vector.shape_cast %swap3A_941 : vector<1x16xf32> to vector<16xf32>
        %swap3A_943 = vector.shape_cast %add3A_938 : vector<16xf32> to vector<1x16xf32>
        tpu.vector_store %arg10[%swap3A_939, %swap3A_940], %swap3A_943 {strides = array<i32>} : memref<16x1024xf32, #tpu.memory_space<vmem>>, vector<1x16xf32>,
        %get3A_944 = arith.index_cast %scan3A_76 : i32 to index
        %get3A_945 = arith.constant 992 : index
        %get3A_946 = tpu.vector_load %arg10[%get3A_944, %get3A_945] {strides = array<i32>} : memref<16x1024xf32, #tpu.memory_space<vmem>>, vector<1x16xf32>,
        %get3A_947 = vector.shape_cast %get3A_946 : vector<1x16xf32> to vector<16xf32>
        %get3A_948 = arith.index_cast %scan3A_76 : i32 to index
        %get3A_949 = arith.constant 992 : index
        %get3A_950 = tpu.vector_load %arg11[%get3A_948, %get3A_949] {strides = array<i32>} : memref<16x1024xf32, #tpu.memory_space<vmem>>, vector<1x16xf32>,
        %get3A_951 = vector.shape_cast %get3A_950 : vector<1x16xf32> to vector<16xf32>
        %add3A_952 = arith.addf %get3A_947, %get3A_951 : vector<16xf32>
        %swap3A_953 = arith.index_cast %scan3A_76 : i32 to index
        %swap3A_954 = arith.constant 992 : index
        %swap3A_955 = tpu.vector_load %arg10[%swap3A_953, %swap3A_954] {strides = array<i32>} : memref<16x1024xf32, #tpu.memory_space<vmem>>, vector<1x16xf32>,
        %swap3A_956 = vector.shape_cast %swap3A_955 : vector<1x16xf32> to vector<16xf32>
        %swap3A_957 = vector.shape_cast %add3A_952 : vector<16xf32> to vector<1x16xf32>
        tpu.vector_store %arg10[%swap3A_953, %swap3A_954], %swap3A_957 {strides = array<i32>} : memref<16x1024xf32, #tpu.memory_space<vmem>>, vector<1x16xf32>,
        %scan3A_958 = arith.constant 0 : i32
        scf.yield %scan3A_958 : i32
      }
      %scan3A_62 = arith.constant 16 : i32
      %dma_start3A_63 = arith.constant 0 : i32
      %dma_start3A_64 = tpu.memref_slice %arg5[%add3A_43, %dma_start3A_63] : memref<8192x1024xf32, #tpu.memory_space<hbm>> -> memref<16x1024xf32, #tpu.memory_space<hbm>>
      %dma_start3A_65 = arith.constant 0 : i32
      %dma_start3A_66 = tpu.memref_slice %arg5[%add3A_43, %dma_start3A_65] : memref<8192x1024xf32, #tpu.memory_space<hbm>> -> memref<16x1024xf32, #tpu.memory_space<hbm>>
      tpu.enqueue_dma source(%arg10 : memref<16x1024xf32, #tpu.memory_space<vmem>>) target(%dma_start3A_66 : memref<16x1024xf32, #tpu.memory_space<hbm>>) target_semaphore(%arg14 : memref<!tpu.dma_semaphore, #tpu.memory_space<semaphore_mem>>)
      %dma_wait3A_67 = arith.constant 0 : i32
      %dma_wait3A_68 = tpu.memref_slice %arg5[%add3A_15, %dma_wait3A_67] : memref<8192x1024xf32, #tpu.memory_space<hbm>> -> memref<16x1024xf32, #tpu.memory_space<hbm>>
      %dma_wait3A_69 = arith.constant 0 : i32
      %dma_wait3A_70 = tpu.memref_slice %arg5[%add3A_15, %dma_wait3A_69] : memref<8192x1024xf32, #tpu.memory_space<hbm>> -> memref<16x1024xf32, #tpu.memory_space<hbm>>
      tpu.wait_dma2 semaphore(%arg14 : memref<!tpu.dma_semaphore, #tpu.memory_space<semaphore_mem>>) src(%arg8 : memref<16x1024xf32, #tpu.memory_space<vmem>>) dst(%dma_wait3A_70 : memref<16x1024xf32, #tpu.memory_space<hbm>>)
      %dma_wait3A_71 = arith.constant 0 : i32
      %dma_wait3A_72 = tpu.memref_slice %arg5[%add3A_43, %dma_wait3A_71] : memref<8192x1024xf32, #tpu.memory_space<hbm>> -> memref<16x1024xf32, #tpu.memory_space<hbm>>
      %dma_wait3A_73 = arith.constant 0 : i32
      %dma_wait3A_74 = tpu.memref_slice %arg5[%add3A_43, %dma_wait3A_73] : memref<8192x1024xf32, #tpu.memory_space<hbm>> -> memref<16x1024xf32, #tpu.memory_space<hbm>>
      tpu.wait_dma2 semaphore(%arg14 : memref<!tpu.dma_semaphore, #tpu.memory_space<semaphore_mem>>) src(%arg10 : memref<16x1024xf32, #tpu.memory_space<vmem>>) dst(%dma_wait3A_74 : memref<16x1024xf32, #tpu.memory_space<hbm>>)
      %scan3A_75 = arith.constant 0 : i32
      scf.yield %scan3A_75 : i32
    }
    %scan3A_8 = arith.constant 8 : i32
    return
  }
}

module attributes {stable_mosaic.version = 14 : i64} {
  func.func @_k1_body(%arg0: i32, %arg1: memref<512x1024xf32, #tpu.memory_space<vmem>>, %arg2: memref<512x2xi32, #tpu.memory_space<vmem>>, %arg3: memref<512x2xf32, #tpu.memory_space<vmem>>, %arg4: memref<512x512xi32, #tpu.memory_space<vmem>>, %arg5: memref<512x2xi32, #tpu.memory_space<vmem>>, %arg6: memref<512x128xf32, #tpu.memory_space<vmem>>, %arg7: memref<512x128xf32, #tpu.memory_space<vmem>>, %arg8: memref<512x8xf32, #tpu.memory_space<vmem>>) attributes {dimension_semantics = [#tpu.dimension_semantics<arbitrary>], iteration_bounds = array<i64: 16>, scalar_prefetch = 0 : i64, scratch_operands = 0 : i64, tpu.core_type = #tpu.core_type<tc>, window_params = [{transform_indices = @transform_0, window_bounds = array<i64: 512, 1024>}, {transform_indices = @transform_1, window_bounds = array<i64: 512, 2>}, {transform_indices = @transform_2, window_bounds = array<i64: 512, 2>}, {transform_indices = @transform_3, window_bounds = array<i64: 512, 512>}, {transform_indices = @transform_4, window_bounds = array<i64: 512, 2>}, {transform_indices = @transform_5, window_bounds = array<i64: 512, 128>}, {transform_indices = @transform_6, window_bounds = array<i64: 512, 128>}, {transform_indices = @transform_7, window_bounds = array<i64: 512, 8>}]} {
    %get3A = arith.constant 0 : index
    %get3A_0 = arith.constant 0 : index
    %get3A_1 = vector.load %arg1[%get3A, %get3A_0] : memref<512x1024xf32, #tpu.memory_space<vmem>>, vector<512x1024xf32>
    %bitcast_convert_type3A = tpu.bitcast %get3A_1 : vector<512x1024xf32> -> vector<512x1024xi32>
    %add3A = arith.constant 32767 : i32
    %add3A_2 = vector.broadcast %add3A : i32 to vector<512x1024xi32>
    %add3A_3 = arith.addi %bitcast_convert_type3A, %add3A_2 : vector<512x1024xi32>
    %shift_right_arithmetic3A = arith.constant 16 : i32
    %shift_right_arithmetic3A_4 = vector.broadcast %shift_right_arithmetic3A : i32 to vector<512x1024xi32>
    %shift_right_arithmetic3A_5 = arith.shrsi %bitcast_convert_type3A, %shift_right_arithmetic3A_4 : vector<512x1024xi32>
    %and3A = arith.constant 1 : i32
    %and3A_6 = vector.broadcast %and3A : i32 to vector<512x1024xi32>
    %and3A_7 = arith.andi %shift_right_arithmetic3A_5, %and3A_6 : vector<512x1024xi32>
    %add3A_8 = arith.addi %add3A_3, %and3A_7 : vector<512x1024xi32>
    %slice3A = vector.extract_strided_slice %add3A_8 {offsets = [0, 0], sizes = [512, 512], strides = [1, 1]} : vector<512x1024xi32> to vector<512x512xi32>
    %shift_right_arithmetic3A_9 = arith.constant 16 : i32
    %shift_right_arithmetic3A_10 = vector.broadcast %shift_right_arithmetic3A_9 : i32 to vector<512x512xi32>
    %shift_right_arithmetic3A_11 = arith.shrsi %slice3A, %shift_right_arithmetic3A_10 : vector<512x512xi32>
    %and3A_12 = arith.constant 65535 : i32
    %and3A_13 = vector.broadcast %and3A_12 : i32 to vector<512x512xi32>
    %and3A_14 = arith.andi %shift_right_arithmetic3A_11, %and3A_13 : vector<512x512xi32>
    %slice3A_15 = vector.extract_strided_slice %add3A_8 {offsets = [0, 512], sizes = [512, 512], strides = [1, 1]} : vector<512x1024xi32> to vector<512x512xi32>
    %and3A_16 = arith.constant -65536 : i32
    %and3A_17 = vector.broadcast %and3A_16 : i32 to vector<512x512xi32>
    %and3A_18 = arith.andi %slice3A_15, %and3A_17 : vector<512x512xi32>
    %or3A = arith.ori %and3A_14, %and3A_18 : vector<512x512xi32>
    %swap3A = arith.constant 0 : index
    %swap3A_19 = arith.constant 0 : index
    %swap3A_20 = vector.load %arg4[%swap3A, %swap3A_19] : memref<512x512xi32, #tpu.memory_space<vmem>>, vector<512x512xi32>
    tpu.vector_store %arg4[%swap3A, %swap3A_19], %or3A {strides = array<i32>} : memref<512x512xi32, #tpu.memory_space<vmem>>, vector<512x512xi32>,
    %get3A_21 = arith.constant 0 : index
    %get3A_22 = arith.constant 0 : index
    %get3A_23 = vector.load %arg2[%get3A_21, %get3A_22] : memref<512x2xi32, #tpu.memory_space<vmem>>, vector<512x2xi32>
    %get3A_24 = arith.constant 0 : index
    %get3A_25 = arith.constant 0 : index
    %get3A_26 = vector.load %arg3[%get3A_24, %get3A_25] : memref<512x2xf32, #tpu.memory_space<vmem>>, vector<512x2xf32>
    %iota3A = tpu.iota {dimensions = array<i32: 1>} : vector<512x8xi32>
    %slice3A_27 = vector.extract_strided_slice %get3A_23 {offsets = [0, 0], sizes = [512, 1], strides = [1, 1]} : vector<512x2xi32> to vector<512x1xi32>
    %eq3A = vector.broadcast %slice3A_27 : vector<512x1xi32> to vector<512x8xi32>
    %eq3A_28 = arith.cmpi eq, %iota3A, %eq3A : vector<512x8xi32>
    %convert_element_type3A = arith.extui %eq3A_28 : vector<512x8xi1> to vector<512x8xi32>
    %convert_element_type3A_29 = arith.sitofp %convert_element_type3A : vector<512x8xi32> to vector<512x8xf32>
    %slice3A_30 = vector.extract_strided_slice %get3A_23 {offsets = [0, 1], sizes = [512, 1], strides = [1, 1]} : vector<512x2xi32> to vector<512x1xi32>
    %eq3A_31 = vector.broadcast %slice3A_30 : vector<512x1xi32> to vector<512x8xi32>
    %eq3A_32 = arith.cmpi eq, %iota3A, %eq3A_31 : vector<512x8xi32>
    %convert_element_type3A_33 = arith.extui %eq3A_32 : vector<512x8xi1> to vector<512x8xi32>
    %convert_element_type3A_34 = arith.sitofp %convert_element_type3A_33 : vector<512x8xi32> to vector<512x8xf32>
    %iota3A_35 = tpu.iota {dimensions = array<i32: 0>} : vector<512x512xi32>
    %iota3A_36 = tpu.iota {dimensions = array<i32: 1>} : vector<512x512xi32>
    %lt3A = arith.cmpi slt, %iota3A_36, %iota3A_35 : vector<512x512xi32>
    %convert_element_type3A_37 = arith.extui %lt3A : vector<512x512xi1> to vector<512x512xi32>
    %convert_element_type3A_38 = arith.sitofp %convert_element_type3A_37 : vector<512x512xi32> to vector<512x512xf32>
    %add3A_39 = arith.addf %convert_element_type3A_29, %convert_element_type3A_34 : vector<512x8xf32>
    %dot_general3A = arith.constant dense<0.000000e+00> : vector<512x8xf32>
    %dot_general3A_40 = tpu.matmul %convert_element_type3A_38, %add3A_39, %dot_general3A {dimension_numbers = #tpu.dot_dimension_numbers<[1], [0], [0], [1], [0, 0, 1, 1], [], []>, transpose_lhs_hint = false} : vector<512x512xf32>, vector<512x8xf32>, vector<512x8xf32> -> vector<512x8xf32>
    %mul3A = arith.mulf %dot_general3A_40, %convert_element_type3A_29 : vector<512x8xf32>
    %reduce_sum3A = arith.constant dense<0.000000e+00> : vector<512xf32>
    %reduce_sum3A_41 = vector.multi_reduction <add>, %mul3A, %reduce_sum3A [1] : vector<512x8xf32> to vector<512xf32>
    %broadcast_in_dim3A = vector.shape_cast %reduce_sum3A_41 : vector<512xf32> to vector<512x1xf32>
    %mul3A_42 = arith.mulf %dot_general3A_40, %convert_element_type3A_34 : vector<512x8xf32>
    %reduce_sum3A_43 = arith.constant dense<0.000000e+00> : vector<512xf32>
    %reduce_sum3A_44 = vector.multi_reduction <add>, %mul3A_42, %reduce_sum3A_43 [1] : vector<512x8xf32> to vector<512xf32>
    %broadcast_in_dim3A_45 = vector.shape_cast %reduce_sum3A_44 : vector<512xf32> to vector<512x1xf32>
    %concatenate3A = tpu.concatenate %broadcast_in_dim3A, %broadcast_in_dim3A_45 in 1 : vector<512x1xf32>, vector<512x1xf32> -> vector<512x2xf32>
    %convert_element_type3A_46 = arith.fptosi %concatenate3A : vector<512x2xf32> to vector<512x2xi32>
    %swap3A_47 = arith.constant 0 : index
    %swap3A_48 = arith.constant 0 : index
    %swap3A_49 = vector.load %arg5[%swap3A_47, %swap3A_48] : memref<512x2xi32, #tpu.memory_space<vmem>>, vector<512x2xi32>
    tpu.vector_store %arg5[%swap3A_47, %swap3A_48], %convert_element_type3A_46 {strides = array<i32>} : memref<512x2xi32, #tpu.memory_space<vmem>>, vector<512x2xi32>,
    %slice3A_50 = vector.extract_strided_slice %get3A_26 {offsets = [0, 0], sizes = [512, 1], strides = [1, 1]} : vector<512x2xf32> to vector<512x1xf32>
    %broadcast_in_dim3A_51 = vector.shape_cast %slice3A_50 : vector<512x1xf32> to vector<512x1xf32>
    %broadcast_in_dim3A_52 = vector.broadcast %broadcast_in_dim3A_51 : vector<512x1xf32> to vector<512x128xf32>
    %swap3A_53 = arith.constant 0 : index
    %swap3A_54 = arith.constant 0 : index
    %swap3A_55 = vector.load %arg6[%swap3A_53, %swap3A_54] : memref<512x128xf32, #tpu.memory_space<vmem>>, vector<512x128xf32>
    tpu.vector_store %arg6[%swap3A_53, %swap3A_54], %broadcast_in_dim3A_52 {strides = array<i32>} : memref<512x128xf32, #tpu.memory_space<vmem>>, vector<512x128xf32>,
    %slice3A_56 = vector.extract_strided_slice %get3A_26 {offsets = [0, 1], sizes = [512, 1], strides = [1, 1]} : vector<512x2xf32> to vector<512x1xf32>
    %broadcast_in_dim3A_57 = vector.shape_cast %slice3A_56 : vector<512x1xf32> to vector<512x1xf32>
    %broadcast_in_dim3A_58 = vector.broadcast %broadcast_in_dim3A_57 : vector<512x1xf32> to vector<512x128xf32>
    %swap3A_59 = arith.constant 0 : index
    %swap3A_60 = arith.constant 0 : index
    %swap3A_61 = vector.load %arg7[%swap3A_59, %swap3A_60] : memref<512x128xf32, #tpu.memory_space<vmem>>, vector<512x128xf32>
    tpu.vector_store %arg7[%swap3A_59, %swap3A_60], %broadcast_in_dim3A_58 {strides = array<i32>} : memref<512x128xf32, #tpu.memory_space<vmem>>, vector<512x128xf32>,
    %slice3A_62 = vector.extract_strided_slice %get3A_26 {offsets = [0, 0], sizes = [512, 1], strides = [1, 1]} : vector<512x2xf32> to vector<512x1xf32>
    %mul3A_63 = vector.broadcast %slice3A_62 : vector<512x1xf32> to vector<512x8xf32>
    %mul3A_64 = arith.mulf %convert_element_type3A_29, %mul3A_63 : vector<512x8xf32>
    %slice3A_65 = vector.extract_strided_slice %get3A_26 {offsets = [0, 1], sizes = [512, 1], strides = [1, 1]} : vector<512x2xf32> to vector<512x1xf32>
    %mul3A_66 = vector.broadcast %slice3A_65 : vector<512x1xf32> to vector<512x8xf32>
    %mul3A_67 = arith.mulf %convert_element_type3A_34, %mul3A_66 : vector<512x8xf32>
    %add3A_68 = arith.addf %mul3A_64, %mul3A_67 : vector<512x8xf32>
    %swap3A_69 = arith.constant 0 : index
    %swap3A_70 = arith.constant 0 : index
    %swap3A_71 = vector.load %arg8[%swap3A_69, %swap3A_70] : memref<512x8xf32, #tpu.memory_space<vmem>>, vector<512x8xf32>
    tpu.vector_store %arg8[%swap3A_69, %swap3A_70], %add3A_68 {strides = array<i32>} : memref<512x8xf32, #tpu.memory_space<vmem>>, vector<512x8xf32>,
    return
  }
  func.func @transform_0(%arg0: i32) -> (i32, i32) {
    %c0_i32 = arith.constant 0 : i32
    %c0_i32_0 = arith.constant 0 : i32
    return %arg0, %c0_i32 : i32, i32
  }
  func.func @transform_1(%arg0: i32) -> (i32, i32) {
    %c0_i32 = arith.constant 0 : i32
    %c0_i32_0 = arith.constant 0 : i32
    return %arg0, %c0_i32 : i32, i32
  }
  func.func @transform_2(%arg0: i32) -> (i32, i32) {
    %c0_i32 = arith.constant 0 : i32
    %c0_i32_0 = arith.constant 0 : i32
    return %arg0, %c0_i32 : i32, i32
  }
  func.func @transform_3(%arg0: i32) -> (i32, i32) {
    %c0_i32 = arith.constant 0 : i32
    %c0_i32_0 = arith.constant 0 : i32
    return %arg0, %c0_i32 : i32, i32
  }
  func.func @transform_4(%arg0: i32) -> (i32, i32) {
    %c0_i32 = arith.constant 0 : i32
    %c0_i32_0 = arith.constant 0 : i32
    return %arg0, %c0_i32 : i32, i32
  }
  func.func @transform_5(%arg0: i32) -> (i32, i32) {
    %c0_i32 = arith.constant 0 : i32
    %c0_i32_0 = arith.constant 0 : i32
    return %arg0, %c0_i32 : i32, i32
  }
  func.func @transform_6(%arg0: i32) -> (i32, i32) {
    %c0_i32 = arith.constant 0 : i32
    %c0_i32_0 = arith.constant 0 : i32
    return %arg0, %c0_i32 : i32, i32
  }
  func.func @transform_7(%arg0: i32) -> (i32, i32) {
    %c0_i32 = arith.constant 0 : i32
    %c0_i32_0 = arith.constant 0 : i32
    return %arg0, %c0_i32 : i32, i32
  }
}

module attributes {stable_mosaic.version = 14 : i64} {
  func.func @_k3_body(%arg0: i32, %arg1: memref<2x72xi32, #tpu.memory_space<smem>>, %arg2: memref<256x512xi32, #tpu.memory_space<vmem>>, %arg3: memref<1x1024x1024xbf16, #tpu.memory_space<vmem>>, %arg4: memref<1x1x1024xf32, #tpu.memory_space<vmem>>, %arg5: memref<1x1024x512xbf16, #tpu.memory_space<vmem>>, %arg6: memref<1x1x512xf32, #tpu.memory_space<vmem>>, %arg7: memref<1x512x1024xbf16, #tpu.memory_space<vmem>>, %arg8: memref<1x1x1024xf32, #tpu.memory_space<vmem>>, %arg9: memref<256x128xf32, #tpu.memory_space<vmem>>, %arg10: memref<256x1024xf32, #tpu.memory_space<vmem>>) attributes {dimension_semantics = [#tpu.dimension_semantics<arbitrary>], iteration_bounds = array<i64: 72>, scalar_prefetch = 1 : i64, scratch_operands = 0 : i64, tpu.core_type = #tpu.core_type<tc>, window_params = [{transform_indices = @transform_0, window_bounds = array<i64: 256, 512>}, {transform_indices = @transform_1, window_bounds = array<i64: 1, 1024, 1024>}, {transform_indices = @transform_2, window_bounds = array<i64: 1, 1, 1024>}, {transform_indices = @transform_3, window_bounds = array<i64: 1, 1024, 512>}, {transform_indices = @transform_4, window_bounds = array<i64: 1, 1, 512>}, {transform_indices = @transform_5, window_bounds = array<i64: 1, 512, 1024>}, {transform_indices = @transform_6, window_bounds = array<i64: 1, 1, 1024>}, {transform_indices = @transform_7, window_bounds = array<i64: 256, 128>}, {transform_indices = @transform_8, window_bounds = array<i64: 256, 1024>}]} {
    %get3A = arith.constant 1 : index
    %get3A_0 = arith.index_cast %arg0 : i32 to index
    %get3A_1 = memref.load %arg1[%get3A, %get3A_0] : memref<2x72xi32, #tpu.memory_space<smem>>
    %eq3A = arith.constant 1 : i32
    %eq3A_2 = arith.cmpi eq, %get3A_1, %eq3A : i32
    %convert_element_type3A = arith.extui %eq3A_2 : i1 to i32
    %cond3A = arith.constant 0 : i32
    %cond3A_3 = arith.cmpi ne, %convert_element_type3A, %cond3A : i32
    scf.if %cond3A_3 {
      %get3A_4 = arith.constant 0 : index
      %get3A_5 = arith.constant 0 : index
      %get3A_6 = vector.load %arg2[%get3A_4, %get3A_5] : memref<256x512xi32, #tpu.memory_space<vmem>>, vector<256x512xi32>
      %shift_left3A = arith.constant 16 : i32
      %shift_left3A_7 = vector.broadcast %shift_left3A : i32 to vector<256x512xi32>
      %shift_left3A_8 = arith.shli %get3A_6, %shift_left3A_7 : vector<256x512xi32>
      %bitcast_convert_type3A = tpu.bitcast %shift_left3A_8 : vector<256x512xi32> -> vector<256x512xf32>
      %convert_element_type3A_9 = arith.truncf %bitcast_convert_type3A : vector<256x512xf32> to vector<256x512xbf16>
      %and3A = arith.constant -65536 : i32
      %and3A_10 = vector.broadcast %and3A : i32 to vector<256x512xi32>
      %and3A_11 = arith.andi %get3A_6, %and3A_10 : vector<256x512xi32>
      %bitcast_convert_type3A_12 = tpu.bitcast %and3A_11 : vector<256x512xi32> -> vector<256x512xf32>
      %convert_element_type3A_13 = arith.truncf %bitcast_convert_type3A_12 : vector<256x512xf32> to vector<256x512xbf16>
      %get3A_14 = arith.constant 0 : index
      %get3A_15 = arith.constant 0 : index
      %get3A_16 = arith.constant 0 : index
      %get3A_17 = vector.load %arg3[%get3A_14, %get3A_15, %get3A_16] : memref<1x1024x1024xbf16, #tpu.memory_space<vmem>>, vector<1x1024x1024xbf16>
      %get3A_18 = vector.shape_cast %get3A_17 : vector<1x1024x1024xbf16> to vector<1024x1024xbf16>
      %slice3A = vector.extract_strided_slice %get3A_18 {offsets = [0, 0], sizes = [512, 1024], strides = [1, 1]} : vector<1024x1024xbf16> to vector<512x1024xbf16>
      %dot_general3A = arith.constant dense<0.000000e+00> : vector<256x1024xf32>
      %dot_general3A_19 = tpu.matmul %convert_element_type3A_9, %slice3A, %dot_general3A {dimension_numbers = #tpu.dot_dimension_numbers<[1], [0], [0], [1], [0, 0, 1, 1], [], []>, transpose_lhs_hint = false} : vector<256x512xbf16>, vector<512x1024xbf16>, vector<256x1024xf32> -> vector<256x1024xf32>
      %slice3A_20 = vector.extract_strided_slice %get3A_18 {offsets = [512, 0], sizes = [512, 1024], strides = [1, 1]} : vector<1024x1024xbf16> to vector<512x1024xbf16>
      %dot_general3A_21 = arith.constant dense<0.000000e+00> : vector<256x1024xf32>
      %dot_general3A_22 = tpu.matmul %convert_element_type3A_13, %slice3A_20, %dot_general3A_21 {dimension_numbers = #tpu.dot_dimension_numbers<[1], [0], [0], [1], [0, 0, 1, 1], [], []>, transpose_lhs_hint = false} : vector<256x512xbf16>, vector<512x1024xbf16>, vector<256x1024xf32> -> vector<256x1024xf32>
      %add3A = arith.addf %dot_general3A_19, %dot_general3A_22 : vector<256x1024xf32>
      %get3A_23 = arith.constant 0 : index
      %get3A_24 = arith.constant 0 : index
      %get3A_25 = arith.constant 0 : index
      %get3A_26 = vector.load %arg4[%get3A_23, %get3A_24, %get3A_25] : memref<1x1x1024xf32, #tpu.memory_space<vmem>>, vector<1x1x1024xf32>
      %get3A_27 = vector.shape_cast %get3A_26 : vector<1x1x1024xf32> to vector<1x1024xf32>
      %add3A_28 = vector.broadcast %get3A_27 : vector<1x1024xf32> to vector<256x1024xf32>
      %add3A_29 = arith.addf %add3A, %add3A_28 : vector<256x1024xf32>
      %max3A = arith.constant 0.000000e+00 : f32
      %max3A_30 = vector.broadcast %max3A : f32 to vector<256x1024xf32>
      %max3A_31 = arith.maximumf %add3A_29, %max3A_30 : vector<256x1024xf32>
      %convert_element_type3A_32 = arith.truncf %max3A_31 : vector<256x1024xf32> to vector<256x1024xbf16>
      %get3A_33 = arith.constant 0 : index
      %get3A_34 = arith.constant 0 : index
      %get3A_35 = arith.constant 0 : index
      %get3A_36 = vector.load %arg5[%get3A_33, %get3A_34, %get3A_35] : memref<1x1024x512xbf16, #tpu.memory_space<vmem>>, vector<1x1024x512xbf16>
      %get3A_37 = vector.shape_cast %get3A_36 : vector<1x1024x512xbf16> to vector<1024x512xbf16>
      %dot_general3A_38 = arith.constant dense<0.000000e+00> : vector<256x512xf32>
      %dot_general3A_39 = tpu.matmul %convert_element_type3A_32, %get3A_37, %dot_general3A_38 {dimension_numbers = #tpu.dot_dimension_numbers<[1], [0], [0], [1], [0, 0, 1, 1], [], []>, transpose_lhs_hint = false} : vector<256x1024xbf16>, vector<1024x512xbf16>, vector<256x512xf32> -> vector<256x512xf32>
      %get3A_40 = arith.constant 0 : index
      %get3A_41 = arith.constant 0 : index
      %get3A_42 = arith.constant 0 : index
      %get3A_43 = vector.load %arg6[%get3A_40, %get3A_41, %get3A_42] : memref<1x1x512xf32, #tpu.memory_space<vmem>>, vector<1x1x512xf32>
      %get3A_44 = vector.shape_cast %get3A_43 : vector<1x1x512xf32> to vector<1x512xf32>
      %add3A_45 = vector.broadcast %get3A_44 : vector<1x512xf32> to vector<256x512xf32>
      %add3A_46 = arith.addf %dot_general3A_39, %add3A_45 : vector<256x512xf32>
      %max3A_47 = arith.constant 0.000000e+00 : f32
      %max3A_48 = vector.broadcast %max3A_47 : f32 to vector<256x512xf32>
      %max3A_49 = arith.maximumf %add3A_46, %max3A_48 : vector<256x512xf32>
      %convert_element_type3A_50 = arith.truncf %max3A_49 : vector<256x512xf32> to vector<256x512xbf16>
      %get3A_51 = arith.constant 0 : index
      %get3A_52 = arith.constant 0 : index
      %get3A_53 = arith.constant 0 : index
      %get3A_54 = vector.load %arg7[%get3A_51, %get3A_52, %get3A_53] : memref<1x512x1024xbf16, #tpu.memory_space<vmem>>, vector<1x512x1024xbf16>
      %get3A_55 = vector.shape_cast %get3A_54 : vector<1x512x1024xbf16> to vector<512x1024xbf16>
      %dot_general3A_56 = arith.constant dense<0.000000e+00> : vector<256x1024xf32>
      %dot_general3A_57 = tpu.matmul %convert_element_type3A_50, %get3A_55, %dot_general3A_56 {dimension_numbers = #tpu.dot_dimension_numbers<[1], [0], [0], [1], [0, 0, 1, 1], [], []>, transpose_lhs_hint = false} : vector<256x512xbf16>, vector<512x1024xbf16>, vector<256x1024xf32> -> vector<256x1024xf32>
      %get3A_58 = arith.constant 0 : index
      %get3A_59 = arith.constant 0 : index
      %get3A_60 = arith.constant 0 : index
      %get3A_61 = vector.load %arg8[%get3A_58, %get3A_59, %get3A_60] : memref<1x1x1024xf32, #tpu.memory_space<vmem>>, vector<1x1x1024xf32>
      %get3A_62 = vector.shape_cast %get3A_61 : vector<1x1x1024xf32> to vector<1x1024xf32>
      %add3A_63 = vector.broadcast %get3A_62 : vector<1x1024xf32> to vector<256x1024xf32>
      %add3A_64 = arith.addf %dot_general3A_57, %add3A_63 : vector<256x1024xf32>
      %get3A_65 = arith.constant 0 : index
      %get3A_66 = arith.constant 0 : index
      %get3A_67 = vector.load %arg9[%get3A_65, %get3A_66] : memref<256x128xf32, #tpu.memory_space<vmem>>, vector<256x1xf32>
      %mul3A = vector.broadcast %get3A_67 : vector<256x1xf32> to vector<256x1024xf32>
      %mul3A_68 = arith.mulf %add3A_64, %mul3A : vector<256x1024xf32>
      %swap3A = arith.constant 0 : index
      %swap3A_69 = arith.constant 0 : index
      %swap3A_70 = vector.load %arg10[%swap3A, %swap3A_69] : memref<256x1024xf32, #tpu.memory_space<vmem>>, vector<256x1024xf32>
      tpu.vector_store %arg10[%swap3A, %swap3A_69], %mul3A_68 {strides = array<i32>} : memref<256x1024xf32, #tpu.memory_space<vmem>>, vector<256x1024xf32>,
    } else {
    }
    return
  }
  func.func @transform_0(%arg0: i32, %arg1: memref<2x72xi32, #tpu.memory_space<smem>>) -> (i32, i32) {
    %c0_i32 = arith.constant 0 : i32
    %c0_i32_0 = arith.constant 0 : i32
    return %arg0, %c0_i32 : i32, i32
  }
  func.func @transform_1(%arg0: i32, %arg1: memref<2x72xi32, #tpu.memory_space<smem>>) -> (i32, i32, i32) {
    %get3A = arith.constant 0 : index
    %get3A_0 = arith.index_cast %arg0 : i32 to index
    %get3A_1 = memref.load %arg1[%get3A, %get3A_0] : memref<2x72xi32, #tpu.memory_space<smem>>
    %c0_i32 = arith.constant 0 : i32
    %c0_i32_2 = arith.constant 0 : i32
    %c0_i32_3 = arith.constant 0 : i32
    return %get3A_1, %c0_i32, %c0_i32_2 : i32, i32, i32
  }
  func.func @transform_2(%arg0: i32, %arg1: memref<2x72xi32, #tpu.memory_space<smem>>) -> (i32, i32, i32) {
    %get3A = arith.constant 0 : index
    %get3A_0 = arith.index_cast %arg0 : i32 to index
    %get3A_1 = memref.load %arg1[%get3A, %get3A_0] : memref<2x72xi32, #tpu.memory_space<smem>>
    %c0_i32 = arith.constant 0 : i32
    %c0_i32_2 = arith.constant 0 : i32
    %c0_i32_3 = arith.constant 0 : i32
    return %get3A_1, %c0_i32, %c0_i32_2 : i32, i32, i32
  }
  func.func @transform_3(%arg0: i32, %arg1: memref<2x72xi32, #tpu.memory_space<smem>>) -> (i32, i32, i32) {
    %get3A = arith.constant 0 : index
    %get3A_0 = arith.index_cast %arg0 : i32 to index
    %get3A_1 = memref.load %arg1[%get3A, %get3A_0] : memref<2x72xi32, #tpu.memory_space<smem>>
    %c0_i32 = arith.constant 0 : i32
    %c0_i32_2 = arith.constant 0 : i32
    %c0_i32_3 = arith.constant 0 : i32
    return %get3A_1, %c0_i32, %c0_i32_2 : i32, i32, i32
  }
  func.func @transform_4(%arg0: i32, %arg1: memref<2x72xi32, #tpu.memory_space<smem>>) -> (i32, i32, i32) {
    %get3A = arith.constant 0 : index
    %get3A_0 = arith.index_cast %arg0 : i32 to index
    %get3A_1 = memref.load %arg1[%get3A, %get3A_0] : memref<2x72xi32, #tpu.memory_space<smem>>
    %c0_i32 = arith.constant 0 : i32
    %c0_i32_2 = arith.constant 0 : i32
    %c0_i32_3 = arith.constant 0 : i32
    return %get3A_1, %c0_i32, %c0_i32_2 : i32, i32, i32
  }
  func.func @transform_5(%arg0: i32, %arg1: memref<2x72xi32, #tpu.memory_space<smem>>) -> (i32, i32, i32) {
    %get3A = arith.constant 0 : index
    %get3A_0 = arith.index_cast %arg0 : i32 to index
    %get3A_1 = memref.load %arg1[%get3A, %get3A_0] : memref<2x72xi32, #tpu.memory_space<smem>>
    %c0_i32 = arith.constant 0 : i32
    %c0_i32_2 = arith.constant 0 : i32
    %c0_i32_3 = arith.constant 0 : i32
    return %get3A_1, %c0_i32, %c0_i32_2 : i32, i32, i32
  }
  func.func @transform_6(%arg0: i32, %arg1: memref<2x72xi32, #tpu.memory_space<smem>>) -> (i32, i32, i32) {
    %get3A = arith.constant 0 : index
    %get3A_0 = arith.index_cast %arg0 : i32 to index
    %get3A_1 = memref.load %arg1[%get3A, %get3A_0] : memref<2x72xi32, #tpu.memory_space<smem>>
    %c0_i32 = arith.constant 0 : i32
    %c0_i32_2 = arith.constant 0 : i32
    %c0_i32_3 = arith.constant 0 : i32
    return %get3A_1, %c0_i32, %c0_i32_2 : i32, i32, i32
  }
  func.func @transform_7(%arg0: i32, %arg1: memref<2x72xi32, #tpu.memory_space<smem>>) -> (i32, i32) {
    %c0_i32 = arith.constant 0 : i32
    %c0_i32_0 = arith.constant 0 : i32
    return %arg0, %c0_i32 : i32, i32
  }
  func.func @transform_8(%arg0: i32, %arg1: memref<2x72xi32, #tpu.memory_space<smem>>) -> (i32, i32) {
    %c0_i32 = arith.constant 0 : i32
    %c0_i32_0 = arith.constant 0 : i32
    return %arg0, %c0_i32 : i32, i32
  }
}

</mosaic_0001>

<sc_bundles>
// kernel: kernel.6.cloned.1.call-start
scs
__scs_entry_jumppad:
0x0: {  	(pc) =	sbr.rel $0x88, $3  }
0x1: {  	(tag) =	ssettag $0x0;
	lr =	simm.s32 $0x1  }
0x2: {  	[smem:$0x3F93] =	sst lr;
	_ =	strace $0xD0000000  }
0x3: {  	_ = 	snop  }
0x4: {  	_ = 	snop  }
0x5: {  	_ = 	snop  }
0x6: {  	_ = 	snop  }
0x7: {  	_ = 	snop  }
__scs_overlays_trampoline_lowered:
0x8: {  	[smem:$0x3FA2] =	sst s0  }
0x9: {  	[smem:$0x3FA3] =	sst s1  }
0xa: {  	[smem:$0x3FA4] =	sst s2  }
0xb: {  	[smem:$0x3FA5] =	sst s3  }
0xc: {  	[smem:$0x3FA6] =	sst s4  }
0xd: {  	[smem:$0x3FA7] =	sst s5  }
0xe: {  	[smem:$0x3FA8] =	sst s6  }
0xf: {  	[smem:$0x3FA9] =	sst s7  }
0x10: {  	[smem:$0x3FAA] =	sst s8  }
0x11: {  	[smem:$0x3FAB] =	sst s9;
	s0 =	simm.s32 @!p0 $0x0  }
0x12: {  	s1 =	sld [smem:$0x3F91];
	s0 =	simm.s32 @p0 $0x1  }
0x13: {  	[smem:$0x3FAC] =	sst s0;
	s0 =	simm.s32 @!p1 $0x0  }
0x14: {  	s2 =	sld [smem:$0x3F90];
	s0 =	simm.s32 @p1 $0x1  }
0x15: {  	[smem:$0x3FAD] =	sst s0;
	s0 =	simm.s32 @!p2 $0x0  }
0x16: {  	s3 =	sld [smem:$0x3FDB];
	s0 =	simm.s32 @p2 $0x1  }
0x17: {  	s4 =	simm.s32 $0x1BF5;
	[smem:$0x3FAF] =	sst s0  }
0x18: {  	s0 =	sld [smem:$0x3F92];
	_ =	swait.ge [sflag:s4], $0x0  }
0x19: {  	s7 =	sld [smem:$0x3F93]  }
0x1a: {  	s8 =	sadd.s32 $0xFFFFE003, lr  }
0x1b: {  	s9 =	sadd.s32 $0xFFFFFEF7, lr;
	s5 =	simm.s32 $0xFFFFFFFF;
	p2 =	slt.u32 s8, $0xFFFFF086  }
0x1c: {  	p1 =	slt.u32 s9, $0xF7A;
	s5 =	simm.s32 @!p2 $0x0  }
0x1d: {  	s5 =	simm.s32 @p1 $0x1;
	p0 =	seq.s32 s7, s2  }
0x1e: {  	s7 =	smul.u32 @!p0 $0xF7A, s2;
	p2 =	seq.s32 @!p0 s5, $0x0  }
0x1f: {  	s9 =	smul.u32 $0xF7A, s1;
	s8 =	simm.s32 @!p0 $0x1BF5;
	p2 =	por !p2, p0  }
0x20: {  	[sflag:s8] =	ssyncset.s32 @!p0 $0xFFFFF086;
	s6 =	sadd.s32 @!p0 s3, s7;
	s7 =	simm.s32 @!p0 $0x108  }
0x21: {  	s3 =	sadd.s32 s3, s9;
	s6 =	sadd.s32 @!p0 $0x88, s6;
	s7 =	simm.s32 @p2 $0x1082  }
0x22: {  	[simem:s7], [sflag:s8] =	dma.local @!p0 [hbm:s6], $0xF7A  }
0x23: {  	s9 =	sor.u32 $0xD0000000, s2;
	s6 =	simm.s32 $0x108;
	_ =	swait.ge @!p0 [sflag:s8], $0x0  }
0x24: {  	s3 =	sadd.s32 $0x88, s3;
	s6 =	simm.s32 @!p1 $0x1082;
	[sflag:s4] =	ssyncset.s32 $0xFFFFF086  }
0x25: {  	[simem:s6], [sflag:s4] =	dma.local [hbm:s3], $0xF7A  }
0x26: {  	[smem:$0x3F93] =	sst s1;
	(tag) =	ssettag s2;
	_ =	strace s9  }
0x27: {  	s1 =	sld [smem:$0x3FA3]  }
0x28: {  	s2 =	sld [smem:$0x3FA4]  }
0x29: {  	s4 =	sld [smem:$0x3FA6]  }
0x2a: {  	p0 =	seq.s32 s5, $0x0;
	s5 =	sld [smem:$0x3FA7]  }
0x2b: {  	s6 =	sld [smem:$0x3FA8]  }
0x2c: {  	s7 =	sld [smem:$0x3FA9]  }
0x2d: {  	s3 =	simm.s32 $0x108;
	s8 =	sld [smem:$0x3FAA]  }
0x2e: {  	s3 =	simm.s32 @!p0 $0x1082;
	s9 =	sld [smem:$0x3FAB]  }
0x2f: {  	lr =	sadd.s32 s0, s3;
	s0 =	sld [smem:$0x3FA2]  }
0x30: {  	s3 =	sld [smem:$0x3FA5]  }
0x31: {  	[smem:$0x3FAE] =	sst s10  }
0x32: {  	s10 =	sld [smem:$0x3FAC];
	_ =	sdelay $0x3  }
0x33: {  	p0 =	seq.s32 s10, $0x1;
	s10 =	sld [smem:$0x3FAE];
	_ =	sdelay $0x3  }
0x34: {  	[smem:$0x3FAE] =	sst s10  }
0x35: {  	s10 =	sld [smem:$0x3FAD];
	_ =	sdelay $0x3  }
0x36: {  	p1 =	seq.s32 s10, $0x1;
	s10 =	sld [smem:$0x3FAE];
	_ =	sdelay $0x3  }
0x37: {  	[smem:$0x3FAE] =	sst s10  }
0x38: {  	s10 =	sld [smem:$0x3FAF]  }
0x39: {  	_ = 	snop;
	(pc) =	sbr.ind lr, $3  }
0x3a: {  	_ = 	snop  }
0x3b: {  	_ = 	snop  }
0x3c: {  	p2 =	seq.s32 s10, $0x1;
	s10 =	sld [smem:$0x3FAE]  }
0x3d: {  	_ =	shalt  }
0x3e: {  	_ =	shalt  }
0x3f: {  	_ =	shalt  }
0x40: {  	_ =	shalt  }
0x41: {  	_ =	shalt  }
0x42: {  	_ =	shalt  }
0x43: {  	_ =	shalt  }
0x44: {  	_ =	shalt  }
0x45: {  	_ =	shalt  }
0x46: {  	_ =	shalt  }
0x47: {  	_ =	shalt  }
0x48: {  	_ =	shalt  }
0x49: {  	_ =	shalt  }
0x4a: {  	_ =	shalt  }
0x4b: {  	_ =	shalt  }
0x4c: {  	_ =	shalt  }
0x4d: {  	_ =	shalt  }
0x4e: {  	_ =	shalt  }
0x4f: {  	_ =	shalt  }
0x50: {  	_ =	shalt  }
0x51: {  	_ =	shalt  }
0x52: {  	_ =	shalt  }
0x53: {  	_ =	shalt  }
0x54: {  	_ =	shalt  }
0x55: {  	_ =	shalt  }
0x56: {  	_ =	shalt  }
0x57: {  	_ =	shalt  }
0x58: {  	_ =	shalt  }
0x59: {  	_ =	shalt  }
0x5a: {  	_ =	shalt  }
0x5b: {  	_ =	shalt  }
0x5c: {  	_ =	shalt  }
0x5d: {  	_ =	shalt  }
0x5e: {  	_ =	shalt  }
0x5f: {  	_ =	shalt  }
0x60: {  	_ =	shalt  }
0x61: {  	_ =	shalt  }
0x62: {  	_ =	shalt  }
0x63: {  	_ =	shalt  }
0x64: {  	_ =	shalt  }
0x65: {  	_ =	shalt  }
0x66: {  	_ =	shalt  }
0x67: {  	_ =	shalt  }
0x68: {  	_ =	shalt  }
0x69: {  	_ =	shalt  }
0x6a: {  	_ =	shalt  }
0x6b: {  	_ =	shalt  }
0x6c: {  	_ =	shalt  }
0x6d: {  	_ =	shalt  }
0x6e: {  	_ =	shalt  }
0x6f: {  	_ =	shalt  }
0x70: {  	_ =	shalt  }
0x71: {  	_ =	shalt  }
0x72: {  	_ =	shalt  }
0x73: {  	_ =	shalt  }
0x74: {  	_ =	shalt  }
0x75: {  	_ =	shalt  }
0x76: {  	_ =	shalt  }
0x77: {  	_ =	shalt  }
0x78: {  	_ =	shalt  }
0x79: {  	_ =	shalt  }
0x7a: {  	_ =	shalt  }
0x7b: {  	_ =	shalt  }
0x7c: {  	_ =	shalt  }
0x7d: {  	_ =	shalt  }
0x7e: {  	_ =	shalt  }
0x7f: {  	_ =	shalt  }
0x80: {  	_ =	shalt  }
0x81: {  	_ =	shalt  }
0x82: {  	_ =	shalt  }
0x83: {  	_ =	shalt  }
0x84: {  	_ =	shalt  }
0x85: {  	_ =	shalt  }
0x86: {  	_ =	shalt  }
0x87: {  	_ =	shalt  }
.Lfunc_end0:
.L_simem_size_0:
called_computation_lowered:
.L_overlay_start_0:
0x88: {  	s2 =	sld [smem:$0x3FD9]  }
0x89: {  	s3 =	sld [smem:$0x3FFE];
	_ =	sdelay $0x1  }
0x8a: {  	s1 =	srdreg.scid  }
0x8b: {  	s0 =	sand.u32 $0x1, s1  }
0x8c: {  	s14 =	sshll.u32 s0, $0xA;
	s2 =	sadd.s32 s3, s2  }
0x8d: {  	s2 =	sadd.s32 s2, s14  }
0x8e: {  	[smem:$0x3FBA] =	sst s2  }
0x8f: {  	_ = 	snop  }
0x90: {  	s2 =	sld [smem:$0x3FD0];
	_ =	sdelay $0x2  }
0x91: {  	s15 =	simm.s32 $0xA;
	s4 =	simm.s32 $0x10  }
0x92: {  	[smem:s4], [sflag:s15] =	dma.local [hbm:s2], $0x1  }
0x93: {  	_ =	swait.eq [sflag:s15], $0x1  }
0x94: {  	[sflag:s15] =	ssyncset.done $0x0  }
0x95: {  	[sflag:s15] =	ssyncadd.s32 $0xFFFFFFFF  }
0x96: {  	s16 =	sld [smem:$0x10];
	(tm) =	ssettm $0x1  }
0x97: {  	s17 =	sld [smem:$0x3FFB];
	_ =	sdelay $0x3  }
0x98: {  	_ =	strace s17  }
0x99: {  	s3 =	sld [smem:$0x3FFC];
	_ =	sdelay $0x3  }
0x9a: {  	_ =	strace s3  }
0x9b: {  	s3 =	sld [smem:$0x3FFD];
	_ =	sdelay $0x3  }
0x9c: {  	_ =	strace s3  }
0x9d: {  	_ =	strace $0x8FFFFFFF  }
0x9e: {  	s18 =	sld [smem:$0x3FDB];
	_ =	sdelay $0x1  }
0x9f: {  	s19 =	simm.s32 $_scs_section_size  }
0xa0: {  	s5 =	simm.s32 $_size__tile_overlayer_lowered;
	s6 =	simm.s32 $_tile_overlayer_lowered  }
0xa1: {  	s22 =	simm.s32 $0x1BFF;
	s21 =	sshll.u32 s6, $0x1;
	s3 =	sadd.s32 s19, s18  }
0xa2: {  	s7 =	simm.s32 $0x0;
	s20 =	sshll.u32 s5, $0x1;
	s5 =	sadd.s32 s21, s3  }
0xa3: {  	[timem:s7], [sflag:s22] =	dma.local [hbm:s5], s20  }
0xa4: {  	_ =	swait.ge [sflag:s22], s20  }
0xa5: {  	s4 =	ssub.s32 $0x0, s20;
	[sflag:s22] =	ssyncset.done $0x0  }
0xa6: {  	[sflag:s22] =	ssyncadd.s32 s4;
	_ =	sdelay $0x1  }
0xa7: {  	s23 =	simm.s32 $0x1B8B  }
0xa8: {  	_ =	swait.ge [sflag:s23], $0x1  }
0xa9: {  	[sflag:s23] =	ssyncset.done $0x0  }
0xaa: {  	s25 =	simm.s32 $0x1B8E;
	s24 =	sld [smem:$0x3FFE];
	[sflag:s23] =	ssyncadd.s32 $0xFFFFFFFF  }
0xab: {  	s26 =	simm.s32 $execute0_lowered;
	[smem:$0x3FD2] =	sst s25  }
0xac: {  	s5 =	sshll.u32 s26, $0x1;
	_ =	strace $0x80000046;
	[dreg:$0x1] =	wrdreg $0xFFFFFFFF  }
0xad: {  	s28 =	simm.s32 $_size_execute0_lowered;
	s3 =	sadd.s32 s3, s5;
	[dreg:$0x0] =	wrdreg $0x0  }
0xae: {  	s5 =	sshll.u32 s28, $0x1;
	[dreg:$0x2] =	wrdreg s3  }
0xaf: {  	[dreg:$0x3] =	wrdreg s5  }
0xb0: {  	[dreg:$0x4] =	wrdreg $0xC0  }
0xb1: {  	_ =	task [dreg:s7], $0x5FFFF  }
0xb2: {  	[dreg:$0x1] =	wrdreg $0xFFFFFFFF  }
0xb3: {  	[dreg:$0x0] =	wrdreg $0x60  }
0xb4: {  	[dreg:$0x2] =	wrdreg s16  }
0xb5: {  	[dreg:$0x3] =	wrdreg s24  }
0xb6: {  	[dreg:$0x4] =	wrdreg $0x9  }
0xb7: {  	_ =	task.clear_ibuf [dreg:s7], $0x5FFFF;
	_ =	strace $0x90000046  }
0xb8: {  	s29 =	simm.s32 $0x9;
	_ =	strace $0x80000048  }
0xb9: {  	_ =	swait.ge [sflag:s29], $0x1  }
0xba: {  	[sflag:s29] =	ssyncadd.s32 $0xFFFFFFFF  }
0xbb: {  	_ =	strace $0x90000048  }
0xbc: {  	_ =	sfence  }
0xbd: {  	s30 =	sld [smem:$0x0];
	_ =	sdelay $0x2  }
0xbe: {  	s31 =	sshll.u32 s1, $0xD;
	s1 =	sshrl.u32 s1, $0x2  }
0xbf: {  	s3 =	sand.u32 $0x4000, s31;
	s1 =	sadd.s32 s1, s30  }
0xc0: {  	s0 =	sor.u32 s3, s0;
	s1 =	sshll.u32 s1, $0x11  }
0xc1: {  	s0 =	sor.u32 s1, s0  }
0xc2: {  	s0 =	sadd.s32 $0x8F2B, s0  }
0xc3: {  	[sflag:s0] =	ssyncadd.remote.s32 $0x1  }
0xc4: {  	_ =	sfence.sel $0xFFFF  }
0xc5: {  	[dreg:$0x0] =	wrdreg $0xFFFFFFFF;
	(pc) =	sbr.abs _section_cstart, $3  }
0xc6: {  	[dreg:$0x1] =	wrdreg $0xFFFFFFFF  }
0xc7: {  	_ =	task.clear_ibuf [dreg:s7], $0x2FFFF;
	_ =	strace $0x9FFFFFFF  }
0xc8: {  	(tm) =	ssettm $0x7FFFFFFF  }
0xc9: {  	_ =	shalt  }
tec
execute0_lowered:
.L_overlay_start_1:
0x0: {  	(tag) =	ssettag $0x1  }
0x1: {  	s1 =	rddreg [dreg:$0x0];
	s3 =	srdreg.scid  }
0x2: {  	s0 =	rddreg [dreg:$0x1];
	s4 =	stileid.u32;
	s5 =	sand.u32 $0x1, s3  }
0x3: {  	s2 =	simm.s32 $0x0;
	s20 =	sshll.u32 s4, $0x9;
	s21 =	sshll.u32 s5, $0x8  }
0x4: {  	s31 =	simm.s32 $0x100;
	[smem:$0x7FF] =	sst s2;
	s6 =	sor.u32 s21, s20  }
0x5: {  	s7 =	sadd.s32 $0x20000, s0;
	s8 =	sadd.s32 $0x60400, s0;
	s4 =	sshrl.u32 s6, $0x3  }
0x6: {  	s9 =	sadd.s32 $0x60000, s0;
	_ =	strace $0x80000047;
	s10 =	sadd.s32 s8, s4  }
0x7: {  	s22 =	sshll.u32 s6, $0x6;
	s4 =	sadd.s32 s9, s4;
	[dreg:$0x3] =	wrdreg s10  }
0x8: {  	s24 =	sshll.u32 s6, $0x4;
	s23 =	sadd.s32 s1, s22;
	[dreg:$0x4] =	wrdreg s4  }
0x9: {  	s11 =	sor.u32 $0x40, s6;
	s25 =	sadd.s32 s0, s24;
	[dreg:$0x5] =	wrdreg s23  }
0xa: {  	s12 =	sshrl.u32 s11, $0x3;
	[dreg:$0x6] =	wrdreg s25;
	s10 =	sadd.s32 s7, s24  }
0xb: {  	s3 =	sadd.s32 $0x120400, s0;
	s26 =	sadd.s32 s8, s12;
	[dreg:$0x7] =	wrdreg s10  }
0xc: {  	s29 =	sshll.u32 s11, $0x6;
	s28 =	sadd.s32 s9, s12;
	[dreg:$0x8] =	wrdreg s26  }
0xd: {  	s11 =	sshll.u32 s11, $0x4;
	s30 =	sadd.s32 s1, s29;
	[dreg:$0x9] =	wrdreg s28  }
0xe: {  	s13 =	sor.u32 $0x80, s6;
	s12 =	sadd.s32 s0, s11;
	[dreg:$0xa] =	wrdreg s30  }
0xf: {  	s15 =	sshrl.u32 s13, $0x3;
	s14 =	sadd.s32 s7, s11;
	[dreg:$0xb] =	wrdreg s12  }
0x10: {  	s5 =	ssub.s32 $0x2, s5;
	s16 =	sadd.s32 s8, s15;
	[dreg:$0xc] =	wrdreg s14  }
0x11: {  	s18 =	sshll.u32 s13, $0x6;
	s17 =	sadd.s32 s9, s15;
	[dreg:$0xd] =	wrdreg s16  }
0x12: {  	s20 =	sshll.u32 s13, $0x4;
	s19 =	sadd.s32 s1, s18;
	[dreg:$0xe] =	wrdreg s17  }
0x13: {  	s6 =	sor.u32 $0xC0, s6;
	s21 =	sadd.s32 s0, s20;
	[dreg:$0xf] =	wrdreg s19  }
0x14: {  	s4 =	sadd.s32 $0x60800, s0;
	s22 =	sadd.s32 s7, s20;
	[dreg:$0x10] =	wrdreg s21  }
0x15: {  	s23 =	sshrl.u32 s6, $0x3;
	s24 =	sshrl.u32 s5, $0x1;
	[dreg:$0x11] =	wrdreg s22  }
0x16: {  	s8 =	sadd.s32 s8, s23;
	s25 =	sadd.s32 s9, s23;
	s26 =	sshll.u32 s6, $0x6  }
0x17: {  	s6 =	sshll.u32 s6, $0x4;
	s28 =	ssub.s32 s5, s24;
	[dreg:$0x12] =	wrdreg s8  }
0x18: {  	s5 =	sadd.s32 $0x120500, s0;
	[dreg:$0x13] =	wrdreg s25;
	s1 =	sadd.s32 s1, s26  }
0x19: {  	v2 =	vlaneseq.u32;
	s24 =	simm.s32 $0x1;
	s29 =	sadd.s32 s0, s6;
	[dreg:$0x14] =	wrdreg s1  }
0x1a: {  	vm0 =	vmmov $0xffff;
	v1 =	vshrl.u32 v2, $0x3;
	s30 =	sadd.s32 s7, s6;
	s21 =	smax.u32 s28, $0x1;
	[dreg:$0x15] =	wrdreg s29  }
0x1b: {  	v0 =	vand.u32 $0x7, v2;
	v2 =	vor.u32 $0x8, v2;
	v1 =	vmul.u32 $0x8, v1;
	s7 =	simm.s32 $0x3;
	s25 =	simm.s32 $0x2;
	[dreg:$0x16] =	wrdreg s30  }
.LBB2_1:
0x1c: {  	s26 =	rddreg [dreg:$0x3]  }
0x1d: {  	[tilespmem:s2], [sflag:$0x3] =	stream.linear.gather [hbm4b:s26+s2], $0x40, $0x38;
	[tilespmem:$0x18200] =	vst v63  }
0x1e: {  	_ =	swait.ge [sflag:s7], $0x40  }
0x1f: {  	[sflag:s7] =	ssyncset.done $0x0  }
0x20: {  	s0 =	simm.s32 $0x80;
	s23 =	rddreg [dreg:$0x4];
	[sflag:s7] =	ssyncadd.s32 $0xFFFFFFC0  }
0x21: {  	[tilespmem:s0], [sflag:$0x3] =	stream.linear.gather [hbm4b:s23+s2], $0x40, $0x38;
	[tilespmem:$0x18200] =	vst v63  }
0x22: {  	_ =	swait.ge [sflag:s7], $0x40  }
0x23: {  	[sflag:s7] =	ssyncset.done $0x0  }
0x24: {  	s28 =	rddreg [dreg:$0x5];
	[sflag:s7] =	ssyncadd.s32 $0xFFFFFFC0  }
0x25: {  	[tilespmem:s31], [sflag:$0x3] =	stream.linear.gather [hbm4b:s28+s2], $0x8000, $0x38;
	[tilespmem:$0x18200] =	vst v63  }
0x26: {  	_ =	swait.ge [sflag:s7], $0x8000  }
0x27: {  	[sflag:s7] =	ssyncset.done $0x0  }
0x28: {  	s30 =	simm.s32 $0x8100;
	s29 =	rddreg [dreg:$0x6];
	[sflag:s7] =	ssyncadd.s32 $0xFFFF8000  }
0x29: {  	[tilespmem:s30], [sflag:$0x3] =	stream.linear.gather [hbm4b:s29+s2], $0x2000, $0x38;
	[tilespmem:$0x18200] =	vst v63  }
0x2a: {  	_ =	swait.ge [sflag:s7], $0x2000  }
0x2b: {  	[sflag:s7] =	ssyncset.done $0x0  }
0x2c: {  	s6 =	simm.s32 $0xA100;
	s0 =	rddreg [dreg:$0x7];
	[sflag:s7] =	ssyncadd.s32 $0xFFFFE000  }
0x2d: {  	[tilespmem:s6], [sflag:$0x3] =	stream.linear.gather [hbm4b:s0+s2], $0x2000, $0x38;
	[tilespmem:$0x18200] =	vst v63  }
0x2e: {  	_ =	swait.ge [sflag:s7], $0x2000  }
0x2f: {  	[sflag:s7] =	ssyncset.done $0x0  }
0x30: {  	[sflag:s7] =	ssyncadd.s32 $0xFFFFE000  }
0x31: {  	v3 =	vld [tilespmem:$0x0];
	_ =	sdelay $0x4  }
0x32: {  	v4 =	vshll.u32 v3, $0x2  }
0x33: {  	v3 =	vand.u32 $0x7, v3;
	v4 =	vand.u32 $0xFFFFFFE0, v4  }
0x34: {  	v3 =	vor.u32 v3, v4  }
0x35: {  	v4 =	vperm.xlane v3, v0;
	_ =	sdelay $0x1  }
0x36: {  	v4 =	vadd.s32 v1, v4;
	_ =	sdelay $0x1  }
0x37: {  	v3 =	vperm.xlane v3, v2;
	_ =	sdelay $0x1  }
0x38: {  	v3 =	vadd.s32 v1, v3  }
0x39: {  	[hbm4b:s3+s2] =	stream.indirect_vreg.scatter [tilespmem:s31], [sflag:$0x1], $0x80, v4, vm0, $0xb8;
	[tilespmem:$0x18200] =	vst v63  }
0x3a: {  	s30 =	simm.s32 $0x900  }
0x3b: {  	[hbm4b:s5+s2] =	stream.indirect_vreg.scatter [tilespmem:s30], [sflag:$0x1], $0x80, v4, vm0, $0xb8;
	[tilespmem:$0x18200] =	vst v63  }
0x3c: {  	s28 =	simm.s32 $0x1100  }
0x3d: {  	[hbm4b:s3+s2] =	stream.indirect_vreg.scatter [tilespmem:s28], [sflag:$0x1], $0x80, v3, vm0, $0xb8;
	[tilespmem:$0x18200] =	vst v63  }
0x3e: {  	s8 =	simm.s32 $0x1900  }
0x3f: {  	[hbm4b:s5+s2] =	stream.indirect_vreg.scatter [tilespmem:s8], [sflag:$0x1], $0x80, v3, vm0, $0xb8;
	[tilespmem:$0x18200] =	vst v63  }
0x40: {  	v3 =	vld [tilespmem:$0x10];
	_ =	sdelay $0x4  }
0x41: {  	v33 =	vshll.u32 v3, $0x2  }
0x42: {  	v3 =	vand.u32 $0x7, v3;
	v4 =	vand.u32 $0xFFFFFFE0, v33  }
0x43: {  	v3 =	vor.u32 v3, v4  }
0x44: {  	v4 =	vperm.xlane v3, v0;
	_ =	sdelay $0x1  }
0x45: {  	v4 =	vadd.s32 v1, v4;
	_ =	sdelay $0x1  }
0x46: {  	v3 =	vperm.xlane v3, v2;
	_ =	sdelay $0x1  }
0x47: {  	s10 =	simm.s32 $0x2100;
	v3 =	vadd.s32 v1, v3  }
0x48: {  	[hbm4b:s3+s2] =	stream.indirect_vreg.scatter [tilespmem:s10], [sflag:$0x1], $0x80, v4, vm0, $0xb8;
	[tilespmem:$0x18200] =	vst v63  }
0x49: {  	s11 =	simm.s32 $0x2900  }
0x4a: {  	[hbm4b:s5+s2] =	stream.indirect_vreg.scatter [tilespmem:s11], [sflag:$0x1], $0x80, v4, vm0, $0xb8;
	[tilespmem:$0x18200] =	vst v63  }
0x4b: {  	s12 =	simm.s32 $0x3100  }
0x4c: {  	[hbm4b:s3+s2] =	stream.indirect_vreg.scatter [tilespmem:s12], [sflag:$0x1], $0x80, v3, vm0, $0xb8;
	[tilespmem:$0x18200] =	vst v63  }
0x4d: {  	s13 =	simm.s32 $0x3900  }
0x4e: {  	[hbm4b:s5+s2] =	stream.indirect_vreg.scatter [tilespmem:s13], [sflag:$0x1], $0x80, v3, vm0, $0xb8;
	[tilespmem:$0x18200] =	vst v63  }
0x4f: {  	v3 =	vld [tilespmem:$0x20];
	_ =	sdelay $0x4  }
0x50: {  	v34 =	vshll.u32 v3, $0x2  }
0x51: {  	v3 =	vand.u32 $0x7, v3;
	v4 =	vand.u32 $0xFFFFFFE0, v34  }
0x52: {  	v3 =	vor.u32 v3, v4  }
0x53: {  	v4 =	vperm.xlane v3, v0;
	_ =	sdelay $0x1  }
0x54: {  	v4 =	vadd.s32 v1, v4;
	_ =	sdelay $0x1  }
0x55: {  	v3 =	vperm.xlane v3, v2;
	_ =	sdelay $0x1  }
0x56: {  	s14 =	simm.s32 $0x4100;
	v3 =	vadd.s32 v1, v3  }
0x57: {  	[hbm4b:s3+s2] =	stream.indirect_vreg.scatter [tilespmem:s14], [sflag:$0x1], $0x80, v4, vm0, $0xb8;
	[tilespmem:$0x18200] =	vst v63  }
0x58: {  	s15 =	simm.s32 $0x4900  }
0x59: {  	[hbm4b:s5+s2] =	stream.indirect_vreg.scatter [tilespmem:s15], [sflag:$0x1], $0x80, v4, vm0, $0xb8;
	[tilespmem:$0x18200] =	vst v63  }
0x5a: {  	s18 =	simm.s32 $0x5100  }
0x5b: {  	[hbm4b:s3+s2] =	stream.indirect_vreg.scatter [tilespmem:s18], [sflag:$0x1], $0x80, v3, vm0, $0xb8;
	[tilespmem:$0x18200] =	vst v63  }
0x5c: {  	s19 =	simm.s32 $0x5900  }
0x5d: {  	[hbm4b:s5+s2] =	stream.indirect_vreg.scatter [tilespmem:s19], [sflag:$0x1], $0x80, v3, vm0, $0xb8;
	[tilespmem:$0x18200] =	vst v63  }
0x5e: {  	v3 =	vld [tilespmem:$0x30];
	_ =	sdelay $0x4  }
0x5f: {  	v35 =	vshll.u32 v3, $0x2  }
0x60: {  	v3 =	vand.u32 $0x7, v3;
	v4 =	vand.u32 $0xFFFFFFE0, v35  }
0x61: {  	v3 =	vor.u32 v3, v4  }
0x62: {  	v4 =	vperm.xlane v3, v0;
	_ =	sdelay $0x1  }
0x63: {  	v4 =	vadd.s32 v1, v4;
	_ =	sdelay $0x1  }
0x64: {  	v3 =	vperm.xlane v3, v2;
	_ =	sdelay $0x1  }
0x65: {  	s20 =	simm.s32 $0x6100;
	v3 =	vadd.s32 v1, v3  }
0x66: {  	[hbm4b:s3+s2] =	stream.indirect_vreg.scatter [tilespmem:s20], [sflag:$0x1], $0x80, v4, vm0, $0xb8;
	[tilespmem:$0x18200] =	vst v63  }
0x67: {  	s22 =	simm.s32 $0x6900  }
0x68: {  	[hbm4b:s5+s2] =	stream.indirect_vreg.scatter [tilespmem:s22], [sflag:$0x1], $0x80, v4, vm0, $0xb8;
	[tilespmem:$0x18200] =	vst v63  }
0x69: {  	s26 =	simm.s32 $0x7100  }
0x6a: {  	[hbm4b:s3+s2] =	stream.indirect_vreg.scatter [tilespmem:s26], [sflag:$0x1], $0x80, v3, vm0, $0xb8;
	[tilespmem:$0x18200] =	vst v63  }
0x6b: {  	s22 =	simm.s32 $0x7900  }
0x6c: {  	[hbm4b:s5+s2] =	stream.indirect_vreg.scatter [tilespmem:s22], [sflag:$0x1], $0x80, v3, vm0, $0xb8;
	[tilespmem:$0x18200] =	vst v63  }
0x6d: {  	v3 =	vld [tilespmem:$0x80];
	_ =	sdelay $0x4  }
0x6e: {  	v36 =	vshll.u32 v3, $0x2  }
0x6f: {  	v3 =	vand.u32 $0x7, v3;
	v4 =	vand.u32 $0xFFFFFFE0, v36  }
0x70: {  	v3 =	vor.u32 v3, v4  }
0x71: {  	v4 =	vperm.xlane v3, v0;
	_ =	sdelay $0x1  }
0x72: {  	v4 =	vadd.s32 v1, v4;
	_ =	sdelay $0x1  }
0x73: {  	v3 =	vperm.xlane v3, v2;
	_ =	sdelay $0x1  }
0x74: {  	v3 =	vadd.s32 v1, v3  }
0x75: {  	[hbm4b:s3+s2] =	stream.indirect_vreg.scatter [tilespmem:s31], [sflag:$0x1], $0x80, v4, vm0, $0xb8;
	[tilespmem:$0x18200] =	vst v63  }
0x76: {  	_ = 	snop  }
0x77: {  	[hbm4b:s5+s2] =	stream.indirect_vreg.scatter [tilespmem:s30], [sflag:$0x1], $0x80, v4, vm0, $0xb8;
	[tilespmem:$0x18200] =	vst v63  }
0x78: {  	_ = 	snop  }
0x79: {  	[hbm4b:s3+s2] =	stream.indirect_vreg.scatter [tilespmem:s28], [sflag:$0x1], $0x80, v3, vm0, $0xb8;
	[tilespmem:$0x18200] =	vst v63  }
0x7a: {  	s16 =	simm.s32 $0x1900  }
0x7b: {  	[hbm4b:s5+s2] =	stream.indirect_vreg.scatter [tilespmem:s16], [sflag:$0x1], $0x80, v3, vm0, $0xb8;
	[tilespmem:$0x18200] =	vst v63  }
0x7c: {  	v3 =	vld [tilespmem:$0x90];
	_ =	sdelay $0x4  }
0x7d: {  	v37 =	vshll.u32 v3, $0x2  }
0x7e: {  	v3 =	vand.u32 $0x7, v3;
	v4 =	vand.u32 $0xFFFFFFE0, v37  }
0x7f: {  	v3 =	vor.u32 v3, v4  }
0x80: {  	v4 =	vperm.xlane v3, v0;
	_ =	sdelay $0x1  }
0x81: {  	v4 =	vadd.s32 v1, v4;
	_ =	sdelay $0x1  }
0x82: {  	v3 =	vperm.xlane v3, v2;
	_ =	sdelay $0x1  }
0x83: {  	s6 =	simm.s32 $0x2100;
	v3 =	vadd.s32 v1, v3  }
0x84: {  	[hbm4b:s3+s2] =	stream.indirect_vreg.scatter [tilespmem:s6], [sflag:$0x1], $0x80, v4, vm0, $0xb8;
	[tilespmem:$0x18200] =	vst v63  }
0x85: {  	s8 =	simm.s32 $0x2900  }
0x86: {  	[hbm4b:s5+s2] =	stream.indirect_vreg.scatter [tilespmem:s8], [sflag:$0x1], $0x80, v4, vm0, $0xb8;
	[tilespmem:$0x18200] =	vst v63  }
0x87: {  	s10 =	simm.s32 $0x3100  }
0x88: {  	[hbm4b:s3+s2] =	stream.indirect_vreg.scatter [tilespmem:s10], [sflag:$0x1], $0x80, v3, vm0, $0xb8;
	[tilespmem:$0x18200] =	vst v63  }
0x89: {  	s17 =	simm.s32 $0x3900  }
0x8a: {  	[hbm4b:s5+s2] =	stream.indirect_vreg.scatter [tilespmem:s17], [sflag:$0x1], $0x80, v3, vm0, $0xb8;
	[tilespmem:$0x18200] =	vst v63  }
0x8b: {  	v3 =	vld [tilespmem:$0xA0];
	_ =	sdelay $0x4  }
0x8c: {  	v38 =	vshll.u32 v3, $0x2  }
0x8d: {  	v3 =	vand.u32 $0x7, v3;
	v4 =	vand.u32 $0xFFFFFFE0, v38  }
0x8e: {  	v3 =	vor.u32 v3, v4  }
0x8f: {  	v4 =	vperm.xlane v3, v0;
	_ =	sdelay $0x1  }
0x90: {  	v4 =	vadd.s32 v1, v4;
	_ =	sdelay $0x1  }
0x91: {  	v3 =	vperm.xlane v3, v2;
	_ =	sdelay $0x1  }
0x92: {  	s11 =	simm.s32 $0x4100;
	v3 =	vadd.s32 v1, v3  }
0x93: {  	[hbm4b:s3+s2] =	stream.indirect_vreg.scatter [tilespmem:s11], [sflag:$0x1], $0x80, v4, vm0, $0xb8;
	[tilespmem:$0x18200] =	vst v63  }
0x94: {  	s12 =	simm.s32 $0x4900  }
0x95: {  	[hbm4b:s5+s2] =	stream.indirect_vreg.scatter [tilespmem:s12], [sflag:$0x1], $0x80, v4, vm0, $0xb8;
	[tilespmem:$0x18200] =	vst v63  }
0x96: {  	s13 =	simm.s32 $0x5100  }
0x97: {  	[hbm4b:s3+s2] =	stream.indirect_vreg.scatter [tilespmem:s13], [sflag:$0x1], $0x80, v3, vm0, $0xb8;
	[tilespmem:$0x18200] =	vst v63  }
0x98: {  	s18 =	simm.s32 $0x5900  }
0x99: {  	[hbm4b:s5+s2] =	stream.indirect_vreg.scatter [tilespmem:s18], [sflag:$0x1], $0x80, v3, vm0, $0xb8;
	[tilespmem:$0x18200] =	vst v63  }
0x9a: {  	v3 =	vld [tilespmem:$0xB0];
	_ =	sdelay $0x4  }
0x9b: {  	v39 =	vshll.u32 v3, $0x2  }
0x9c: {  	v3 =	vand.u32 $0x7, v3;
	v4 =	vand.u32 $0xFFFFFFE0, v39  }
0x9d: {  	v3 =	vor.u32 v3, v4  }
0x9e: {  	v4 =	vperm.xlane v3, v0;
	_ =	sdelay $0x1  }
0x9f: {  	v4 =	vadd.s32 v1, v4;
	_ =	sdelay $0x1  }
0xa0: {  	v3 =	vperm.xlane v3, v2;
	_ =	sdelay $0x1  }
0xa1: {  	s14 =	simm.s32 $0x6100;
	v3 =	vadd.s32 v1, v3  }
0xa2: {  	[hbm4b:s3+s2] =	stream.indirect_vreg.scatter [tilespmem:s14], [sflag:$0x1], $0x80, v4, vm0, $0xb8;
	[tilespmem:$0x18200] =	vst v63  }
0xa3: {  	s15 =	simm.s32 $0x6900  }
0xa4: {  	[hbm4b:s5+s2] =	stream.indirect_vreg.scatter [tilespmem:s15], [sflag:$0x1], $0x80, v4, vm0, $0xb8;
	[tilespmem:$0x18200] =	vst v63  }
0xa5: {  	s29 =	simm.s32 $0x7100  }
0xa6: {  	[hbm4b:s3+s2] =	stream.indirect_vreg.scatter [tilespmem:s29], [sflag:$0x1], $0x80, v3, vm0, $0xb8;
	[tilespmem:$0x18200] =	vst v63  }
0xa7: {  	_ = 	snop  }
0xa8: {  	[hbm4b:s5+s2] =	stream.indirect_vreg.scatter [tilespmem:s22], [sflag:$0x1], $0x80, v3, vm0, $0xb8;
	[tilespmem:$0x18200] =	vst v63  }
0xa9: {  	s9 =	simm.s32 $0x8100;
	s8 =	simm.s32 $0x40  }
0xaa: {  	[hbm4b:s4+s8] =	stream.indirect.scatter [tilespmem:s9], [sflag:$0x1], $0x80, s2, s8, $0xb8;
	[tilespmem:$0x18200] =	vst v63  }
0xab: {  	s1 =	simm.s32 $0x80;
	s23 =	simm.s32 $0xA100  }
0xac: {  	[hbm4b:s4+s8] =	stream.indirect.scatter [tilespmem:s23], [sflag:$0x1], $0x80, s1, s8, $0xb8;
	[tilespmem:$0x18200] =	vst v63  }
0xad: {  	s17 =	rddreg [dreg:$0x8];
	s18 =	simm.s32 $0xC100  }
0xae: {  	[tilespmem:s18], [sflag:$0x3] =	stream.linear.gather [hbm4b:s17+s2], $0x40, $0x38;
	[tilespmem:$0x18200] =	vst v63  }
0xaf: {  	_ =	swait.ge [sflag:s7], $0x40  }
0xb0: {  	[sflag:s7] =	ssyncset.done $0x0  }
0xb1: {  	s20 =	simm.s32 $0xC180;
	s19 =	rddreg [dreg:$0x9];
	[sflag:s7] =	ssyncadd.s32 $0xFFFFFFC0  }
0xb2: {  	[tilespmem:s20], [sflag:$0x3] =	stream.linear.gather [hbm4b:s19+s2], $0x40, $0x38;
	[tilespmem:$0x18200] =	vst v63  }
0xb3: {  	_ =	swait.ge [sflag:s7], $0x40  }
0xb4: {  	[sflag:s7] =	ssyncset.done $0x0  }
0xb5: {  	s10 =	simm.s32 $0xC200;
	s23 =	rddreg [dreg:$0xa];
	[sflag:s7] =	ssyncadd.s32 $0xFFFFFFC0  }
0xb6: {  	[tilespmem:s10], [sflag:$0x3] =	stream.linear.gather [hbm4b:s23+s2], $0x8000, $0x38;
	[tilespmem:$0x18200] =	vst v63  }
0xb7: {  	_ =	swait.ge [sflag:s7], $0x8000  }
0xb8: {  	[sflag:s7] =	ssyncset.done $0x0  }
0xb9: {  	s0 =	simm.s32 $0x14200;
	s29 =	rddreg [dreg:$0xb];
	[sflag:s7] =	ssyncadd.s32 $0xFFFF8000  }
0xba: {  	[tilespmem:s0], [sflag:$0x3] =	stream.linear.gather [hbm4b:s29+s2], $0x2000, $0x38;
	[tilespmem:$0x18200] =	vst v63  }
0xbb: {  	_ =	swait.ge [sflag:s7], $0x2000  }
0xbc: {  	[sflag:s7] =	ssyncset.done $0x0  }
0xbd: {  	s6 =	simm.s32 $0x16200;
	s1 =	rddreg [dreg:$0xc];
	[sflag:s7] =	ssyncadd.s32 $0xFFFFE000  }
0xbe: {  	[tilespmem:s6], [sflag:$0x3] =	stream.linear.gather [hbm4b:s1+s2], $0x2000, $0x38;
	[tilespmem:$0x18200] =	vst v63  }
0xbf: {  	_ =	swait.ge [sflag:s7], $0x2000  }
0xc0: {  	[sflag:s7] =	ssyncset.done $0x0  }
0xc1: {  	[sflag:s7] =	ssyncadd.s32 $0xFFFFE000  }
0xc2: {  	v3 =	vld [tilespmem:$0xC100];
	_ =	sdelay $0x4  }
0xc3: {  	v40 =	vshll.u32 v3, $0x2  }
0xc4: {  	v3 =	vand.u32 $0x7, v3;
	v4 =	vand.u32 $0xFFFFFFE0, v40  }
0xc5: {  	v3 =	vor.u32 v3, v4  }
0xc6: {  	v4 =	vperm.xlane v3, v0;
	_ =	sdelay $0x1  }
0xc7: {  	v4 =	vadd.s32 v1, v4;
	_ =	sdelay $0x1  }
0xc8: {  	v3 =	vperm.xlane v3, v2;
	_ =	sdelay $0x1  }
0xc9: {  	v3 =	vadd.s32 v1, v3  }
0xca: {  	[hbm4b:s3+s2] =	stream.indirect_vreg.scatter [tilespmem:s10], [sflag:$0x2], $0x80, v4, vm0, $0xb8;
	[tilespmem:$0x18200] =	vst v63  }
0xcb: {  	s11 =	simm.s32 $0xCA00  }
0xcc: {  	[hbm4b:s5+s2] =	stream.indirect_vreg.scatter [tilespmem:s11], [sflag:$0x2], $0x80, v4, vm0, $0xb8;
	[tilespmem:$0x18200] =	vst v63  }
0xcd: {  	s12 =	simm.s32 $0xD200  }
0xce: {  	[hbm4b:s3+s2] =	stream.indirect_vreg.scatter [tilespmem:s12], [sflag:$0x2], $0x80, v3, vm0, $0xb8;
	[tilespmem:$0x18200] =	vst v63  }
0xcf: {  	s29 =	simm.s32 $0xDA00  }
0xd0: {  	[hbm4b:s5+s2] =	stream.indirect_vreg.scatter [tilespmem:s29], [sflag:$0x2], $0x80, v3, vm0, $0xb8;
	[tilespmem:$0x18200] =	vst v63  }
0xd1: {  	v3 =	vld [tilespmem:$0xC110];
	_ =	sdelay $0x4  }
0xd2: {  	v41 =	vshll.u32 v3, $0x2  }
0xd3: {  	v3 =	vand.u32 $0x7, v3;
	v4 =	vand.u32 $0xFFFFFFE0, v41  }
0xd4: {  	v3 =	vor.u32 v3, v4  }
0xd5: {  	v4 =	vperm.xlane v3, v0;
	_ =	sdelay $0x1  }
0xd6: {  	v4 =	vadd.s32 v1, v4;
	_ =	sdelay $0x1  }
0xd7: {  	v3 =	vperm.xlane v3, v2;
	_ =	sdelay $0x1  }
0xd8: {  	s29 =	simm.s32 $0xE200;
	v3 =	vadd.s32 v1, v3  }
0xd9: {  	[hbm4b:s3+s2] =	stream.indirect_vreg.scatter [tilespmem:s29], [sflag:$0x2], $0x80, v4, vm0, $0xb8;
	[tilespmem:$0x18200] =	vst v63  }
0xda: {  	s13 =	simm.s32 $0xEA00  }
0xdb: {  	[hbm4b:s5+s2] =	stream.indirect_vreg.scatter [tilespmem:s13], [sflag:$0x2], $0x80, v4, vm0, $0xb8;
	[tilespmem:$0x18200] =	vst v63  }
0xdc: {  	s14 =	simm.s32 $0xF200  }
0xdd: {  	[hbm4b:s3+s2] =	stream.indirect_vreg.scatter [tilespmem:s14], [sflag:$0x2], $0x80, v3, vm0, $0xb8;
	[tilespmem:$0x18200] =	vst v63  }
0xde: {  	s15 =	simm.s32 $0xFA00  }
0xdf: {  	[hbm4b:s5+s2] =	stream.indirect_vreg.scatter [tilespmem:s15], [sflag:$0x2], $0x80, v3, vm0, $0xb8;
	[tilespmem:$0x18200] =	vst v63  }
0xe0: {  	v3 =	vld [tilespmem:$0xC120];
	_ =	sdelay $0x4  }
0xe1: {  	v42 =	vshll.u32 v3, $0x2  }
0xe2: {  	v3 =	vand.u32 $0x7, v3;
	v4 =	vand.u32 $0xFFFFFFE0, v42  }
0xe3: {  	v3 =	vor.u32 v3, v4  }
0xe4: {  	v4 =	vperm.xlane v3, v0;
	_ =	sdelay $0x1  }
0xe5: {  	v4 =	vadd.s32 v1, v4;
	_ =	sdelay $0x1  }
0xe6: {  	v3 =	vperm.xlane v3, v2;
	_ =	sdelay $0x1  }
0xe7: {  	s16 =	simm.s32 $0x10200;
	v3 =	vadd.s32 v1, v3  }
0xe8: {  	[hbm4b:s3+s2] =	stream.indirect_vreg.scatter [tilespmem:s16], [sflag:$0x2], $0x80, v4, vm0, $0xb8;
	[tilespmem:$0x18200] =	vst v63  }
0xe9: {  	s20 =	simm.s32 $0x10A00  }
0xea: {  	[hbm4b:s5+s2] =	stream.indirect_vreg.scatter [tilespmem:s20], [sflag:$0x2], $0x80, v4, vm0, $0xb8;
	[tilespmem:$0x18200] =	vst v63  }
0xeb: {  	s12 =	simm.s32 $0x11200  }
0xec: {  	[hbm4b:s3+s2] =	stream.indirect_vreg.scatter [tilespmem:s12], [sflag:$0x2], $0x80, v3, vm0, $0xb8;
	[tilespmem:$0x18200] =	vst v63  }
0xed: {  	s14 =	simm.s32 $0x11A00  }
0xee: {  	[hbm4b:s5+s2] =	stream.indirect_vreg.scatter [tilespmem:s14], [sflag:$0x2], $0x80, v3, vm0, $0xb8;
	[tilespmem:$0x18200] =	vst v63  }
0xef: {  	v3 =	vld [tilespmem:$0xC130];
	_ =	sdelay $0x4  }
0xf0: {  	v43 =	vshll.u32 v3, $0x2  }
0xf1: {  	v3 =	vand.u32 $0x7, v3;
	v4 =	vand.u32 $0xFFFFFFE0, v43  }
0xf2: {  	v3 =	vor.u32 v3, v4  }
0xf3: {  	v4 =	vperm.xlane v3, v0;
	_ =	sdelay $0x1  }
0xf4: {  	v4 =	vadd.s32 v1, v4;
	_ =	sdelay $0x1  }
0xf5: {  	v3 =	vperm.xlane v3, v2;
	_ =	sdelay $0x1  }
0xf6: {  	s15 =	simm.s32 $0x12200;
	v3 =	vadd.s32 v1, v3  }
0xf7: {  	[hbm4b:s3+s2] =	stream.indirect_vreg.scatter [tilespmem:s15], [sflag:$0x2], $0x80, v4, vm0, $0xb8;
	[tilespmem:$0x18200] =	vst v63  }
0xf8: {  	s16 =	simm.s32 $0x12A00  }
0xf9: {  	[hbm4b:s5+s2] =	stream.indirect_vreg.scatter [tilespmem:s16], [sflag:$0x2], $0x80, v4, vm0, $0xb8;
	[tilespmem:$0x18200] =	vst v63  }
0xfa: {  	s15 =	simm.s32 $0x13200  }
0xfb: {  	[hbm4b:s3+s2] =	stream.indirect_vreg.scatter [tilespmem:s15], [sflag:$0x2], $0x80, v3, vm0, $0xb8;
	[tilespmem:$0x18200] =	vst v63  }
0xfc: {  	s23 =	simm.s32 $0x13A00  }
0xfd: {  	[hbm4b:s5+s2] =	stream.indirect_vreg.scatter [tilespmem:s23], [sflag:$0x2], $0x80, v3, vm0, $0xb8;
	[tilespmem:$0x18200] =	vst v63  }
0xfe: {  	v3 =	vld [tilespmem:$0xC180];
	_ =	sdelay $0x4  }
0xff: {  	v44 =	vshll.u32 v3, $0x2  }
0x100: {  	v3 =	vand.u32 $0x7, v3;
	v4 =	vand.u32 $0xFFFFFFE0, v44  }
0x101: {  	v3 =	vor.u32 v3, v4  }
0x102: {  	v4 =	vperm.xlane v3, v0;
	_ =	sdelay $0x1  }
0x103: {  	v4 =	vadd.s32 v1, v4;
	_ =	sdelay $0x1  }
0x104: {  	v3 =	vperm.xlane v3, v2;
	_ =	sdelay $0x1  }
0x105: {  	v3 =	vadd.s32 v1, v3  }
0x106: {  	[hbm4b:s3+s2] =	stream.indirect_vreg.scatter [tilespmem:s10], [sflag:$0x2], $0x80, v4, vm0, $0xb8;
	[tilespmem:$0x18200] =	vst v63  }
0x107: {  	s0 =	simm.s32 $0xCA00  }
0x108: {  	[hbm4b:s5+s2] =	stream.indirect_vreg.scatter [tilespmem:s0], [sflag:$0x2], $0x80, v4, vm0, $0xb8;
	[tilespmem:$0x18200] =	vst v63  }
0x109: {  	s6 =	simm.s32 $0xD200  }
0x10a: {  	[hbm4b:s3+s2] =	stream.indirect_vreg.scatter [tilespmem:s6], [sflag:$0x2], $0x80, v3, vm0, $0xb8;
	[tilespmem:$0x18200] =	vst v63  }
0x10b: {  	s18 =	simm.s32 $0xDA00  }
0x10c: {  	[hbm4b:s5+s2] =	stream.indirect_vreg.scatter [tilespmem:s18], [sflag:$0x2], $0x80, v3, vm0, $0xb8;
	[tilespmem:$0x18200] =	vst v63  }
0x10d: {  	v3 =	vld [tilespmem:$0xC190];
	_ =	sdelay $0x4  }
0x10e: {  	v45 =	vshll.u32 v3, $0x2  }
0x10f: {  	v3 =	vand.u32 $0x7, v3;
	v4 =	vand.u32 $0xFFFFFFE0, v45  }
0x110: {  	v3 =	vor.u32 v3, v4  }
0x111: {  	v4 =	vperm.xlane v3, v0;
	_ =	sdelay $0x1  }
0x112: {  	v4 =	vadd.s32 v1, v4;
	_ =	sdelay $0x1  }
0x113: {  	v3 =	vperm.xlane v3, v2;
	_ =	sdelay $0x1  }
0x114: {  	v3 =	vadd.s32 v1, v3  }
0x115: {  	[hbm4b:s3+s2] =	stream.indirect_vreg.scatter [tilespmem:s29], [sflag:$0x2], $0x80, v4, vm0, $0xb8;
	[tilespmem:$0x18200] =	vst v63  }
0x116: {  	s17 =	simm.s32 $0xEA00  }
0x117: {  	[hbm4b:s5+s2] =	stream.indirect_vreg.scatter [tilespmem:s17], [sflag:$0x2], $0x80, v4, vm0, $0xb8;
	[tilespmem:$0x18200] =	vst v63  }
0x118: {  	s1 =	simm.s32 $0xF200  }
0x119: {  	[hbm4b:s3+s2] =	stream.indirect_vreg.scatter [tilespmem:s1], [sflag:$0x2], $0x80, v3, vm0, $0xb8;
	[tilespmem:$0x18200] =	vst v63  }
0x11a: {  	s19 =	simm.s32 $0xFA00  }
0x11b: {  	[hbm4b:s5+s2] =	stream.indirect_vreg.scatter [tilespmem:s19], [sflag:$0x2], $0x80, v3, vm0, $0xb8;
	[tilespmem:$0x18200] =	vst v63  }
0x11c: {  	v3 =	vld [tilespmem:$0xC1A0];
	_ =	sdelay $0x4  }
0x11d: {  	v46 =	vshll.u32 v3, $0x2  }
0x11e: {  	v3 =	vand.u32 $0x7, v3;
	v4 =	vand.u32 $0xFFFFFFE0, v46  }
0x11f: {  	v3 =	vor.u32 v3, v4  }
0x120: {  	v4 =	vperm.xlane v3, v0;
	_ =	sdelay $0x1  }
0x121: {  	v4 =	vadd.s32 v1, v4;
	_ =	sdelay $0x1  }
0x122: {  	v3 =	vperm.xlane v3, v2;
	_ =	sdelay $0x1  }
0x123: {  	s11 =	simm.s32 $0x10200;
	v3 =	vadd.s32 v1, v3  }
0x124: {  	[hbm4b:s3+s2] =	stream.indirect_vreg.scatter [tilespmem:s11], [sflag:$0x2], $0x80, v4, vm0, $0xb8;
	[tilespmem:$0x18200] =	vst v63  }
0x125: {  	s13 =	simm.s32 $0x10A00  }
0x126: {  	[hbm4b:s5+s2] =	stream.indirect_vreg.scatter [tilespmem:s13], [sflag:$0x2], $0x80, v4, vm0, $0xb8;
	[tilespmem:$0x18200] =	vst v63  }
0x127: {  	s12 =	simm.s32 $0x11200  }
0x128: {  	[hbm4b:s3+s2] =	stream.indirect_vreg.scatter [tilespmem:s12], [sflag:$0x2], $0x80, v3, vm0, $0xb8;
	[tilespmem:$0x18200] =	vst v63  }
0x129: {  	s20 =	simm.s32 $0x11A00  }
0x12a: {  	[hbm4b:s5+s2] =	stream.indirect_vreg.scatter [tilespmem:s20], [sflag:$0x2], $0x80, v3, vm0, $0xb8;
	[tilespmem:$0x18200] =	vst v63  }
0x12b: {  	v3 =	vld [tilespmem:$0xC1B0];
	_ =	sdelay $0x4  }
0x12c: {  	v47 =	vshll.u32 v3, $0x2  }
0x12d: {  	v3 =	vand.u32 $0x7, v3;
	v4 =	vand.u32 $0xFFFFFFE0, v47  }
0x12e: {  	v3 =	vor.u32 v3, v4  }
0x12f: {  	v4 =	vperm.xlane v3, v0;
	_ =	sdelay $0x1  }
0x130: {  	v4 =	vadd.s32 v1, v4;
	_ =	sdelay $0x1  }
0x131: {  	v3 =	vperm.xlane v3, v2;
	_ =	sdelay $0x1  }
0x132: {  	s14 =	simm.s32 $0x12200;
	v3 =	vadd.s32 v1, v3  }
0x133: {  	[hbm4b:s3+s2] =	stream.indirect_vreg.scatter [tilespmem:s14], [sflag:$0x2], $0x80, v4, vm0, $0xb8;
	[tilespmem:$0x18200] =	vst v63  }
0x134: {  	s16 =	simm.s32 $0x12A00  }
0x135: {  	[hbm4b:s5+s2] =	stream.indirect_vreg.scatter [tilespmem:s16], [sflag:$0x2], $0x80, v4, vm0, $0xb8;
	[tilespmem:$0x18200] =	vst v63  }
0x136: {  	s15 =	simm.s32 $0x13200  }
0x137: {  	[hbm4b:s3+s2] =	stream.indirect_vreg.scatter [tilespmem:s15], [sflag:$0x2], $0x80, v3, vm0, $0xb8;
	[tilespmem:$0x18200] =	vst v63  }
0x138: {  	_ = 	snop  }
0x139: {  	[hbm4b:s5+s2] =	stream.indirect_vreg.scatter [tilespmem:s23], [sflag:$0x2], $0x80, v3, vm0, $0xb8;
	[tilespmem:$0x18200] =	vst v63  }
0x13a: {  	s9 =	simm.s32 $0x14200;
	s1 =	simm.s32 $0xC100  }
0x13b: {  	[hbm4b:s4+s8] =	stream.indirect.scatter [tilespmem:s9], [sflag:$0x2], $0x80, s1, s8, $0xb8;
	[tilespmem:$0x18200] =	vst v63  }
0x13c: {  	s26 =	simm.s32 $0x16200;
	s6 =	simm.s32 $0xC180  }
0x13d: {  	[hbm4b:s4+s8] =	stream.indirect.scatter [tilespmem:s26], [sflag:$0x2], $0x80, s6, s8, $0xb8;
	[tilespmem:$0x18200] =	vst v63  }
0x13e: {  	_ =	swait.ge [sflag:s24], $0x8000  }
0x13f: {  	[sflag:s24] =	ssyncset.done $0x0  }
0x140: {  	[sflag:s24] =	ssyncadd.s32 $0xFFFF8000  }
0x141: {  	_ =	swait.ge [sflag:s24], $0x8000  }
0x142: {  	[sflag:s24] =	ssyncset.done $0x0  }
0x143: {  	[sflag:s24] =	ssyncadd.s32 $0xFFFF8000  }
0x144: {  	_ =	swait.ge [sflag:s24], $0x2000  }
0x145: {  	[sflag:s24] =	ssyncset.done $0x0  }
0x146: {  	[sflag:s24] =	ssyncadd.s32 $0xFFFFE000  }
0x147: {  	_ =	swait.ge [sflag:s24], $0x2000  }
0x148: {  	[sflag:s24] =	ssyncset.done $0x0  }
0x149: {  	s9 =	rddreg [dreg:$0xd];
	[sflag:s24] =	ssyncadd.s32 $0xFFFFE000  }
0x14a: {  	[tilespmem:s2], [sflag:$0x3] =	stream.linear.gather [hbm4b:s9+s2], $0x40, $0x38;
	[tilespmem:$0x18200] =	vst v63  }
0x14b: {  	_ =	swait.ge [sflag:s7], $0x40  }
0x14c: {  	[sflag:s7] =	ssyncset.done $0x0  }
0x14d: {  	s9 =	simm.s32 $0x80;
	s11 =	rddreg [dreg:$0xe];
	[sflag:s7] =	ssyncadd.s32 $0xFFFFFFC0  }
0x14e: {  	[tilespmem:s9], [sflag:$0x3] =	stream.linear.gather [hbm4b:s11+s2], $0x40, $0x38;
	[tilespmem:$0x18200] =	vst v63  }
0x14f: {  	_ =	swait.ge [sflag:s7], $0x40  }
0x150: {  	[sflag:s7] =	ssyncset.done $0x0  }
0x151: {  	s12 =	rddreg [dreg:$0xf];
	[sflag:s7] =	ssyncadd.s32 $0xFFFFFFC0  }
0x152: {  	[tilespmem:s31], [sflag:$0x3] =	stream.linear.gather [hbm4b:s12+s2], $0x8000, $0x38;
	[tilespmem:$0x18200] =	vst v63  }
0x153: {  	_ =	swait.ge [sflag:s7], $0x8000  }
0x154: {  	[sflag:s7] =	ssyncset.done $0x0  }
0x155: {  	s11 =	simm.s32 $0x8100;
	s13 =	rddreg [dreg:$0x10];
	[sflag:s7] =	ssyncadd.s32 $0xFFFF8000  }
0x156: {  	[tilespmem:s11], [sflag:$0x3] =	stream.linear.gather [hbm4b:s13+s2], $0x2000, $0x38;
	[tilespmem:$0x18200] =	vst v63  }
0x157: {  	_ =	swait.ge [sflag:s7], $0x2000  }
0x158: {  	[sflag:s7] =	ssyncset.done $0x0  }
0x159: {  	s6 =	simm.s32 $0xA100;
	s14 =	rddreg [dreg:$0x11];
	[sflag:s7] =	ssyncadd.s32 $0xFFFFE000  }
0x15a: {  	[tilespmem:s6], [sflag:$0x3] =	stream.linear.gather [hbm4b:s14+s2], $0x2000, $0x38;
	[tilespmem:$0x18200] =	vst v63  }
0x15b: {  	_ =	swait.ge [sflag:s7], $0x2000  }
0x15c: {  	[sflag:s7] =	ssyncset.done $0x0  }
0x15d: {  	[sflag:s7] =	ssyncadd.s32 $0xFFFFE000  }
0x15e: {  	v3 =	vld [tilespmem:$0x0];
	_ =	sdelay $0x4  }
0x15f: {  	v48 =	vshll.u32 v3, $0x2  }
0x160: {  	v3 =	vand.u32 $0x7, v3;
	v4 =	vand.u32 $0xFFFFFFE0, v48  }
0x161: {  	v3 =	vor.u32 v3, v4  }
0x162: {  	v4 =	vperm.xlane v3, v0;
	_ =	sdelay $0x1  }
0x163: {  	v4 =	vadd.s32 v1, v4;
	_ =	sdelay $0x1  }
0x164: {  	v3 =	vperm.xlane v3, v2;
	_ =	sdelay $0x1  }
0x165: {  	v3 =	vadd.s32 v1, v3  }
0x166: {  	[hbm4b:s3+s2] =	stream.indirect_vreg.scatter [tilespmem:s31], [sflag:$0x1], $0x80, v4, vm0, $0xb8;
	[tilespmem:$0x18200] =	vst v63  }
0x167: {  	_ = 	snop  }
0x168: {  	[hbm4b:s5+s2] =	stream.indirect_vreg.scatter [tilespmem:s30], [sflag:$0x1], $0x80, v4, vm0, $0xb8;
	[tilespmem:$0x18200] =	vst v63  }
0x169: {  	_ = 	snop  }
0x16a: {  	[hbm4b:s3+s2] =	stream.indirect_vreg.scatter [tilespmem:s28], [sflag:$0x1], $0x80, v3, vm0, $0xb8;
	[tilespmem:$0x18200] =	vst v63  }
0x16b: {  	s26 =	simm.s32 $0x1900  }
0x16c: {  	[hbm4b:s5+s2] =	stream.indirect_vreg.scatter [tilespmem:s26], [sflag:$0x1], $0x80, v3, vm0, $0xb8;
	[tilespmem:$0x18200] =	vst v63  }
0x16d: {  	v3 =	vld [tilespmem:$0x10];
	_ =	sdelay $0x4  }
0x16e: {  	v49 =	vshll.u32 v3, $0x2  }
0x16f: {  	v3 =	vand.u32 $0x7, v3;
	v4 =	vand.u32 $0xFFFFFFE0, v49  }
0x170: {  	v3 =	vor.u32 v3, v4  }
0x171: {  	v4 =	vperm.xlane v3, v0;
	_ =	sdelay $0x1  }
0x172: {  	v4 =	vadd.s32 v1, v4;
	_ =	sdelay $0x1  }
0x173: {  	v3 =	vperm.xlane v3, v2;
	_ =	sdelay $0x1  }
0x174: {  	s12 =	simm.s32 $0x2100;
	v3 =	vadd.s32 v1, v3  }
0x175: {  	[hbm4b:s3+s2] =	stream.indirect_vreg.scatter [tilespmem:s12], [sflag:$0x1], $0x80, v4, vm0, $0xb8;
	[tilespmem:$0x18200] =	vst v63  }
0x176: {  	s13 =	simm.s32 $0x2900  }
0x177: {  	[hbm4b:s5+s2] =	stream.indirect_vreg.scatter [tilespmem:s13], [sflag:$0x1], $0x80, v4, vm0, $0xb8;
	[tilespmem:$0x18200] =	vst v63  }
0x178: {  	s14 =	simm.s32 $0x3100  }
0x179: {  	[hbm4b:s3+s2] =	stream.indirect_vreg.scatter [tilespmem:s14], [sflag:$0x1], $0x80, v3, vm0, $0xb8;
	[tilespmem:$0x18200] =	vst v63  }
0x17a: {  	s0 =	simm.s32 $0x3900  }
0x17b: {  	[hbm4b:s5+s2] =	stream.indirect_vreg.scatter [tilespmem:s0], [sflag:$0x1], $0x80, v3, vm0, $0xb8;
	[tilespmem:$0x18200] =	vst v63  }
0x17c: {  	v3 =	vld [tilespmem:$0x20];
	_ =	sdelay $0x4  }
0x17d: {  	v50 =	vshll.u32 v3, $0x2  }
0x17e: {  	v3 =	vand.u32 $0x7, v3;
	v4 =	vand.u32 $0xFFFFFFE0, v50  }
0x17f: {  	v3 =	vor.u32 v3, v4  }
0x180: {  	v4 =	vperm.xlane v3, v0;
	_ =	sdelay $0x1  }
0x181: {  	v4 =	vadd.s32 v1, v4;
	_ =	sdelay $0x1  }
0x182: {  	v3 =	vperm.xlane v3, v2;
	_ =	sdelay $0x1  }
0x183: {  	s15 =	simm.s32 $0x4100;
	v3 =	vadd.s32 v1, v3  }
0x184: {  	[hbm4b:s3+s2] =	stream.indirect_vreg.scatter [tilespmem:s15], [sflag:$0x1], $0x80, v4, vm0, $0xb8;
	[tilespmem:$0x18200] =	vst v63  }
0x185: {  	s16 =	simm.s32 $0x4900  }
0x186: {  	[hbm4b:s5+s2] =	stream.indirect_vreg.scatter [tilespmem:s16], [sflag:$0x1], $0x80, v4, vm0, $0xb8;
	[tilespmem:$0x18200] =	vst v63  }
0x187: {  	s17 =	simm.s32 $0x5100  }
0x188: {  	[hbm4b:s3+s2] =	stream.indirect_vreg.scatter [tilespmem:s17], [sflag:$0x1], $0x80, v3, vm0, $0xb8;
	[tilespmem:$0x18200] =	vst v63  }
0x189: {  	s1 =	simm.s32 $0x5900  }
0x18a: {  	[hbm4b:s5+s2] =	stream.indirect_vreg.scatter [tilespmem:s1], [sflag:$0x1], $0x80, v3, vm0, $0xb8;
	[tilespmem:$0x18200] =	vst v63  }
0x18b: {  	v3 =	vld [tilespmem:$0x30];
	_ =	sdelay $0x4  }
0x18c: {  	v51 =	vshll.u32 v3, $0x2  }
0x18d: {  	v3 =	vand.u32 $0x7, v3;
	v4 =	vand.u32 $0xFFFFFFE0, v51  }
0x18e: {  	v3 =	vor.u32 v3, v4  }
0x18f: {  	v4 =	vperm.xlane v3, v0;
	_ =	sdelay $0x1  }
0x190: {  	v4 =	vadd.s32 v1, v4;
	_ =	sdelay $0x1  }
0x191: {  	v3 =	vperm.xlane v3, v2;
	_ =	sdelay $0x1  }
0x192: {  	s18 =	simm.s32 $0x6100;
	v3 =	vadd.s32 v1, v3  }
0x193: {  	[hbm4b:s3+s2] =	stream.indirect_vreg.scatter [tilespmem:s18], [sflag:$0x1], $0x80, v4, vm0, $0xb8;
	[tilespmem:$0x18200] =	vst v63  }
0x194: {  	s19 =	simm.s32 $0x6900  }
0x195: {  	[hbm4b:s5+s2] =	stream.indirect_vreg.scatter [tilespmem:s19], [sflag:$0x1], $0x80, v4, vm0, $0xb8;
	[tilespmem:$0x18200] =	vst v63  }
0x196: {  	s20 =	simm.s32 $0x7100  }
0x197: {  	[hbm4b:s3+s2] =	stream.indirect_vreg.scatter [tilespmem:s20], [sflag:$0x1], $0x80, v3, vm0, $0xb8;
	[tilespmem:$0x18200] =	vst v63  }
0x198: {  	_ = 	snop  }
0x199: {  	[hbm4b:s5+s2] =	stream.indirect_vreg.scatter [tilespmem:s22], [sflag:$0x1], $0x80, v3, vm0, $0xb8;
	[tilespmem:$0x18200] =	vst v63  }
0x19a: {  	v3 =	vld [tilespmem:$0x80];
	_ =	sdelay $0x4  }
0x19b: {  	v52 =	vshll.u32 v3, $0x2  }
0x19c: {  	v3 =	vand.u32 $0x7, v3;
	v4 =	vand.u32 $0xFFFFFFE0, v52  }
0x19d: {  	v3 =	vor.u32 v3, v4  }
0x19e: {  	v4 =	vperm.xlane v3, v0;
	_ =	sdelay $0x1  }
0x19f: {  	v4 =	vadd.s32 v1, v4;
	_ =	sdelay $0x1  }
0x1a0: {  	v3 =	vperm.xlane v3, v2;
	_ =	sdelay $0x1  }
0x1a1: {  	v3 =	vadd.s32 v1, v3  }
0x1a2: {  	[hbm4b:s3+s2] =	stream.indirect_vreg.scatter [tilespmem:s31], [sflag:$0x1], $0x80, v4, vm0, $0xb8;
	[tilespmem:$0x18200] =	vst v63  }
0x1a3: {  	_ = 	snop  }
0x1a4: {  	[hbm4b:s5+s2] =	stream.indirect_vreg.scatter [tilespmem:s30], [sflag:$0x1], $0x80, v4, vm0, $0xb8;
	[tilespmem:$0x18200] =	vst v63  }
0x1a5: {  	_ = 	snop  }
0x1a6: {  	[hbm4b:s3+s2] =	stream.indirect_vreg.scatter [tilespmem:s28], [sflag:$0x1], $0x80, v3, vm0, $0xb8;
	[tilespmem:$0x18200] =	vst v63  }
0x1a7: {  	_ = 	snop  }
0x1a8: {  	[hbm4b:s5+s2] =	stream.indirect_vreg.scatter [tilespmem:s26], [sflag:$0x1], $0x80, v3, vm0, $0xb8;
	[tilespmem:$0x18200] =	vst v63  }
0x1a9: {  	v3 =	vld [tilespmem:$0x90];
	_ =	sdelay $0x4  }
0x1aa: {  	v53 =	vshll.u32 v3, $0x2  }
0x1ab: {  	v3 =	vand.u32 $0x7, v3;
	v4 =	vand.u32 $0xFFFFFFE0, v53  }
0x1ac: {  	v3 =	vor.u32 v3, v4  }
0x1ad: {  	v4 =	vperm.xlane v3, v0;
	_ =	sdelay $0x1  }
0x1ae: {  	v4 =	vadd.s32 v1, v4;
	_ =	sdelay $0x1  }
0x1af: {  	v3 =	vperm.xlane v3, v2;
	_ =	sdelay $0x1  }
0x1b0: {  	v3 =	vadd.s32 v1, v3  }
0x1b1: {  	[hbm4b:s3+s2] =	stream.indirect_vreg.scatter [tilespmem:s12], [sflag:$0x1], $0x80, v4, vm0, $0xb8;
	[tilespmem:$0x18200] =	vst v63  }
0x1b2: {  	_ = 	snop  }
0x1b3: {  	[hbm4b:s5+s2] =	stream.indirect_vreg.scatter [tilespmem:s13], [sflag:$0x1], $0x80, v4, vm0, $0xb8;
	[tilespmem:$0x18200] =	vst v63  }
0x1b4: {  	_ = 	snop  }
0x1b5: {  	[hbm4b:s3+s2] =	stream.indirect_vreg.scatter [tilespmem:s14], [sflag:$0x1], $0x80, v3, vm0, $0xb8;
	[tilespmem:$0x18200] =	vst v63  }
0x1b6: {  	_ = 	snop  }
0x1b7: {  	[hbm4b:s5+s2] =	stream.indirect_vreg.scatter [tilespmem:s0], [sflag:$0x1], $0x80, v3, vm0, $0xb8;
	[tilespmem:$0x18200] =	vst v63  }
0x1b8: {  	v3 =	vld [tilespmem:$0xA0];
	_ =	sdelay $0x4  }
0x1b9: {  	v54 =	vshll.u32 v3, $0x2  }
0x1ba: {  	v3 =	vand.u32 $0x7, v3;
	v4 =	vand.u32 $0xFFFFFFE0, v54  }
0x1bb: {  	v3 =	vor.u32 v3, v4  }
0x1bc: {  	v4 =	vperm.xlane v3, v0;
	_ =	sdelay $0x1  }
0x1bd: {  	v4 =	vadd.s32 v1, v4;
	_ =	sdelay $0x1  }
0x1be: {  	v3 =	vperm.xlane v3, v2;
	_ =	sdelay $0x1  }
0x1bf: {  	v3 =	vadd.s32 v1, v3  }
0x1c0: {  	[hbm4b:s3+s2] =	stream.indirect_vreg.scatter [tilespmem:s15], [sflag:$0x1], $0x80, v4, vm0, $0xb8;
	[tilespmem:$0x18200] =	vst v63  }
0x1c1: {  	_ = 	snop  }
0x1c2: {  	[hbm4b:s5+s2] =	stream.indirect_vreg.scatter [tilespmem:s16], [sflag:$0x1], $0x80, v4, vm0, $0xb8;
	[tilespmem:$0x18200] =	vst v63  }
0x1c3: {  	_ = 	snop  }
0x1c4: {  	[hbm4b:s3+s2] =	stream.indirect_vreg.scatter [tilespmem:s17], [sflag:$0x1], $0x80, v3, vm0, $0xb8;
	[tilespmem:$0x18200] =	vst v63  }
0x1c5: {  	_ = 	snop  }
0x1c6: {  	[hbm4b:s5+s2] =	stream.indirect_vreg.scatter [tilespmem:s1], [sflag:$0x1], $0x80, v3, vm0, $0xb8;
	[tilespmem:$0x18200] =	vst v63  }
0x1c7: {  	v3 =	vld [tilespmem:$0xB0];
	_ =	sdelay $0x4  }
0x1c8: {  	v55 =	vshll.u32 v3, $0x2  }
0x1c9: {  	v3 =	vand.u32 $0x7, v3;
	v4 =	vand.u32 $0xFFFFFFE0, v55  }
0x1ca: {  	v3 =	vor.u32 v3, v4  }
0x1cb: {  	v4 =	vperm.xlane v3, v0;
	_ =	sdelay $0x1  }
0x1cc: {  	v4 =	vadd.s32 v1, v4;
	_ =	sdelay $0x1  }
0x1cd: {  	v3 =	vperm.xlane v3, v2;
	_ =	sdelay $0x1  }
0x1ce: {  	v3 =	vadd.s32 v1, v3  }
0x1cf: {  	[hbm4b:s3+s2] =	stream.indirect_vreg.scatter [tilespmem:s18], [sflag:$0x1], $0x80, v4, vm0, $0xb8;
	[tilespmem:$0x18200] =	vst v63  }
0x1d0: {  	_ = 	snop  }
0x1d1: {  	[hbm4b:s5+s2] =	stream.indirect_vreg.scatter [tilespmem:s19], [sflag:$0x1], $0x80, v4, vm0, $0xb8;
	[tilespmem:$0x18200] =	vst v63  }
0x1d2: {  	_ = 	snop  }
0x1d3: {  	[hbm4b:s3+s2] =	stream.indirect_vreg.scatter [tilespmem:s20], [sflag:$0x1], $0x80, v3, vm0, $0xb8;
	[tilespmem:$0x18200] =	vst v63  }
0x1d4: {  	_ = 	snop  }
0x1d5: {  	[hbm4b:s5+s2] =	stream.indirect_vreg.scatter [tilespmem:s22], [sflag:$0x1], $0x80, v3, vm0, $0xb8;
	[tilespmem:$0x18200] =	vst v63  }
0x1d6: {  	_ = 	snop  }
0x1d7: {  	[hbm4b:s4+s8] =	stream.indirect.scatter [tilespmem:s11], [sflag:$0x1], $0x80, s2, s8, $0xb8;
	[tilespmem:$0x18200] =	vst v63  }
0x1d8: {  	_ = 	snop  }
0x1d9: {  	[hbm4b:s4+s8] =	stream.indirect.scatter [tilespmem:s6], [sflag:$0x1], $0x80, s9, s8, $0xb8;
	[tilespmem:$0x18200] =	vst v63  }
0x1da: {  	_ =	swait.ge [sflag:s25], $0x8000  }
0x1db: {  	[sflag:s25] =	ssyncset.done $0x0  }
0x1dc: {  	[sflag:s25] =	ssyncadd.s32 $0xFFFF8000  }
0x1dd: {  	_ =	swait.ge [sflag:s25], $0x8000  }
0x1de: {  	[sflag:s25] =	ssyncset.done $0x0  }
0x1df: {  	[sflag:s25] =	ssyncadd.s32 $0xFFFF8000  }
0x1e0: {  	_ =	swait.ge [sflag:s25], $0x2000  }
0x1e1: {  	[sflag:s25] =	ssyncset.done $0x0  }
0x1e2: {  	[sflag:s25] =	ssyncadd.s32 $0xFFFFE000  }
0x1e3: {  	_ =	swait.ge [sflag:s25], $0x2000  }
0x1e4: {  	[sflag:s25] =	ssyncset.done $0x0  }
0x1e5: {  	s16 =	simm.s32 $0xC100;
	s15 =	rddreg [dreg:$0x12];
	[sflag:s25] =	ssyncadd.s32 $0xFFFFE000  }
0x1e6: {  	[tilespmem:s16], [sflag:$0x3] =	stream.linear.gather [hbm4b:s15+s2], $0x40, $0x38;
	[tilespmem:$0x18200] =	vst v63  }
0x1e7: {  	_ =	swait.ge [sflag:s7], $0x40  }
0x1e8: {  	[sflag:s7] =	ssyncset.done $0x0  }
0x1e9: {  	s18 =	simm.s32 $0xC180;
	s17 =	rddreg [dreg:$0x13];
	[sflag:s7] =	ssyncadd.s32 $0xFFFFFFC0  }
0x1ea: {  	[tilespmem:s18], [sflag:$0x3] =	stream.linear.gather [hbm4b:s17+s2], $0x40, $0x38;
	[tilespmem:$0x18200] =	vst v63  }
0x1eb: {  	_ =	swait.ge [sflag:s7], $0x40  }
0x1ec: {  	[sflag:s7] =	ssyncset.done $0x0  }
0x1ed: {  	s19 =	rddreg [dreg:$0x14];
	[sflag:s7] =	ssyncadd.s32 $0xFFFFFFC0  }
0x1ee: {  	[tilespmem:s10], [sflag:$0x3] =	stream.linear.gather [hbm4b:s19+s2], $0x8000, $0x38;
	[tilespmem:$0x18200] =	vst v63  }
0x1ef: {  	_ =	swait.ge [sflag:s7], $0x8000  }
0x1f0: {  	[sflag:s7] =	ssyncset.done $0x0  }
0x1f1: {  	s28 =	simm.s32 $0x14200;
	s20 =	rddreg [dreg:$0x15];
	[sflag:s7] =	ssyncadd.s32 $0xFFFF8000  }
0x1f2: {  	[tilespmem:s28], [sflag:$0x3] =	stream.linear.gather [hbm4b:s20+s2], $0x2000, $0x38;
	[tilespmem:$0x18200] =	vst v63  }
0x1f3: {  	_ =	swait.ge [sflag:s7], $0x2000  }
0x1f4: {  	[sflag:s7] =	ssyncset.done $0x0  }
0x1f5: {  	s0 =	simm.s32 $0x16200;
	s1 =	rddreg [dreg:$0x16];
	[sflag:s7] =	ssyncadd.s32 $0xFFFFE000  }
0x1f6: {  	[tilespmem:s0], [sflag:$0x3] =	stream.linear.gather [hbm4b:s1+s2], $0x2000, $0x38;
	[tilespmem:$0x18200] =	vst v63  }
0x1f7: {  	_ =	swait.ge [sflag:s7], $0x2000  }
0x1f8: {  	[sflag:s7] =	ssyncset.done $0x0  }
0x1f9: {  	[sflag:s7] =	ssyncadd.s32 $0xFFFFE000  }
0x1fa: {  	v3 =	vld [tilespmem:$0xC100];
	_ =	sdelay $0x4  }
0x1fb: {  	v56 =	vshll.u32 v3, $0x2  }
0x1fc: {  	v3 =	vand.u32 $0x7, v3;
	v4 =	vand.u32 $0xFFFFFFE0, v56  }
0x1fd: {  	v3 =	vor.u32 v3, v4  }
0x1fe: {  	v4 =	vperm.xlane v3, v0;
	_ =	sdelay $0x1  }
0x1ff: {  	v4 =	vadd.s32 v1, v4;
	_ =	sdelay $0x1  }
0x200: {  	v3 =	vperm.xlane v3, v2;
	_ =	sdelay $0x1  }
0x201: {  	v3 =	vadd.s32 v1, v3  }
0x202: {  	[hbm4b:s3+s2] =	stream.indirect_vreg.scatter [tilespmem:s10], [sflag:$0x2], $0x80, v4, vm0, $0xb8;
	[tilespmem:$0x18200] =	vst v63  }
0x203: {  	s6 =	simm.s32 $0xCA00  }
0x204: {  	[hbm4b:s5+s2] =	stream.indirect_vreg.scatter [tilespmem:s6], [sflag:$0x2], $0x80, v4, vm0, $0xb8;
	[tilespmem:$0x18200] =	vst v63  }
0x205: {  	s18 =	simm.s32 $0xD200  }
0x206: {  	[hbm4b:s3+s2] =	stream.indirect_vreg.scatter [tilespmem:s18], [sflag:$0x2], $0x80, v3, vm0, $0xb8;
	[tilespmem:$0x18200] =	vst v63  }
0x207: {  	s17 =	simm.s32 $0xDA00  }
0x208: {  	[hbm4b:s5+s2] =	stream.indirect_vreg.scatter [tilespmem:s17], [sflag:$0x2], $0x80, v3, vm0, $0xb8;
	[tilespmem:$0x18200] =	vst v63  }
0x209: {  	v3 =	vld [tilespmem:$0xC110];
	_ =	sdelay $0x4  }
0x20a: {  	v57 =	vshll.u32 v3, $0x2  }
0x20b: {  	v3 =	vand.u32 $0x7, v3;
	v4 =	vand.u32 $0xFFFFFFE0, v57  }
0x20c: {  	v3 =	vor.u32 v3, v4  }
0x20d: {  	v4 =	vperm.xlane v3, v0;
	_ =	sdelay $0x1  }
0x20e: {  	v4 =	vadd.s32 v1, v4;
	_ =	sdelay $0x1  }
0x20f: {  	v3 =	vperm.xlane v3, v2;
	_ =	sdelay $0x1  }
0x210: {  	v3 =	vadd.s32 v1, v3  }
0x211: {  	[hbm4b:s3+s2] =	stream.indirect_vreg.scatter [tilespmem:s29], [sflag:$0x2], $0x80, v4, vm0, $0xb8;
	[tilespmem:$0x18200] =	vst v63  }
0x212: {  	s1 =	simm.s32 $0xEA00  }
0x213: {  	[hbm4b:s5+s2] =	stream.indirect_vreg.scatter [tilespmem:s1], [sflag:$0x2], $0x80, v4, vm0, $0xb8;
	[tilespmem:$0x18200] =	vst v63  }
0x214: {  	s19 =	simm.s32 $0xF200  }
0x215: {  	[hbm4b:s3+s2] =	stream.indirect_vreg.scatter [tilespmem:s19], [sflag:$0x2], $0x80, v3, vm0, $0xb8;
	[tilespmem:$0x18200] =	vst v63  }
0x216: {  	s11 =	simm.s32 $0xFA00  }
0x217: {  	[hbm4b:s5+s2] =	stream.indirect_vreg.scatter [tilespmem:s11], [sflag:$0x2], $0x80, v3, vm0, $0xb8;
	[tilespmem:$0x18200] =	vst v63  }
0x218: {  	v3 =	vld [tilespmem:$0xC120];
	_ =	sdelay $0x4  }
0x219: {  	v58 =	vshll.u32 v3, $0x2  }
0x21a: {  	v3 =	vand.u32 $0x7, v3;
	v4 =	vand.u32 $0xFFFFFFE0, v58  }
0x21b: {  	v3 =	vor.u32 v3, v4  }
0x21c: {  	v4 =	vperm.xlane v3, v0;
	_ =	sdelay $0x1  }
0x21d: {  	v4 =	vadd.s32 v1, v4;
	_ =	sdelay $0x1  }
0x21e: {  	v3 =	vperm.xlane v3, v2;
	_ =	sdelay $0x1  }
0x21f: {  	s13 =	simm.s32 $0x10200;
	v3 =	vadd.s32 v1, v3  }
0x220: {  	[hbm4b:s3+s2] =	stream.indirect_vreg.scatter [tilespmem:s13], [sflag:$0x2], $0x80, v4, vm0, $0xb8;
	[tilespmem:$0x18200] =	vst v63  }
0x221: {  	s12 =	simm.s32 $0x10A00  }
0x222: {  	[hbm4b:s5+s2] =	stream.indirect_vreg.scatter [tilespmem:s12], [sflag:$0x2], $0x80, v4, vm0, $0xb8;
	[tilespmem:$0x18200] =	vst v63  }
0x223: {  	s20 =	simm.s32 $0x11200  }
0x224: {  	[hbm4b:s3+s2] =	stream.indirect_vreg.scatter [tilespmem:s20], [sflag:$0x2], $0x80, v3, vm0, $0xb8;
	[tilespmem:$0x18200] =	vst v63  }
0x225: {  	s14 =	simm.s32 $0x11A00  }
0x226: {  	[hbm4b:s5+s2] =	stream.indirect_vreg.scatter [tilespmem:s14], [sflag:$0x2], $0x80, v3, vm0, $0xb8;
	[tilespmem:$0x18200] =	vst v63  }
0x227: {  	v3 =	vld [tilespmem:$0xC130];
	_ =	sdelay $0x4  }
0x228: {  	v59 =	vshll.u32 v3, $0x2  }
0x229: {  	v3 =	vand.u32 $0x7, v3;
	v4 =	vand.u32 $0xFFFFFFE0, v59  }
0x22a: {  	v3 =	vor.u32 v3, v4  }
0x22b: {  	v4 =	vperm.xlane v3, v0;
	_ =	sdelay $0x1  }
0x22c: {  	v4 =	vadd.s32 v1, v4;
	_ =	sdelay $0x1  }
0x22d: {  	v3 =	vperm.xlane v3, v2;
	_ =	sdelay $0x1  }
0x22e: {  	s16 =	simm.s32 $0x12200;
	v3 =	vadd.s32 v1, v3  }
0x22f: {  	[hbm4b:s3+s2] =	stream.indirect_vreg.scatter [tilespmem:s16], [sflag:$0x2], $0x80, v4, vm0, $0xb8;
	[tilespmem:$0x18200] =	vst v63  }
0x230: {  	s15 =	simm.s32 $0x12A00  }
0x231: {  	[hbm4b:s5+s2] =	stream.indirect_vreg.scatter [tilespmem:s15], [sflag:$0x2], $0x80, v4, vm0, $0xb8;
	[tilespmem:$0x18200] =	vst v63  }
0x232: {  	s26 =	simm.s32 $0x13200  }
0x233: {  	[hbm4b:s3+s2] =	stream.indirect_vreg.scatter [tilespmem:s26], [sflag:$0x2], $0x80, v3, vm0, $0xb8;
	[tilespmem:$0x18200] =	vst v63  }
0x234: {  	_ = 	snop  }
0x235: {  	[hbm4b:s5+s2] =	stream.indirect_vreg.scatter [tilespmem:s23], [sflag:$0x2], $0x80, v3, vm0, $0xb8;
	[tilespmem:$0x18200] =	vst v63  }
0x236: {  	v3 =	vld [tilespmem:$0xC180];
	_ =	sdelay $0x4  }
0x237: {  	v60 =	vshll.u32 v3, $0x2  }
0x238: {  	v3 =	vand.u32 $0x7, v3;
	v4 =	vand.u32 $0xFFFFFFE0, v60  }
0x239: {  	v3 =	vor.u32 v3, v4  }
0x23a: {  	v4 =	vperm.xlane v3, v0;
	_ =	sdelay $0x1  }
0x23b: {  	v4 =	vadd.s32 v1, v4;
	_ =	sdelay $0x1  }
0x23c: {  	v3 =	vperm.xlane v3, v2;
	_ =	sdelay $0x1  }
0x23d: {  	v3 =	vadd.s32 v1, v3  }
0x23e: {  	[hbm4b:s3+s2] =	stream.indirect_vreg.scatter [tilespmem:s10], [sflag:$0x2], $0x80, v4, vm0, $0xb8;
	[tilespmem:$0x18200] =	vst v63  }
0x23f: {  	_ = 	snop  }
0x240: {  	[hbm4b:s5+s2] =	stream.indirect_vreg.scatter [tilespmem:s6], [sflag:$0x2], $0x80, v4, vm0, $0xb8;
	[tilespmem:$0x18200] =	vst v63  }
0x241: {  	_ = 	snop  }
0x242: {  	[hbm4b:s3+s2] =	stream.indirect_vreg.scatter [tilespmem:s18], [sflag:$0x2], $0x80, v3, vm0, $0xb8;
	[tilespmem:$0x18200] =	vst v63  }
0x243: {  	_ = 	snop  }
0x244: {  	[hbm4b:s5+s2] =	stream.indirect_vreg.scatter [tilespmem:s17], [sflag:$0x2], $0x80, v3, vm0, $0xb8;
	[tilespmem:$0x18200] =	vst v63  }
0x245: {  	v3 =	vld [tilespmem:$0xC190];
	_ =	sdelay $0x4  }
0x246: {  	v61 =	vshll.u32 v3, $0x2  }
0x247: {  	v3 =	vand.u32 $0x7, v3;
	v4 =	vand.u32 $0xFFFFFFE0, v61  }
0x248: {  	v3 =	vor.u32 v3, v4  }
0x249: {  	v4 =	vperm.xlane v3, v0;
	_ =	sdelay $0x1  }
0x24a: {  	v4 =	vadd.s32 v1, v4;
	_ =	sdelay $0x1  }
0x24b: {  	v3 =	vperm.xlane v3, v2;
	_ =	sdelay $0x1  }
0x24c: {  	v3 =	vadd.s32 v1, v3  }
0x24d: {  	[hbm4b:s3+s2] =	stream.indirect_vreg.scatter [tilespmem:s29], [sflag:$0x2], $0x80, v4, vm0, $0xb8;
	[tilespmem:$0x18200] =	vst v63  }
0x24e: {  	_ = 	snop  }
0x24f: {  	[hbm4b:s5+s2] =	stream.indirect_vreg.scatter [tilespmem:s1], [sflag:$0x2], $0x80, v4, vm0, $0xb8;
	[tilespmem:$0x18200] =	vst v63  }
0x250: {  	_ = 	snop  }
0x251: {  	[hbm4b:s3+s2] =	stream.indirect_vreg.scatter [tilespmem:s19], [sflag:$0x2], $0x80, v3, vm0, $0xb8;
	[tilespmem:$0x18200] =	vst v63  }
0x252: {  	_ = 	snop  }
0x253: {  	[hbm4b:s5+s2] =	stream.indirect_vreg.scatter [tilespmem:s11], [sflag:$0x2], $0x80, v3, vm0, $0xb8;
	[tilespmem:$0x18200] =	vst v63  }
0x254: {  	v3 =	vld [tilespmem:$0xC1A0];
	_ =	sdelay $0x4  }
0x255: {  	v62 =	vshll.u32 v3, $0x2  }
0x256: {  	v3 =	vand.u32 $0x7, v3;
	v4 =	vand.u32 $0xFFFFFFE0, v62  }
0x257: {  	v3 =	vor.u32 v3, v4  }
0x258: {  	v4 =	vperm.xlane v3, v0;
	_ =	sdelay $0x1  }
0x259: {  	v4 =	vadd.s32 v1, v4;
	_ =	sdelay $0x1  }
0x25a: {  	v3 =	vperm.xlane v3, v2;
	_ =	sdelay $0x1  }
0x25b: {  	v3 =	vadd.s32 v1, v3  }
0x25c: {  	[hbm4b:s3+s2] =	stream.indirect_vreg.scatter [tilespmem:s13], [sflag:$0x2], $0x80, v4, vm0, $0xb8;
	[tilespmem:$0x18200] =	vst v63  }
0x25d: {  	_ = 	snop  }
0x25e: {  	[hbm4b:s5+s2] =	stream.indirect_vreg.scatter [tilespmem:s12], [sflag:$0x2], $0x80, v4, vm0, $0xb8;
	[tilespmem:$0x18200] =	vst v63  }
0x25f: {  	_ = 	snop  }
0x260: {  	[hbm4b:s3+s2] =	stream.indirect_vreg.scatter [tilespmem:s20], [sflag:$0x2], $0x80, v3, vm0, $0xb8;
	[tilespmem:$0x18200] =	vst v63  }
0x261: {  	_ = 	snop  }
0x262: {  	[hbm4b:s5+s2] =	stream.indirect_vreg.scatter [tilespmem:s14], [sflag:$0x2], $0x80, v3, vm0, $0xb8;
	[tilespmem:$0x18200] =	vst v63  }
0x263: {  	v3 =	vld [tilespmem:$0xC1B0];
	_ =	sdelay $0x4  }
0x264: {  	v63 =	vshll.u32 v3, $0x2  }
0x265: {  	v3 =	vand.u32 $0x7, v3;
	v4 =	vand.u32 $0xFFFFFFE0, v63  }
0x266: {  	v3 =	vor.u32 v3, v4  }
0x267: {  	v4 =	vperm.xlane v3, v0;
	_ =	sdelay $0x1  }
0x268: {  	v4 =	vadd.s32 v1, v4;
	_ =	sdelay $0x1  }
0x269: {  	v3 =	vperm.xlane v3, v2;
	_ =	sdelay $0x1  }
0x26a: {  	v3 =	vadd.s32 v1, v3  }
0x26b: {  	[hbm4b:s3+s2] =	stream.indirect_vreg.scatter [tilespmem:s16], [sflag:$0x2], $0x80, v4, vm0, $0xb8;
	[tilespmem:$0x18200] =	vst v63  }
0x26c: {  	_ = 	snop  }
0x26d: {  	[hbm4b:s5+s2] =	stream.indirect_vreg.scatter [tilespmem:s15], [sflag:$0x2], $0x80, v4, vm0, $0xb8;
	[tilespmem:$0x18200] =	vst v63  }
0x26e: {  	_ = 	snop  }
0x26f: {  	[hbm4b:s3+s2] =	stream.indirect_vreg.scatter [tilespmem:s26], [sflag:$0x2], $0x80, v3, vm0, $0xb8;
	[tilespmem:$0x18200] =	vst v63  }
0x270: {  	_ = 	snop  }
0x271: {  	[hbm4b:s5+s2] =	stream.indirect_vreg.scatter [tilespmem:s23], [sflag:$0x2], $0x80, v3, vm0, $0xb8;
	[tilespmem:$0x18200] =	vst v63  }
0x272: {  	s30 =	simm.s32 $0xC100;
	s28 =	simm.s32 $0x14200  }
0x273: {  	[hbm4b:s4+s8] =	stream.indirect.scatter [tilespmem:s28], [sflag:$0x2], $0x80, s30, s8, $0xb8;
	[tilespmem:$0x18200] =	vst v63  }
0x274: {  	s22 =	simm.s32 $0xC180  }
0x275: {  	[hbm4b:s4+s8] =	stream.indirect.scatter [tilespmem:s0], [sflag:$0x2], $0x80, s22, s8, $0xb8;
	[tilespmem:$0x18200] =	vst v63  }
0x276: {  	_ =	swait.ge [sflag:s24], $0x8000  }
0x277: {  	[sflag:s24] =	ssyncset.done $0x0  }
0x278: {  	[sflag:s24] =	ssyncadd.s32 $0xFFFF8000  }
0x279: {  	_ =	swait.ge [sflag:s24], $0x8000  }
0x27a: {  	[sflag:s24] =	ssyncset.done $0x0  }
0x27b: {  	[sflag:s24] =	ssyncadd.s32 $0xFFFF8000  }
0x27c: {  	_ =	swait.ge [sflag:s24], $0x2000  }
0x27d: {  	[sflag:s24] =	ssyncset.done $0x0  }
0x27e: {  	[sflag:s24] =	ssyncadd.s32 $0xFFFFE000  }
0x27f: {  	_ =	swait.ge [sflag:s24], $0x2000  }
0x280: {  	[sflag:s24] =	ssyncset.done $0x0  }
0x281: {  	[sflag:s24] =	ssyncadd.s32 $0xFFFFE000  }
0x282: {  	_ =	swait.ge [sflag:s25], $0x8000  }
0x283: {  	[sflag:s25] =	ssyncset.done $0x0  }
0x284: {  	[sflag:s25] =	ssyncadd.s32 $0xFFFF8000  }
0x285: {  	_ =	swait.ge [sflag:s25], $0x8000  }
0x286: {  	[sflag:s25] =	ssyncset.done $0x0  }
0x287: {  	[sflag:s25] =	ssyncadd.s32 $0xFFFF8000  }
0x288: {  	p0 =	sne.s32 s21, $0x1;
	_ =	swait.ge [sflag:s25], $0x2000  }
.Ltmp0:
0x289: {  	[sflag:s25] =	ssyncset.done $0x0;
	(pc) =	sbr.rel @p0 .LBB2_1-.Ltmp0, $4  }
0x28a: {  	[sflag:s25] =	ssyncadd.s32 $0xFFFFE000  }
0x28b: {  	_ =	swait.ge [sflag:s25], $0x2000  }
0x28c: {  	[sflag:s25] =	ssyncset.done $0x0  }
0x28d: {  	s21 =	sadd.s32 $0xFFFFFFFF, s21;
	[sflag:s25] =	ssyncadd.s32 $0xFFFFE000  }
0x28e: {  	_ =	sfence.sel $0x180000  }
0x28f: {  	[bflag:$0x0] =	sbarrier.arrive $0xFFFF  }
0x290: {  	_ =	strace $0x90000047  }
0x291: {  	s0 =	stileid.u32;
	[bflag:$0x2] =	sbarrier.arrive $0xFFFF  }
0x292: {  	p0 =	sne.s32 s0, $0x0;
	s0 =	rddreg [dreg:$0x2]  }
0x293: {  	s0 =	sadd.s32 @!p0 $0x100000, s0  }
0x294: {  	[sflag:s0] =	ssyncadd.tile.s32 @!p0 $0x1;
	_ =	shalt  }
.Lfunc_end2:
_tile_overlayer_lowered:
.L_overlay_start_2:
0x295: {  	(tag) =	ssettag $0x2  }
0x296: {  	s0 =	rddreg [dreg:$0x0];
	s2 =	stileid.u32  }
0x297: {  	s1 =	rddreg [dreg:$0x1];
	p0 =	sne.s32 s2, $0x0  }
0x298: {  	s3 =	rddreg [dreg:$0x2];
	[bflag:$0x3] =	sbarrier.arrive $0xFFFF;
	s2 =	simm.s32 @!p0 $0x1C03  }
0x299: {  	[timem:s3], [sflag:s2] =	dma.local @!p0 [hbm:s0], s1  }
0x29a: {  	s0 =	simm.s32 @!p0 $0x3  }
0x29b: {  	_ =	swait.ge @!p0 [sflag:s0], s1  }
0x29c: {  	s1 =	ssub.s32 @!p0 $0x0, s1;
	[sflag:s0] =	ssyncset.done @!p0 $0x0  }
0x29d: {  	[sflag:s0] =	ssyncadd.s32 @!p0 s1  }
0x29e: {  	[bflag:$0x3] =	sbarrier.arrive $0xFFFF  }
0x29f: {  	_ =	shalt  }

// kernel: kernel.9.cloned.1.call-start
scs
__scs_entry_jumppad:
0x0: {  	(pc) =	sbr.rel $0x88, $3  }
0x1: {  	(tag) =	ssettag $0x0;
	lr =	simm.s32 $0x1  }
0x2: {  	[smem:$0x3F93] =	sst lr;
	_ =	strace $0xD0000000  }
0x3: {  	_ = 	snop  }
0x4: {  	_ = 	snop  }
0x5: {  	_ = 	snop  }
0x6: {  	_ = 	snop  }
0x7: {  	_ = 	snop  }
__scs_overlays_trampoline_lowered:
0x8: {  	[smem:$0x3FA2] =	sst s0  }
0x9: {  	[smem:$0x3FA3] =	sst s1  }
0xa: {  	[smem:$0x3FA4] =	sst s2  }
0xb: {  	[smem:$0x3FA5] =	sst s3  }
0xc: {  	[smem:$0x3FA6] =	sst s4  }
0xd: {  	[smem:$0x3FA7] =	sst s5  }
0xe: {  	[smem:$0x3FA8] =	sst s6  }
0xf: {  	[smem:$0x3FA9] =	sst s7  }
0x10: {  	[smem:$0x3FAA] =	sst s8  }
0x11: {  	[smem:$0x3FAB] =	sst s9;
	s0 =	simm.s32 @!p0 $0x0  }
0x12: {  	s1 =	sld [smem:$0x3F91];
	s0 =	simm.s32 @p0 $0x1  }
0x13: {  	[smem:$0x3FAC] =	sst s0;
	s0 =	simm.s32 @!p1 $0x0  }
0x14: {  	s2 =	sld [smem:$0x3F90];
	s0 =	simm.s32 @p1 $0x1  }
0x15: {  	[smem:$0x3FAD] =	sst s0;
	s0 =	simm.s32 @!p2 $0x0  }
0x16: {  	s3 =	sld [smem:$0x3FDB];
	s0 =	simm.s32 @p2 $0x1  }
0x17: {  	s4 =	simm.s32 $0x1BF5;
	[smem:$0x3FAF] =	sst s0  }
0x18: {  	s0 =	sld [smem:$0x3F92];
	_ =	swait.ge [sflag:s4], $0x0  }
0x19: {  	s7 =	sld [smem:$0x3F93]  }
0x1a: {  	s8 =	sadd.s32 $0xFFFFE003, lr  }
0x1b: {  	s9 =	sadd.s32 $0xFFFFFEF7, lr;
	s5 =	simm.s32 $0xFFFFFFFF;
	p2 =	slt.u32 s8, $0xFFFFF086  }
0x1c: {  	p1 =	slt.u32 s9, $0xF7A;
	s5 =	simm.s32 @!p2 $0x0  }
0x1d: {  	s5 =	simm.s32 @p1 $0x1;
	p0 =	seq.s32 s7, s2  }
0x1e: {  	s7 =	smul.u32 @!p0 $0xF7A, s2;
	p2 =	seq.s32 @!p0 s5, $0x0  }
0x1f: {  	s9 =	smul.u32 $0xF7A, s1;
	s8 =	simm.s32 @!p0 $0x1BF5;
	p2 =	por !p2, p0  }
0x20: {  	[sflag:s8] =	ssyncset.s32 @!p0 $0xFFFFF086;
	s6 =	sadd.s32 @!p0 s3, s7;
	s7 =	simm.s32 @!p0 $0x108  }
0x21: {  	s3 =	sadd.s32 s3, s9;
	s6 =	sadd.s32 @!p0 $0x88, s6;
	s7 =	simm.s32 @p2 $0x1082  }
0x22: {  	[simem:s7], [sflag:s8] =	dma.local @!p0 [hbm:s6], $0xF7A  }
0x23: {  	s9 =	sor.u32 $0xD0000000, s2;
	s6 =	simm.s32 $0x108;
	_ =	swait.ge @!p0 [sflag:s8], $0x0  }
0x24: {  	s3 =	sadd.s32 $0x88, s3;
	s6 =	simm.s32 @!p1 $0x1082;
	[sflag:s4] =	ssyncset.s32 $0xFFFFF086  }
0x25: {  	[simem:s6], [sflag:s4] =	dma.local [hbm:s3], $0xF7A  }
0x26: {  	[smem:$0x3F93] =	sst s1;
	(tag) =	ssettag s2;
	_ =	strace s9  }
0x27: {  	s1 =	sld [smem:$0x3FA3]  }
0x28: {  	s2 =	sld [smem:$0x3FA4]  }
0x29: {  	s4 =	sld [smem:$0x3FA6]  }
0x2a: {  	p0 =	seq.s32 s5, $0x0;
	s5 =	sld [smem:$0x3FA7]  }
0x2b: {  	s6 =	sld [smem:$0x3FA8]  }
0x2c: {  	s7 =	sld [smem:$0x3FA9]  }
0x2d: {  	s3 =	simm.s32 $0x108;
	s8 =	sld [smem:$0x3FAA]  }
0x2e: {  	s3 =	simm.s32 @!p0 $0x1082;
	s9 =	sld [smem:$0x3FAB]  }
0x2f: {  	lr =	sadd.s32 s0, s3;
	s0 =	sld [smem:$0x3FA2]  }
0x30: {  	s3 =	sld [smem:$0x3FA5]  }
0x31: {  	[smem:$0x3FAE] =	sst s10  }
0x32: {  	s10 =	sld [smem:$0x3FAC];
	_ =	sdelay $0x3  }
0x33: {  	p0 =	seq.s32 s10, $0x1;
	s10 =	sld [smem:$0x3FAE];
	_ =	sdelay $0x3  }
0x34: {  	[smem:$0x3FAE] =	sst s10  }
0x35: {  	s10 =	sld [smem:$0x3FAD];
	_ =	sdelay $0x3  }
0x36: {  	p1 =	seq.s32 s10, $0x1;
	s10 =	sld [smem:$0x3FAE];
	_ =	sdelay $0x3  }
0x37: {  	[smem:$0x3FAE] =	sst s10  }
0x38: {  	s10 =	sld [smem:$0x3FAF]  }
0x39: {  	_ = 	snop;
	(pc) =	sbr.ind lr, $3  }
0x3a: {  	_ = 	snop  }
0x3b: {  	_ = 	snop  }
0x3c: {  	p2 =	seq.s32 s10, $0x1;
	s10 =	sld [smem:$0x3FAE]  }
0x3d: {  	_ =	shalt  }
0x3e: {  	_ =	shalt  }
0x3f: {  	_ =	shalt  }
0x40: {  	_ =	shalt  }
0x41: {  	_ =	shalt  }
0x42: {  	_ =	shalt  }
0x43: {  	_ =	shalt  }
0x44: {  	_ =	shalt  }
0x45: {  	_ =	shalt  }
0x46: {  	_ =	shalt  }
0x47: {  	_ =	shalt  }
0x48: {  	_ =	shalt  }
0x49: {  	_ =	shalt  }
0x4a: {  	_ =	shalt  }
0x4b: {  	_ =	shalt  }
0x4c: {  	_ =	shalt  }
0x4d: {  	_ =	shalt  }
0x4e: {  	_ =	shalt  }
0x4f: {  	_ =	shalt  }
0x50: {  	_ =	shalt  }
0x51: {  	_ =	shalt  }
0x52: {  	_ =	shalt  }
0x53: {  	_ =	shalt  }
0x54: {  	_ =	shalt  }
0x55: {  	_ =	shalt  }
0x56: {  	_ =	shalt  }
0x57: {  	_ =	shalt  }
0x58: {  	_ =	shalt  }
0x59: {  	_ =	shalt  }
0x5a: {  	_ =	shalt  }
0x5b: {  	_ =	shalt  }
0x5c: {  	_ =	shalt  }
0x5d: {  	_ =	shalt  }
0x5e: {  	_ =	shalt  }
0x5f: {  	_ =	shalt  }
0x60: {  	_ =	shalt  }
0x61: {  	_ =	shalt  }
0x62: {  	_ =	shalt  }
0x63: {  	_ =	shalt  }
0x64: {  	_ =	shalt  }
0x65: {  	_ =	shalt  }
0x66: {  	_ =	shalt  }
0x67: {  	_ =	shalt  }
0x68: {  	_ =	shalt  }
0x69: {  	_ =	shalt  }
0x6a: {  	_ =	shalt  }
0x6b: {  	_ =	shalt  }
0x6c: {  	_ =	shalt  }
0x6d: {  	_ =	shalt  }
0x6e: {  	_ =	shalt  }
0x6f: {  	_ =	shalt  }
0x70: {  	_ =	shalt  }
0x71: {  	_ =	shalt  }
0x72: {  	_ =	shalt  }
0x73: {  	_ =	shalt  }
0x74: {  	_ =	shalt  }
0x75: {  	_ =	shalt  }
0x76: {  	_ =	shalt  }
0x77: {  	_ =	shalt  }
0x78: {  	_ =	shalt  }
0x79: {  	_ =	shalt  }
0x7a: {  	_ =	shalt  }
0x7b: {  	_ =	shalt  }
0x7c: {  	_ =	shalt  }
0x7d: {  	_ =	shalt  }
0x7e: {  	_ =	shalt  }
0x7f: {  	_ =	shalt  }
0x80: {  	_ =	shalt  }
0x81: {  	_ =	shalt  }
0x82: {  	_ =	shalt  }
0x83: {  	_ =	shalt  }
0x84: {  	_ =	shalt  }
0x85: {  	_ =	shalt  }
0x86: {  	_ =	shalt  }
0x87: {  	_ =	shalt  }
.Lfunc_end0:
.L_simem_size_0:
called_computation.1_lowered:
.L_overlay_start_0:
0x88: {  	s2 =	sld [smem:$0x3FD9]  }
0x89: {  	s3 =	sld [smem:$0x3FFE];
	_ =	sdelay $0x1  }
0x8a: {  	s1 =	srdreg.scid  }
0x8b: {  	s0 =	sand.u32 $0x1, s1  }
0x8c: {  	s16 =	sshll.u32 s0, $0xA;
	s2 =	sadd.s32 s3, s2  }
0x8d: {  	s2 =	sadd.s32 s2, s16  }
0x8e: {  	[smem:$0x3FBA] =	sst s2  }
0x8f: {  	_ = 	snop  }
0x90: {  	(tm) =	ssettm $0x1  }
0x91: {  	s17 =	sld [smem:$0x3FFB];
	_ =	sdelay $0x3  }
0x92: {  	_ =	strace s17  }
0x93: {  	s2 =	sld [smem:$0x3FFC];
	_ =	sdelay $0x3  }
0x94: {  	_ =	strace s2  }
0x95: {  	s2 =	sld [smem:$0x3FFD];
	_ =	sdelay $0x3  }
0x96: {  	_ =	strace s2  }
0x97: {  	_ =	strace $0x8FFFFFFF  }
0x98: {  	s18 =	sld [smem:$0x3FDB];
	_ =	sdelay $0x1  }
0x99: {  	s19 =	simm.s32 $_scs_section_size  }
0x9a: {  	s4 =	simm.s32 $_size__tile_overlayer_lowered;
	s5 =	simm.s32 $_tile_overlayer_lowered  }
0x9b: {  	s22 =	simm.s32 $0x1BFF;
	s21 =	sshll.u32 s5, $0x1;
	s2 =	sadd.s32 s19, s18  }
0x9c: {  	s6 =	simm.s32 $0x0;
	s20 =	sshll.u32 s4, $0x1;
	s4 =	sadd.s32 s21, s2  }
0x9d: {  	[timem:s6], [sflag:s22] =	dma.local [hbm:s4], s20  }
0x9e: {  	_ =	swait.ge [sflag:s22], s20  }
0x9f: {  	s3 =	ssub.s32 $0x0, s20;
	[sflag:s22] =	ssyncset.done $0x0  }
0xa0: {  	[sflag:s22] =	ssyncadd.s32 s3;
	_ =	sdelay $0x1  }
0xa1: {  	s23 =	simm.s32 $0x1B8B  }
0xa2: {  	_ =	swait.ge [sflag:s23], $0x1  }
0xa3: {  	[sflag:s23] =	ssyncset.done $0x0  }
0xa4: {  	s25 =	simm.s32 $0x1B8E;
	s24 =	sld [smem:$0x3FFE];
	[sflag:s23] =	ssyncadd.s32 $0xFFFFFFFF  }
0xa5: {  	s26 =	simm.s32 $execute0_lowered;
	[smem:$0x3FD2] =	sst s25  }
0xa6: {  	s4 =	sshll.u32 s26, $0x1;
	_ =	strace $0x80000049;
	[dreg:$0x1] =	wrdreg $0xFFFFFFFF  }
0xa7: {  	s28 =	simm.s32 $_size_execute0_lowered;
	s2 =	sadd.s32 s2, s4;
	[dreg:$0x0] =	wrdreg $0x0  }
0xa8: {  	s4 =	sshll.u32 s28, $0x1;
	[dreg:$0x2] =	wrdreg s2  }
0xa9: {  	[dreg:$0x3] =	wrdreg s4  }
0xaa: {  	[dreg:$0x4] =	wrdreg $0xC0  }
0xab: {  	_ =	task [dreg:s6], $0x5FFFF  }
0xac: {  	[dreg:$0x1] =	wrdreg $0xFFFFFFFF  }
0xad: {  	[dreg:$0x0] =	wrdreg $0x60  }
0xae: {  	[dreg:$0x2] =	wrdreg s24  }
0xaf: {  	[dreg:$0x3] =	wrdreg $0x9  }
0xb0: {  	_ =	task.clear_ibuf [dreg:s6], $0x4FFFF;
	_ =	strace $0x90000049  }
0xb1: {  	s29 =	simm.s32 $0x9;
	_ =	strace $0x8000004B  }
0xb2: {  	_ =	swait.ge [sflag:s29], $0x1  }
0xb3: {  	[sflag:s29] =	ssyncadd.s32 $0xFFFFFFFF  }
0xb4: {  	_ =	strace $0x9000004B  }
0xb5: {  	_ =	sfence  }
0xb6: {  	s30 =	sld [smem:$0x0];
	_ =	sdelay $0x2  }
0xb7: {  	s31 =	sshll.u32 s1, $0xD;
	s1 =	sshrl.u32 s1, $0x2  }
0xb8: {  	s3 =	sand.u32 $0x4000, s31;
	s1 =	sadd.s32 s1, s30  }
0xb9: {  	s0 =	sor.u32 s3, s0;
	s1 =	sshll.u32 s1, $0x11  }
0xba: {  	s0 =	sor.u32 s1, s0  }
0xbb: {  	s0 =	sadd.s32 $0x8F2B, s0  }
0xbc: {  	[sflag:s0] =	ssyncadd.remote.s32 $0x1  }
0xbd: {  	_ =	sfence.sel $0xFFFF  }
0xbe: {  	[dreg:$0x0] =	wrdreg $0xFFFFFFFF;
	(pc) =	sbr.abs _section_cstart, $3  }
0xbf: {  	[dreg:$0x1] =	wrdreg $0xFFFFFFFF  }
0xc0: {  	_ =	task.clear_ibuf [dreg:s6], $0x2FFFF;
	_ =	strace $0x9FFFFFFF  }
0xc1: {  	(tm) =	ssettm $0x7FFFFFFF  }
tec
execute0_lowered:
.L_overlay_start_1:
0x0: {  	(tag) =	ssettag $0x1  }
0x1: {  	s0 =	rddreg [dreg:$0x0]  }
0x2: {  	s2 =	simm.s32 $0x0;
	s1 =	srdreg.scid;
	s8 =	stileid.u32  }
0x3: {  	s12 =	simm.s32 $0x4;
	s13 =	simm.s32 $0x80;
	s14 =	simm.s32 $0x100  }
0x4: {  	s31 =	simm.s32 $0x1;
	s21 =	simm.s32 $0xC900;
	s22 =	simm.s32 $0xD100  }
0x5: {  	s23 =	simm.s32 $0xD900;
	s24 =	simm.s32 $0xE100;
	s25 =	simm.s32 $0xE900  }
0x6: {  	s26 =	simm.s32 $0xF100;
	s28 =	simm.s32 $0xF900;
	s29 =	simm.s32 $0x3  }
0x7: {  	s11 =	simm.s32 $0x0;
	[smem:$0x7FF] =	sst s2;
	s1 =	sand.u32 $0x1, s1  }
0x8: {  	s2 =	sadd.s32 $0x2C0400, s0;
	s4 =	sadd.s32 $0x60400, s0;
	s5 =	sadd.s32 $0x60000, s0  }
0x9: {  	s6 =	sadd.s32 $0x120000, s0;
	s8 =	sshll.u32 s8, $0x9;
	s3 =	ssub.s32 $0x2, s1  }
0xa: {  	s9 =	sadd.s32 $0x2C0600, s0;
	s10 =	sadd.s32 $0x2C0700, s0;
	s7 =	sshrl.u32 s3, $0x1  }
0xb: {  	v2 =	vlaneseq.u32;
	_ =	strace $0x8000004A;
	s1 =	sshll.u32 s1, $0x8;
	s3 =	ssub.s32 s3, s7  }
0xc: {  	vm0 =	vmmov $0xffff;
	v1 =	vshrl.u32 v2, $0x3;
	s8 =	sor.u32 s1, s8;
	s7 =	sadd.s32 $0x2C0500, s0;
	s30 =	smax.u32 s3, $0x1  }
0xd: {  	v0 =	vand.u32 $0x7, v2;
	v2 =	vor.u32 $0x8, v2;
	v1 =	vmul.u32 $0x8, v1;
	s0 =	simm.s32 $0x2;
	s3 =	simm.s32 $0x8100;
	[dreg:$0x2] =	wrdreg s30  }
.LBB2_1:
0xe: {  	[dreg:$0x3] =	wrdreg s11;
	s30 =	simm.s32 $0x0  }
.LBB2_2:
0xf: {  	s1 =	sshll.u32 s30, $0x5  }
0x10: {  	s11 =	sor.u32 s8, s1  }
0x11: {  	s15 =	sshrl.u32 s11, $0x3  }
0x12: {  	s1 =	simm.s32 $0x0;
	s16 =	sadd.s32 s4, s15  }
0x13: {  	[tilespmem:s1], [sflag:$0x4] =	stream.linear.gather [hbm4b:s16+s1], $0x10, $0x38;
	[tilespmem:$0x10100] =	vst v63  }
0x14: {  	_ =	swait.ge [sflag:s12], $0x10  }
0x15: {  	[sflag:s12] =	ssyncset.done $0x0  }
0x16: {  	s15 =	sadd.s32 s5, s15;
	[sflag:s12] =	ssyncadd.s32 $0xFFFFFFF0  }
0x17: {  	[tilespmem:s13], [sflag:$0x4] =	stream.linear.gather [hbm4b:s15+s1], $0x10, $0x38;
	[tilespmem:$0x10100] =	vst v63  }
0x18: {  	_ =	swait.ge [sflag:s12], $0x10  }
0x19: {  	[sflag:s12] =	ssyncset.done $0x0  }
0x1a: {  	[sflag:s12] =	ssyncadd.s32 $0xFFFFFFF0  }
0x1b: {  	v3 =	vld [tilespmem:$0x0];
	_ =	sdelay $0x4  }
0x1c: {  	v4 =	vshll.u32 v3, $0x3  }
0x1d: {  	v3 =	vand.u32 $0x7, v3;
	v4 =	vand.u32 $0xFFFFFFC0, v4  }
0x1e: {  	v3 =	vor.u32 v3, v4  }
0x1f: {  	v4 =	vperm.xlane v3, v0;
	_ =	sdelay $0x1  }
0x20: {  	v4 =	vadd.s32 v1, v4;
	_ =	sdelay $0x4  }
0x21: {  	[tilespmem:s14], [sflag:$0x1] =	stream.indirect_vreg.gather [hbm4b:s2+s1], $0x80, v4, vm0, $0xb8;
	[tilespmem:$0x10100] =	vst v63  }
0x22: {  	s16 =	simm.s32 $0x900;
	v3 =	vperm.xlane v3, v2  }
0x23: {  	[tilespmem:s16], [sflag:$0x1] =	stream.indirect_vreg.gather [hbm4b:s7+s1], $0x80, v4, vm0, $0xb8;
	[tilespmem:$0x10100] =	vst v63  }
0x24: {  	s17 =	simm.s32 $0x1100;
	v3 =	vadd.s32 v1, v3  }
0x25: {  	[tilespmem:s17], [sflag:$0x1] =	stream.indirect_vreg.gather [hbm4b:s9+s1], $0x80, v4, vm0, $0xb8;
	[tilespmem:$0x10100] =	vst v63  }
0x26: {  	s18 =	simm.s32 $0x1900  }
0x27: {  	[tilespmem:s18], [sflag:$0x1] =	stream.indirect_vreg.gather [hbm4b:s10+s1], $0x80, v4, vm0, $0xb8;
	[tilespmem:$0x10100] =	vst v63  }
0x28: {  	s19 =	simm.s32 $0x2100  }
0x29: {  	[tilespmem:s19], [sflag:$0x1] =	stream.indirect_vreg.gather [hbm4b:s2+s1], $0x80, v3, vm0, $0xb8;
	[tilespmem:$0x10100] =	vst v63  }
0x2a: {  	s20 =	simm.s32 $0x2900  }
0x2b: {  	[tilespmem:s20], [sflag:$0x1] =	stream.indirect_vreg.gather [hbm4b:s7+s1], $0x80, v3, vm0, $0xb8;
	[tilespmem:$0x10100] =	vst v63  }
0x2c: {  	s16 =	simm.s32 $0x3100  }
0x2d: {  	[tilespmem:s16], [sflag:$0x1] =	stream.indirect_vreg.gather [hbm4b:s9+s1], $0x80, v3, vm0, $0xb8;
	[tilespmem:$0x10100] =	vst v63  }
0x2e: {  	s17 =	simm.s32 $0x3900  }
0x2f: {  	[tilespmem:s17], [sflag:$0x1] =	stream.indirect_vreg.gather [hbm4b:s10+s1], $0x80, v3, vm0, $0xb8;
	[tilespmem:$0x10100] =	vst v63  }
0x30: {  	v3 =	vld [tilespmem:$0x80];
	_ =	sdelay $0x4  }
0x31: {  	v63 =	vshll.u32 v3, $0x3  }
0x32: {  	v3 =	vand.u32 $0x7, v3;
	v4 =	vand.u32 $0xFFFFFFC0, v63  }
0x33: {  	v3 =	vor.u32 v3, v4  }
0x34: {  	v4 =	vperm.xlane v3, v0;
	_ =	sdelay $0x1  }
0x35: {  	v4 =	vadd.s32 v1, v4;
	_ =	sdelay $0x3  }
0x36: {  	s18 =	simm.s32 $0x4100  }
0x37: {  	[tilespmem:s18], [sflag:$0x2] =	stream.indirect_vreg.gather [hbm4b:s2+s1], $0x80, v4, vm0, $0xb8;
	[tilespmem:$0x10100] =	vst v63  }
0x38: {  	s19 =	simm.s32 $0x4900;
	v3 =	vperm.xlane v3, v2  }
0x39: {  	[tilespmem:s19], [sflag:$0x2] =	stream.indirect_vreg.gather [hbm4b:s7+s1], $0x80, v4, vm0, $0xb8;
	[tilespmem:$0x10100] =	vst v63  }
0x3a: {  	s20 =	simm.s32 $0x5100;
	v3 =	vadd.s32 v1, v3  }
0x3b: {  	[tilespmem:s20], [sflag:$0x2] =	stream.indirect_vreg.gather [hbm4b:s9+s1], $0x80, v4, vm0, $0xb8;
	[tilespmem:$0x10100] =	vst v63  }
0x3c: {  	s16 =	simm.s32 $0x5900  }
0x3d: {  	[tilespmem:s16], [sflag:$0x2] =	stream.indirect_vreg.gather [hbm4b:s10+s1], $0x80, v4, vm0, $0xb8;
	[tilespmem:$0x10100] =	vst v63  }
0x3e: {  	s17 =	simm.s32 $0x6100  }
0x3f: {  	[tilespmem:s17], [sflag:$0x2] =	stream.indirect_vreg.gather [hbm4b:s2+s1], $0x80, v3, vm0, $0xb8;
	[tilespmem:$0x10100] =	vst v63  }
0x40: {  	s18 =	simm.s32 $0x6900  }
0x41: {  	[tilespmem:s18], [sflag:$0x2] =	stream.indirect_vreg.gather [hbm4b:s7+s1], $0x80, v3, vm0, $0xb8;
	[tilespmem:$0x10100] =	vst v63  }
0x42: {  	s19 =	simm.s32 $0x7100  }
0x43: {  	[tilespmem:s19], [sflag:$0x2] =	stream.indirect_vreg.gather [hbm4b:s9+s1], $0x80, v3, vm0, $0xb8;
	[tilespmem:$0x10100] =	vst v63  }
0x44: {  	s20 =	simm.s32 $0x7900  }
0x45: {  	[tilespmem:s20], [sflag:$0x2] =	stream.indirect_vreg.gather [hbm4b:s10+s1], $0x80, v3, vm0, $0xb8;
	[tilespmem:$0x10100] =	vst v63  }
0x46: {  	_ =	swait.ge [sflag:s31], $0x4000  }
0x47: {  	[sflag:s31] =	ssyncset.done $0x0  }
0x48: {  	[sflag:s31] =	ssyncadd.s32 $0xFFFFC000  }
0x49: {  	_ =	swait.ge [sflag:s0], $0x4000  }
0x4a: {  	s15 =	simm.s32 $0xFFFFC000;
	[sflag:s0] =	ssyncset.done $0x0  }
0x4b: {  	s16 =	simm.s32 $0x0;
	s17 =	simm.s32 $0x0;
	[sflag:s0] =	ssyncadd.s32 $0xFFFFC000  }
.LBB2_3:
0x4c: {  	s18 =	sadd.s32 $0x4000, s15  }
0x4d: {  	s19 =	sand.u32 $0x380, s17;
	s18 =	sand.u32 $0x2000, s18  }
0x4e: {  	s18 =	sor.u32 s19, s18  }
0x4f: {  	v3 =	vld [tilespmem:s18+$0x100]  }
0x50: {  	v4 =	vld [tilespmem:s18+$0x4100]  }
0x51: {  	v5 =	vld [tilespmem:s18+$0x110]  }
0x52: {  	v6 =	vld [tilespmem:s18+$0x4110]  }
0x53: {  	v7 =	vld [tilespmem:s18+$0x120]  }
0x54: {  	v8 =	vld [tilespmem:s18+$0x4120]  }
0x55: {  	v9 =	vld [tilespmem:s18+$0x130]  }
0x56: {  	v10 =	vld [tilespmem:s18+$0x4130]  }
0x57: {  	v11 =	vld [tilespmem:s18+$0x140]  }
0x58: {  	v12 =	vld [tilespmem:s18+$0x4140]  }
0x59: {  	v13 =	vld [tilespmem:s18+$0x150]  }
0x5a: {  	v14 =	vld [tilespmem:s18+$0x4150]  }
0x5b: {  	v15 =	vld [tilespmem:s18+$0x160]  }
0x5c: {  	v16 =	vld [tilespmem:s18+$0x4160]  }
0x5d: {  	v17 =	vld [tilespmem:s18+$0x170]  }
0x5e: {  	v18 =	vld [tilespmem:s18+$0x4170]  }
0x5f: {  	v19 =	vld [tilespmem:s18+$0x500]  }
0x60: {  	v20 =	vld [tilespmem:s18+$0x4500]  }
0x61: {  	v21 =	vld [tilespmem:s18+$0x510]  }
0x62: {  	v22 =	vld [tilespmem:s18+$0x4510]  }
0x63: {  	v23 =	vld [tilespmem:s18+$0x520]  }
0x64: {  	v24 =	vld [tilespmem:s18+$0x4520]  }
0x65: {  	v25 =	vld [tilespmem:s18+$0x530]  }
0x66: {  	v26 =	vld [tilespmem:s18+$0x4530]  }
0x67: {  	v27 =	vld [tilespmem:s18+$0x540]  }
0x68: {  	v28 =	vld [tilespmem:s18+$0x4540]  }
0x69: {  	v29 =	vld [tilespmem:s18+$0x550]  }
0x6a: {  	v30 =	vld [tilespmem:s18+$0x4550]  }
0x6b: {  	v31 =	vld [tilespmem:s18+$0x560]  }
0x6c: {  	v32 =	vld [tilespmem:s18+$0x4560]  }
0x6d: {  	v33 =	vld [tilespmem:s18+$0x570]  }
0x6e: {  	v34 =	vld [tilespmem:s18+$0x4570]  }
0x6f: {  	v35 =	vld [tilespmem:s18+$0x900]  }
0x70: {  	v36 =	vld [tilespmem:s18+$0x4900]  }
0x71: {  	v37 =	vld [tilespmem:s18+$0x910]  }
0x72: {  	v38 =	vld [tilespmem:s18+$0x4910]  }
0x73: {  	v39 =	vld [tilespmem:s18+$0x920]  }
0x74: {  	v40 =	vld [tilespmem:s18+$0x4920]  }
0x75: {  	v41 =	vld [tilespmem:s18+$0x930]  }
0x76: {  	v42 =	vld [tilespmem:s18+$0x4930]  }
0x77: {  	v43 =	vld [tilespmem:s18+$0x940]  }
0x78: {  	v44 =	vld [tilespmem:s18+$0x4940]  }
0x79: {  	v45 =	vld [tilespmem:s18+$0x950]  }
0x7a: {  	v46 =	vld [tilespmem:s18+$0x4950]  }
0x7b: {  	v47 =	vld [tilespmem:s18+$0x960]  }
0x7c: {  	v48 =	vld [tilespmem:s18+$0x4960]  }
0x7d: {  	v49 =	vld [tilespmem:s18+$0x970]  }
0x7e: {  	v50 =	vld [tilespmem:s18+$0x4970]  }
0x7f: {  	v51 =	vld [tilespmem:s18+$0xD00]  }
0x80: {  	v52 =	vld [tilespmem:s18+$0x4D00]  }
0x81: {  	v53 =	vld [tilespmem:s18+$0xD10]  }
0x82: {  	v54 =	vld [tilespmem:s18+$0x4D10]  }
0x83: {  	v55 =	vld [tilespmem:s18+$0xD20]  }
0x84: {  	v56 =	vld [tilespmem:s18+$0x4D20]  }
0x85: {  	v57 =	vld [tilespmem:s18+$0xD30]  }
0x86: {  	v58 =	vld [tilespmem:s18+$0x4D30]  }
0x87: {  	v59 =	vld [tilespmem:s18+$0xD40]  }
0x88: {  	v60 =	vld [tilespmem:s18+$0x4D40]  }
0x89: {  	v61 =	vld [tilespmem:s18+$0xD50]  }
0x8a: {  	v62 =	vld [tilespmem:s18+$0x4D50]  }
0x8b: {  	v63 =	vld [tilespmem:s18+$0xD60]  }
0x8c: {  	v3 =	vadd.f32 v4, v3;
	v4 =	vld [tilespmem:s18+$0x4D60]  }
0x8d: {  	v5 =	vadd.f32 v6, v5;
	v6 =	vld [tilespmem:s18+$0xD70]  }
0x8e: {  	v14 =	vadd.f32 v14, v13;
	v13 =	vld [tilespmem:s18+$0x5120];
	[tilespmem:s18+$0x100] =	vst v3;
	v3 =	vadd.f32 v8, v7  }
0x8f: {  	v18 =	vadd.f32 v18, v17;
	v17 =	vld [tilespmem:s18+$0x5140];
	[tilespmem:s18+$0x110] =	vst v5  }
0x90: {  	v22 =	vadd.f32 v22, v21;
	v21 =	vld [tilespmem:s18+$0x5160];
	[tilespmem:s18+$0x120] =	vst v3;
	v3 =	vadd.f32 v12, v11  }
0x91: {  	v37 =	vadd.f32 v38, v37;
	v38 =	vld [tilespmem:s18+$0x5170];
	[tilespmem:s18+$0x150] =	vst v14  }
0x92: {  	v26 =	vadd.f32 v26, v25;
	v25 =	vld [tilespmem:s18+$0x5500];
	[tilespmem:s18+$0x140] =	vst v3;
	v3 =	vadd.f32 v16, v15  }
0x93: {  	v7 =	vld [tilespmem:s18+$0x4D70];
	[tilespmem:s18+$0x170] =	vst v18  }
0x94: {  	v8 =	vld [tilespmem:s18+$0x1100];
	[tilespmem:s18+$0x160] =	vst v3;
	v3 =	vadd.f32 v20, v19  }
0x95: {  	v5 =	vadd.f32 v10, v9;
	v9 =	vld [tilespmem:s18+$0x5100];
	[tilespmem:s18+$0x510] =	vst v22  }
0x96: {  	v10 =	vld [tilespmem:s18+$0x1110];
	[tilespmem:s18+$0x500] =	vst v3;
	v3 =	vadd.f32 v24, v23  }
0x97: {  	v14 =	vld [tilespmem:s18+$0x1130];
	[tilespmem:s18+$0x530] =	vst v26  }
0x98: {  	v18 =	vld [tilespmem:s18+$0x1150];
	[tilespmem:s18+$0x520] =	vst v3;
	v3 =	vadd.f32 v28, v27  }
0x99: {  	v30 =	vadd.f32 v30, v29;
	v22 =	vld [tilespmem:s18+$0x1170];
	[tilespmem:s18+$0x910] =	vst v37  }
0x9a: {  	v37 =	vld [tilespmem:s18+$0x5910];
	[tilespmem:s18+$0x540] =	vst v3;
	v3 =	vadd.f32 v32, v31  }
0x9b: {  	v34 =	vadd.f32 v34, v33;
	[tilespmem:s18+$0x550] =	vst v30;
	v11 =	vld [tilespmem:s18+$0x5110]  }
0x9c: {  	v19 =	vld [tilespmem:s18+$0x5150];
	[tilespmem:s18+$0x560] =	vst v3;
	v3 =	vadd.f32 v36, v35  }
0x9d: {  	[tilespmem:s18+$0x570] =	vst v34;
	v12 =	vld [tilespmem:s18+$0x1120]  }
0x9e: {  	v15 =	vld [tilespmem:s18+$0x5130];
	[tilespmem:s18+$0x900] =	vst v3;
	v3 =	vadd.f32 v40, v39  }
0x9f: {  	[tilespmem:s18+$0x130] =	vst v5;
	v16 =	vld [tilespmem:s18+$0x1140];
	v38 =	vadd.f32 v38, v22  }
0xa0: {  	v20 =	vld [tilespmem:s18+$0x1160];
	[tilespmem:s18+$0x920] =	vst v3;
	v3 =	vadd.f32 v44, v43  }
0xa1: {  	[tilespmem:s18+$0x1170] =	vst v38;
	v24 =	vld [tilespmem:s18+$0x1500];
	v35 =	vadd.f32 v19, v18  }
0xa2: {  	v36 =	vld [tilespmem:s18+$0x1910];
	[tilespmem:s18+$0x940] =	vst v3;
	v3 =	vadd.f32 v48, v47  }
0xa3: {  	v39 =	vadd.f32 v42, v41;
	v41 =	vld [tilespmem:s18+$0x1510];
	[tilespmem:s18+$0x1150] =	vst v35  }
0xa4: {  	v42 =	vld [tilespmem:s18+$0x5510];
	[tilespmem:s18+$0x960] =	vst v3;
	v3 =	vadd.f32 v52, v51  }
0xa5: {  	v40 =	vadd.f32 v46, v45;
	v45 =	vld [tilespmem:s18+$0x5520];
	[tilespmem:s18+$0x930] =	vst v39  }
0xa6: {  	v46 =	vadd.f32 v54, v53;
	v53 =	vld [tilespmem:s18+$0x1550];
	[tilespmem:s18+$0xD00] =	vst v3;
	v3 =	vadd.f32 v56, v55  }
0xa7: {  	v54 =	vld [tilespmem:s18+$0x5550];
	[tilespmem:s18+$0x950] =	vst v40  }
0xa8: {  	v44 =	vld [tilespmem:s18+$0x1520];
	[tilespmem:s18+$0xD20] =	vst v3;
	v3 =	vadd.f32 v60, v59  }
0xa9: {  	v43 =	vadd.f32 v50, v49;
	[tilespmem:s18+$0xD10] =	vst v46;
	v50 =	vld [tilespmem:s18+$0x1540]  }
0xaa: {  	v49 =	vadd.f32 v58, v57;
	v57 =	vld [tilespmem:s18+$0x5560];
	[tilespmem:s18+$0xD40] =	vst v3;
	v3 =	vadd.f32 v4, v63  }
0xab: {  	v39 =	vld [tilespmem:s18+$0x1920];
	[tilespmem:s18+$0x970] =	vst v43  }
0xac: {  	v40 =	vld [tilespmem:s18+$0x5920];
	[tilespmem:s18+$0xD60] =	vst v3;
	v3 =	vadd.f32 v9, v8  }
0xad: {  	v58 =	vadd.f32 v11, v10;
	v46 =	vld [tilespmem:s18+$0x1950];
	[tilespmem:s18+$0xD30] =	vst v49  }
0xae: {  	v47 =	vld [tilespmem:s18+$0x1530];
	[tilespmem:s18+$0x1100] =	vst v3;
	v3 =	vadd.f32 v13, v12  }
0xaf: {  	v48 =	vld [tilespmem:s18+$0x5530];
	[tilespmem:s18+$0x1110] =	vst v58;
	v41 =	vadd.f32 v42, v41  }
0xb0: {  	v43 =	vld [tilespmem:s18+$0x5930];
	[tilespmem:s18+$0x1120] =	vst v3;
	v3 =	vadd.f32 v17, v16  }
0xb1: {  	v42 =	vld [tilespmem:s18+$0x1930];
	v52 =	vadd.f32 v62, v61;
	[tilespmem:s18+$0x1510] =	vst v41  }
0xb2: {  	v51 =	vld [tilespmem:s18+$0x5540];
	[tilespmem:s18+$0x1140] =	vst v3;
	v3 =	vadd.f32 v21, v20  }
0xb3: {  	v61 =	vadd.f32 v15, v14;
	v62 =	vld [tilespmem:s18+$0x1900];
	[tilespmem:s18+$0xD50] =	vst v52  }
0xb4: {  	v56 =	vld [tilespmem:s18+$0x1560];
	[tilespmem:s18+$0x1160] =	vst v3;
	v3 =	vadd.f32 v25, v24  }
0xb5: {  	v55 =	vadd.f32 v7, v6;
	[tilespmem:s18+$0x1130] =	vst v61;
	v59 =	vld [tilespmem:s18+$0x1570]  }
0xb6: {  	v60 =	vld [tilespmem:s18+$0x5570];
	[tilespmem:s18+$0x1500] =	vst v3;
	v3 =	vadd.f32 v45, v44  }
0xb7: {  	v52 =	vadd.f32 v37, v36;
	[tilespmem:s18+$0xD70] =	vst v55;
	v63 =	vld [tilespmem:s18+$0x5900]  }
0xb8: {  	v4 =	vadd.f32 v54, v53;
	v53 =	vld [tilespmem:s18+$0x5970];
	[tilespmem:s18+$0x1520] =	vst v3;
	v3 =	vadd.f32 v51, v50  }
0xb9: {  	[tilespmem:s18+$0x1910] =	vst v52;
	v55 =	vadd.f32 v43, v42;
	v54 =	vld [tilespmem:s18+$0x5940]  }
0xba: {  	v44 =	vadd.f32 v48, v47;
	v47 =	vld [tilespmem:s18+$0x5950];
	[tilespmem:s18+$0x1540] =	vst v3;
	v3 =	vadd.f32 v57, v56  }
0xbb: {  	[tilespmem:s18+$0x1930] =	vst v55;
	v48 =	vld [tilespmem:s18+$0x1960]  }
0xbc: {  	v50 =	vld [tilespmem:s18+$0x5960];
	[tilespmem:s18+$0x1560] =	vst v3;
	v3 =	vadd.f32 v63, v62  }
0xbd: {  	[tilespmem:s18+$0x1550] =	vst v4;
	v49 =	vadd.f32 v60, v59;
	v51 =	vld [tilespmem:s18+$0x1970]  }
0xbe: {  	v45 =	vld [tilespmem:s18+$0x1940];
	[tilespmem:s18+$0x1900] =	vst v3;
	v3 =	vadd.f32 v40, v39  }
0xbf: {  	[tilespmem:s18+$0x1570] =	vst v49  }
0xc0: {  	[tilespmem:s18+$0x1920] =	vst v3;
	v3 =	vadd.f32 v47, v46  }
0xc1: {  	s20 =	sand.u32 $0x7, s1;
	[tilespmem:s18+$0x1530] =	vst v44;
	v56 =	vadd.f32 v50, v48  }
0xc2: {  	s19 =	sshll.u32 s20, $0x7;
	[tilespmem:s18+$0x1950] =	vst v3;
	v3 =	vadd.f32 v53, v51  }
0xc3: {  	s19 =	sadd.s32 s19, s16;
	v57 =	vadd.f32 v54, v45;
	[tilespmem:s18+$0x1960] =	vst v56  }
0xc4: {  	s20 =	sor.u32 $0x1C00, s19;
	[tilespmem:s18+$0x1970] =	vst v3  }
0xc5: {  	[tilespmem:s18+$0x1940] =	vst v57;
	v3 =	vld [tilespmem:s20+$0x100]  }
0xc6: {  	v4 =	vld [tilespmem:s20+$0x4100];
	_ =	sdelay $0x4  }
0xc7: {  	v3 =	vadd.f32 v4, v3;
	_ =	sdelay $0x1  }
0xc8: {  	[tilespmem:s20+$0x100] =	vst v3;
	s20 =	sor.u32 $0x1C10, s19  }
0xc9: {  	v3 =	vld [tilespmem:s20+$0x100]  }
0xca: {  	v58 =	vld [tilespmem:s20+$0x4100];
	_ =	sdelay $0x4  }
0xcb: {  	v3 =	vadd.f32 v58, v3;
	_ =	sdelay $0x1  }
0xcc: {  	[tilespmem:s20+$0x100] =	vst v3;
	s20 =	sor.u32 $0x1C20, s19  }
0xcd: {  	v3 =	vld [tilespmem:s20+$0x100]  }
0xce: {  	v59 =	vld [tilespmem:s20+$0x4100];
	_ =	sdelay $0x4  }
0xcf: {  	v3 =	vadd.f32 v59, v3;
	_ =	sdelay $0x1  }
0xd0: {  	[tilespmem:s20+$0x100] =	vst v3;
	s20 =	sor.u32 $0x1C30, s19  }
0xd1: {  	v3 =	vld [tilespmem:s20+$0x100]  }
0xd2: {  	v60 =	vld [tilespmem:s20+$0x4100];
	_ =	sdelay $0x4  }
0xd3: {  	v3 =	vadd.f32 v60, v3;
	_ =	sdelay $0x1  }
0xd4: {  	[tilespmem:s20+$0x100] =	vst v3;
	s20 =	sor.u32 $0x1C40, s19  }
0xd5: {  	v3 =	vld [tilespmem:s20+$0x100]  }
0xd6: {  	v61 =	vld [tilespmem:s20+$0x4100];
	_ =	sdelay $0x4  }
0xd7: {  	v3 =	vadd.f32 v61, v3;
	_ =	sdelay $0x1  }
0xd8: {  	[tilespmem:s20+$0x100] =	vst v3;
	s20 =	sor.u32 $0x1C50, s19  }
0xd9: {  	v3 =	vld [tilespmem:s20+$0x100]  }
0xda: {  	v62 =	vld [tilespmem:s20+$0x4100];
	_ =	sdelay $0x4  }
0xdb: {  	v3 =	vadd.f32 v62, v3;
	_ =	sdelay $0x1  }
0xdc: {  	[tilespmem:s20+$0x100] =	vst v3;
	s20 =	sor.u32 $0x1C60, s19  }
0xdd: {  	v3 =	vld [tilespmem:s20+$0x100]  }
0xde: {  	v63 =	vld [tilespmem:s20+$0x4100];
	_ =	sdelay $0x1  }
0xdf: {  	p0 =	sne.s32 s17, $0x780  }
.Ltmp0:
0xe0: {  	_ = 	snop;
	(pc) =	sbr.rel @p0 .LBB2_3-.Ltmp0, $4  }
0xe1: {  	_ = 	snop  }
0xe2: {  	v3 =	vadd.f32 v63, v3  }
0xe3: {  	s1 =	sadd.s32 $0x1, s1  }
0xe4: {  	s15 =	sadd.s32 $0x400, s15;
	s17 =	sadd.s32 $0x80, s17;
	s16 =	sadd.s32 $0x400, s16;
	[tilespmem:s20+$0x100] =	vst v3  }
0xe5: {  	s1 =	sshll.u32 s11, $0x7;
	s11 =	sor.u32 $0x10, s11  }
0xe6: {  	s15 =	sadd.s32 s6, s1;
	s1 =	simm.s32 $0x0;
	s17 =	sshrl.u32 s11, $0x3  }
0xe7: {  	[hbm4b:s15+s1] =	stream.linear.scatter [tilespmem:s14], [sflag:$0x3], $0x4000, $0x38;
	[tilespmem:$0x10100] =	vst v63  }
0xe8: {  	s16 =	sadd.s32 s4, s17  }
0xe9: {  	[tilespmem:s1], [sflag:$0x4] =	stream.linear.gather [hbm4b:s16+s1], $0x10, $0x38;
	[tilespmem:$0x10100] =	vst v63  }
0xea: {  	_ =	swait.ge [sflag:s12], $0x10  }
0xeb: {  	[sflag:s12] =	ssyncset.done $0x0  }
0xec: {  	s15 =	sadd.s32 s5, s17;
	[sflag:s12] =	ssyncadd.s32 $0xFFFFFFF0  }
0xed: {  	[tilespmem:s13], [sflag:$0x4] =	stream.linear.gather [hbm4b:s15+s1], $0x10, $0x38;
	[tilespmem:$0x10100] =	vst v63  }
0xee: {  	_ =	swait.ge [sflag:s12], $0x10  }
0xef: {  	[sflag:s12] =	ssyncset.done $0x0  }
0xf0: {  	[sflag:s12] =	ssyncadd.s32 $0xFFFFFFF0  }
0xf1: {  	v3 =	vld [tilespmem:$0x0];
	_ =	sdelay $0x4  }
0xf2: {  	v4 =	vshll.u32 v3, $0x3  }
0xf3: {  	v3 =	vand.u32 $0x7, v3;
	v4 =	vand.u32 $0xFFFFFFC0, v4  }
0xf4: {  	v3 =	vor.u32 v3, v4  }
0xf5: {  	v4 =	vperm.xlane v3, v0;
	_ =	sdelay $0x1  }
0xf6: {  	v4 =	vadd.s32 v1, v4;
	_ =	sdelay $0x4  }
0xf7: {  	[tilespmem:s3], [sflag:$0x1] =	stream.indirect_vreg.gather [hbm4b:s2+s1], $0x80, v4, vm0, $0xb8;
	[tilespmem:$0x10100] =	vst v63  }
0xf8: {  	s18 =	simm.s32 $0x8900;
	v3 =	vperm.xlane v3, v2  }
0xf9: {  	[tilespmem:s18], [sflag:$0x1] =	stream.indirect_vreg.gather [hbm4b:s7+s1], $0x80, v4, vm0, $0xb8;
	[tilespmem:$0x10100] =	vst v63  }
0xfa: {  	s19 =	simm.s32 $0x9100;
	v3 =	vadd.s32 v1, v3  }
0xfb: {  	[tilespmem:s19], [sflag:$0x1] =	stream.indirect_vreg.gather [hbm4b:s9+s1], $0x80, v4, vm0, $0xb8;
	[tilespmem:$0x10100] =	vst v63  }
0xfc: {  	s20 =	simm.s32 $0x9900  }
0xfd: {  	[tilespmem:s20], [sflag:$0x1] =	stream.indirect_vreg.gather [hbm4b:s10+s1], $0x80, v4, vm0, $0xb8;
	[tilespmem:$0x10100] =	vst v63  }
0xfe: {  	s16 =	simm.s32 $0xA100  }
0xff: {  	[tilespmem:s16], [sflag:$0x1] =	stream.indirect_vreg.gather [hbm4b:s2+s1], $0x80, v3, vm0, $0xb8;
	[tilespmem:$0x10100] =	vst v63  }
0x100: {  	s17 =	simm.s32 $0xA900  }
0x101: {  	[tilespmem:s17], [sflag:$0x1] =	stream.indirect_vreg.gather [hbm4b:s7+s1], $0x80, v3, vm0, $0xb8;
	[tilespmem:$0x10100] =	vst v63  }
0x102: {  	s18 =	simm.s32 $0xB100  }
0x103: {  	[tilespmem:s18], [sflag:$0x1] =	stream.indirect_vreg.gather [hbm4b:s9+s1], $0x80, v3, vm0, $0xb8;
	[tilespmem:$0x10100] =	vst v63  }
0x104: {  	s19 =	simm.s32 $0xB900  }
0x105: {  	[tilespmem:s19], [sflag:$0x1] =	stream.indirect_vreg.gather [hbm4b:s10+s1], $0x80, v3, vm0, $0xb8;
	[tilespmem:$0x10100] =	vst v63  }
0x106: {  	v3 =	vld [tilespmem:$0x80];
	_ =	sdelay $0x4  }
0x107: {  	v63 =	vshll.u32 v3, $0x3  }
0x108: {  	v3 =	vand.u32 $0x7, v3;
	v4 =	vand.u32 $0xFFFFFFC0, v63  }
0x109: {  	v3 =	vor.u32 v3, v4  }
0x10a: {  	v4 =	vperm.xlane v3, v0;
	_ =	sdelay $0x1  }
0x10b: {  	v4 =	vadd.s32 v1, v4;
	_ =	sdelay $0x3  }
0x10c: {  	s20 =	simm.s32 $0xC100  }
0x10d: {  	[tilespmem:s20], [sflag:$0x2] =	stream.indirect_vreg.gather [hbm4b:s2+s1], $0x80, v4, vm0, $0xb8;
	[tilespmem:$0x10100] =	vst v63  }
0x10e: {  	v3 =	vperm.xlane v3, v2  }
0x10f: {  	[tilespmem:s21], [sflag:$0x2] =	stream.indirect_vreg.gather [hbm4b:s7+s1], $0x80, v4, vm0, $0xb8;
	[tilespmem:$0x10100] =	vst v63  }
0x110: {  	v3 =	vadd.s32 v1, v3  }
0x111: {  	[tilespmem:s22], [sflag:$0x2] =	stream.indirect_vreg.gather [hbm4b:s9+s1], $0x80, v4, vm0, $0xb8;
	[tilespmem:$0x10100] =	vst v63  }
0x112: {  	_ = 	snop  }
0x113: {  	[tilespmem:s23], [sflag:$0x2] =	stream.indirect_vreg.gather [hbm4b:s10+s1], $0x80, v4, vm0, $0xb8;
	[tilespmem:$0x10100] =	vst v63  }
0x114: {  	_ = 	snop  }
0x115: {  	[tilespmem:s24], [sflag:$0x2] =	stream.indirect_vreg.gather [hbm4b:s2+s1], $0x80, v3, vm0, $0xb8;
	[tilespmem:$0x10100] =	vst v63  }
0x116: {  	_ = 	snop  }
0x117: {  	[tilespmem:s25], [sflag:$0x2] =	stream.indirect_vreg.gather [hbm4b:s7+s1], $0x80, v3, vm0, $0xb8;
	[tilespmem:$0x10100] =	vst v63  }
0x118: {  	_ = 	snop  }
0x119: {  	[tilespmem:s26], [sflag:$0x2] =	stream.indirect_vreg.gather [hbm4b:s9+s1], $0x80, v3, vm0, $0xb8;
	[tilespmem:$0x10100] =	vst v63  }
0x11a: {  	_ = 	snop  }
0x11b: {  	[tilespmem:s28], [sflag:$0x2] =	stream.indirect_vreg.gather [hbm4b:s10+s1], $0x80, v3, vm0, $0xb8;
	[tilespmem:$0x10100] =	vst v63  }
0x11c: {  	_ =	swait.ge [sflag:s31], $0x4000  }
0x11d: {  	[sflag:s31] =	ssyncset.done $0x0  }
0x11e: {  	[sflag:s31] =	ssyncadd.s32 $0xFFFFC000  }
0x11f: {  	_ =	swait.ge [sflag:s0], $0x4000  }
0x120: {  	s15 =	simm.s32 $0xFFFFC000;
	[sflag:s0] =	ssyncset.done $0x0  }
0x121: {  	s16 =	simm.s32 $0x0;
	s17 =	simm.s32 $0x0;
	[sflag:s0] =	ssyncadd.s32 $0xFFFFC000  }
.LBB2_5:
0x122: {  	s18 =	sadd.s32 $0x4000, s15  }
0x123: {  	s19 =	sand.u32 $0x380, s17;
	s18 =	sand.u32 $0x2000, s18  }
0x124: {  	s18 =	sor.u32 s19, s18  }
0x125: {  	v3 =	vld [tilespmem:s18+$0x8100]  }
0x126: {  	v4 =	vld [tilespmem:s18+$0xC100]  }
0x127: {  	v5 =	vld [tilespmem:s18+$0x8110]  }
0x128: {  	v6 =	vld [tilespmem:s18+$0xC110]  }
0x129: {  	v7 =	vld [tilespmem:s18+$0x8120]  }
0x12a: {  	v8 =	vld [tilespmem:s18+$0xC120]  }
0x12b: {  	v9 =	vld [tilespmem:s18+$0x8130]  }
0x12c: {  	v10 =	vld [tilespmem:s18+$0xC130]  }
0x12d: {  	v11 =	vld [tilespmem:s18+$0x8140]  }
0x12e: {  	v12 =	vld [tilespmem:s18+$0xC140]  }
0x12f: {  	v13 =	vld [tilespmem:s18+$0x8150]  }
0x130: {  	v14 =	vld [tilespmem:s18+$0xC150]  }
0x131: {  	v15 =	vld [tilespmem:s18+$0x8160]  }
0x132: {  	v16 =	vld [tilespmem:s18+$0xC160]  }
0x133: {  	v17 =	vld [tilespmem:s18+$0x8170]  }
0x134: {  	v18 =	vld [tilespmem:s18+$0xC170]  }
0x135: {  	v19 =	vld [tilespmem:s18+$0x8500]  }
0x136: {  	v20 =	vld [tilespmem:s18+$0xC500]  }
0x137: {  	v21 =	vld [tilespmem:s18+$0x8510]  }
0x138: {  	v22 =	vld [tilespmem:s18+$0xC510]  }
0x139: {  	v23 =	vld [tilespmem:s18+$0x8520]  }
0x13a: {  	v24 =	vld [tilespmem:s18+$0xC520]  }
0x13b: {  	v25 =	vld [tilespmem:s18+$0x8530]  }
0x13c: {  	v26 =	vld [tilespmem:s18+$0xC530]  }
0x13d: {  	v27 =	vld [tilespmem:s18+$0x8540]  }
0x13e: {  	v28 =	vld [tilespmem:s18+$0xC540]  }
0x13f: {  	v29 =	vld [tilespmem:s18+$0x8550]  }
0x140: {  	v30 =	vld [tilespmem:s18+$0xC550]  }
0x141: {  	v31 =	vld [tilespmem:s18+$0x8560]  }
0x142: {  	v32 =	vld [tilespmem:s18+$0xC560]  }
0x143: {  	v33 =	vld [tilespmem:s18+$0x8570]  }
0x144: {  	v34 =	vld [tilespmem:s18+$0xC570]  }
0x145: {  	v35 =	vld [tilespmem:s18+$0x8900]  }
0x146: {  	v36 =	vld [tilespmem:s18+$0xC900]  }
0x147: {  	v37 =	vld [tilespmem:s18+$0x8910]  }
0x148: {  	v38 =	vld [tilespmem:s18+$0xC910]  }
0x149: {  	v39 =	vld [tilespmem:s18+$0x8920]  }
0x14a: {  	v40 =	vld [tilespmem:s18+$0xC920]  }
0x14b: {  	v41 =	vld [tilespmem:s18+$0x8930]  }
0x14c: {  	v42 =	vld [tilespmem:s18+$0xC930]  }
0x14d: {  	v43 =	vld [tilespmem:s18+$0x8940]  }
0x14e: {  	v44 =	vld [tilespmem:s18+$0xC940]  }
0x14f: {  	v45 =	vld [tilespmem:s18+$0x8950]  }
0x150: {  	v46 =	vld [tilespmem:s18+$0xC950]  }
0x151: {  	v47 =	vld [tilespmem:s18+$0x8960]  }
0x152: {  	v48 =	vld [tilespmem:s18+$0xC960]  }
0x153: {  	v49 =	vld [tilespmem:s18+$0x8970]  }
0x154: {  	v50 =	vld [tilespmem:s18+$0xC970]  }
0x155: {  	v51 =	vld [tilespmem:s18+$0x8D00]  }
0x156: {  	v52 =	vld [tilespmem:s18+$0xCD00]  }
0x157: {  	v53 =	vld [tilespmem:s18+$0x8D10]  }
0x158: {  	v54 =	vld [tilespmem:s18+$0xCD10]  }
0x159: {  	v55 =	vld [tilespmem:s18+$0x8D20]  }
0x15a: {  	v56 =	vld [tilespmem:s18+$0xCD20]  }
0x15b: {  	v57 =	vld [tilespmem:s18+$0x8D30]  }
0x15c: {  	v58 =	vld [tilespmem:s18+$0xCD30]  }
0x15d: {  	v59 =	vld [tilespmem:s18+$0x8D40]  }
0x15e: {  	v60 =	vld [tilespmem:s18+$0xCD40]  }
0x15f: {  	v61 =	vld [tilespmem:s18+$0x8D50]  }
0x160: {  	v62 =	vld [tilespmem:s18+$0xCD50]  }
0x161: {  	v63 =	vld [tilespmem:s18+$0x8D60]  }
0x162: {  	v3 =	vadd.f32 v4, v3;
	v4 =	vld [tilespmem:s18+$0xCD60]  }
0x163: {  	v5 =	vadd.f32 v6, v5;
	v6 =	vld [tilespmem:s18+$0x8D70]  }
0x164: {  	v14 =	vadd.f32 v14, v13;
	v13 =	vld [tilespmem:s18+$0xD120];
	[tilespmem:s18+$0x8100] =	vst v3;
	v3 =	vadd.f32 v8, v7  }
0x165: {  	v18 =	vadd.f32 v18, v17;
	v17 =	vld [tilespmem:s18+$0xD140];
	[tilespmem:s18+$0x8110] =	vst v5  }
0x166: {  	v22 =	vadd.f32 v22, v21;
	v21 =	vld [tilespmem:s18+$0xD160];
	[tilespmem:s18+$0x8120] =	vst v3;
	v3 =	vadd.f32 v12, v11  }
0x167: {  	v37 =	vadd.f32 v38, v37;
	v38 =	vld [tilespmem:s18+$0xD170];
	[tilespmem:s18+$0x8150] =	vst v14  }
0x168: {  	v26 =	vadd.f32 v26, v25;
	v25 =	vld [tilespmem:s18+$0xD500];
	[tilespmem:s18+$0x8140] =	vst v3;
	v3 =	vadd.f32 v16, v15  }
0x169: {  	v7 =	vld [tilespmem:s18+$0xCD70];
	[tilespmem:s18+$0x8170] =	vst v18  }
0x16a: {  	v8 =	vld [tilespmem:s18+$0x9100];
	[tilespmem:s18+$0x8160] =	vst v3;
	v3 =	vadd.f32 v20, v19  }
0x16b: {  	v5 =	vadd.f32 v10, v9;
	v9 =	vld [tilespmem:s18+$0xD100];
	[tilespmem:s18+$0x8510] =	vst v22  }
0x16c: {  	v10 =	vld [tilespmem:s18+$0x9110];
	[tilespmem:s18+$0x8500] =	vst v3;
	v3 =	vadd.f32 v24, v23  }
0x16d: {  	v14 =	vld [tilespmem:s18+$0x9130];
	[tilespmem:s18+$0x8530] =	vst v26  }
0x16e: {  	v18 =	vld [tilespmem:s18+$0x9150];
	[tilespmem:s18+$0x8520] =	vst v3;
	v3 =	vadd.f32 v28, v27  }
0x16f: {  	v30 =	vadd.f32 v30, v29;
	v22 =	vld [tilespmem:s18+$0x9170];
	[tilespmem:s18+$0x8910] =	vst v37  }
0x170: {  	v37 =	vld [tilespmem:s18+$0xD910];
	[tilespmem:s18+$0x8540] =	vst v3;
	v3 =	vadd.f32 v32, v31  }
0x171: {  	v34 =	vadd.f32 v34, v33;
	[tilespmem:s18+$0x8550] =	vst v30;
	v11 =	vld [tilespmem:s18+$0xD110]  }
0x172: {  	v19 =	vld [tilespmem:s18+$0xD150];
	[tilespmem:s18+$0x8560] =	vst v3;
	v3 =	vadd.f32 v36, v35  }
0x173: {  	[tilespmem:s18+$0x8570] =	vst v34;
	v12 =	vld [tilespmem:s18+$0x9120]  }
0x174: {  	v15 =	vld [tilespmem:s18+$0xD130];
	[tilespmem:s18+$0x8900] =	vst v3;
	v3 =	vadd.f32 v40, v39  }
0x175: {  	[tilespmem:s18+$0x8130] =	vst v5;
	v16 =	vld [tilespmem:s18+$0x9140];
	v38 =	vadd.f32 v38, v22  }
0x176: {  	v20 =	vld [tilespmem:s18+$0x9160];
	[tilespmem:s18+$0x8920] =	vst v3;
	v3 =	vadd.f32 v44, v43  }
0x177: {  	[tilespmem:s18+$0x9170] =	vst v38;
	v24 =	vld [tilespmem:s18+$0x9500];
	v35 =	vadd.f32 v19, v18  }
0x178: {  	v36 =	vld [tilespmem:s18+$0x9910];
	[tilespmem:s18+$0x8940] =	vst v3;
	v3 =	vadd.f32 v48, v47  }
0x179: {  	v39 =	vadd.f32 v42, v41;
	v41 =	vld [tilespmem:s18+$0x9510];
	[tilespmem:s18+$0x9150] =	vst v35  }
0x17a: {  	v42 =	vld [tilespmem:s18+$0xD510];
	[tilespmem:s18+$0x8960] =	vst v3;
	v3 =	vadd.f32 v52, v51  }
0x17b: {  	v40 =	vadd.f32 v46, v45;
	v45 =	vld [tilespmem:s18+$0xD520];
	[tilespmem:s18+$0x8930] =	vst v39  }
0x17c: {  	v46 =	vadd.f32 v54, v53;
	v53 =	vld [tilespmem:s18+$0x9550];
	[tilespmem:s18+$0x8D00] =	vst v3;
	v3 =	vadd.f32 v56, v55  }
0x17d: {  	v54 =	vld [tilespmem:s18+$0xD550];
	[tilespmem:s18+$0x8950] =	vst v40  }
0x17e: {  	v44 =	vld [tilespmem:s18+$0x9520];
	[tilespmem:s18+$0x8D20] =	vst v3;
	v3 =	vadd.f32 v60, v59  }
0x17f: {  	v43 =	vadd.f32 v50, v49;
	[tilespmem:s18+$0x8D10] =	vst v46;
	v50 =	vld [tilespmem:s18+$0x9540]  }
0x180: {  	v49 =	vadd.f32 v58, v57;
	v57 =	vld [tilespmem:s18+$0xD560];
	[tilespmem:s18+$0x8D40] =	vst v3;
	v3 =	vadd.f32 v4, v63  }
0x181: {  	v39 =	vld [tilespmem:s18+$0x9920];
	[tilespmem:s18+$0x8970] =	vst v43  }
0x182: {  	v40 =	vld [tilespmem:s18+$0xD920];
	[tilespmem:s18+$0x8D60] =	vst v3;
	v3 =	vadd.f32 v9, v8  }
0x183: {  	v58 =	vadd.f32 v11, v10;
	v46 =	vld [tilespmem:s18+$0x9950];
	[tilespmem:s18+$0x8D30] =	vst v49  }
0x184: {  	v47 =	vld [tilespmem:s18+$0x9530];
	[tilespmem:s18+$0x9100] =	vst v3;
	v3 =	vadd.f32 v13, v12  }
0x185: {  	v48 =	vld [tilespmem:s18+$0xD530];
	[tilespmem:s18+$0x9110] =	vst v58;
	v41 =	vadd.f32 v42, v41  }
0x186: {  	v43 =	vld [tilespmem:s18+$0xD930];
	[tilespmem:s18+$0x9120] =	vst v3;
	v3 =	vadd.f32 v17, v16  }
0x187: {  	v42 =	vld [tilespmem:s18+$0x9930];
	v52 =	vadd.f32 v62, v61;
	[tilespmem:s18+$0x9510] =	vst v41  }
0x188: {  	v51 =	vld [tilespmem:s18+$0xD540];
	[tilespmem:s18+$0x9140] =	vst v3;
	v3 =	vadd.f32 v21, v20  }
0x189: {  	v61 =	vadd.f32 v15, v14;
	v62 =	vld [tilespmem:s18+$0x9900];
	[tilespmem:s18+$0x8D50] =	vst v52  }
0x18a: {  	v56 =	vld [tilespmem:s18+$0x9560];
	[tilespmem:s18+$0x9160] =	vst v3;
	v3 =	vadd.f32 v25, v24  }
0x18b: {  	v55 =	vadd.f32 v7, v6;
	[tilespmem:s18+$0x9130] =	vst v61;
	v59 =	vld [tilespmem:s18+$0x9570]  }
0x18c: {  	v60 =	vld [tilespmem:s18+$0xD570];
	[tilespmem:s18+$0x9500] =	vst v3;
	v3 =	vadd.f32 v45, v44  }
0x18d: {  	v52 =	vadd.f32 v37, v36;
	[tilespmem:s18+$0x8D70] =	vst v55;
	v63 =	vld [tilespmem:s18+$0xD900]  }
0x18e: {  	v4 =	vadd.f32 v54, v53;
	v53 =	vld [tilespmem:s18+$0xD970];
	[tilespmem:s18+$0x9520] =	vst v3;
	v3 =	vadd.f32 v51, v50  }
0x18f: {  	[tilespmem:s18+$0x9910] =	vst v52;
	v55 =	vadd.f32 v43, v42;
	v54 =	vld [tilespmem:s18+$0xD940]  }
0x190: {  	v44 =	vadd.f32 v48, v47;
	v47 =	vld [tilespmem:s18+$0xD950];
	[tilespmem:s18+$0x9540] =	vst v3;
	v3 =	vadd.f32 v57, v56  }
0x191: {  	[tilespmem:s18+$0x9930] =	vst v55;
	v48 =	vld [tilespmem:s18+$0x9960]  }
0x192: {  	v50 =	vld [tilespmem:s18+$0xD960];
	[tilespmem:s18+$0x9560] =	vst v3;
	v3 =	vadd.f32 v63, v62  }
0x193: {  	[tilespmem:s18+$0x9550] =	vst v4;
	v49 =	vadd.f32 v60, v59;
	v51 =	vld [tilespmem:s18+$0x9970]  }
0x194: {  	v45 =	vld [tilespmem:s18+$0x9940];
	[tilespmem:s18+$0x9900] =	vst v3;
	v3 =	vadd.f32 v40, v39  }
0x195: {  	[tilespmem:s18+$0x9570] =	vst v49  }
0x196: {  	[tilespmem:s18+$0x9920] =	vst v3;
	v3 =	vadd.f32 v47, v46  }
0x197: {  	s20 =	sand.u32 $0x7, s1;
	[tilespmem:s18+$0x9530] =	vst v44;
	v56 =	vadd.f32 v50, v48  }
0x198: {  	s19 =	sshll.u32 s20, $0x7;
	[tilespmem:s18+$0x9950] =	vst v3;
	v3 =	vadd.f32 v53, v51  }
0x199: {  	s19 =	sadd.s32 s19, s16;
	v57 =	vadd.f32 v54, v45;
	[tilespmem:s18+$0x9960] =	vst v56  }
0x19a: {  	s20 =	sor.u32 $0x1C00, s19;
	[tilespmem:s18+$0x9970] =	vst v3  }
0x19b: {  	[tilespmem:s18+$0x9940] =	vst v57;
	v3 =	vld [tilespmem:s20+$0x8100]  }
0x19c: {  	v4 =	vld [tilespmem:s20+$0xC100];
	_ =	sdelay $0x4  }
0x19d: {  	v3 =	vadd.f32 v4, v3;
	_ =	sdelay $0x1  }
0x19e: {  	[tilespmem:s20+$0x8100] =	vst v3;
	s20 =	sor.u32 $0x1C10, s19  }
0x19f: {  	v3 =	vld [tilespmem:s20+$0x8100]  }
0x1a0: {  	v58 =	vld [tilespmem:s20+$0xC100];
	_ =	sdelay $0x4  }
0x1a1: {  	v3 =	vadd.f32 v58, v3;
	_ =	sdelay $0x1  }
0x1a2: {  	[tilespmem:s20+$0x8100] =	vst v3;
	s20 =	sor.u32 $0x1C20, s19  }
0x1a3: {  	v3 =	vld [tilespmem:s20+$0x8100]  }
0x1a4: {  	v59 =	vld [tilespmem:s20+$0xC100];
	_ =	sdelay $0x4  }
0x1a5: {  	v3 =	vadd.f32 v59, v3;
	_ =	sdelay $0x1  }
0x1a6: {  	[tilespmem:s20+$0x8100] =	vst v3;
	s20 =	sor.u32 $0x1C30, s19  }
0x1a7: {  	v3 =	vld [tilespmem:s20+$0x8100]  }
0x1a8: {  	v60 =	vld [tilespmem:s20+$0xC100];
	_ =	sdelay $0x4  }
0x1a9: {  	v3 =	vadd.f32 v60, v3;
	_ =	sdelay $0x1  }
0x1aa: {  	[tilespmem:s20+$0x8100] =	vst v3;
	s20 =	sor.u32 $0x1C40, s19  }
0x1ab: {  	v3 =	vld [tilespmem:s20+$0x8100]  }
0x1ac: {  	v61 =	vld [tilespmem:s20+$0xC100];
	_ =	sdelay $0x4  }
0x1ad: {  	v3 =	vadd.f32 v61, v3;
	_ =	sdelay $0x1  }
0x1ae: {  	[tilespmem:s20+$0x8100] =	vst v3;
	s20 =	sor.u32 $0x1C50, s19  }
0x1af: {  	v3 =	vld [tilespmem:s20+$0x8100]  }
0x1b0: {  	v62 =	vld [tilespmem:s20+$0xC100];
	_ =	sdelay $0x4  }
0x1b1: {  	v3 =	vadd.f32 v62, v3;
	_ =	sdelay $0x1  }
0x1b2: {  	[tilespmem:s20+$0x8100] =	vst v3;
	s20 =	sor.u32 $0x1C60, s19  }
0x1b3: {  	v3 =	vld [tilespmem:s20+$0x8100]  }
0x1b4: {  	v63 =	vld [tilespmem:s20+$0xC100];
	_ =	sdelay $0x1  }
0x1b5: {  	p0 =	sne.s32 s17, $0x780  }
.Ltmp1:
0x1b6: {  	_ = 	snop;
	(pc) =	sbr.rel @p0 .LBB2_5-.Ltmp1, $4  }
0x1b7: {  	_ = 	snop  }
0x1b8: {  	v3 =	vadd.f32 v63, v3  }
0x1b9: {  	s1 =	sadd.s32 $0x1, s1  }
0x1ba: {  	s15 =	sadd.s32 $0x400, s15;
	s17 =	sadd.s32 $0x80, s17;
	s16 =	sadd.s32 $0x400, s16;
	[tilespmem:s20+$0x8100] =	vst v3  }
0x1bb: {  	s1 =	sshll.u32 s11, $0x7  }
0x1bc: {  	s20 =	simm.s32 $0x0;
	s30 =	sadd.s32 $0x1, s30;
	s1 =	sadd.s32 s6, s1  }
0x1bd: {  	[hbm4b:s1+s20] =	stream.linear.scatter [tilespmem:s3], [sflag:$0x3], $0x4000, $0x38;
	[tilespmem:$0x10100] =	vst v63  }
0x1be: {  	p0 =	sne.s32 s30, $0x8;
	_ =	swait.ge [sflag:s29], $0x4000  }
.Ltmp2:
0x1bf: {  	[sflag:s29] =	ssyncset.done $0x0;
	(pc) =	sbr.rel @p0 .LBB2_2-.Ltmp2, $4  }
0x1c0: {  	[sflag:s29] =	ssyncadd.s32 $0xFFFFC000  }
0x1c1: {  	_ =	swait.ge [sflag:s29], $0x4000  }
0x1c2: {  	[sflag:s29] =	ssyncset.done $0x0  }
0x1c3: {  	[sflag:s29] =	ssyncadd.s32 $0xFFFFC000  }
0x1c4: {  	s11 =	rddreg [dreg:$0x3]  }
0x1c5: {  	s1 =	rddreg [dreg:$0x2];
	s11 =	sadd.s32 $0x1, s11  }
0x1c6: {  	p0 =	sne.s32 s11, s1  }
.Ltmp3:
0x1c7: {  	_ = 	snop;
	(pc) =	sbr.rel @p0 .LBB2_1-.Ltmp3, $1  }
0x1c8: {  	_ =	sdelay $0x3  }
0x1c9: {  	_ =	sfence.sel $0x180000  }
0x1ca: {  	[bflag:$0x0] =	sbarrier.arrive $0xFFFF  }
0x1cb: {  	_ =	strace $0x9000004A  }
0x1cc: {  	s0 =	stileid.u32;
	[bflag:$0x2] =	sbarrier.arrive $0xFFFF  }
0x1cd: {  	p0 =	sne.s32 s0, $0x0;
	s0 =	rddreg [dreg:$0x1]  }
0x1ce: {  	s0 =	sadd.s32 @!p0 $0x100000, s0  }
0x1cf: {  	[sflag:s0] =	ssyncadd.tile.s32 @!p0 $0x1;
	_ =	shalt  }
.Lfunc_end2:
_tile_overlayer_lowered:
.L_overlay_start_2:
0x1d0: {  	(tag) =	ssettag $0x2  }
0x1d1: {  	s0 =	rddreg [dreg:$0x0];
	s2 =	stileid.u32  }
0x1d2: {  	s1 =	rddreg [dreg:$0x1];
	p0 =	sne.s32 s2, $0x0  }
0x1d3: {  	s3 =	rddreg [dreg:$0x2];
	[bflag:$0x3] =	sbarrier.arrive $0xFFFF;
	s2 =	simm.s32 @!p0 $0x1C04  }
0x1d4: {  	[timem:s3], [sflag:s2] =	dma.local @!p0 [hbm:s0], s1  }
0x1d5: {  	s0 =	simm.s32 @!p0 $0x4  }
0x1d6: {  	_ =	swait.ge @!p0 [sflag:s0], s1  }
0x1d7: {  	s1 =	ssub.s32 @!p0 $0x0, s1;
	[sflag:s0] =	ssyncset.done @!p0 $0x0  }
0x1d8: {  	[sflag:s0] =	ssyncadd.s32 @!p0 s1  }
0x1d9: {  	[bflag:$0x3] =	sbarrier.arrive $0xFFFF  }
0x1da: {  	_ =	shalt  }

</sc_bundles>
